<compile_context>
chip_gen: v7x
topology: tpu7x:2x2x1
jax: 0.10.2.dev20260603
libtpu: 0.0.44.dev20260713+nightly
codegen_flags: <defaults>
</compile_context>

<pallas_src>
import functools

import jax
import jax.numpy as jnp
import numpy as np
from jax import lax
from jax.experimental import pallas as pl
from jax.experimental.pallas import tpu as pltpu
from jax.experimental.pallas import tpu_sc as plsc

N = 10000
E = 320000
D = 128
ED = 16
OUT = 10
EPS = 1e-5

NC = 2
NS = 16
NW = NC * NS
EPW = E // NW
GCH = 40
NCHUNK_G = EPW // GCH

NPAD = 10240
NPT = NPAD // NS
SPN = NPAD // 2
SPT = SPN // NS
TRASH = SPN
EPT = E // NS
SCH = 80
NCHUNK_S = EPT // SCH

BLK = 2560
NBLK = E // BLK


def _prep_body(ea_ref, wc_ref, x_ref, win_ref, bin_ref, wd_ref, ws_ref,
               bm1_ref, r_ref, h_ref, p_ref, q_ref):
    dn = (((1,), (1,)), ((), ()))
    r_ref[...] = lax.dot_general(ea_ref[...], wc_ref[...], dn,
                                 preferred_element_type=jnp.float32)

    @pl.when(pl.program_id(0) == 0)
    def _():
        h = lax.dot_general(x_ref[...], win_ref[...], dn,
                            preferred_element_type=jnp.float32) + bin_ref[...]
        h_ref[...] = h
        p_ref[...] = lax.dot_general(h, wd_ref[...], dn,
                                     preferred_element_type=jnp.float32)
        q_ref[...] = lax.dot_general(h, ws_ref[...], dn,
                                     preferred_element_type=jnp.float32) + bm1_ref[...]


def _sc_gather_body(p_hbm, q_hbm, r_hbm, src_hbm, dst_hbm,
                    z1_hbm, stats_hbm,
                    idx_d, idx_s, gp, gq, rb, zb, stats_v,
                    sem_i0, sem_i1, sem_g0, sem_g1, sem_w0, sem_w1):
    cid = lax.axis_index("c")
    sid = lax.axis_index("s")
    wid = sid * NC + cid
    base = wid * EPW
    sem_i = (sem_i0, sem_i1)
    sem_g = (sem_g0, sem_g1)
    sem_w = (sem_w0, sem_w1)

    def issue_idx(c, s):
        off = base + c * GCH
        pltpu.async_copy(dst_hbm.at[pl.ds(off, GCH)], idx_d.at[s], sem_i[s])
        pltpu.async_copy(src_hbm.at[pl.ds(off, GCH)], idx_s.at[s], sem_i[s])

    def wait_idx(s):
        pltpu.make_async_copy(dst_hbm.at[pl.ds(0, GCH)], idx_d.at[s],
                              sem_i[s]).wait()
        pltpu.make_async_copy(src_hbm.at[pl.ds(0, GCH)], idx_s.at[s],
                              sem_i[s]).wait()

    def issue_g(c, s):
        off = base + c * GCH
        pltpu.async_copy(p_hbm.at[idx_d.at[s]], gp.at[s], sem_g[s])
        pltpu.async_copy(q_hbm.at[idx_s.at[s]], gq.at[s], sem_g[s])
        pltpu.async_copy(r_hbm.at[pl.ds(off, GCH)], rb.at[s], sem_g[s])

    def wait_g(s):
        pltpu.make_async_copy(q_hbm.at[pl.ds(0, GCH)], gp.at[s],
                              sem_g[s]).wait()
        pltpu.make_async_copy(q_hbm.at[pl.ds(0, GCH)], gq.at[s],
                              sem_g[s]).wait()
        pltpu.make_async_copy(r_hbm.at[pl.ds(0, GCH)], rb.at[s],
                              sem_g[s]).wait()

    def issue_w(c, s):
        off = base + c * GCH
        pltpu.async_copy(zb.at[s], z1_hbm.at[pl.ds(off, GCH)], sem_w[s])

    def wait_w(s):
        pltpu.make_async_copy(zb.at[s], z1_hbm.at[pl.ds(0, GCH)],
                              sem_w[s]).wait()

    def compute(s, carry):
        def row(r, cr):
            out = list(cr)
            for g in range(8):
                sl = pl.ds(16 * g, 16)
                z = gp[s, r, sl] + gq[s, r, sl] + rb[s, r, sl]
                zb[s, r, sl] = z
                out[g] = cr[g] + z
                out[8 + g] = cr[8 + g] + z * z
            return tuple(out)

        return lax.fori_loop(0, GCH, row, carry)

    issue_idx(0, 0)
    issue_idx(1, 1)
    wait_idx(0)
    issue_g(0, 0)

    zeros = tuple(jnp.zeros((16,), jnp.float32) for _ in range(16))
    npair = NCHUNK_G // 2

    def pair(j, carry):
        c0 = 2 * j

        wait_idx(1)
        issue_g(c0 + 1, 1)

        @pl.when(j > 0)
        def _():
            wait_w(0)

        wait_g(0)
        carry = compute(0, carry)
        issue_w(c0, 0)

        @pl.when(j < npair - 1)
        def _():
            issue_idx(c0 + 2, 0)

        @pl.when(j > 0)
        def _():
            wait_w(1)

        wait_g(1)
        carry = compute(1, carry)
        issue_w(c0 + 1, 1)

        @pl.when(j < npair - 1)
        def _():
            issue_idx(c0 + 3, 1)
            wait_idx(0)
            issue_g(c0 + 2, 0)

        return carry

    carry = lax.fori_loop(0, npair, pair, zeros)
    wait_w(0)
    wait_w(1)

    for j in range(2):
        for g in range(8):
            stats_v[j, pl.ds(16 * g, 16)] = carry[j * 8 + g]
    pltpu.sync_copy(stats_v, stats_hbm.at[wid])


def _mlp2_body(z1_ref, wm2_ref, bm2_ref, sp_ref, g1_ref, b1_ref, g2_ref,
               b2_ref, z2_ref, ss2_ref, acc_ref, ss1_ref):
    i = pl.program_id(0)

    @pl.when(i == 0)
    def _():
        acc_ref[...] = jnp.zeros((2, D), jnp.float32)
        tot = jnp.sum(sp_ref[...], axis=0)
        mu = tot[0:1, :] * (1.0 / E)
        msq = tot[1:2, :] * (1.0 / E)
        var = msq - mu * mu
        inv = lax.rsqrt(var + EPS)
        scale = g1_ref[...] * inv
        ss1_ref[0:1, :] = scale
        ss1_ref[1:2, :] = b1_ref[...] - mu * scale

    m1 = jnp.maximum(z1_ref[...] * ss1_ref[0:1, :] + ss1_ref[1:2, :], 0.0)
    dn = (((1,), (1,)), ((), ()))
    z2 = lax.dot_general(m1.astype(jnp.bfloat16), wm2_ref[...], dn,
                         preferred_element_type=jnp.float32) + bm2_ref[...]
    z2_ref[...] = z2
    acc_ref[0:1, :] = acc_ref[0:1, :] + jnp.sum(z2, axis=0, keepdims=True)
    acc_ref[1:2, :] = acc_ref[1:2, :] + jnp.sum(z2 * z2, axis=0, keepdims=True)

    @pl.when(i == NBLK - 1)
    def _():
        mu = acc_ref[0:1, :] * (1.0 / E)
        var = acc_ref[1:2, :] * (1.0 / E) - mu * mu
        inv = lax.rsqrt(var + EPS)
        scale = g2_ref[...] * inv
        ss2_ref[0:1, :] = scale
        ss2_ref[1:2, :] = b2_ref[...] - mu * scale


def _sc_scatter_body(z2_hbm, dst_hbm, ss2_hbm,
                     aggr_hbm,
                     idx_d, idx_m, zb, ob, ssv, zinit, shared,
                     sem_i0, sem_i1, sem_g0, sem_g1, sem_w0, sem_w1):
    cid = lax.axis_index("c")
    sid = lax.axis_index("s")
    base = sid * EPT
    lo = cid * SPN
    sem_i = (sem_i0, sem_i1)
    sem_g = (sem_g0, sem_g1)
    sem_w = (sem_w0, sem_w1)

    def zrow(r, _):
        for g in range(8):
            zinit[r, pl.ds(16 * g, 16)] = jnp.zeros((16,), jnp.float32)
        return 0

    lax.fori_loop(0, SPT + 8, zrow, 0)
    pltpu.sync_copy(zinit, shared.at[pl.ds(sid * SPT, SPT + 8)])
    pltpu.sync_copy(ss2_hbm, ssv)
    plsc.subcore_barrier()

    scale = [ssv[0, pl.ds(16 * g, 16)] for g in range(8)]
    shift = [ssv[1, pl.ds(16 * g, 16)] for g in range(8)]

    def issue(c, s):
        off = base + c * SCH
        pltpu.async_copy(dst_hbm.at[pl.ds(off, SCH)], idx_d.at[s], sem_i[s])
        pltpu.async_copy(z2_hbm.at[pl.ds(off, SCH)], zb.at[s], sem_g[s])

    def wait_in(s):
        pltpu.make_async_copy(dst_hbm.at[pl.ds(0, SCH)], idx_d.at[s],
                              sem_i[s]).wait()
        pltpu.make_async_copy(z2_hbm.at[pl.ds(0, SCH)], zb.at[s],
                              sem_g[s]).wait()

    def issue_w(s):
        pltpu.async_copy(ob.at[s], shared.at[idx_m.at[s]], sem_w[s], add=True)

    def wait_w(s):
        pltpu.make_async_copy(ob.at[s], z2_hbm.at[pl.ds(0, SCH)],
                              sem_w[s]).wait()

    def compute(s):
        for v in range(SCH // 16):
            sl = pl.ds(16 * v, 16)
            iv = idx_d[s, sl] - lo
            ok = (iv >= 0) & (iv < SPN)
            idx_m[s, sl] = jnp.where(ok, iv, TRASH)

        def rowq(rq, _):
            for dr in range(4):
                r = 4 * rq + dr
                for g in range(8):
                    sl = pl.ds(16 * g, 16)
                    v = zb[s, r, sl] * scale[g] + shift[g]
                    ob[s, r, sl] = jnp.maximum(v, 0.0)
            return 0

        lax.fori_loop(0, SCH // 4, rowq, 0)

    issue(0, 0)
    issue(1, 1)
    npair = NCHUNK_S // 2

    def pair(j, _):
        c0 = 2 * j
        for s, c in ((0, c0), (1, c0 + 1)):
            wait_in(s)

            @pl.when(j > 0)
            def _():
                wait_w(s)

            compute(s)
            issue_w(s)

            @pl.when(j < npair - 1)
            def _():
                issue(c + 2, s)

        return 0

    lax.fori_loop(0, npair, pair, 0)
    wait_w(0)
    wait_w(1)
    plsc.subcore_barrier()
    pltpu.sync_copy(shared.at[pl.ds(sid * SPT, SPT)],
                    aggr_hbm.at[cid, pl.ds(sid * SPT, SPT)])


def _update_readout_body(ap_ref, h_ref, wu1a_ref, wu1b_ref, bu1_ref,
                         gu1_ref, btu1_ref, wu2_ref, bu2_ref, gu2_ref,
                         btu2_ref, avg_ref, ww4_ref, bw_ref, wp_ref, bp_ref,
                         out_ref):
    dn = (((1,), (1,)), ((), ()))
    h = h_ref[...]
    ap = ap_ref[...]
    aggr = jnp.concatenate([ap[0], ap[1, :N - SPN, :]], axis=0)
    t1 = (lax.dot_general(h, wu1a_ref[...], dn,
                          preferred_element_type=jnp.float32)
          + lax.dot_general(aggr, wu1b_ref[...], dn,
                            preferred_element_type=jnp.float32)
          + bu1_ref[...])
    mu = jnp.mean(t1, axis=0, keepdims=True)
    var = jnp.mean((t1 - mu) * (t1 - mu), axis=0, keepdims=True)
    u = jnp.maximum(gu1_ref[...] * (t1 - mu) * lax.rsqrt(var + EPS)
                    + btu1_ref[...], 0.0)
    t2 = lax.dot_general(u, wu2_ref[...], dn,
                         preferred_element_type=jnp.float32) + bu2_ref[...]
    mu2 = jnp.mean(t2, axis=0, keepdims=True)
    var2 = jnp.mean((t2 - mu2) * (t2 - mu2), axis=0, keepdims=True)
    u2 = jnp.maximum(gu2_ref[...] * (t2 - mu2) * lax.rsqrt(var2 + EPS)
                     + btu2_ref[...], 0.0)
    hf = u2 + h

    g_rows = jnp.concatenate(
        [lax.slice(hf, (1000 * b, 0), (1000 * b + 32, D)) for b in range(10)],
        axis=0)
    m = jnp.dot(avg_ref[...], g_rows,
                preferred_element_type=jnp.float32)
    hw = bw_ref[...]
    for g in range(4):
        hw = hw + lax.dot_general(m[g * 10:(g + 1) * 10, :], ww4_ref[g], dn,
                                  preferred_element_type=jnp.float32)
    out_ref[...] = lax.dot_general(hw, wp_ref[...], dn,
                                   preferred_element_type=jnp.float32) + bp_ref[...]


_AVG = np.zeros((40, 320), np.float32)
for _g in range(4):
    for _b in range(10):
        _AVG[_g * 10 + _b, _b * 32 + _g * 8:_b * 32 + _g * 8 + 8] = 0.125


def kernel(x, edge_index, edge_attr, batch, W_in, b_in, Wm1, bm1, gm1, bt1,
           Wm2, bm2, gm2, bt2, Wu1, bu1, gu1, btu1, Wu2, bu2, gu2, btu2,
           Ww, bw, Wp, bp):
    del batch
    src = edge_index[0]
    dst = edge_index[1]
    f32 = jnp.float32

    r2 = lambda v: v.reshape(1, -1)

    full = lambda shape: pl.BlockSpec(shape, lambda i: tuple(0 for _ in shape))
    R, h, P, Q = pl.pallas_call(
        _prep_body,
        grid=(NBLK,),
        in_specs=[pl.BlockSpec((BLK, ED), lambda i: (i, 0)),
                  full((D, ED)), full((N, D)), full((D, D)), full((1, D)),
                  full((D, D)), full((D, D)), full((1, D))],
        out_specs=[pl.BlockSpec((BLK, D), lambda i: (i, 0)),
                   full((N, D)), full((N, D)), full((N, D))],
        out_shape=[jax.ShapeDtypeStruct((E, D), f32)]
        + [jax.ShapeDtypeStruct((N, D), f32)] * 3,
    )(edge_attr, Wm1[:, 2 * D:], x, W_in, r2(b_in), Wm1[:, :D],
      Wm1[:, D:2 * D], r2(bm1))

    mesh = plsc.VectorSubcoreMesh(core_axis_name="c", subcore_axis_name="s",
                                  num_cores=NC, num_subcores=NS)
    z1, stats1 = pl.kernel(
        _sc_gather_body,
        out_type=[jax.ShapeDtypeStruct((E, D), f32),
                  jax.ShapeDtypeStruct((NW, 2, D), f32)],
        mesh=mesh,
        scratch_types=[
            pltpu.VMEM((2, GCH), jnp.int32),
            pltpu.VMEM((2, GCH), jnp.int32),
            pltpu.VMEM((2, GCH, D), f32),
            pltpu.VMEM((2, GCH, D), f32),
            pltpu.VMEM((2, GCH, D), f32),
            pltpu.VMEM((2, GCH, D), f32),
            pltpu.VMEM((2, D), f32),
        ] + [pltpu.SemaphoreType.DMA] * 6,
    )(P, Q, R, src, dst)

    z2, ss2 = pl.pallas_call(
        _mlp2_body,
        grid=(NBLK,),
        in_specs=[pl.BlockSpec((BLK, D), lambda i: (i, 0)),
                  full((D, D)), full((1, D)), full((NW, 2, D)),
                  full((1, D)), full((1, D)), full((1, D)), full((1, D))],
        out_specs=[pl.BlockSpec((BLK, D), lambda i: (i, 0)),
                   full((2, D))],
        out_shape=[jax.ShapeDtypeStruct((E, D), f32),
                   jax.ShapeDtypeStruct((2, D), f32)],
        scratch_shapes=[pltpu.VMEM((2, D), f32), pltpu.VMEM((2, D), f32)],
    )(z1, Wm2.astype(jnp.bfloat16), r2(bm2), stats1, r2(gm1), r2(bt1), r2(gm2), r2(bt2))

    aggr_p = pl.kernel(
        _sc_scatter_body,
        out_type=jax.ShapeDtypeStruct((NC, SPN, D), f32),
        mesh=mesh,
        scratch_types=[
            pltpu.VMEM((2, SCH), jnp.int32),
            pltpu.VMEM((2, SCH), jnp.int32),
            pltpu.VMEM((2, SCH, D), f32),
            pltpu.VMEM((2, SCH, D), f32),
            pltpu.VMEM((2, D), f32),
            pltpu.VMEM((SPT + 8, D), f32),
            pltpu.VMEM_SHARED((SPN + 8, D), f32),
        ] + [pltpu.SemaphoreType.DMA] * 6,
    )(z2, dst, ss2)

    out = pl.pallas_call(
        _update_readout_body,
        out_shape=jax.ShapeDtypeStruct((OUT, OUT), f32),
    )(aggr_p, h, Wu1[:, :D], Wu1[:, D:], r2(bu1), r2(gu1), r2(btu1),
      Wu2, r2(bu2), r2(gu2), r2(btu2), jnp.asarray(_AVG),
      jnp.stack([Ww[:, g * D:(g + 1) * D] for g in range(4)]),
      r2(bw), Wp, r2(bp))
    return out

# --- scband reference (transcript-rebuilt; emitter-appended) ---
"""Pipeline reference for scband-mpnnmodel-8031588844023 (READ-ONLY COPY).

The authoritative reference and input builder live on the scoring server;
editing this copy changes nothing except your own understanding.
"""

import jax, jax.numpy as jnp
import numpy as np

N = 10000
E = 320000
D = 128
ED = 16
OUT = 10
GROUPS = [list(range(8 * i, 8 * (i + 1))) for i in range(4)]

def _bn(x, g, b):
    m = jnp.mean(x, axis=0)
    v = jnp.var(x, axis=0)
    return g * (x - m) / jnp.sqrt(v + 1e-5) + b

def setup_inputs(seed: int = 0):
    key = jax.random.key(seed)
    ks = jax.random.split(key, 30)
    inp = {}
    inp['x'] = jax.random.normal(ks[0], (N, D), dtype=jnp.float32)
    inp['edge_index'] = jax.random.randint(ks[1], (2, E), 0, N)
    inp['edge_attr'] = jax.random.normal(ks[2], (E, ED), dtype=jnp.float32)
    inp['batch'] = jnp.sort(jax.random.randint(ks[3], (N,), 0, 10))
    def w(i, shape):
        return 0.05 * jax.random.normal(ks[i], shape, dtype=jnp.float32)
    inp['W_in'] = w(4, (D, D)); inp['b_in'] = w(5, (D,))
    inp['Wm1'] = w(6, (D, 2 * D + ED)); inp['bm1'] = w(7, (D,))
    inp['gm1'] = jnp.ones((D,), jnp.float32); inp['bt1'] = jnp.zeros((D,), jnp.float32)
    inp['Wm2'] = w(8, (D, D)); inp['bm2'] = w(9, (D,))
    inp['gm2'] = jnp.ones((D,), jnp.float32); inp['bt2'] = jnp.zeros((D,), jnp.float32)
    inp['Wu1'] = w(10, (D, 2 * D)); inp['bu1'] = w(11, (D,))
    inp['gu1'] = jnp.ones((D,), jnp.float32); inp['btu1'] = jnp.zeros((D,), jnp.float32)
    inp['Wu2'] = w(12, (D, D)); inp['bu2'] = w(13, (D,))
    inp['gu2'] = jnp.ones((D,), jnp.float32); inp['btu2'] = jnp.zeros((D,), jnp.float32)
    inp['Ww'] = w(14, (D, D * len(GROUPS))); inp['bw'] = w(15, (D,))
    inp['Wp'] = w(16, (OUT, D)); inp['bp'] = w(17, (OUT,))
    return inp

def reference(x, edge_index, edge_attr, batch, W_in, b_in, Wm1, bm1, gm1, bt1, Wm2, bm2, gm2, bt2, Wu1, bu1, gu1, btu1, Wu2, bu2, gu2, btu2, Ww, bw, Wp, bp):
    # lin_in (x.shape[1]=128 != 16, model_type='gnn')
    h = x @ W_in.T + b_in
    # one MPNNLayer with residual (num_layers=1); PyG flow: j=edge_index[0] (src), i=edge_index[1] (dst)
    src = edge_index[0]
    dst = edge_index[1]
    h_i = h[dst]
    h_j = h[src]
    msg = jnp.concatenate([h_i, h_j, edge_attr], axis=-1)
    m = jax.nn.relu(_bn(msg @ Wm1.T + bm1, gm1, bt1))
    m = jax.nn.relu(_bn(m @ Wm2.T + bm2, gm2, bt2))
    aggr = jax.ops.segment_sum(m, dst, num_segments=N)
    upd = jnp.concatenate([h, aggr], axis=-1)
    u = jax.nn.relu(_bn(upd @ Wu1.T + bu1, gu1, btu1))
    u = jax.nn.relu(_bn(u @ Wu2.T + bu2, gu2, btu2))
    h = u + h
    # grouped readout path (model_type='gnn')
    bs_t = jnp.max(batch) + 1
    bs = 10
    hb = h.reshape(bs, N // bs, D)
    hg = jnp.stack([jnp.mean(hb[:, jnp.array(g), :], axis=1) for g in GROUPS], axis=1)
    hw = hg.reshape(bs, -1) @ Ww.T + bw
    out = hw @ Wp.T + bp
    out = out * (bs_t // bs_t).astype(out.dtype)
    return out

if __name__ == "__main__":
    import jax
    _d = setup_inputs()
    print(jax.jit(kernel)(*tuple(_d.values())))

</pallas_src>

<mosaic_0001>
#map = affine_map<(d0, d1) -> (0, 0)>
#map1 = affine_map<(d0, d1) -> (0)>
#map2 = affine_map<(d0, d1) -> (0, 0, 0)>
module attributes {stable_mosaic.version = 14 : i64} {
  func.func @_sc_scatter_body(%arg0: i32, %arg1: i32, %arg2: memref<320000x128xf32, #tpu.memory_space<hbm>>, %arg3: memref<320000xi32, #tpu.memory_space<hbm>>, %arg4: memref<2x128xf32, #tpu.memory_space<hbm>>, %arg5: memref<2x5120x128xf32, #tpu.memory_space<hbm>>, %arg6: memref<2x80xi32, #tpu.memory_space<vmem>>, %arg7: memref<2x80xi32, #tpu.memory_space<vmem>>, %arg8: memref<2x80x128xf32, #tpu.memory_space<vmem>>, %arg9: memref<2x80x128xf32, #tpu.memory_space<vmem>>, %arg10: memref<2x128xf32, #tpu.memory_space<vmem>>, %arg11: memref<328x128xf32, #tpu.memory_space<vmem>>, %arg12: memref<5128x128xf32, #tpu.memory_space<vmem_shared>>, %arg13: memref<!tpu.dma_semaphore, #tpu.memory_space<semaphore_mem>>, %arg14: memref<!tpu.dma_semaphore, #tpu.memory_space<semaphore_mem>>, %arg15: memref<!tpu.dma_semaphore, #tpu.memory_space<semaphore_mem>>, %arg16: memref<!tpu.dma_semaphore, #tpu.memory_space<semaphore_mem>>, %arg17: memref<!tpu.dma_semaphore, #tpu.memory_space<semaphore_mem>>, %arg18: memref<!tpu.dma_semaphore, #tpu.memory_space<semaphore_mem>>) attributes {dimension_semantics = [#tpu.dimension_semantics<core_parallel>, #tpu.dimension_semantics<subcore_parallel>], iteration_bounds = array<i64: 2, 16>, scalar_prefetch = 0 : i64, scratch_operands = 13 : i64, tpu.core_type = #tpu.core_type<sc_vector_subcore>, window_params = [{transform_indices = #map}, {transform_indices = #map1}, {transform_indices = #map}, {transform_indices = #map2}]} {
    %mul3A = arith.constant 20000 : i32
    %mul3A_0 = arith.muli %arg1, %mul3A : i32
    %mul3A_1 = arith.constant 5120 : i32
    %mul3A_2 = arith.muli %arg0, %mul3A_1 : i32
    %scan3A = arith.constant 0 : i32
    %scan3A_3 = arith.constant 0 : i32
    %scan3A_4 = arith.constant 328 : i32
    %scan3A_5 = arith.addi %scan3A_3, %scan3A_4 : i32
    %scan3A_6 = arith.constant 1 : i32
    %scan3A_7 = scf.for %scan3A_177 = %scan3A_3 to %scan3A_5 step %scan3A_6 iter_args(%scan3A_178 = %scan3A) -> (i32)  : i32 {
      %broadcast_in_dim3A = arith.constant 0.000000e+00 : f32
      %broadcast_in_dim3A_179 = vector.broadcast %broadcast_in_dim3A : f32 to vector<16xf32>
      %swap3A = arith.index_cast %scan3A_177 : i32 to index
      %swap3A_180 = arith.constant 0 : index
      %swap3A_181 = tpu.vector_load %arg11[%swap3A, %swap3A_180] {strides = array<i32>} : memref<328x128xf32, #tpu.memory_space<vmem>>, vector<1x16xf32>,
      %swap3A_182 = vector.shape_cast %swap3A_181 : vector<1x16xf32> to vector<16xf32>
      %swap3A_183 = vector.shape_cast %broadcast_in_dim3A_179 : vector<16xf32> to vector<1x16xf32>
      tpu.vector_store %arg11[%swap3A, %swap3A_180], %swap3A_183 {strides = array<i32>} : memref<328x128xf32, #tpu.memory_space<vmem>>, vector<1x16xf32>,
      %broadcast_in_dim3A_184 = arith.constant 0.000000e+00 : f32
      %broadcast_in_dim3A_185 = vector.broadcast %broadcast_in_dim3A_184 : f32 to vector<16xf32>
      %swap3A_186 = arith.index_cast %scan3A_177 : i32 to index
      %swap3A_187 = arith.constant 16 : index
      %swap3A_188 = tpu.vector_load %arg11[%swap3A_186, %swap3A_187] {strides = array<i32>} : memref<328x128xf32, #tpu.memory_space<vmem>>, vector<1x16xf32>,
      %swap3A_189 = vector.shape_cast %swap3A_188 : vector<1x16xf32> to vector<16xf32>
      %swap3A_190 = vector.shape_cast %broadcast_in_dim3A_185 : vector<16xf32> to vector<1x16xf32>
      tpu.vector_store %arg11[%swap3A_186, %swap3A_187], %swap3A_190 {strides = array<i32>} : memref<328x128xf32, #tpu.memory_space<vmem>>, vector<1x16xf32>,
      %broadcast_in_dim3A_191 = arith.constant 0.000000e+00 : f32
      %broadcast_in_dim3A_192 = vector.broadcast %broadcast_in_dim3A_191 : f32 to vector<16xf32>
      %swap3A_193 = arith.index_cast %scan3A_177 : i32 to index
      %swap3A_194 = arith.constant 32 : index
      %swap3A_195 = tpu.vector_load %arg11[%swap3A_193, %swap3A_194] {strides = array<i32>} : memref<328x128xf32, #tpu.memory_space<vmem>>, vector<1x16xf32>,
      %swap3A_196 = vector.shape_cast %swap3A_195 : vector<1x16xf32> to vector<16xf32>
      %swap3A_197 = vector.shape_cast %broadcast_in_dim3A_192 : vector<16xf32> to vector<1x16xf32>
      tpu.vector_store %arg11[%swap3A_193, %swap3A_194], %swap3A_197 {strides = array<i32>} : memref<328x128xf32, #tpu.memory_space<vmem>>, vector<1x16xf32>,
      %broadcast_in_dim3A_198 = arith.constant 0.000000e+00 : f32
      %broadcast_in_dim3A_199 = vector.broadcast %broadcast_in_dim3A_198 : f32 to vector<16xf32>
      %swap3A_200 = arith.index_cast %scan3A_177 : i32 to index
      %swap3A_201 = arith.constant 48 : index
      %swap3A_202 = tpu.vector_load %arg11[%swap3A_200, %swap3A_201] {strides = array<i32>} : memref<328x128xf32, #tpu.memory_space<vmem>>, vector<1x16xf32>,
      %swap3A_203 = vector.shape_cast %swap3A_202 : vector<1x16xf32> to vector<16xf32>
      %swap3A_204 = vector.shape_cast %broadcast_in_dim3A_199 : vector<16xf32> to vector<1x16xf32>
      tpu.vector_store %arg11[%swap3A_200, %swap3A_201], %swap3A_204 {strides = array<i32>} : memref<328x128xf32, #tpu.memory_space<vmem>>, vector<1x16xf32>,
      %broadcast_in_dim3A_205 = arith.constant 0.000000e+00 : f32
      %broadcast_in_dim3A_206 = vector.broadcast %broadcast_in_dim3A_205 : f32 to vector<16xf32>
      %swap3A_207 = arith.index_cast %scan3A_177 : i32 to index
      %swap3A_208 = arith.constant 64 : index
      %swap3A_209 = tpu.vector_load %arg11[%swap3A_207, %swap3A_208] {strides = array<i32>} : memref<328x128xf32, #tpu.memory_space<vmem>>, vector<1x16xf32>,
      %swap3A_210 = vector.shape_cast %swap3A_209 : vector<1x16xf32> to vector<16xf32>
      %swap3A_211 = vector.shape_cast %broadcast_in_dim3A_206 : vector<16xf32> to vector<1x16xf32>
      tpu.vector_store %arg11[%swap3A_207, %swap3A_208], %swap3A_211 {strides = array<i32>} : memref<328x128xf32, #tpu.memory_space<vmem>>, vector<1x16xf32>,
      %broadcast_in_dim3A_212 = arith.constant 0.000000e+00 : f32
      %broadcast_in_dim3A_213 = vector.broadcast %broadcast_in_dim3A_212 : f32 to vector<16xf32>
      %swap3A_214 = arith.index_cast %scan3A_177 : i32 to index
      %swap3A_215 = arith.constant 80 : index
      %swap3A_216 = tpu.vector_load %arg11[%swap3A_214, %swap3A_215] {strides = array<i32>} : memref<328x128xf32, #tpu.memory_space<vmem>>, vector<1x16xf32>,
      %swap3A_217 = vector.shape_cast %swap3A_216 : vector<1x16xf32> to vector<16xf32>
      %swap3A_218 = vector.shape_cast %broadcast_in_dim3A_213 : vector<16xf32> to vector<1x16xf32>
      tpu.vector_store %arg11[%swap3A_214, %swap3A_215], %swap3A_218 {strides = array<i32>} : memref<328x128xf32, #tpu.memory_space<vmem>>, vector<1x16xf32>,
      %broadcast_in_dim3A_219 = arith.constant 0.000000e+00 : f32
      %broadcast_in_dim3A_220 = vector.broadcast %broadcast_in_dim3A_219 : f32 to vector<16xf32>
      %swap3A_221 = arith.index_cast %scan3A_177 : i32 to index
      %swap3A_222 = arith.constant 96 : index
      %swap3A_223 = tpu.vector_load %arg11[%swap3A_221, %swap3A_222] {strides = array<i32>} : memref<328x128xf32, #tpu.memory_space<vmem>>, vector<1x16xf32>,
      %swap3A_224 = vector.shape_cast %swap3A_223 : vector<1x16xf32> to vector<16xf32>
      %swap3A_225 = vector.shape_cast %broadcast_in_dim3A_220 : vector<16xf32> to vector<1x16xf32>
      tpu.vector_store %arg11[%swap3A_221, %swap3A_222], %swap3A_225 {strides = array<i32>} : memref<328x128xf32, #tpu.memory_space<vmem>>, vector<1x16xf32>,
      %broadcast_in_dim3A_226 = arith.constant 0.000000e+00 : f32
      %broadcast_in_dim3A_227 = vector.broadcast %broadcast_in_dim3A_226 : f32 to vector<16xf32>
      %swap3A_228 = arith.index_cast %scan3A_177 : i32 to index
      %swap3A_229 = arith.constant 112 : index
      %swap3A_230 = tpu.vector_load %arg11[%swap3A_228, %swap3A_229] {strides = array<i32>} : memref<328x128xf32, #tpu.memory_space<vmem>>, vector<1x16xf32>,
      %swap3A_231 = vector.shape_cast %swap3A_230 : vector<1x16xf32> to vector<16xf32>
      %swap3A_232 = vector.shape_cast %broadcast_in_dim3A_227 : vector<16xf32> to vector<1x16xf32>
      tpu.vector_store %arg11[%swap3A_228, %swap3A_229], %swap3A_232 {strides = array<i32>} : memref<328x128xf32, #tpu.memory_space<vmem>>, vector<1x16xf32>,
      %scan3A_233 = arith.constant 0 : i32
      scf.yield %scan3A_233 : i32
    }
    %scan3A_8 = arith.constant 328 : i32
    %mul3A_9 = arith.constant 320 : i32
    %mul3A_10 = arith.muli %arg1, %mul3A_9 : i32
    "tpu.region"() ({
      %run_scoped3A = tpu.sem_alloc : memref<!tpu.dma_semaphore, #tpu.memory_space<semaphore_mem>>
      %dma_start3A_177 = arith.constant 0 : i32
      %dma_start3A_178 = tpu.memref_slice %arg12[%mul3A_10, %dma_start3A_177] : memref<5128x128xf32, #tpu.memory_space<vmem_shared>> -> memref<328x128xf32, #tpu.memory_space<vmem_shared>>
      %dma_start3A_179 = arith.constant 0 : i32
      %dma_start3A_180 = tpu.memref_slice %arg12[%mul3A_10, %dma_start3A_179] : memref<5128x128xf32, #tpu.memory_space<vmem_shared>> -> memref<328x128xf32, #tpu.memory_space<vmem_shared>>
      tpu.enqueue_dma source(%arg11 : memref<328x128xf32, #tpu.memory_space<vmem>>) target(%dma_start3A_180 : memref<328x128xf32, #tpu.memory_space<vmem_shared>>) target_semaphore(%run_scoped3A : memref<!tpu.dma_semaphore, #tpu.memory_space<semaphore_mem>>)
      %dma_wait3A_181 = arith.constant 0 : i32
      %dma_wait3A_182 = tpu.memref_slice %arg12[%mul3A_10, %dma_wait3A_181] : memref<5128x128xf32, #tpu.memory_space<vmem_shared>> -> memref<328x128xf32, #tpu.memory_space<vmem_shared>>
      %dma_wait3A_183 = arith.constant 0 : i32
      %dma_wait3A_184 = tpu.memref_slice %arg12[%mul3A_10, %dma_wait3A_183] : memref<5128x128xf32, #tpu.memory_space<vmem_shared>> -> memref<328x128xf32, #tpu.memory_space<vmem_shared>>
      tpu.wait_dma2 semaphore(%run_scoped3A : memref<!tpu.dma_semaphore, #tpu.memory_space<semaphore_mem>>) src(%arg11 : memref<328x128xf32, #tpu.memory_space<vmem>>) dst(%dma_wait3A_184 : memref<328x128xf32, #tpu.memory_space<vmem_shared>>)
      tpu.yield
    }) : () -> ()
    "tpu.region"() ({
      %run_scoped3A = tpu.sem_alloc : memref<!tpu.dma_semaphore, #tpu.memory_space<semaphore_mem>>
      tpu.enqueue_dma source(%arg4 : memref<2x128xf32, #tpu.memory_space<hbm>>) target(%arg10 : memref<2x128xf32, #tpu.memory_space<vmem>>) target_semaphore(%run_scoped3A : memref<!tpu.dma_semaphore, #tpu.memory_space<semaphore_mem>>)
      tpu.wait_dma2 semaphore(%run_scoped3A : memref<!tpu.dma_semaphore, #tpu.memory_space<semaphore_mem>>) src(%arg4 : memref<2x128xf32, #tpu.memory_space<hbm>>) dst(%arg10 : memref<2x128xf32, #tpu.memory_space<vmem>>)
      tpu.yield
    }) : () -> ()
    %barrier3A = arith.constant 0 : index
    tpu.barrier barrier_id(%barrier3A)
    %get3A = arith.constant 0 : i32
    %get3A_11 = arith.index_cast %get3A : i32 to index
    %get3A_12 = arith.constant 0 : index
    %get3A_13 = tpu.vector_load %arg10[%get3A_11, %get3A_12] {strides = array<i32>} : memref<2x128xf32, #tpu.memory_space<vmem>>, vector<1x16xf32>,
    %get3A_14 = vector.shape_cast %get3A_13 : vector<1x16xf32> to vector<16xf32>
    %get3A_15 = arith.constant 0 : i32
    %get3A_16 = arith.index_cast %get3A_15 : i32 to index
    %get3A_17 = arith.constant 16 : index
    %get3A_18 = tpu.vector_load %arg10[%get3A_16, %get3A_17] {strides = array<i32>} : memref<2x128xf32, #tpu.memory_space<vmem>>, vector<1x16xf32>,
    %get3A_19 = vector.shape_cast %get3A_18 : vector<1x16xf32> to vector<16xf32>
    %get3A_20 = arith.constant 0 : i32
    %get3A_21 = arith.index_cast %get3A_20 : i32 to index
    %get3A_22 = arith.constant 32 : index
    %get3A_23 = tpu.vector_load %arg10[%get3A_21, %get3A_22] {strides = array<i32>} : memref<2x128xf32, #tpu.memory_space<vmem>>, vector<1x16xf32>,
    %get3A_24 = vector.shape_cast %get3A_23 : vector<1x16xf32> to vector<16xf32>
    %get3A_25 = arith.constant 0 : i32
    %get3A_26 = arith.index_cast %get3A_25 : i32 to index
    %get3A_27 = arith.constant 48 : index
    %get3A_28 = tpu.vector_load %arg10[%get3A_26, %get3A_27] {strides = array<i32>} : memref<2x128xf32, #tpu.memory_space<vmem>>, vector<1x16xf32>,
    %get3A_29 = vector.shape_cast %get3A_28 : vector<1x16xf32> to vector<16xf32>
    %get3A_30 = arith.constant 0 : i32
    %get3A_31 = arith.index_cast %get3A_30 : i32 to index
    %get3A_32 = arith.constant 64 : index
    %get3A_33 = tpu.vector_load %arg10[%get3A_31, %get3A_32] {strides = array<i32>} : memref<2x128xf32, #tpu.memory_space<vmem>>, vector<1x16xf32>,
    %get3A_34 = vector.shape_cast %get3A_33 : vector<1x16xf32> to vector<16xf32>
    %get3A_35 = arith.constant 0 : i32
    %get3A_36 = arith.index_cast %get3A_35 : i32 to index
    %get3A_37 = arith.constant 80 : index
    %get3A_38 = tpu.vector_load %arg10[%get3A_36, %get3A_37] {strides = array<i32>} : memref<2x128xf32, #tpu.memory_space<vmem>>, vector<1x16xf32>,
    %get3A_39 = vector.shape_cast %get3A_38 : vector<1x16xf32> to vector<16xf32>
    %get3A_40 = arith.constant 0 : i32
    %get3A_41 = arith.index_cast %get3A_40 : i32 to index
    %get3A_42 = arith.constant 96 : index
    %get3A_43 = tpu.vector_load %arg10[%get3A_41, %get3A_42] {strides = array<i32>} : memref<2x128xf32, #tpu.memory_space<vmem>>, vector<1x16xf32>,
    %get3A_44 = vector.shape_cast %get3A_43 : vector<1x16xf32> to vector<16xf32>
    %get3A_45 = arith.constant 0 : i32
    %get3A_46 = arith.index_cast %get3A_45 : i32 to index
    %get3A_47 = arith.constant 112 : index
    %get3A_48 = tpu.vector_load %arg10[%get3A_46, %get3A_47] {strides = array<i32>} : memref<2x128xf32, #tpu.memory_space<vmem>>, vector<1x16xf32>,
    %get3A_49 = vector.shape_cast %get3A_48 : vector<1x16xf32> to vector<16xf32>
    %get3A_50 = arith.constant 1 : i32
    %get3A_51 = arith.index_cast %get3A_50 : i32 to index
    %get3A_52 = arith.constant 0 : index
    %get3A_53 = tpu.vector_load %arg10[%get3A_51, %get3A_52] {strides = array<i32>} : memref<2x128xf32, #tpu.memory_space<vmem>>, vector<1x16xf32>,
    %get3A_54 = vector.shape_cast %get3A_53 : vector<1x16xf32> to vector<16xf32>
    %get3A_55 = arith.constant 1 : i32
    %get3A_56 = arith.index_cast %get3A_55 : i32 to index
    %get3A_57 = arith.constant 16 : index
    %get3A_58 = tpu.vector_load %arg10[%get3A_56, %get3A_57] {strides = array<i32>} : memref<2x128xf32, #tpu.memory_space<vmem>>, vector<1x16xf32>,
    %get3A_59 = vector.shape_cast %get3A_58 : vector<1x16xf32> to vector<16xf32>
    %get3A_60 = arith.constant 1 : i32
    %get3A_61 = arith.index_cast %get3A_60 : i32 to index
    %get3A_62 = arith.constant 32 : index
    %get3A_63 = tpu.vector_load %arg10[%get3A_61, %get3A_62] {strides = array<i32>} : memref<2x128xf32, #tpu.memory_space<vmem>>, vector<1x16xf32>,
    %get3A_64 = vector.shape_cast %get3A_63 : vector<1x16xf32> to vector<16xf32>
    %get3A_65 = arith.constant 1 : i32
    %get3A_66 = arith.index_cast %get3A_65 : i32 to index
    %get3A_67 = arith.constant 48 : index
    %get3A_68 = tpu.vector_load %arg10[%get3A_66, %get3A_67] {strides = array<i32>} : memref<2x128xf32, #tpu.memory_space<vmem>>, vector<1x16xf32>,
    %get3A_69 = vector.shape_cast %get3A_68 : vector<1x16xf32> to vector<16xf32>
    %get3A_70 = arith.constant 1 : i32
    %get3A_71 = arith.index_cast %get3A_70 : i32 to index
    %get3A_72 = arith.constant 64 : index
    %get3A_73 = tpu.vector_load %arg10[%get3A_71, %get3A_72] {strides = array<i32>} : memref<2x128xf32, #tpu.memory_space<vmem>>, vector<1x16xf32>,
    %get3A_74 = vector.shape_cast %get3A_73 : vector<1x16xf32> to vector<16xf32>
    %get3A_75 = arith.constant 1 : i32
    %get3A_76 = arith.index_cast %get3A_75 : i32 to index
    %get3A_77 = arith.constant 80 : index
    %get3A_78 = tpu.vector_load %arg10[%get3A_76, %get3A_77] {strides = array<i32>} : memref<2x128xf32, #tpu.memory_space<vmem>>, vector<1x16xf32>,
    %get3A_79 = vector.shape_cast %get3A_78 : vector<1x16xf32> to vector<16xf32>
    %get3A_80 = arith.constant 1 : i32
    %get3A_81 = arith.index_cast %get3A_80 : i32 to index
    %get3A_82 = arith.constant 96 : index
    %get3A_83 = tpu.vector_load %arg10[%get3A_81, %get3A_82] {strides = array<i32>} : memref<2x128xf32, #tpu.memory_space<vmem>>, vector<1x16xf32>,
    %get3A_84 = vector.shape_cast %get3A_83 : vector<1x16xf32> to vector<16xf32>
    %get3A_85 = arith.constant 1 : i32
    %get3A_86 = arith.index_cast %get3A_85 : i32 to index
    %get3A_87 = arith.constant 112 : index
    %get3A_88 = tpu.vector_load %arg10[%get3A_86, %get3A_87] {strides = array<i32>} : memref<2x128xf32, #tpu.memory_space<vmem>>, vector<1x16xf32>,
    %get3A_89 = vector.shape_cast %get3A_88 : vector<1x16xf32> to vector<16xf32>
    %add3A = arith.constant 0 : i32
    %add3A_90 = arith.addi %mul3A_0, %add3A : i32
    %dma_start3A = arith.constant 0 : i32
    %dma_start3A_91 = arith.constant 0 : i32
    %dma_start3A_92 = tpu.memref_slice %arg6[%dma_start3A, %dma_start3A_91] : memref<2x80xi32, #tpu.memory_space<vmem>> -> memref<1x80xi32, #tpu.memory_space<vmem>>
    %dma_start3A_93 = tpu.memref_squeeze %dma_start3A_92 : memref<1x80xi32, #tpu.memory_space<vmem>> -> memref<80xi32, #tpu.memory_space<vmem>>
    %dma_start3A_94 = tpu.memref_slice %arg3[%add3A_90] : memref<320000xi32, #tpu.memory_space<hbm>> -> memref<80xi32, #tpu.memory_space<hbm>>
    %dma_start3A_95 = arith.constant 0 : i32
    %dma_start3A_96 = tpu.memref_slice %arg6[%dma_start3A, %dma_start3A_95] : memref<2x80xi32, #tpu.memory_space<vmem>> -> memref<1x80xi32, #tpu.memory_space<vmem>>
    %dma_start3A_97 = tpu.memref_squeeze %dma_start3A_96 : memref<1x80xi32, #tpu.memory_space<vmem>> -> memref<80xi32, #tpu.memory_space<vmem>>
    %dma_start3A_98 = tpu.memref_slice %arg3[%add3A_90] : memref<320000xi32, #tpu.memory_space<hbm>> -> memref<80xi32, #tpu.memory_space<hbm>>
    tpu.enqueue_dma source(%dma_start3A_98 : memref<80xi32, #tpu.memory_space<hbm>>) target(%dma_start3A_97 : memref<80xi32, #tpu.memory_space<vmem>>) target_semaphore(%arg13 : memref<!tpu.dma_semaphore, #tpu.memory_space<semaphore_mem>>)
    %dma_start3A_99 = arith.constant 0 : i32
    %dma_start3A_100 = arith.constant 0 : i32
    %dma_start3A_101 = arith.constant 0 : i32
    %dma_start3A_102 = tpu.memref_slice %arg8[%dma_start3A_99, %dma_start3A_100, %dma_start3A_101] : memref<2x80x128xf32, #tpu.memory_space<vmem>> -> memref<1x80x128xf32, #tpu.memory_space<vmem>>
    %dma_start3A_103 = tpu.memref_squeeze %dma_start3A_102 : memref<1x80x128xf32, #tpu.memory_space<vmem>> -> memref<80x128xf32, #tpu.memory_space<vmem>>
    %dma_start3A_104 = arith.constant 0 : i32
    %dma_start3A_105 = tpu.memref_slice %arg2[%add3A_90, %dma_start3A_104] : memref<320000x128xf32, #tpu.memory_space<hbm>> -> memref<80x128xf32, #tpu.memory_space<hbm>>
    %dma_start3A_106 = arith.constant 0 : i32
    %dma_start3A_107 = arith.constant 0 : i32
    %dma_start3A_108 = tpu.memref_slice %arg8[%dma_start3A_99, %dma_start3A_106, %dma_start3A_107] : memref<2x80x128xf32, #tpu.memory_space<vmem>> -> memref<1x80x128xf32, #tpu.memory_space<vmem>>
    %dma_start3A_109 = tpu.memref_squeeze %dma_start3A_108 : memref<1x80x128xf32, #tpu.memory_space<vmem>> -> memref<80x128xf32, #tpu.memory_space<vmem>>
    %dma_start3A_110 = arith.constant 0 : i32
    %dma_start3A_111 = tpu.memref_slice %arg2[%add3A_90, %dma_start3A_110] : memref<320000x128xf32, #tpu.memory_space<hbm>> -> memref<80x128xf32, #tpu.memory_space<hbm>>
    tpu.enqueue_dma source(%dma_start3A_111 : memref<80x128xf32, #tpu.memory_space<hbm>>) target(%dma_start3A_109 : memref<80x128xf32, #tpu.memory_space<vmem>>) target_semaphore(%arg15 : memref<!tpu.dma_semaphore, #tpu.memory_space<semaphore_mem>>)
    %add3A_112 = arith.constant 80 : i32
    %add3A_113 = arith.addi %mul3A_0, %add3A_112 : i32
    %dma_start3A_114 = arith.constant 1 : i32
    %dma_start3A_115 = arith.constant 0 : i32
    %dma_start3A_116 = tpu.memref_slice %arg6[%dma_start3A_114, %dma_start3A_115] : memref<2x80xi32, #tpu.memory_space<vmem>> -> memref<1x80xi32, #tpu.memory_space<vmem>>
    %dma_start3A_117 = tpu.memref_squeeze %dma_start3A_116 : memref<1x80xi32, #tpu.memory_space<vmem>> -> memref<80xi32, #tpu.memory_space<vmem>>
    %dma_start3A_118 = tpu.memref_slice %arg3[%add3A_113] : memref<320000xi32, #tpu.memory_space<hbm>> -> memref<80xi32, #tpu.memory_space<hbm>>
    %dma_start3A_119 = arith.constant 0 : i32
    %dma_start3A_120 = tpu.memref_slice %arg6[%dma_start3A_114, %dma_start3A_119] : memref<2x80xi32, #tpu.memory_space<vmem>> -> memref<1x80xi32, #tpu.memory_space<vmem>>
    %dma_start3A_121 = tpu.memref_squeeze %dma_start3A_120 : memref<1x80xi32, #tpu.memory_space<vmem>> -> memref<80xi32, #tpu.memory_space<vmem>>
    %dma_start3A_122 = tpu.memref_slice %arg3[%add3A_113] : memref<320000xi32, #tpu.memory_space<hbm>> -> memref<80xi32, #tpu.memory_space<hbm>>
    tpu.enqueue_dma source(%dma_start3A_122 : memref<80xi32, #tpu.memory_space<hbm>>) target(%dma_start3A_121 : memref<80xi32, #tpu.memory_space<vmem>>) target_semaphore(%arg14 : memref<!tpu.dma_semaphore, #tpu.memory_space<semaphore_mem>>)
    %dma_start3A_123 = arith.constant 1 : i32
    %dma_start3A_124 = arith.constant 0 : i32
    %dma_start3A_125 = arith.constant 0 : i32
    %dma_start3A_126 = tpu.memref_slice %arg8[%dma_start3A_123, %dma_start3A_124, %dma_start3A_125] : memref<2x80x128xf32, #tpu.memory_space<vmem>> -> memref<1x80x128xf32, #tpu.memory_space<vmem>>
    %dma_start3A_127 = tpu.memref_squeeze %dma_start3A_126 : memref<1x80x128xf32, #tpu.memory_space<vmem>> -> memref<80x128xf32, #tpu.memory_space<vmem>>
    %dma_start3A_128 = arith.constant 0 : i32
    %dma_start3A_129 = tpu.memref_slice %arg2[%add3A_113, %dma_start3A_128] : memref<320000x128xf32, #tpu.memory_space<hbm>> -> memref<80x128xf32, #tpu.memory_space<hbm>>
    %dma_start3A_130 = arith.constant 0 : i32
    %dma_start3A_131 = arith.constant 0 : i32
    %dma_start3A_132 = tpu.memref_slice %arg8[%dma_start3A_123, %dma_start3A_130, %dma_start3A_131] : memref<2x80x128xf32, #tpu.memory_space<vmem>> -> memref<1x80x128xf32, #tpu.memory_space<vmem>>
    %dma_start3A_133 = tpu.memref_squeeze %dma_start3A_132 : memref<1x80x128xf32, #tpu.memory_space<vmem>> -> memref<80x128xf32, #tpu.memory_space<vmem>>
    %dma_start3A_134 = arith.constant 0 : i32
    %dma_start3A_135 = tpu.memref_slice %arg2[%add3A_113, %dma_start3A_134] : memref<320000x128xf32, #tpu.memory_space<hbm>> -> memref<80x128xf32, #tpu.memory_space<hbm>>
    tpu.enqueue_dma source(%dma_start3A_135 : memref<80x128xf32, #tpu.memory_space<hbm>>) target(%dma_start3A_133 : memref<80x128xf32, #tpu.memory_space<vmem>>) target_semaphore(%arg16 : memref<!tpu.dma_semaphore, #tpu.memory_space<semaphore_mem>>)
    %scan3A_136 = arith.constant 0 : i32
    %scan3A_137 = arith.constant 0 : i32
    %scan3A_138 = arith.constant 125 : i32
    %scan3A_139 = arith.addi %scan3A_137, %scan3A_138 : i32
    %scan3A_140 = arith.constant 1 : i32
    %scan3A_141 = scf.for %scan3A_177 = %scan3A_137 to %scan3A_139 step %scan3A_140 iter_args(%scan3A_178 = %scan3A_136) -> (i32)  : i32 {
      %mul3A_179 = arith.constant 2 : i32
      %mul3A_180 = arith.muli %mul3A_179, %scan3A_177 : i32
      %add3A_181 = arith.constant 1 : i32
      %add3A_182 = arith.addi %mul3A_180, %add3A_181 : i32
      %dma_wait3A_183 = arith.constant 0 : i32
      %dma_wait3A_184 = arith.constant 0 : i32
      %dma_wait3A_185 = tpu.memref_slice %arg6[%dma_wait3A_183, %dma_wait3A_184] : memref<2x80xi32, #tpu.memory_space<vmem>> -> memref<1x80xi32, #tpu.memory_space<vmem>>
      %dma_wait3A_186 = tpu.memref_squeeze %dma_wait3A_185 : memref<1x80xi32, #tpu.memory_space<vmem>> -> memref<80xi32, #tpu.memory_space<vmem>>
      %dma_wait3A_187 = arith.constant 0 : i32
      %dma_wait3A_188 = tpu.memref_slice %arg3[%dma_wait3A_187] : memref<320000xi32, #tpu.memory_space<hbm>> -> memref<80xi32, #tpu.memory_space<hbm>>
      %dma_wait3A_189 = arith.constant 0 : i32
      %dma_wait3A_190 = tpu.memref_slice %arg6[%dma_wait3A_183, %dma_wait3A_189] : memref<2x80xi32, #tpu.memory_space<vmem>> -> memref<1x80xi32, #tpu.memory_space<vmem>>
      %dma_wait3A_191 = tpu.memref_squeeze %dma_wait3A_190 : memref<1x80xi32, #tpu.memory_space<vmem>> -> memref<80xi32, #tpu.memory_space<vmem>>
      %dma_wait3A_192 = arith.constant 0 : i32
      %dma_wait3A_193 = tpu.memref_slice %arg3[%dma_wait3A_192] : memref<320000xi32, #tpu.memory_space<hbm>> -> memref<80xi32, #tpu.memory_space<hbm>>
      tpu.wait_dma2 semaphore(%arg13 : memref<!tpu.dma_semaphore, #tpu.memory_space<semaphore_mem>>) src(%dma_wait3A_193 : memref<80xi32, #tpu.memory_space<hbm>>) dst(%dma_wait3A_191 : memref<80xi32, #tpu.memory_space<vmem>>)
      %dma_wait3A_194 = arith.constant 0 : i32
      %dma_wait3A_195 = arith.constant 0 : i32
      %dma_wait3A_196 = arith.constant 0 : i32
      %dma_wait3A_197 = tpu.memref_slice %arg8[%dma_wait3A_194, %dma_wait3A_195, %dma_wait3A_196] : memref<2x80x128xf32, #tpu.memory_space<vmem>> -> memref<1x80x128xf32, #tpu.memory_space<vmem>>
      %dma_wait3A_198 = tpu.memref_squeeze %dma_wait3A_197 : memref<1x80x128xf32, #tpu.memory_space<vmem>> -> memref<80x128xf32, #tpu.memory_space<vmem>>
      %dma_wait3A_199 = arith.constant 0 : i32
      %dma_wait3A_200 = arith.constant 0 : i32
      %dma_wait3A_201 = tpu.memref_slice %arg2[%dma_wait3A_199, %dma_wait3A_200] : memref<320000x128xf32, #tpu.memory_space<hbm>> -> memref<80x128xf32, #tpu.memory_space<hbm>>
      %dma_wait3A_202 = arith.constant 0 : i32
      %dma_wait3A_203 = arith.constant 0 : i32
      %dma_wait3A_204 = tpu.memref_slice %arg8[%dma_wait3A_194, %dma_wait3A_202, %dma_wait3A_203] : memref<2x80x128xf32, #tpu.memory_space<vmem>> -> memref<1x80x128xf32, #tpu.memory_space<vmem>>
      %dma_wait3A_205 = tpu.memref_squeeze %dma_wait3A_204 : memref<1x80x128xf32, #tpu.memory_space<vmem>> -> memref<80x128xf32, #tpu.memory_space<vmem>>
      %dma_wait3A_206 = arith.constant 0 : i32
      %dma_wait3A_207 = arith.constant 0 : i32
      %dma_wait3A_208 = tpu.memref_slice %arg2[%dma_wait3A_206, %dma_wait3A_207] : memref<320000x128xf32, #tpu.memory_space<hbm>> -> memref<80x128xf32, #tpu.memory_space<hbm>>
      tpu.wait_dma2 semaphore(%arg15 : memref<!tpu.dma_semaphore, #tpu.memory_space<semaphore_mem>>) src(%dma_wait3A_208 : memref<80x128xf32, #tpu.memory_space<hbm>>) dst(%dma_wait3A_205 : memref<80x128xf32, #tpu.memory_space<vmem>>)
      %gt3A = arith.constant 0 : i32
      %gt3A_209 = arith.cmpi sgt, %scan3A_177, %gt3A : i32
      %convert_element_type3A = arith.extui %gt3A_209 : i1 to i32
      %cond3A = arith.constant 0 : i32
      %cond3A_210 = arith.cmpi ne, %convert_element_type3A, %cond3A : i32
      scf.if %cond3A_210 {
        %dma_wait3A_513 = arith.constant 0 : i32
        %dma_wait3A_514 = arith.constant 0 : i32
        %dma_wait3A_515 = arith.constant 0 : i32
        %dma_wait3A_516 = tpu.memref_slice %arg9[%dma_wait3A_513, %dma_wait3A_514, %dma_wait3A_515] : memref<2x80x128xf32, #tpu.memory_space<vmem>> -> memref<1x80x128xf32, #tpu.memory_space<vmem>>
        %dma_wait3A_517 = tpu.memref_squeeze %dma_wait3A_516 : memref<1x80x128xf32, #tpu.memory_space<vmem>> -> memref<80x128xf32, #tpu.memory_space<vmem>>
        %dma_wait3A_518 = arith.constant 0 : i32
        %dma_wait3A_519 = arith.constant 0 : i32
        %dma_wait3A_520 = tpu.memref_slice %arg2[%dma_wait3A_518, %dma_wait3A_519] : memref<320000x128xf32, #tpu.memory_space<hbm>> -> memref<80x128xf32, #tpu.memory_space<hbm>>
        %dma_wait3A_521 = arith.constant 0 : i32
        %dma_wait3A_522 = arith.constant 0 : i32
        %dma_wait3A_523 = tpu.memref_slice %arg2[%dma_wait3A_521, %dma_wait3A_522] : memref<320000x128xf32, #tpu.memory_space<hbm>> -> memref<80x128xf32, #tpu.memory_space<hbm>>
        %dma_wait3A_524 = arith.constant 0 : i32
        %dma_wait3A_525 = arith.constant 0 : i32
        %dma_wait3A_526 = tpu.memref_slice %arg9[%dma_wait3A_513, %dma_wait3A_524, %dma_wait3A_525] : memref<2x80x128xf32, #tpu.memory_space<vmem>> -> memref<1x80x128xf32, #tpu.memory_space<vmem>>
        %dma_wait3A_527 = tpu.memref_squeeze %dma_wait3A_526 : memref<1x80x128xf32, #tpu.memory_space<vmem>> -> memref<80x128xf32, #tpu.memory_space<vmem>>
        tpu.wait_dma2 semaphore(%arg17 : memref<!tpu.dma_semaphore, #tpu.memory_space<semaphore_mem>>) src(%dma_wait3A_527 : memref<80x128xf32, #tpu.memory_space<vmem>>) dst(%dma_wait3A_523 : memref<80x128xf32, #tpu.memory_space<hbm>>)
      } else {
      }
      %get3A_211 = arith.constant 0 : i32
      %get3A_212 = arith.index_cast %get3A_211 : i32 to index
      %get3A_213 = arith.constant 0 : index
      %get3A_214 = tpu.vector_load %arg6[%get3A_212, %get3A_213] {strides = array<i32>} : memref<2x80xi32, #tpu.memory_space<vmem>>, vector<1x16xi32>,
      %get3A_215 = vector.shape_cast %get3A_214 : vector<1x16xi32> to vector<16xi32>
      %sub3A = vector.broadcast %mul3A_2 : i32 to vector<16xi32>
      %sub3A_216 = arith.subi %get3A_215, %sub3A : vector<16xi32>
      %ge3A = arith.constant 0 : i32
      %ge3A_217 = vector.broadcast %ge3A : i32 to vector<16xi32>
      %ge3A_218 = arith.cmpi sge, %sub3A_216, %ge3A_217 : vector<16xi32>
      %lt3A = arith.constant 5120 : i32
      %lt3A_219 = vector.broadcast %lt3A : i32 to vector<16xi32>
      %lt3A_220 = arith.cmpi slt, %sub3A_216, %lt3A_219 : vector<16xi32>
      %and3A = arith.andi %ge3A_218, %lt3A_220 : vector<16xi1>
      %jit3A = arith.constant 5120 : i32
      %broadcast_in_dim3A = vector.broadcast %jit3A : i32 to vector<16xi32>
      %select_n3A = arith.select %and3A, %sub3A_216, %broadcast_in_dim3A : vector<16xi1>, vector<16xi32>
      %swap3A = arith.constant 0 : i32
      %swap3A_221 = arith.index_cast %swap3A : i32 to index
      %swap3A_222 = arith.constant 0 : index
      %swap3A_223 = tpu.vector_load %arg7[%swap3A_221, %swap3A_222] {strides = array<i32>} : memref<2x80xi32, #tpu.memory_space<vmem>>, vector<1x16xi32>,
      %swap3A_224 = vector.shape_cast %swap3A_223 : vector<1x16xi32> to vector<16xi32>
      %swap3A_225 = vector.shape_cast %select_n3A : vector<16xi32> to vector<1x16xi32>
      tpu.vector_store %arg7[%swap3A_221, %swap3A_222], %swap3A_225 {strides = array<i32>} : memref<2x80xi32, #tpu.memory_space<vmem>>, vector<1x16xi32>,
      %get3A_226 = arith.constant 0 : i32
      %get3A_227 = arith.index_cast %get3A_226 : i32 to index
      %get3A_228 = arith.constant 16 : index
      %get3A_229 = tpu.vector_load %arg6[%get3A_227, %get3A_228] {strides = array<i32>} : memref<2x80xi32, #tpu.memory_space<vmem>>, vector<1x16xi32>,
      %get3A_230 = vector.shape_cast %get3A_229 : vector<1x16xi32> to vector<16xi32>
      %sub3A_231 = vector.broadcast %mul3A_2 : i32 to vector<16xi32>
      %sub3A_232 = arith.subi %get3A_230, %sub3A_231 : vector<16xi32>
      %ge3A_233 = arith.constant 0 : i32
      %ge3A_234 = vector.broadcast %ge3A_233 : i32 to vector<16xi32>
      %ge3A_235 = arith.cmpi sge, %sub3A_232, %ge3A_234 : vector<16xi32>
      %lt3A_236 = arith.constant 5120 : i32
      %lt3A_237 = vector.broadcast %lt3A_236 : i32 to vector<16xi32>
      %lt3A_238 = arith.cmpi slt, %sub3A_232, %lt3A_237 : vector<16xi32>
      %and3A_239 = arith.andi %ge3A_235, %lt3A_238 : vector<16xi1>
      %jit3A_240 = arith.constant 5120 : i32
      %broadcast_in_dim3A_241 = vector.broadcast %jit3A_240 : i32 to vector<16xi32>
      %select_n3A_242 = arith.select %and3A_239, %sub3A_232, %broadcast_in_dim3A_241 : vector<16xi1>, vector<16xi32>
      %swap3A_243 = arith.constant 0 : i32
      %swap3A_244 = arith.index_cast %swap3A_243 : i32 to index
      %swap3A_245 = arith.constant 16 : index
      %swap3A_246 = tpu.vector_load %arg7[%swap3A_244, %swap3A_245] {strides = array<i32>} : memref<2x80xi32, #tpu.memory_space<vmem>>, vector<1x16xi32>,
      %swap3A_247 = vector.shape_cast %swap3A_246 : vector<1x16xi32> to vector<16xi32>
      %swap3A_248 = vector.shape_cast %select_n3A_242 : vector<16xi32> to vector<1x16xi32>
      tpu.vector_store %arg7[%swap3A_244, %swap3A_245], %swap3A_248 {strides = array<i32>} : memref<2x80xi32, #tpu.memory_space<vmem>>, vector<1x16xi32>,
      %get3A_249 = arith.constant 0 : i32
      %get3A_250 = arith.index_cast %get3A_249 : i32 to index
      %get3A_251 = arith.constant 32 : index
      %get3A_252 = tpu.vector_load %arg6[%get3A_250, %get3A_251] {strides = array<i32>} : memref<2x80xi32, #tpu.memory_space<vmem>>, vector<1x16xi32>,
      %get3A_253 = vector.shape_cast %get3A_252 : vector<1x16xi32> to vector<16xi32>
      %sub3A_254 = vector.broadcast %mul3A_2 : i32 to vector<16xi32>
      %sub3A_255 = arith.subi %get3A_253, %sub3A_254 : vector<16xi32>
      %ge3A_256 = arith.constant 0 : i32
      %ge3A_257 = vector.broadcast %ge3A_256 : i32 to vector<16xi32>
      %ge3A_258 = arith.cmpi sge, %sub3A_255, %ge3A_257 : vector<16xi32>
      %lt3A_259 = arith.constant 5120 : i32
      %lt3A_260 = vector.broadcast %lt3A_259 : i32 to vector<16xi32>
      %lt3A_261 = arith.cmpi slt, %sub3A_255, %lt3A_260 : vector<16xi32>
      %and3A_262 = arith.andi %ge3A_258, %lt3A_261 : vector<16xi1>
      %jit3A_263 = arith.constant 5120 : i32
      %broadcast_in_dim3A_264 = vector.broadcast %jit3A_263 : i32 to vector<16xi32>
      %select_n3A_265 = arith.select %and3A_262, %sub3A_255, %broadcast_in_dim3A_264 : vector<16xi1>, vector<16xi32>
      %swap3A_266 = arith.constant 0 : i32
      %swap3A_267 = arith.index_cast %swap3A_266 : i32 to index
      %swap3A_268 = arith.constant 32 : index
      %swap3A_269 = tpu.vector_load %arg7[%swap3A_267, %swap3A_268] {strides = array<i32>} : memref<2x80xi32, #tpu.memory_space<vmem>>, vector<1x16xi32>,
      %swap3A_270 = vector.shape_cast %swap3A_269 : vector<1x16xi32> to vector<16xi32>
      %swap3A_271 = vector.shape_cast %select_n3A_265 : vector<16xi32> to vector<1x16xi32>
      tpu.vector_store %arg7[%swap3A_267, %swap3A_268], %swap3A_271 {strides = array<i32>} : memref<2x80xi32, #tpu.memory_space<vmem>>, vector<1x16xi32>,
      %get3A_272 = arith.constant 0 : i32
      %get3A_273 = arith.index_cast %get3A_272 : i32 to index
      %get3A_274 = arith.constant 48 : index
      %get3A_275 = tpu.vector_load %arg6[%get3A_273, %get3A_274] {strides = array<i32>} : memref<2x80xi32, #tpu.memory_space<vmem>>, vector<1x16xi32>,
      %get3A_276 = vector.shape_cast %get3A_275 : vector<1x16xi32> to vector<16xi32>
      %sub3A_277 = vector.broadcast %mul3A_2 : i32 to vector<16xi32>
      %sub3A_278 = arith.subi %get3A_276, %sub3A_277 : vector<16xi32>
      %ge3A_279 = arith.constant 0 : i32
      %ge3A_280 = vector.broadcast %ge3A_279 : i32 to vector<16xi32>
      %ge3A_281 = arith.cmpi sge, %sub3A_278, %ge3A_280 : vector<16xi32>
      %lt3A_282 = arith.constant 5120 : i32
      %lt3A_283 = vector.broadcast %lt3A_282 : i32 to vector<16xi32>
      %lt3A_284 = arith.cmpi slt, %sub3A_278, %lt3A_283 : vector<16xi32>
      %and3A_285 = arith.andi %ge3A_281, %lt3A_284 : vector<16xi1>
      %jit3A_286 = arith.constant 5120 : i32
      %broadcast_in_dim3A_287 = vector.broadcast %jit3A_286 : i32 to vector<16xi32>
      %select_n3A_288 = arith.select %and3A_285, %sub3A_278, %broadcast_in_dim3A_287 : vector<16xi1>, vector<16xi32>
      %swap3A_289 = arith.constant 0 : i32
      %swap3A_290 = arith.index_cast %swap3A_289 : i32 to index
      %swap3A_291 = arith.constant 48 : index
      %swap3A_292 = tpu.vector_load %arg7[%swap3A_290, %swap3A_291] {strides = array<i32>} : memref<2x80xi32, #tpu.memory_space<vmem>>, vector<1x16xi32>,
      %swap3A_293 = vector.shape_cast %swap3A_292 : vector<1x16xi32> to vector<16xi32>
      %swap3A_294 = vector.shape_cast %select_n3A_288 : vector<16xi32> to vector<1x16xi32>
      tpu.vector_store %arg7[%swap3A_290, %swap3A_291], %swap3A_294 {strides = array<i32>} : memref<2x80xi32, #tpu.memory_space<vmem>>, vector<1x16xi32>,
      %get3A_295 = arith.constant 0 : i32
      %get3A_296 = arith.index_cast %get3A_295 : i32 to index
      %get3A_297 = arith.constant 64 : index
      %get3A_298 = tpu.vector_load %arg6[%get3A_296, %get3A_297] {strides = array<i32>} : memref<2x80xi32, #tpu.memory_space<vmem>>, vector<1x16xi32>,
      %get3A_299 = vector.shape_cast %get3A_298 : vector<1x16xi32> to vector<16xi32>
      %sub3A_300 = vector.broadcast %mul3A_2 : i32 to vector<16xi32>
      %sub3A_301 = arith.subi %get3A_299, %sub3A_300 : vector<16xi32>
      %ge3A_302 = arith.constant 0 : i32
      %ge3A_303 = vector.broadcast %ge3A_302 : i32 to vector<16xi32>
      %ge3A_304 = arith.cmpi sge, %sub3A_301, %ge3A_303 : vector<16xi32>
      %lt3A_305 = arith.constant 5120 : i32
      %lt3A_306 = vector.broadcast %lt3A_305 : i32 to vector<16xi32>
      %lt3A_307 = arith.cmpi slt, %sub3A_301, %lt3A_306 : vector<16xi32>
      %and3A_308 = arith.andi %ge3A_304, %lt3A_307 : vector<16xi1>
      %jit3A_309 = arith.constant 5120 : i32
      %broadcast_in_dim3A_310 = vector.broadcast %jit3A_309 : i32 to vector<16xi32>
      %select_n3A_311 = arith.select %and3A_308, %sub3A_301, %broadcast_in_dim3A_310 : vector<16xi1>, vector<16xi32>
      %swap3A_312 = arith.constant 0 : i32
      %swap3A_313 = arith.index_cast %swap3A_312 : i32 to index
      %swap3A_314 = arith.constant 64 : index
      %swap3A_315 = tpu.vector_load %arg7[%swap3A_313, %swap3A_314] {strides = array<i32>} : memref<2x80xi32, #tpu.memory_space<vmem>>, vector<1x16xi32>,
      %swap3A_316 = vector.shape_cast %swap3A_315 : vector<1x16xi32> to vector<16xi32>
      %swap3A_317 = vector.shape_cast %select_n3A_311 : vector<16xi32> to vector<1x16xi32>
      tpu.vector_store %arg7[%swap3A_313, %swap3A_314], %swap3A_317 {strides = array<i32>} : memref<2x80xi32, #tpu.memory_space<vmem>>, vector<1x16xi32>,
      %scan3A_318 = arith.constant 0 : i32
      %scan3A_319 = arith.constant 0 : i32
      %scan3A_320 = arith.constant 20 : i32
      %scan3A_321 = arith.addi %scan3A_319, %scan3A_320 : i32
      %scan3A_322 = arith.constant 1 : i32
      %scan3A_323 = scf.for %scan3A_513 = %scan3A_319 to %scan3A_321 step %scan3A_322 iter_args(%scan3A_514 = %scan3A_318) -> (i32)  : i32 {
        %mul3A_515 = arith.constant 4 : i32
        %mul3A_516 = arith.muli %mul3A_515, %scan3A_513 : i32
        %add3A_517 = arith.constant 0 : i32
        %add3A_518 = arith.addi %mul3A_516, %add3A_517 : i32
        %get3A_519 = arith.constant 0 : i32
        %get3A_520 = arith.index_cast %get3A_519 : i32 to index
        %get3A_521 = arith.index_cast %add3A_518 : i32 to index
        %get3A_522 = arith.constant 0 : index
        %get3A_523 = tpu.vector_load %arg8[%get3A_520, %get3A_521, %get3A_522] {strides = array<i32>} : memref<2x80x128xf32, #tpu.memory_space<vmem>>, vector<1x1x16xf32>,
        %get3A_524 = vector.shape_cast %get3A_523 : vector<1x1x16xf32> to vector<16xf32>
        %mul3A_525 = arith.mulf %get3A_524, %get3A_14 : vector<16xf32>
        %add3A_526 = arith.addf %mul3A_525, %get3A_54 : vector<16xf32>
        %max3A = arith.constant 0.000000e+00 : f32
        %max3A_527 = vector.broadcast %max3A : f32 to vector<16xf32>
        %max3A_528 = arith.maximumf %add3A_526, %max3A_527 : vector<16xf32>
        %swap3A_529 = arith.constant 0 : i32
        %swap3A_530 = arith.index_cast %swap3A_529 : i32 to index
        %swap3A_531 = arith.index_cast %add3A_518 : i32 to index
        %swap3A_532 = arith.constant 0 : index
        %swap3A_533 = tpu.vector_load %arg9[%swap3A_530, %swap3A_531, %swap3A_532] {strides = array<i32>} : memref<2x80x128xf32, #tpu.memory_space<vmem>>, vector<1x1x16xf32>,
        %swap3A_534 = vector.shape_cast %swap3A_533 : vector<1x1x16xf32> to vector<16xf32>
        %swap3A_535 = vector.shape_cast %max3A_528 : vector<16xf32> to vector<1x1x16xf32>
        tpu.vector_store %arg9[%swap3A_530, %swap3A_531, %swap3A_532], %swap3A_535 {strides = array<i32>} : memref<2x80x128xf32, #tpu.memory_space<vmem>>, vector<1x1x16xf32>,
        %get3A_536 = arith.constant 0 : i32
        %get3A_537 = arith.index_cast %get3A_536 : i32 to index
        %get3A_538 = arith.index_cast %add3A_518 : i32 to index
        %get3A_539 = arith.constant 16 : index
        %get3A_540 = tpu.vector_load %arg8[%get3A_537, %get3A_538, %get3A_539] {strides = array<i32>} : memref<2x80x128xf32, #tpu.memory_space<vmem>>, vector<1x1x16xf32>,
        %get3A_541 = vector.shape_cast %get3A_540 : vector<1x1x16xf32> to vector<16xf32>
        %mul3A_542 = arith.mulf %get3A_541, %get3A_19 : vector<16xf32>
        %add3A_543 = arith.addf %mul3A_542, %get3A_59 : vector<16xf32>
        %max3A_544 = arith.constant 0.000000e+00 : f32
        %max3A_545 = vector.broadcast %max3A_544 : f32 to vector<16xf32>
        %max3A_546 = arith.maximumf %add3A_543, %max3A_545 : vector<16xf32>
        %swap3A_547 = arith.constant 0 : i32
        %swap3A_548 = arith.index_cast %swap3A_547 : i32 to index
        %swap3A_549 = arith.index_cast %add3A_518 : i32 to index
        %swap3A_550 = arith.constant 16 : index
        %swap3A_551 = tpu.vector_load %arg9[%swap3A_548, %swap3A_549, %swap3A_550] {strides = array<i32>} : memref<2x80x128xf32, #tpu.memory_space<vmem>>, vector<1x1x16xf32>,
        %swap3A_552 = vector.shape_cast %swap3A_551 : vector<1x1x16xf32> to vector<16xf32>
        %swap3A_553 = vector.shape_cast %max3A_546 : vector<16xf32> to vector<1x1x16xf32>
        tpu.vector_store %arg9[%swap3A_548, %swap3A_549, %swap3A_550], %swap3A_553 {strides = array<i32>} : memref<2x80x128xf32, #tpu.memory_space<vmem>>, vector<1x1x16xf32>,
        %get3A_554 = arith.constant 0 : i32
        %get3A_555 = arith.index_cast %get3A_554 : i32 to index
        %get3A_556 = arith.index_cast %add3A_518 : i32 to index
        %get3A_557 = arith.constant 32 : index
        %get3A_558 = tpu.vector_load %arg8[%get3A_555, %get3A_556, %get3A_557] {strides = array<i32>} : memref<2x80x128xf32, #tpu.memory_space<vmem>>, vector<1x1x16xf32>,
        %get3A_559 = vector.shape_cast %get3A_558 : vector<1x1x16xf32> to vector<16xf32>
        %mul3A_560 = arith.mulf %get3A_559, %get3A_24 : vector<16xf32>
        %add3A_561 = arith.addf %mul3A_560, %get3A_64 : vector<16xf32>
        %max3A_562 = arith.constant 0.000000e+00 : f32
        %max3A_563 = vector.broadcast %max3A_562 : f32 to vector<16xf32>
        %max3A_564 = arith.maximumf %add3A_561, %max3A_563 : vector<16xf32>
        %swap3A_565 = arith.constant 0 : i32
        %swap3A_566 = arith.index_cast %swap3A_565 : i32 to index
        %swap3A_567 = arith.index_cast %add3A_518 : i32 to index
        %swap3A_568 = arith.constant 32 : index
        %swap3A_569 = tpu.vector_load %arg9[%swap3A_566, %swap3A_567, %swap3A_568] {strides = array<i32>} : memref<2x80x128xf32, #tpu.memory_space<vmem>>, vector<1x1x16xf32>,
        %swap3A_570 = vector.shape_cast %swap3A_569 : vector<1x1x16xf32> to vector<16xf32>
        %swap3A_571 = vector.shape_cast %max3A_564 : vector<16xf32> to vector<1x1x16xf32>
        tpu.vector_store %arg9[%swap3A_566, %swap3A_567, %swap3A_568], %swap3A_571 {strides = array<i32>} : memref<2x80x128xf32, #tpu.memory_space<vmem>>, vector<1x1x16xf32>,
        %get3A_572 = arith.constant 0 : i32
        %get3A_573 = arith.index_cast %get3A_572 : i32 to index
        %get3A_574 = arith.index_cast %add3A_518 : i32 to index
        %get3A_575 = arith.constant 48 : index
        %get3A_576 = tpu.vector_load %arg8[%get3A_573, %get3A_574, %get3A_575] {strides = array<i32>} : memref<2x80x128xf32, #tpu.memory_space<vmem>>, vector<1x1x16xf32>,
        %get3A_577 = vector.shape_cast %get3A_576 : vector<1x1x16xf32> to vector<16xf32>
        %mul3A_578 = arith.mulf %get3A_577, %get3A_29 : vector<16xf32>
        %add3A_579 = arith.addf %mul3A_578, %get3A_69 : vector<16xf32>
        %max3A_580 = arith.constant 0.000000e+00 : f32
        %max3A_581 = vector.broadcast %max3A_580 : f32 to vector<16xf32>
        %max3A_582 = arith.maximumf %add3A_579, %max3A_581 : vector<16xf32>
        %swap3A_583 = arith.constant 0 : i32
        %swap3A_584 = arith.index_cast %swap3A_583 : i32 to index
        %swap3A_585 = arith.index_cast %add3A_518 : i32 to index
        %swap3A_586 = arith.constant 48 : index
        %swap3A_587 = tpu.vector_load %arg9[%swap3A_584, %swap3A_585, %swap3A_586] {strides = array<i32>} : memref<2x80x128xf32, #tpu.memory_space<vmem>>, vector<1x1x16xf32>,
        %swap3A_588 = vector.shape_cast %swap3A_587 : vector<1x1x16xf32> to vector<16xf32>
        %swap3A_589 = vector.shape_cast %max3A_582 : vector<16xf32> to vector<1x1x16xf32>
        tpu.vector_store %arg9[%swap3A_584, %swap3A_585, %swap3A_586], %swap3A_589 {strides = array<i32>} : memref<2x80x128xf32, #tpu.memory_space<vmem>>, vector<1x1x16xf32>,
        %get3A_590 = arith.constant 0 : i32
        %get3A_591 = arith.index_cast %get3A_590 : i32 to index
        %get3A_592 = arith.index_cast %add3A_518 : i32 to index
        %get3A_593 = arith.constant 64 : index
        %get3A_594 = tpu.vector_load %arg8[%get3A_591, %get3A_592, %get3A_593] {strides = array<i32>} : memref<2x80x128xf32, #tpu.memory_space<vmem>>, vector<1x1x16xf32>,
        %get3A_595 = vector.shape_cast %get3A_594 : vector<1x1x16xf32> to vector<16xf32>
        %mul3A_596 = arith.mulf %get3A_595, %get3A_34 : vector<16xf32>
        %add3A_597 = arith.addf %mul3A_596, %get3A_74 : vector<16xf32>
        %max3A_598 = arith.constant 0.000000e+00 : f32
        %max3A_599 = vector.broadcast %max3A_598 : f32 to vector<16xf32>
        %max3A_600 = arith.maximumf %add3A_597, %max3A_599 : vector<16xf32>
        %swap3A_601 = arith.constant 0 : i32
        %swap3A_602 = arith.index_cast %swap3A_601 : i32 to index
        %swap3A_603 = arith.index_cast %add3A_518 : i32 to index
        %swap3A_604 = arith.constant 64 : index
        %swap3A_605 = tpu.vector_load %arg9[%swap3A_602, %swap3A_603, %swap3A_604] {strides = array<i32>} : memref<2x80x128xf32, #tpu.memory_space<vmem>>, vector<1x1x16xf32>,
        %swap3A_606 = vector.shape_cast %swap3A_605 : vector<1x1x16xf32> to vector<16xf32>
        %swap3A_607 = vector.shape_cast %max3A_600 : vector<16xf32> to vector<1x1x16xf32>
        tpu.vector_store %arg9[%swap3A_602, %swap3A_603, %swap3A_604], %swap3A_607 {strides = array<i32>} : memref<2x80x128xf32, #tpu.memory_space<vmem>>, vector<1x1x16xf32>,
        %get3A_608 = arith.constant 0 : i32
        %get3A_609 = arith.index_cast %get3A_608 : i32 to index
        %get3A_610 = arith.index_cast %add3A_518 : i32 to index
        %get3A_611 = arith.constant 80 : index
        %get3A_612 = tpu.vector_load %arg8[%get3A_609, %get3A_610, %get3A_611] {strides = array<i32>} : memref<2x80x128xf32, #tpu.memory_space<vmem>>, vector<1x1x16xf32>,
        %get3A_613 = vector.shape_cast %get3A_612 : vector<1x1x16xf32> to vector<16xf32>
        %mul3A_614 = arith.mulf %get3A_613, %get3A_39 : vector<16xf32>
        %add3A_615 = arith.addf %mul3A_614, %get3A_79 : vector<16xf32>
        %max3A_616 = arith.constant 0.000000e+00 : f32
        %max3A_617 = vector.broadcast %max3A_616 : f32 to vector<16xf32>
        %max3A_618 = arith.maximumf %add3A_615, %max3A_617 : vector<16xf32>
        %swap3A_619 = arith.constant 0 : i32
        %swap3A_620 = arith.index_cast %swap3A_619 : i32 to index
        %swap3A_621 = arith.index_cast %add3A_518 : i32 to index
        %swap3A_622 = arith.constant 80 : index
        %swap3A_623 = tpu.vector_load %arg9[%swap3A_620, %swap3A_621, %swap3A_622] {strides = array<i32>} : memref<2x80x128xf32, #tpu.memory_space<vmem>>, vector<1x1x16xf32>,
        %swap3A_624 = vector.shape_cast %swap3A_623 : vector<1x1x16xf32> to vector<16xf32>
        %swap3A_625 = vector.shape_cast %max3A_618 : vector<16xf32> to vector<1x1x16xf32>
        tpu.vector_store %arg9[%swap3A_620, %swap3A_621, %swap3A_622], %swap3A_625 {strides = array<i32>} : memref<2x80x128xf32, #tpu.memory_space<vmem>>, vector<1x1x16xf32>,
        %get3A_626 = arith.constant 0 : i32
        %get3A_627 = arith.index_cast %get3A_626 : i32 to index
        %get3A_628 = arith.index_cast %add3A_518 : i32 to index
        %get3A_629 = arith.constant 96 : index
        %get3A_630 = tpu.vector_load %arg8[%get3A_627, %get3A_628, %get3A_629] {strides = array<i32>} : memref<2x80x128xf32, #tpu.memory_space<vmem>>, vector<1x1x16xf32>,
        %get3A_631 = vector.shape_cast %get3A_630 : vector<1x1x16xf32> to vector<16xf32>
        %mul3A_632 = arith.mulf %get3A_631, %get3A_44 : vector<16xf32>
        %add3A_633 = arith.addf %mul3A_632, %get3A_84 : vector<16xf32>
        %max3A_634 = arith.constant 0.000000e+00 : f32
        %max3A_635 = vector.broadcast %max3A_634 : f32 to vector<16xf32>
        %max3A_636 = arith.maximumf %add3A_633, %max3A_635 : vector<16xf32>
        %swap3A_637 = arith.constant 0 : i32
        %swap3A_638 = arith.index_cast %swap3A_637 : i32 to index
        %swap3A_639 = arith.index_cast %add3A_518 : i32 to index
        %swap3A_640 = arith.constant 96 : index
        %swap3A_641 = tpu.vector_load %arg9[%swap3A_638, %swap3A_639, %swap3A_640] {strides = array<i32>} : memref<2x80x128xf32, #tpu.memory_space<vmem>>, vector<1x1x16xf32>,
        %swap3A_642 = vector.shape_cast %swap3A_641 : vector<1x1x16xf32> to vector<16xf32>
        %swap3A_643 = vector.shape_cast %max3A_636 : vector<16xf32> to vector<1x1x16xf32>
        tpu.vector_store %arg9[%swap3A_638, %swap3A_639, %swap3A_640], %swap3A_643 {strides = array<i32>} : memref<2x80x128xf32, #tpu.memory_space<vmem>>, vector<1x1x16xf32>,
        %get3A_644 = arith.constant 0 : i32
        %get3A_645 = arith.index_cast %get3A_644 : i32 to index
        %get3A_646 = arith.index_cast %add3A_518 : i32 to index
        %get3A_647 = arith.constant 112 : index
        %get3A_648 = tpu.vector_load %arg8[%get3A_645, %get3A_646, %get3A_647] {strides = array<i32>} : memref<2x80x128xf32, #tpu.memory_space<vmem>>, vector<1x1x16xf32>,
        %get3A_649 = vector.shape_cast %get3A_648 : vector<1x1x16xf32> to vector<16xf32>
        %mul3A_650 = arith.mulf %get3A_649, %get3A_49 : vector<16xf32>
        %add3A_651 = arith.addf %mul3A_650, %get3A_89 : vector<16xf32>
        %max3A_652 = arith.constant 0.000000e+00 : f32
        %max3A_653 = vector.broadcast %max3A_652 : f32 to vector<16xf32>
        %max3A_654 = arith.maximumf %add3A_651, %max3A_653 : vector<16xf32>
        %swap3A_655 = arith.constant 0 : i32
        %swap3A_656 = arith.index_cast %swap3A_655 : i32 to index
        %swap3A_657 = arith.index_cast %add3A_518 : i32 to index
        %swap3A_658 = arith.constant 112 : index
        %swap3A_659 = tpu.vector_load %arg9[%swap3A_656, %swap3A_657, %swap3A_658] {strides = array<i32>} : memref<2x80x128xf32, #tpu.memory_space<vmem>>, vector<1x1x16xf32>,
        %swap3A_660 = vector.shape_cast %swap3A_659 : vector<1x1x16xf32> to vector<16xf32>
        %swap3A_661 = vector.shape_cast %max3A_654 : vector<16xf32> to vector<1x1x16xf32>
        tpu.vector_store %arg9[%swap3A_656, %swap3A_657, %swap3A_658], %swap3A_661 {strides = array<i32>} : memref<2x80x128xf32, #tpu.memory_space<vmem>>, vector<1x1x16xf32>,
        %mul3A_662 = arith.constant 4 : i32
        %mul3A_663 = arith.muli %mul3A_662, %scan3A_513 : i32
        %add3A_664 = arith.constant 1 : i32
        %add3A_665 = arith.addi %mul3A_663, %add3A_664 : i32
        %get3A_666 = arith.constant 0 : i32
        %get3A_667 = arith.index_cast %get3A_666 : i32 to index
        %get3A_668 = arith.index_cast %add3A_665 : i32 to index
        %get3A_669 = arith.constant 0 : index
        %get3A_670 = tpu.vector_load %arg8[%get3A_667, %get3A_668, %get3A_669] {strides = array<i32>} : memref<2x80x128xf32, #tpu.memory_space<vmem>>, vector<1x1x16xf32>,
        %get3A_671 = vector.shape_cast %get3A_670 : vector<1x1x16xf32> to vector<16xf32>
        %mul3A_672 = arith.mulf %get3A_671, %get3A_14 : vector<16xf32>
        %add3A_673 = arith.addf %mul3A_672, %get3A_54 : vector<16xf32>
        %max3A_674 = arith.constant 0.000000e+00 : f32
        %max3A_675 = vector.broadcast %max3A_674 : f32 to vector<16xf32>
        %max3A_676 = arith.maximumf %add3A_673, %max3A_675 : vector<16xf32>
        %swap3A_677 = arith.constant 0 : i32
        %swap3A_678 = arith.index_cast %swap3A_677 : i32 to index
        %swap3A_679 = arith.index_cast %add3A_665 : i32 to index
        %swap3A_680 = arith.constant 0 : index
        %swap3A_681 = tpu.vector_load %arg9[%swap3A_678, %swap3A_679, %swap3A_680] {strides = array<i32>} : memref<2x80x128xf32, #tpu.memory_space<vmem>>, vector<1x1x16xf32>,
        %swap3A_682 = vector.shape_cast %swap3A_681 : vector<1x1x16xf32> to vector<16xf32>
        %swap3A_683 = vector.shape_cast %max3A_676 : vector<16xf32> to vector<1x1x16xf32>
        tpu.vector_store %arg9[%swap3A_678, %swap3A_679, %swap3A_680], %swap3A_683 {strides = array<i32>} : memref<2x80x128xf32, #tpu.memory_space<vmem>>, vector<1x1x16xf32>,
        %get3A_684 = arith.constant 0 : i32
        %get3A_685 = arith.index_cast %get3A_684 : i32 to index
        %get3A_686 = arith.index_cast %add3A_665 : i32 to index
        %get3A_687 = arith.constant 16 : index
        %get3A_688 = tpu.vector_load %arg8[%get3A_685, %get3A_686, %get3A_687] {strides = array<i32>} : memref<2x80x128xf32, #tpu.memory_space<vmem>>, vector<1x1x16xf32>,
        %get3A_689 = vector.shape_cast %get3A_688 : vector<1x1x16xf32> to vector<16xf32>
        %mul3A_690 = arith.mulf %get3A_689, %get3A_19 : vector<16xf32>
        %add3A_691 = arith.addf %mul3A_690, %get3A_59 : vector<16xf32>
        %max3A_692 = arith.constant 0.000000e+00 : f32
        %max3A_693 = vector.broadcast %max3A_692 : f32 to vector<16xf32>
        %max3A_694 = arith.maximumf %add3A_691, %max3A_693 : vector<16xf32>
        %swap3A_695 = arith.constant 0 : i32
        %swap3A_696 = arith.index_cast %swap3A_695 : i32 to index
        %swap3A_697 = arith.index_cast %add3A_665 : i32 to index
        %swap3A_698 = arith.constant 16 : index
        %swap3A_699 = tpu.vector_load %arg9[%swap3A_696, %swap3A_697, %swap3A_698] {strides = array<i32>} : memref<2x80x128xf32, #tpu.memory_space<vmem>>, vector<1x1x16xf32>,
        %swap3A_700 = vector.shape_cast %swap3A_699 : vector<1x1x16xf32> to vector<16xf32>
        %swap3A_701 = vector.shape_cast %max3A_694 : vector<16xf32> to vector<1x1x16xf32>
        tpu.vector_store %arg9[%swap3A_696, %swap3A_697, %swap3A_698], %swap3A_701 {strides = array<i32>} : memref<2x80x128xf32, #tpu.memory_space<vmem>>, vector<1x1x16xf32>,
        %get3A_702 = arith.constant 0 : i32
        %get3A_703 = arith.index_cast %get3A_702 : i32 to index
        %get3A_704 = arith.index_cast %add3A_665 : i32 to index
        %get3A_705 = arith.constant 32 : index
        %get3A_706 = tpu.vector_load %arg8[%get3A_703, %get3A_704, %get3A_705] {strides = array<i32>} : memref<2x80x128xf32, #tpu.memory_space<vmem>>, vector<1x1x16xf32>,
        %get3A_707 = vector.shape_cast %get3A_706 : vector<1x1x16xf32> to vector<16xf32>
        %mul3A_708 = arith.mulf %get3A_707, %get3A_24 : vector<16xf32>
        %add3A_709 = arith.addf %mul3A_708, %get3A_64 : vector<16xf32>
        %max3A_710 = arith.constant 0.000000e+00 : f32
        %max3A_711 = vector.broadcast %max3A_710 : f32 to vector<16xf32>
        %max3A_712 = arith.maximumf %add3A_709, %max3A_711 : vector<16xf32>
        %swap3A_713 = arith.constant 0 : i32
        %swap3A_714 = arith.index_cast %swap3A_713 : i32 to index
        %swap3A_715 = arith.index_cast %add3A_665 : i32 to index
        %swap3A_716 = arith.constant 32 : index
        %swap3A_717 = tpu.vector_load %arg9[%swap3A_714, %swap3A_715, %swap3A_716] {strides = array<i32>} : memref<2x80x128xf32, #tpu.memory_space<vmem>>, vector<1x1x16xf32>,
        %swap3A_718 = vector.shape_cast %swap3A_717 : vector<1x1x16xf32> to vector<16xf32>
        %swap3A_719 = vector.shape_cast %max3A_712 : vector<16xf32> to vector<1x1x16xf32>
        tpu.vector_store %arg9[%swap3A_714, %swap3A_715, %swap3A_716], %swap3A_719 {strides = array<i32>} : memref<2x80x128xf32, #tpu.memory_space<vmem>>, vector<1x1x16xf32>,
        %get3A_720 = arith.constant 0 : i32
        %get3A_721 = arith.index_cast %get3A_720 : i32 to index
        %get3A_722 = arith.index_cast %add3A_665 : i32 to index
        %get3A_723 = arith.constant 48 : index
        %get3A_724 = tpu.vector_load %arg8[%get3A_721, %get3A_722, %get3A_723] {strides = array<i32>} : memref<2x80x128xf32, #tpu.memory_space<vmem>>, vector<1x1x16xf32>,
        %get3A_725 = vector.shape_cast %get3A_724 : vector<1x1x16xf32> to vector<16xf32>
        %mul3A_726 = arith.mulf %get3A_725, %get3A_29 : vector<16xf32>
        %add3A_727 = arith.addf %mul3A_726, %get3A_69 : vector<16xf32>
        %max3A_728 = arith.constant 0.000000e+00 : f32
        %max3A_729 = vector.broadcast %max3A_728 : f32 to vector<16xf32>
        %max3A_730 = arith.maximumf %add3A_727, %max3A_729 : vector<16xf32>
        %swap3A_731 = arith.constant 0 : i32
        %swap3A_732 = arith.index_cast %swap3A_731 : i32 to index
        %swap3A_733 = arith.index_cast %add3A_665 : i32 to index
        %swap3A_734 = arith.constant 48 : index
        %swap3A_735 = tpu.vector_load %arg9[%swap3A_732, %swap3A_733, %swap3A_734] {strides = array<i32>} : memref<2x80x128xf32, #tpu.memory_space<vmem>>, vector<1x1x16xf32>,
        %swap3A_736 = vector.shape_cast %swap3A_735 : vector<1x1x16xf32> to vector<16xf32>
        %swap3A_737 = vector.shape_cast %max3A_730 : vector<16xf32> to vector<1x1x16xf32>
        tpu.vector_store %arg9[%swap3A_732, %swap3A_733, %swap3A_734], %swap3A_737 {strides = array<i32>} : memref<2x80x128xf32, #tpu.memory_space<vmem>>, vector<1x1x16xf32>,
        %get3A_738 = arith.constant 0 : i32
        %get3A_739 = arith.index_cast %get3A_738 : i32 to index
        %get3A_740 = arith.index_cast %add3A_665 : i32 to index
        %get3A_741 = arith.constant 64 : index
        %get3A_742 = tpu.vector_load %arg8[%get3A_739, %get3A_740, %get3A_741] {strides = array<i32>} : memref<2x80x128xf32, #tpu.memory_space<vmem>>, vector<1x1x16xf32>,
        %get3A_743 = vector.shape_cast %get3A_742 : vector<1x1x16xf32> to vector<16xf32>
        %mul3A_744 = arith.mulf %get3A_743, %get3A_34 : vector<16xf32>
        %add3A_745 = arith.addf %mul3A_744, %get3A_74 : vector<16xf32>
        %max3A_746 = arith.constant 0.000000e+00 : f32
        %max3A_747 = vector.broadcast %max3A_746 : f32 to vector<16xf32>
        %max3A_748 = arith.maximumf %add3A_745, %max3A_747 : vector<16xf32>
        %swap3A_749 = arith.constant 0 : i32
        %swap3A_750 = arith.index_cast %swap3A_749 : i32 to index
        %swap3A_751 = arith.index_cast %add3A_665 : i32 to index
        %swap3A_752 = arith.constant 64 : index
        %swap3A_753 = tpu.vector_load %arg9[%swap3A_750, %swap3A_751, %swap3A_752] {strides = array<i32>} : memref<2x80x128xf32, #tpu.memory_space<vmem>>, vector<1x1x16xf32>,
        %swap3A_754 = vector.shape_cast %swap3A_753 : vector<1x1x16xf32> to vector<16xf32>
        %swap3A_755 = vector.shape_cast %max3A_748 : vector<16xf32> to vector<1x1x16xf32>
        tpu.vector_store %arg9[%swap3A_750, %swap3A_751, %swap3A_752], %swap3A_755 {strides = array<i32>} : memref<2x80x128xf32, #tpu.memory_space<vmem>>, vector<1x1x16xf32>,
        %get3A_756 = arith.constant 0 : i32
        %get3A_757 = arith.index_cast %get3A_756 : i32 to index
        %get3A_758 = arith.index_cast %add3A_665 : i32 to index
        %get3A_759 = arith.constant 80 : index
        %get3A_760 = tpu.vector_load %arg8[%get3A_757, %get3A_758, %get3A_759] {strides = array<i32>} : memref<2x80x128xf32, #tpu.memory_space<vmem>>, vector<1x1x16xf32>,
        %get3A_761 = vector.shape_cast %get3A_760 : vector<1x1x16xf32> to vector<16xf32>
        %mul3A_762 = arith.mulf %get3A_761, %get3A_39 : vector<16xf32>
        %add3A_763 = arith.addf %mul3A_762, %get3A_79 : vector<16xf32>
        %max3A_764 = arith.constant 0.000000e+00 : f32
        %max3A_765 = vector.broadcast %max3A_764 : f32 to vector<16xf32>
        %max3A_766 = arith.maximumf %add3A_763, %max3A_765 : vector<16xf32>
        %swap3A_767 = arith.constant 0 : i32
        %swap3A_768 = arith.index_cast %swap3A_767 : i32 to index
        %swap3A_769 = arith.index_cast %add3A_665 : i32 to index
        %swap3A_770 = arith.constant 80 : index
        %swap3A_771 = tpu.vector_load %arg9[%swap3A_768, %swap3A_769, %swap3A_770] {strides = array<i32>} : memref<2x80x128xf32, #tpu.memory_space<vmem>>, vector<1x1x16xf32>,
        %swap3A_772 = vector.shape_cast %swap3A_771 : vector<1x1x16xf32> to vector<16xf32>
        %swap3A_773 = vector.shape_cast %max3A_766 : vector<16xf32> to vector<1x1x16xf32>
        tpu.vector_store %arg9[%swap3A_768, %swap3A_769, %swap3A_770], %swap3A_773 {strides = array<i32>} : memref<2x80x128xf32, #tpu.memory_space<vmem>>, vector<1x1x16xf32>,
        %get3A_774 = arith.constant 0 : i32
        %get3A_775 = arith.index_cast %get3A_774 : i32 to index
        %get3A_776 = arith.index_cast %add3A_665 : i32 to index
        %get3A_777 = arith.constant 96 : index
        %get3A_778 = tpu.vector_load %arg8[%get3A_775, %get3A_776, %get3A_777] {strides = array<i32>} : memref<2x80x128xf32, #tpu.memory_space<vmem>>, vector<1x1x16xf32>,
        %get3A_779 = vector.shape_cast %get3A_778 : vector<1x1x16xf32> to vector<16xf32>
        %mul3A_780 = arith.mulf %get3A_779, %get3A_44 : vector<16xf32>
        %add3A_781 = arith.addf %mul3A_780, %get3A_84 : vector<16xf32>
        %max3A_782 = arith.constant 0.000000e+00 : f32
        %max3A_783 = vector.broadcast %max3A_782 : f32 to vector<16xf32>
        %max3A_784 = arith.maximumf %add3A_781, %max3A_783 : vector<16xf32>
        %swap3A_785 = arith.constant 0 : i32
        %swap3A_786 = arith.index_cast %swap3A_785 : i32 to index
        %swap3A_787 = arith.index_cast %add3A_665 : i32 to index
        %swap3A_788 = arith.constant 96 : index
        %swap3A_789 = tpu.vector_load %arg9[%swap3A_786, %swap3A_787, %swap3A_788] {strides = array<i32>} : memref<2x80x128xf32, #tpu.memory_space<vmem>>, vector<1x1x16xf32>,
        %swap3A_790 = vector.shape_cast %swap3A_789 : vector<1x1x16xf32> to vector<16xf32>
        %swap3A_791 = vector.shape_cast %max3A_784 : vector<16xf32> to vector<1x1x16xf32>
        tpu.vector_store %arg9[%swap3A_786, %swap3A_787, %swap3A_788], %swap3A_791 {strides = array<i32>} : memref<2x80x128xf32, #tpu.memory_space<vmem>>, vector<1x1x16xf32>,
        %get3A_792 = arith.constant 0 : i32
        %get3A_793 = arith.index_cast %get3A_792 : i32 to index
        %get3A_794 = arith.index_cast %add3A_665 : i32 to index
        %get3A_795 = arith.constant 112 : index
        %get3A_796 = tpu.vector_load %arg8[%get3A_793, %get3A_794, %get3A_795] {strides = array<i32>} : memref<2x80x128xf32, #tpu.memory_space<vmem>>, vector<1x1x16xf32>,
        %get3A_797 = vector.shape_cast %get3A_796 : vector<1x1x16xf32> to vector<16xf32>
        %mul3A_798 = arith.mulf %get3A_797, %get3A_49 : vector<16xf32>
        %add3A_799 = arith.addf %mul3A_798, %get3A_89 : vector<16xf32>
        %max3A_800 = arith.constant 0.000000e+00 : f32
        %max3A_801 = vector.broadcast %max3A_800 : f32 to vector<16xf32>
        %max3A_802 = arith.maximumf %add3A_799, %max3A_801 : vector<16xf32>
        %swap3A_803 = arith.constant 0 : i32
        %swap3A_804 = arith.index_cast %swap3A_803 : i32 to index
        %swap3A_805 = arith.index_cast %add3A_665 : i32 to index
        %swap3A_806 = arith.constant 112 : index
        %swap3A_807 = tpu.vector_load %arg9[%swap3A_804, %swap3A_805, %swap3A_806] {strides = array<i32>} : memref<2x80x128xf32, #tpu.memory_space<vmem>>, vector<1x1x16xf32>,
        %swap3A_808 = vector.shape_cast %swap3A_807 : vector<1x1x16xf32> to vector<16xf32>
        %swap3A_809 = vector.shape_cast %max3A_802 : vector<16xf32> to vector<1x1x16xf32>
        tpu.vector_store %arg9[%swap3A_804, %swap3A_805, %swap3A_806], %swap3A_809 {strides = array<i32>} : memref<2x80x128xf32, #tpu.memory_space<vmem>>, vector<1x1x16xf32>,
        %mul3A_810 = arith.constant 4 : i32
        %mul3A_811 = arith.muli %mul3A_810, %scan3A_513 : i32
        %add3A_812 = arith.constant 2 : i32
        %add3A_813 = arith.addi %mul3A_811, %add3A_812 : i32
        %get3A_814 = arith.constant 0 : i32
        %get3A_815 = arith.index_cast %get3A_814 : i32 to index
        %get3A_816 = arith.index_cast %add3A_813 : i32 to index
        %get3A_817 = arith.constant 0 : index
        %get3A_818 = tpu.vector_load %arg8[%get3A_815, %get3A_816, %get3A_817] {strides = array<i32>} : memref<2x80x128xf32, #tpu.memory_space<vmem>>, vector<1x1x16xf32>,
        %get3A_819 = vector.shape_cast %get3A_818 : vector<1x1x16xf32> to vector<16xf32>
        %mul3A_820 = arith.mulf %get3A_819, %get3A_14 : vector<16xf32>
        %add3A_821 = arith.addf %mul3A_820, %get3A_54 : vector<16xf32>
        %max3A_822 = arith.constant 0.000000e+00 : f32
        %max3A_823 = vector.broadcast %max3A_822 : f32 to vector<16xf32>
        %max3A_824 = arith.maximumf %add3A_821, %max3A_823 : vector<16xf32>
        %swap3A_825 = arith.constant 0 : i32
        %swap3A_826 = arith.index_cast %swap3A_825 : i32 to index
        %swap3A_827 = arith.index_cast %add3A_813 : i32 to index
        %swap3A_828 = arith.constant 0 : index
        %swap3A_829 = tpu.vector_load %arg9[%swap3A_826, %swap3A_827, %swap3A_828] {strides = array<i32>} : memref<2x80x128xf32, #tpu.memory_space<vmem>>, vector<1x1x16xf32>,
        %swap3A_830 = vector.shape_cast %swap3A_829 : vector<1x1x16xf32> to vector<16xf32>
        %swap3A_831 = vector.shape_cast %max3A_824 : vector<16xf32> to vector<1x1x16xf32>
        tpu.vector_store %arg9[%swap3A_826, %swap3A_827, %swap3A_828], %swap3A_831 {strides = array<i32>} : memref<2x80x128xf32, #tpu.memory_space<vmem>>, vector<1x1x16xf32>,
        %get3A_832 = arith.constant 0 : i32
        %get3A_833 = arith.index_cast %get3A_832 : i32 to index
        %get3A_834 = arith.index_cast %add3A_813 : i32 to index
        %get3A_835 = arith.constant 16 : index
        %get3A_836 = tpu.vector_load %arg8[%get3A_833, %get3A_834, %get3A_835] {strides = array<i32>} : memref<2x80x128xf32, #tpu.memory_space<vmem>>, vector<1x1x16xf32>,
        %get3A_837 = vector.shape_cast %get3A_836 : vector<1x1x16xf32> to vector<16xf32>
        %mul3A_838 = arith.mulf %get3A_837, %get3A_19 : vector<16xf32>
        %add3A_839 = arith.addf %mul3A_838, %get3A_59 : vector<16xf32>
        %max3A_840 = arith.constant 0.000000e+00 : f32
        %max3A_841 = vector.broadcast %max3A_840 : f32 to vector<16xf32>
        %max3A_842 = arith.maximumf %add3A_839, %max3A_841 : vector<16xf32>
        %swap3A_843 = arith.constant 0 : i32
        %swap3A_844 = arith.index_cast %swap3A_843 : i32 to index
        %swap3A_845 = arith.index_cast %add3A_813 : i32 to index
        %swap3A_846 = arith.constant 16 : index
        %swap3A_847 = tpu.vector_load %arg9[%swap3A_844, %swap3A_845, %swap3A_846] {strides = array<i32>} : memref<2x80x128xf32, #tpu.memory_space<vmem>>, vector<1x1x16xf32>,
        %swap3A_848 = vector.shape_cast %swap3A_847 : vector<1x1x16xf32> to vector<16xf32>
        %swap3A_849 = vector.shape_cast %max3A_842 : vector<16xf32> to vector<1x1x16xf32>
        tpu.vector_store %arg9[%swap3A_844, %swap3A_845, %swap3A_846], %swap3A_849 {strides = array<i32>} : memref<2x80x128xf32, #tpu.memory_space<vmem>>, vector<1x1x16xf32>,
        %get3A_850 = arith.constant 0 : i32
        %get3A_851 = arith.index_cast %get3A_850 : i32 to index
        %get3A_852 = arith.index_cast %add3A_813 : i32 to index
        %get3A_853 = arith.constant 32 : index
        %get3A_854 = tpu.vector_load %arg8[%get3A_851, %get3A_852, %get3A_853] {strides = array<i32>} : memref<2x80x128xf32, #tpu.memory_space<vmem>>, vector<1x1x16xf32>,
        %get3A_855 = vector.shape_cast %get3A_854 : vector<1x1x16xf32> to vector<16xf32>
        %mul3A_856 = arith.mulf %get3A_855, %get3A_24 : vector<16xf32>
        %add3A_857 = arith.addf %mul3A_856, %get3A_64 : vector<16xf32>
        %max3A_858 = arith.constant 0.000000e+00 : f32
        %max3A_859 = vector.broadcast %max3A_858 : f32 to vector<16xf32>
        %max3A_860 = arith.maximumf %add3A_857, %max3A_859 : vector<16xf32>
        %swap3A_861 = arith.constant 0 : i32
        %swap3A_862 = arith.index_cast %swap3A_861 : i32 to index
        %swap3A_863 = arith.index_cast %add3A_813 : i32 to index
        %swap3A_864 = arith.constant 32 : index
        %swap3A_865 = tpu.vector_load %arg9[%swap3A_862, %swap3A_863, %swap3A_864] {strides = array<i32>} : memref<2x80x128xf32, #tpu.memory_space<vmem>>, vector<1x1x16xf32>,
        %swap3A_866 = vector.shape_cast %swap3A_865 : vector<1x1x16xf32> to vector<16xf32>
        %swap3A_867 = vector.shape_cast %max3A_860 : vector<16xf32> to vector<1x1x16xf32>
        tpu.vector_store %arg9[%swap3A_862, %swap3A_863, %swap3A_864], %swap3A_867 {strides = array<i32>} : memref<2x80x128xf32, #tpu.memory_space<vmem>>, vector<1x1x16xf32>,
        %get3A_868 = arith.constant 0 : i32
        %get3A_869 = arith.index_cast %get3A_868 : i32 to index
        %get3A_870 = arith.index_cast %add3A_813 : i32 to index
        %get3A_871 = arith.constant 48 : index
        %get3A_872 = tpu.vector_load %arg8[%get3A_869, %get3A_870, %get3A_871] {strides = array<i32>} : memref<2x80x128xf32, #tpu.memory_space<vmem>>, vector<1x1x16xf32>,
        %get3A_873 = vector.shape_cast %get3A_872 : vector<1x1x16xf32> to vector<16xf32>
        %mul3A_874 = arith.mulf %get3A_873, %get3A_29 : vector<16xf32>
        %add3A_875 = arith.addf %mul3A_874, %get3A_69 : vector<16xf32>
        %max3A_876 = arith.constant 0.000000e+00 : f32
        %max3A_877 = vector.broadcast %max3A_876 : f32 to vector<16xf32>
        %max3A_878 = arith.maximumf %add3A_875, %max3A_877 : vector<16xf32>
        %swap3A_879 = arith.constant 0 : i32
        %swap3A_880 = arith.index_cast %swap3A_879 : i32 to index
        %swap3A_881 = arith.index_cast %add3A_813 : i32 to index
        %swap3A_882 = arith.constant 48 : index
        %swap3A_883 = tpu.vector_load %arg9[%swap3A_880, %swap3A_881, %swap3A_882] {strides = array<i32>} : memref<2x80x128xf32, #tpu.memory_space<vmem>>, vector<1x1x16xf32>,
        %swap3A_884 = vector.shape_cast %swap3A_883 : vector<1x1x16xf32> to vector<16xf32>
        %swap3A_885 = vector.shape_cast %max3A_878 : vector<16xf32> to vector<1x1x16xf32>
        tpu.vector_store %arg9[%swap3A_880, %swap3A_881, %swap3A_882], %swap3A_885 {strides = array<i32>} : memref<2x80x128xf32, #tpu.memory_space<vmem>>, vector<1x1x16xf32>,
        %get3A_886 = arith.constant 0 : i32
        %get3A_887 = arith.index_cast %get3A_886 : i32 to index
        %get3A_888 = arith.index_cast %add3A_813 : i32 to index
        %get3A_889 = arith.constant 64 : index
        %get3A_890 = tpu.vector_load %arg8[%get3A_887, %get3A_888, %get3A_889] {strides = array<i32>} : memref<2x80x128xf32, #tpu.memory_space<vmem>>, vector<1x1x16xf32>,
        %get3A_891 = vector.shape_cast %get3A_890 : vector<1x1x16xf32> to vector<16xf32>
        %mul3A_892 = arith.mulf %get3A_891, %get3A_34 : vector<16xf32>
        %add3A_893 = arith.addf %mul3A_892, %get3A_74 : vector<16xf32>
        %max3A_894 = arith.constant 0.000000e+00 : f32
        %max3A_895 = vector.broadcast %max3A_894 : f32 to vector<16xf32>
        %max3A_896 = arith.maximumf %add3A_893, %max3A_895 : vector<16xf32>
        %swap3A_897 = arith.constant 0 : i32
        %swap3A_898 = arith.index_cast %swap3A_897 : i32 to index
        %swap3A_899 = arith.index_cast %add3A_813 : i32 to index
        %swap3A_900 = arith.constant 64 : index
        %swap3A_901 = tpu.vector_load %arg9[%swap3A_898, %swap3A_899, %swap3A_900] {strides = array<i32>} : memref<2x80x128xf32, #tpu.memory_space<vmem>>, vector<1x1x16xf32>,
        %swap3A_902 = vector.shape_cast %swap3A_901 : vector<1x1x16xf32> to vector<16xf32>
        %swap3A_903 = vector.shape_cast %max3A_896 : vector<16xf32> to vector<1x1x16xf32>
        tpu.vector_store %arg9[%swap3A_898, %swap3A_899, %swap3A_900], %swap3A_903 {strides = array<i32>} : memref<2x80x128xf32, #tpu.memory_space<vmem>>, vector<1x1x16xf32>,
        %get3A_904 = arith.constant 0 : i32
        %get3A_905 = arith.index_cast %get3A_904 : i32 to index
        %get3A_906 = arith.index_cast %add3A_813 : i32 to index
        %get3A_907 = arith.constant 80 : index
        %get3A_908 = tpu.vector_load %arg8[%get3A_905, %get3A_906, %get3A_907] {strides = array<i32>} : memref<2x80x128xf32, #tpu.memory_space<vmem>>, vector<1x1x16xf32>,
        %get3A_909 = vector.shape_cast %get3A_908 : vector<1x1x16xf32> to vector<16xf32>
        %mul3A_910 = arith.mulf %get3A_909, %get3A_39 : vector<16xf32>
        %add3A_911 = arith.addf %mul3A_910, %get3A_79 : vector<16xf32>
        %max3A_912 = arith.constant 0.000000e+00 : f32
        %max3A_913 = vector.broadcast %max3A_912 : f32 to vector<16xf32>
        %max3A_914 = arith.maximumf %add3A_911, %max3A_913 : vector<16xf32>
        %swap3A_915 = arith.constant 0 : i32
        %swap3A_916 = arith.index_cast %swap3A_915 : i32 to index
        %swap3A_917 = arith.index_cast %add3A_813 : i32 to index
        %swap3A_918 = arith.constant 80 : index
        %swap3A_919 = tpu.vector_load %arg9[%swap3A_916, %swap3A_917, %swap3A_918] {strides = array<i32>} : memref<2x80x128xf32, #tpu.memory_space<vmem>>, vector<1x1x16xf32>,
        %swap3A_920 = vector.shape_cast %swap3A_919 : vector<1x1x16xf32> to vector<16xf32>
        %swap3A_921 = vector.shape_cast %max3A_914 : vector<16xf32> to vector<1x1x16xf32>
        tpu.vector_store %arg9[%swap3A_916, %swap3A_917, %swap3A_918], %swap3A_921 {strides = array<i32>} : memref<2x80x128xf32, #tpu.memory_space<vmem>>, vector<1x1x16xf32>,
        %get3A_922 = arith.constant 0 : i32
        %get3A_923 = arith.index_cast %get3A_922 : i32 to index
        %get3A_924 = arith.index_cast %add3A_813 : i32 to index
        %get3A_925 = arith.constant 96 : index
        %get3A_926 = tpu.vector_load %arg8[%get3A_923, %get3A_924, %get3A_925] {strides = array<i32>} : memref<2x80x128xf32, #tpu.memory_space<vmem>>, vector<1x1x16xf32>,
        %get3A_927 = vector.shape_cast %get3A_926 : vector<1x1x16xf32> to vector<16xf32>
        %mul3A_928 = arith.mulf %get3A_927, %get3A_44 : vector<16xf32>
        %add3A_929 = arith.addf %mul3A_928, %get3A_84 : vector<16xf32>
        %max3A_930 = arith.constant 0.000000e+00 : f32
        %max3A_931 = vector.broadcast %max3A_930 : f32 to vector<16xf32>
        %max3A_932 = arith.maximumf %add3A_929, %max3A_931 : vector<16xf32>
        %swap3A_933 = arith.constant 0 : i32
        %swap3A_934 = arith.index_cast %swap3A_933 : i32 to index
        %swap3A_935 = arith.index_cast %add3A_813 : i32 to index
        %swap3A_936 = arith.constant 96 : index
        %swap3A_937 = tpu.vector_load %arg9[%swap3A_934, %swap3A_935, %swap3A_936] {strides = array<i32>} : memref<2x80x128xf32, #tpu.memory_space<vmem>>, vector<1x1x16xf32>,
        %swap3A_938 = vector.shape_cast %swap3A_937 : vector<1x1x16xf32> to vector<16xf32>
        %swap3A_939 = vector.shape_cast %max3A_932 : vector<16xf32> to vector<1x1x16xf32>
        tpu.vector_store %arg9[%swap3A_934, %swap3A_935, %swap3A_936], %swap3A_939 {strides = array<i32>} : memref<2x80x128xf32, #tpu.memory_space<vmem>>, vector<1x1x16xf32>,
        %get3A_940 = arith.constant 0 : i32
        %get3A_941 = arith.index_cast %get3A_940 : i32 to index
        %get3A_942 = arith.index_cast %add3A_813 : i32 to index
        %get3A_943 = arith.constant 112 : index
        %get3A_944 = tpu.vector_load %arg8[%get3A_941, %get3A_942, %get3A_943] {strides = array<i32>} : memref<2x80x128xf32, #tpu.memory_space<vmem>>, vector<1x1x16xf32>,
        %get3A_945 = vector.shape_cast %get3A_944 : vector<1x1x16xf32> to vector<16xf32>
        %mul3A_946 = arith.mulf %get3A_945, %get3A_49 : vector<16xf32>
        %add3A_947 = arith.addf %mul3A_946, %get3A_89 : vector<16xf32>
        %max3A_948 = arith.constant 0.000000e+00 : f32
        %max3A_949 = vector.broadcast %max3A_948 : f32 to vector<16xf32>
        %max3A_950 = arith.maximumf %add3A_947, %max3A_949 : vector<16xf32>
        %swap3A_951 = arith.constant 0 : i32
        %swap3A_952 = arith.index_cast %swap3A_951 : i32 to index
        %swap3A_953 = arith.index_cast %add3A_813 : i32 to index
        %swap3A_954 = arith.constant 112 : index
        %swap3A_955 = tpu.vector_load %arg9[%swap3A_952, %swap3A_953, %swap3A_954] {strides = array<i32>} : memref<2x80x128xf32, #tpu.memory_space<vmem>>, vector<1x1x16xf32>,
        %swap3A_956 = vector.shape_cast %swap3A_955 : vector<1x1x16xf32> to vector<16xf32>
        %swap3A_957 = vector.shape_cast %max3A_950 : vector<16xf32> to vector<1x1x16xf32>
        tpu.vector_store %arg9[%swap3A_952, %swap3A_953, %swap3A_954], %swap3A_957 {strides = array<i32>} : memref<2x80x128xf32, #tpu.memory_space<vmem>>, vector<1x1x16xf32>,
        %mul3A_958 = arith.constant 4 : i32
        %mul3A_959 = arith.muli %mul3A_958, %scan3A_513 : i32
        %add3A_960 = arith.constant 3 : i32
        %add3A_961 = arith.addi %mul3A_959, %add3A_960 : i32
        %get3A_962 = arith.constant 0 : i32
        %get3A_963 = arith.index_cast %get3A_962 : i32 to index
        %get3A_964 = arith.index_cast %add3A_961 : i32 to index
        %get3A_965 = arith.constant 0 : index
        %get3A_966 = tpu.vector_load %arg8[%get3A_963, %get3A_964, %get3A_965] {strides = array<i32>} : memref<2x80x128xf32, #tpu.memory_space<vmem>>, vector<1x1x16xf32>,
        %get3A_967 = vector.shape_cast %get3A_966 : vector<1x1x16xf32> to vector<16xf32>
        %mul3A_968 = arith.mulf %get3A_967, %get3A_14 : vector<16xf32>
        %add3A_969 = arith.addf %mul3A_968, %get3A_54 : vector<16xf32>
        %max3A_970 = arith.constant 0.000000e+00 : f32
        %max3A_971 = vector.broadcast %max3A_970 : f32 to vector<16xf32>
        %max3A_972 = arith.maximumf %add3A_969, %max3A_971 : vector<16xf32>
        %swap3A_973 = arith.constant 0 : i32
        %swap3A_974 = arith.index_cast %swap3A_973 : i32 to index
        %swap3A_975 = arith.index_cast %add3A_961 : i32 to index
        %swap3A_976 = arith.constant 0 : index
        %swap3A_977 = tpu.vector_load %arg9[%swap3A_974, %swap3A_975, %swap3A_976] {strides = array<i32>} : memref<2x80x128xf32, #tpu.memory_space<vmem>>, vector<1x1x16xf32>,
        %swap3A_978 = vector.shape_cast %swap3A_977 : vector<1x1x16xf32> to vector<16xf32>
        %swap3A_979 = vector.shape_cast %max3A_972 : vector<16xf32> to vector<1x1x16xf32>
        tpu.vector_store %arg9[%swap3A_974, %swap3A_975, %swap3A_976], %swap3A_979 {strides = array<i32>} : memref<2x80x128xf32, #tpu.memory_space<vmem>>, vector<1x1x16xf32>,
        %get3A_980 = arith.constant 0 : i32
        %get3A_981 = arith.index_cast %get3A_980 : i32 to index
        %get3A_982 = arith.index_cast %add3A_961 : i32 to index
        %get3A_983 = arith.constant 16 : index
        %get3A_984 = tpu.vector_load %arg8[%get3A_981, %get3A_982, %get3A_983] {strides = array<i32>} : memref<2x80x128xf32, #tpu.memory_space<vmem>>, vector<1x1x16xf32>,
        %get3A_985 = vector.shape_cast %get3A_984 : vector<1x1x16xf32> to vector<16xf32>
        %mul3A_986 = arith.mulf %get3A_985, %get3A_19 : vector<16xf32>
        %add3A_987 = arith.addf %mul3A_986, %get3A_59 : vector<16xf32>
        %max3A_988 = arith.constant 0.000000e+00 : f32
        %max3A_989 = vector.broadcast %max3A_988 : f32 to vector<16xf32>
        %max3A_990 = arith.maximumf %add3A_987, %max3A_989 : vector<16xf32>
        %swap3A_991 = arith.constant 0 : i32
        %swap3A_992 = arith.index_cast %swap3A_991 : i32 to index
        %swap3A_993 = arith.index_cast %add3A_961 : i32 to index
        %swap3A_994 = arith.constant 16 : index
        %swap3A_995 = tpu.vector_load %arg9[%swap3A_992, %swap3A_993, %swap3A_994] {strides = array<i32>} : memref<2x80x128xf32, #tpu.memory_space<vmem>>, vector<1x1x16xf32>,
        %swap3A_996 = vector.shape_cast %swap3A_995 : vector<1x1x16xf32> to vector<16xf32>
        %swap3A_997 = vector.shape_cast %max3A_990 : vector<16xf32> to vector<1x1x16xf32>
        tpu.vector_store %arg9[%swap3A_992, %swap3A_993, %swap3A_994], %swap3A_997 {strides = array<i32>} : memref<2x80x128xf32, #tpu.memory_space<vmem>>, vector<1x1x16xf32>,
        %get3A_998 = arith.constant 0 : i32
        %get3A_999 = arith.index_cast %get3A_998 : i32 to index
        %get3A_1000 = arith.index_cast %add3A_961 : i32 to index
        %get3A_1001 = arith.constant 32 : index
        %get3A_1002 = tpu.vector_load %arg8[%get3A_999, %get3A_1000, %get3A_1001] {strides = array<i32>} : memref<2x80x128xf32, #tpu.memory_space<vmem>>, vector<1x1x16xf32>,
        %get3A_1003 = vector.shape_cast %get3A_1002 : vector<1x1x16xf32> to vector<16xf32>
        %mul3A_1004 = arith.mulf %get3A_1003, %get3A_24 : vector<16xf32>
        %add3A_1005 = arith.addf %mul3A_1004, %get3A_64 : vector<16xf32>
        %max3A_1006 = arith.constant 0.000000e+00 : f32
        %max3A_1007 = vector.broadcast %max3A_1006 : f32 to vector<16xf32>
        %max3A_1008 = arith.maximumf %add3A_1005, %max3A_1007 : vector<16xf32>
        %swap3A_1009 = arith.constant 0 : i32
        %swap3A_1010 = arith.index_cast %swap3A_1009 : i32 to index
        %swap3A_1011 = arith.index_cast %add3A_961 : i32 to index
        %swap3A_1012 = arith.constant 32 : index
        %swap3A_1013 = tpu.vector_load %arg9[%swap3A_1010, %swap3A_1011, %swap3A_1012] {strides = array<i32>} : memref<2x80x128xf32, #tpu.memory_space<vmem>>, vector<1x1x16xf32>,
        %swap3A_1014 = vector.shape_cast %swap3A_1013 : vector<1x1x16xf32> to vector<16xf32>
        %swap3A_1015 = vector.shape_cast %max3A_1008 : vector<16xf32> to vector<1x1x16xf32>
        tpu.vector_store %arg9[%swap3A_1010, %swap3A_1011, %swap3A_1012], %swap3A_1015 {strides = array<i32>} : memref<2x80x128xf32, #tpu.memory_space<vmem>>, vector<1x1x16xf32>,
        %get3A_1016 = arith.constant 0 : i32
        %get3A_1017 = arith.index_cast %get3A_1016 : i32 to index
        %get3A_1018 = arith.index_cast %add3A_961 : i32 to index
        %get3A_1019 = arith.constant 48 : index
        %get3A_1020 = tpu.vector_load %arg8[%get3A_1017, %get3A_1018, %get3A_1019] {strides = array<i32>} : memref<2x80x128xf32, #tpu.memory_space<vmem>>, vector<1x1x16xf32>,
        %get3A_1021 = vector.shape_cast %get3A_1020 : vector<1x1x16xf32> to vector<16xf32>
        %mul3A_1022 = arith.mulf %get3A_1021, %get3A_29 : vector<16xf32>
        %add3A_1023 = arith.addf %mul3A_1022, %get3A_69 : vector<16xf32>
        %max3A_1024 = arith.constant 0.000000e+00 : f32
        %max3A_1025 = vector.broadcast %max3A_1024 : f32 to vector<16xf32>
        %max3A_1026 = arith.maximumf %add3A_1023, %max3A_1025 : vector<16xf32>
        %swap3A_1027 = arith.constant 0 : i32
        %swap3A_1028 = arith.index_cast %swap3A_1027 : i32 to index
        %swap3A_1029 = arith.index_cast %add3A_961 : i32 to index
        %swap3A_1030 = arith.constant 48 : index
        %swap3A_1031 = tpu.vector_load %arg9[%swap3A_1028, %swap3A_1029, %swap3A_1030] {strides = array<i32>} : memref<2x80x128xf32, #tpu.memory_space<vmem>>, vector<1x1x16xf32>,
        %swap3A_1032 = vector.shape_cast %swap3A_1031 : vector<1x1x16xf32> to vector<16xf32>
        %swap3A_1033 = vector.shape_cast %max3A_1026 : vector<16xf32> to vector<1x1x16xf32>
        tpu.vector_store %arg9[%swap3A_1028, %swap3A_1029, %swap3A_1030], %swap3A_1033 {strides = array<i32>} : memref<2x80x128xf32, #tpu.memory_space<vmem>>, vector<1x1x16xf32>,
        %get3A_1034 = arith.constant 0 : i32
        %get3A_1035 = arith.index_cast %get3A_1034 : i32 to index
        %get3A_1036 = arith.index_cast %add3A_961 : i32 to index
        %get3A_1037 = arith.constant 64 : index
        %get3A_1038 = tpu.vector_load %arg8[%get3A_1035, %get3A_1036, %get3A_1037] {strides = array<i32>} : memref<2x80x128xf32, #tpu.memory_space<vmem>>, vector<1x1x16xf32>,
        %get3A_1039 = vector.shape_cast %get3A_1038 : vector<1x1x16xf32> to vector<16xf32>
        %mul3A_1040 = arith.mulf %get3A_1039, %get3A_34 : vector<16xf32>
        %add3A_1041 = arith.addf %mul3A_1040, %get3A_74 : vector<16xf32>
        %max3A_1042 = arith.constant 0.000000e+00 : f32
        %max3A_1043 = vector.broadcast %max3A_1042 : f32 to vector<16xf32>
        %max3A_1044 = arith.maximumf %add3A_1041, %max3A_1043 : vector<16xf32>
        %swap3A_1045 = arith.constant 0 : i32
        %swap3A_1046 = arith.index_cast %swap3A_1045 : i32 to index
        %swap3A_1047 = arith.index_cast %add3A_961 : i32 to index
        %swap3A_1048 = arith.constant 64 : index
        %swap3A_1049 = tpu.vector_load %arg9[%swap3A_1046, %swap3A_1047, %swap3A_1048] {strides = array<i32>} : memref<2x80x128xf32, #tpu.memory_space<vmem>>, vector<1x1x16xf32>,
        %swap3A_1050 = vector.shape_cast %swap3A_1049 : vector<1x1x16xf32> to vector<16xf32>
        %swap3A_1051 = vector.shape_cast %max3A_1044 : vector<16xf32> to vector<1x1x16xf32>
        tpu.vector_store %arg9[%swap3A_1046, %swap3A_1047, %swap3A_1048], %swap3A_1051 {strides = array<i32>} : memref<2x80x128xf32, #tpu.memory_space<vmem>>, vector<1x1x16xf32>,
        %get3A_1052 = arith.constant 0 : i32
        %get3A_1053 = arith.index_cast %get3A_1052 : i32 to index
        %get3A_1054 = arith.index_cast %add3A_961 : i32 to index
        %get3A_1055 = arith.constant 80 : index
        %get3A_1056 = tpu.vector_load %arg8[%get3A_1053, %get3A_1054, %get3A_1055] {strides = array<i32>} : memref<2x80x128xf32, #tpu.memory_space<vmem>>, vector<1x1x16xf32>,
        %get3A_1057 = vector.shape_cast %get3A_1056 : vector<1x1x16xf32> to vector<16xf32>
        %mul3A_1058 = arith.mulf %get3A_1057, %get3A_39 : vector<16xf32>
        %add3A_1059 = arith.addf %mul3A_1058, %get3A_79 : vector<16xf32>
        %max3A_1060 = arith.constant 0.000000e+00 : f32
        %max3A_1061 = vector.broadcast %max3A_1060 : f32 to vector<16xf32>
        %max3A_1062 = arith.maximumf %add3A_1059, %max3A_1061 : vector<16xf32>
        %swap3A_1063 = arith.constant 0 : i32
        %swap3A_1064 = arith.index_cast %swap3A_1063 : i32 to index
        %swap3A_1065 = arith.index_cast %add3A_961 : i32 to index
        %swap3A_1066 = arith.constant 80 : index
        %swap3A_1067 = tpu.vector_load %arg9[%swap3A_1064, %swap3A_1065, %swap3A_1066] {strides = array<i32>} : memref<2x80x128xf32, #tpu.memory_space<vmem>>, vector<1x1x16xf32>,
        %swap3A_1068 = vector.shape_cast %swap3A_1067 : vector<1x1x16xf32> to vector<16xf32>
        %swap3A_1069 = vector.shape_cast %max3A_1062 : vector<16xf32> to vector<1x1x16xf32>
        tpu.vector_store %arg9[%swap3A_1064, %swap3A_1065, %swap3A_1066], %swap3A_1069 {strides = array<i32>} : memref<2x80x128xf32, #tpu.memory_space<vmem>>, vector<1x1x16xf32>,
        %get3A_1070 = arith.constant 0 : i32
        %get3A_1071 = arith.index_cast %get3A_1070 : i32 to index
        %get3A_1072 = arith.index_cast %add3A_961 : i32 to index
        %get3A_1073 = arith.constant 96 : index
        %get3A_1074 = tpu.vector_load %arg8[%get3A_1071, %get3A_1072, %get3A_1073] {strides = array<i32>} : memref<2x80x128xf32, #tpu.memory_space<vmem>>, vector<1x1x16xf32>,
        %get3A_1075 = vector.shape_cast %get3A_1074 : vector<1x1x16xf32> to vector<16xf32>
        %mul3A_1076 = arith.mulf %get3A_1075, %get3A_44 : vector<16xf32>
        %add3A_1077 = arith.addf %mul3A_1076, %get3A_84 : vector<16xf32>
        %max3A_1078 = arith.constant 0.000000e+00 : f32
        %max3A_1079 = vector.broadcast %max3A_1078 : f32 to vector<16xf32>
        %max3A_1080 = arith.maximumf %add3A_1077, %max3A_1079 : vector<16xf32>
        %swap3A_1081 = arith.constant 0 : i32
        %swap3A_1082 = arith.index_cast %swap3A_1081 : i32 to index
        %swap3A_1083 = arith.index_cast %add3A_961 : i32 to index
        %swap3A_1084 = arith.constant 96 : index
        %swap3A_1085 = tpu.vector_load %arg9[%swap3A_1082, %swap3A_1083, %swap3A_1084] {strides = array<i32>} : memref<2x80x128xf32, #tpu.memory_space<vmem>>, vector<1x1x16xf32>,
        %swap3A_1086 = vector.shape_cast %swap3A_1085 : vector<1x1x16xf32> to vector<16xf32>
        %swap3A_1087 = vector.shape_cast %max3A_1080 : vector<16xf32> to vector<1x1x16xf32>
        tpu.vector_store %arg9[%swap3A_1082, %swap3A_1083, %swap3A_1084], %swap3A_1087 {strides = array<i32>} : memref<2x80x128xf32, #tpu.memory_space<vmem>>, vector<1x1x16xf32>,
        %get3A_1088 = arith.constant 0 : i32
        %get3A_1089 = arith.index_cast %get3A_1088 : i32 to index
        %get3A_1090 = arith.index_cast %add3A_961 : i32 to index
        %get3A_1091 = arith.constant 112 : index
        %get3A_1092 = tpu.vector_load %arg8[%get3A_1089, %get3A_1090, %get3A_1091] {strides = array<i32>} : memref<2x80x128xf32, #tpu.memory_space<vmem>>, vector<1x1x16xf32>,
        %get3A_1093 = vector.shape_cast %get3A_1092 : vector<1x1x16xf32> to vector<16xf32>
        %mul3A_1094 = arith.mulf %get3A_1093, %get3A_49 : vector<16xf32>
        %add3A_1095 = arith.addf %mul3A_1094, %get3A_89 : vector<16xf32>
        %max3A_1096 = arith.constant 0.000000e+00 : f32
        %max3A_1097 = vector.broadcast %max3A_1096 : f32 to vector<16xf32>
        %max3A_1098 = arith.maximumf %add3A_1095, %max3A_1097 : vector<16xf32>
        %swap3A_1099 = arith.constant 0 : i32
        %swap3A_1100 = arith.index_cast %swap3A_1099 : i32 to index
        %swap3A_1101 = arith.index_cast %add3A_961 : i32 to index
        %swap3A_1102 = arith.constant 112 : index
        %swap3A_1103 = tpu.vector_load %arg9[%swap3A_1100, %swap3A_1101, %swap3A_1102] {strides = array<i32>} : memref<2x80x128xf32, #tpu.memory_space<vmem>>, vector<1x1x16xf32>,
        %swap3A_1104 = vector.shape_cast %swap3A_1103 : vector<1x1x16xf32> to vector<16xf32>
        %swap3A_1105 = vector.shape_cast %max3A_1098 : vector<16xf32> to vector<1x1x16xf32>
        tpu.vector_store %arg9[%swap3A_1100, %swap3A_1101, %swap3A_1102], %swap3A_1105 {strides = array<i32>} : memref<2x80x128xf32, #tpu.memory_space<vmem>>, vector<1x1x16xf32>,
        %scan3A_1106 = arith.constant 0 : i32
        scf.yield %scan3A_1106 : i32
      }
      %scan3A_324 = arith.constant 20 : i32
      %dma_start3A_325 = arith.constant 0 : i32
      %dma_start3A_326 = arith.constant 0 : i32
      %dma_start3A_327 = arith.constant 0 : i32
      %dma_start3A_328 = arith.constant 0 : i32
      %dma_start3A_329 = tpu.memref_slice %arg9[%dma_start3A_325, %dma_start3A_327, %dma_start3A_328] : memref<2x80x128xf32, #tpu.memory_space<vmem>> -> memref<1x80x128xf32, #tpu.memory_space<vmem>>
      %dma_start3A_330 = tpu.memref_squeeze %dma_start3A_329 : memref<1x80x128xf32, #tpu.memory_space<vmem>> -> memref<80x128xf32, #tpu.memory_space<vmem>>
      %dma_start3A_331 = arith.constant 0 : i32
      %dma_start3A_332 = tpu.memref_slice %arg7[%dma_start3A_326, %dma_start3A_331] : memref<2x80xi32, #tpu.memory_space<vmem>> -> memref<1x80xi32, #tpu.memory_space<vmem>>
      %dma_start3A_333 = tpu.memref_squeeze %dma_start3A_332 : memref<1x80xi32, #tpu.memory_space<vmem>> -> memref<80xi32, #tpu.memory_space<vmem>>
      %dma_start3A_334 = arith.constant 0 : i32
      %dma_start3A_335 = arith.constant 0 : i32
      %dma_start3A_336 = tpu.memref_slice %arg12[%dma_start3A_334, %dma_start3A_335] : memref<5128x128xf32, #tpu.memory_space<vmem_shared>> -> memref<5128x128xf32, #tpu.memory_space<vmem_shared>>
      tpu.enqueue_indirect_dma source(%dma_start3A_330 : memref<80x128xf32, #tpu.memory_space<vmem>>) target(%dma_start3A_336 : memref<5128x128xf32, #tpu.memory_space<vmem_shared>>) offsets(%dma_start3A_333 : memref<80xi32, #tpu.memory_space<vmem>>) semaphore(%arg17 : memref<!tpu.dma_semaphore, #tpu.memory_space<semaphore_mem>>) {add = true}
      %lt3A_337 = arith.constant 124 : i32
      %lt3A_338 = arith.cmpi slt, %scan3A_177, %lt3A_337 : i32
      %convert_element_type3A_339 = arith.extui %lt3A_338 : i1 to i32
      %cond3A_340 = arith.constant 0 : i32
      %cond3A_341 = arith.cmpi ne, %convert_element_type3A_339, %cond3A_340 : i32
      scf.if %cond3A_341 {
        %add3A_513 = arith.constant 2 : i32
        %add3A_514 = arith.addi %mul3A_180, %add3A_513 : i32
        %mul3A_515 = arith.constant 80 : i32
        %mul3A_516 = arith.muli %add3A_514, %mul3A_515 : i32
        %add3A_517 = arith.addi %mul3A_0, %mul3A_516 : i32
        %dma_start3A_518 = arith.constant 0 : i32
        %dma_start3A_519 = arith.constant 0 : i32
        %dma_start3A_520 = tpu.memref_slice %arg6[%dma_start3A_518, %dma_start3A_519] : memref<2x80xi32, #tpu.memory_space<vmem>> -> memref<1x80xi32, #tpu.memory_space<vmem>>
        %dma_start3A_521 = tpu.memref_squeeze %dma_start3A_520 : memref<1x80xi32, #tpu.memory_space<vmem>> -> memref<80xi32, #tpu.memory_space<vmem>>
        %dma_start3A_522 = tpu.memref_slice %arg3[%add3A_517] : memref<320000xi32, #tpu.memory_space<hbm>> -> memref<80xi32, #tpu.memory_space<hbm>>
        %dma_start3A_523 = arith.constant 0 : i32
        %dma_start3A_524 = tpu.memref_slice %arg6[%dma_start3A_518, %dma_start3A_523] : memref<2x80xi32, #tpu.memory_space<vmem>> -> memref<1x80xi32, #tpu.memory_space<vmem>>
        %dma_start3A_525 = tpu.memref_squeeze %dma_start3A_524 : memref<1x80xi32, #tpu.memory_space<vmem>> -> memref<80xi32, #tpu.memory_space<vmem>>
        %dma_start3A_526 = tpu.memref_slice %arg3[%add3A_517] : memref<320000xi32, #tpu.memory_space<hbm>> -> memref<80xi32, #tpu.memory_space<hbm>>
        tpu.enqueue_dma source(%dma_start3A_526 : memref<80xi32, #tpu.memory_space<hbm>>) target(%dma_start3A_525 : memref<80xi32, #tpu.memory_space<vmem>>) target_semaphore(%arg13 : memref<!tpu.dma_semaphore, #tpu.memory_space<semaphore_mem>>)
        %dma_start3A_527 = arith.constant 0 : i32
        %dma_start3A_528 = arith.constant 0 : i32
        %dma_start3A_529 = arith.constant 0 : i32
        %dma_start3A_530 = tpu.memref_slice %arg8[%dma_start3A_527, %dma_start3A_528, %dma_start3A_529] : memref<2x80x128xf32, #tpu.memory_space<vmem>> -> memref<1x80x128xf32, #tpu.memory_space<vmem>>
        %dma_start3A_531 = tpu.memref_squeeze %dma_start3A_530 : memref<1x80x128xf32, #tpu.memory_space<vmem>> -> memref<80x128xf32, #tpu.memory_space<vmem>>
        %dma_start3A_532 = arith.constant 0 : i32
        %dma_start3A_533 = tpu.memref_slice %arg2[%add3A_517, %dma_start3A_532] : memref<320000x128xf32, #tpu.memory_space<hbm>> -> memref<80x128xf32, #tpu.memory_space<hbm>>
        %dma_start3A_534 = arith.constant 0 : i32
        %dma_start3A_535 = arith.constant 0 : i32
        %dma_start3A_536 = tpu.memref_slice %arg8[%dma_start3A_527, %dma_start3A_534, %dma_start3A_535] : memref<2x80x128xf32, #tpu.memory_space<vmem>> -> memref<1x80x128xf32, #tpu.memory_space<vmem>>
        %dma_start3A_537 = tpu.memref_squeeze %dma_start3A_536 : memref<1x80x128xf32, #tpu.memory_space<vmem>> -> memref<80x128xf32, #tpu.memory_space<vmem>>
        %dma_start3A_538 = arith.constant 0 : i32
        %dma_start3A_539 = tpu.memref_slice %arg2[%add3A_517, %dma_start3A_538] : memref<320000x128xf32, #tpu.memory_space<hbm>> -> memref<80x128xf32, #tpu.memory_space<hbm>>
        tpu.enqueue_dma source(%dma_start3A_539 : memref<80x128xf32, #tpu.memory_space<hbm>>) target(%dma_start3A_537 : memref<80x128xf32, #tpu.memory_space<vmem>>) target_semaphore(%arg15 : memref<!tpu.dma_semaphore, #tpu.memory_space<semaphore_mem>>)
      } else {
      }
      %dma_wait3A_342 = arith.constant 1 : i32
      %dma_wait3A_343 = arith.constant 0 : i32
      %dma_wait3A_344 = tpu.memref_slice %arg6[%dma_wait3A_342, %dma_wait3A_343] : memref<2x80xi32, #tpu.memory_space<vmem>> -> memref<1x80xi32, #tpu.memory_space<vmem>>
      %dma_wait3A_345 = tpu.memref_squeeze %dma_wait3A_344 : memref<1x80xi32, #tpu.memory_space<vmem>> -> memref<80xi32, #tpu.memory_space<vmem>>
      %dma_wait3A_346 = arith.constant 0 : i32
      %dma_wait3A_347 = tpu.memref_slice %arg3[%dma_wait3A_346] : memref<320000xi32, #tpu.memory_space<hbm>> -> memref<80xi32, #tpu.memory_space<hbm>>
      %dma_wait3A_348 = arith.constant 0 : i32
      %dma_wait3A_349 = tpu.memref_slice %arg6[%dma_wait3A_342, %dma_wait3A_348] : memref<2x80xi32, #tpu.memory_space<vmem>> -> memref<1x80xi32, #tpu.memory_space<vmem>>
      %dma_wait3A_350 = tpu.memref_squeeze %dma_wait3A_349 : memref<1x80xi32, #tpu.memory_space<vmem>> -> memref<80xi32, #tpu.memory_space<vmem>>
      %dma_wait3A_351 = arith.constant 0 : i32
      %dma_wait3A_352 = tpu.memref_slice %arg3[%dma_wait3A_351] : memref<320000xi32, #tpu.memory_space<hbm>> -> memref<80xi32, #tpu.memory_space<hbm>>
      tpu.wait_dma2 semaphore(%arg14 : memref<!tpu.dma_semaphore, #tpu.memory_space<semaphore_mem>>) src(%dma_wait3A_352 : memref<80xi32, #tpu.memory_space<hbm>>) dst(%dma_wait3A_350 : memref<80xi32, #tpu.memory_space<vmem>>)
      %dma_wait3A_353 = arith.constant 1 : i32
      %dma_wait3A_354 = arith.constant 0 : i32
      %dma_wait3A_355 = arith.constant 0 : i32
      %dma_wait3A_356 = tpu.memref_slice %arg8[%dma_wait3A_353, %dma_wait3A_354, %dma_wait3A_355] : memref<2x80x128xf32, #tpu.memory_space<vmem>> -> memref<1x80x128xf32, #tpu.memory_space<vmem>>
      %dma_wait3A_357 = tpu.memref_squeeze %dma_wait3A_356 : memref<1x80x128xf32, #tpu.memory_space<vmem>> -> memref<80x128xf32, #tpu.memory_space<vmem>>
      %dma_wait3A_358 = arith.constant 0 : i32
      %dma_wait3A_359 = arith.constant 0 : i32
      %dma_wait3A_360 = tpu.memref_slice %arg2[%dma_wait3A_358, %dma_wait3A_359] : memref<320000x128xf32, #tpu.memory_space<hbm>> -> memref<80x128xf32, #tpu.memory_space<hbm>>
      %dma_wait3A_361 = arith.constant 0 : i32
      %dma_wait3A_362 = arith.constant 0 : i32
      %dma_wait3A_363 = tpu.memref_slice %arg8[%dma_wait3A_353, %dma_wait3A_361, %dma_wait3A_362] : memref<2x80x128xf32, #tpu.memory_space<vmem>> -> memref<1x80x128xf32, #tpu.memory_space<vmem>>
      %dma_wait3A_364 = tpu.memref_squeeze %dma_wait3A_363 : memref<1x80x128xf32, #tpu.memory_space<vmem>> -> memref<80x128xf32, #tpu.memory_space<vmem>>
      %dma_wait3A_365 = arith.constant 0 : i32
      %dma_wait3A_366 = arith.constant 0 : i32
      %dma_wait3A_367 = tpu.memref_slice %arg2[%dma_wait3A_365, %dma_wait3A_366] : memref<320000x128xf32, #tpu.memory_space<hbm>> -> memref<80x128xf32, #tpu.memory_space<hbm>>
      tpu.wait_dma2 semaphore(%arg16 : memref<!tpu.dma_semaphore, #tpu.memory_space<semaphore_mem>>) src(%dma_wait3A_367 : memref<80x128xf32, #tpu.memory_space<hbm>>) dst(%dma_wait3A_364 : memref<80x128xf32, #tpu.memory_space<vmem>>)
      %gt3A_368 = arith.constant 0 : i32
      %gt3A_369 = arith.cmpi sgt, %scan3A_177, %gt3A_368 : i32
      %convert_element_type3A_370 = arith.extui %gt3A_369 : i1 to i32
      %cond3A_371 = arith.constant 0 : i32
      %cond3A_372 = arith.cmpi ne, %convert_element_type3A_370, %cond3A_371 : i32
      scf.if %cond3A_372 {
        %dma_wait3A_513 = arith.constant 1 : i32
        %dma_wait3A_514 = arith.constant 0 : i32
        %dma_wait3A_515 = arith.constant 0 : i32
        %dma_wait3A_516 = tpu.memref_slice %arg9[%dma_wait3A_513, %dma_wait3A_514, %dma_wait3A_515] : memref<2x80x128xf32, #tpu.memory_space<vmem>> -> memref<1x80x128xf32, #tpu.memory_space<vmem>>
        %dma_wait3A_517 = tpu.memref_squeeze %dma_wait3A_516 : memref<1x80x128xf32, #tpu.memory_space<vmem>> -> memref<80x128xf32, #tpu.memory_space<vmem>>
        %dma_wait3A_518 = arith.constant 0 : i32
        %dma_wait3A_519 = arith.constant 0 : i32
        %dma_wait3A_520 = tpu.memref_slice %arg2[%dma_wait3A_518, %dma_wait3A_519] : memref<320000x128xf32, #tpu.memory_space<hbm>> -> memref<80x128xf32, #tpu.memory_space<hbm>>
        %dma_wait3A_521 = arith.constant 0 : i32
        %dma_wait3A_522 = arith.constant 0 : i32
        %dma_wait3A_523 = tpu.memref_slice %arg2[%dma_wait3A_521, %dma_wait3A_522] : memref<320000x128xf32, #tpu.memory_space<hbm>> -> memref<80x128xf32, #tpu.memory_space<hbm>>
        %dma_wait3A_524 = arith.constant 0 : i32
        %dma_wait3A_525 = arith.constant 0 : i32
        %dma_wait3A_526 = tpu.memref_slice %arg9[%dma_wait3A_513, %dma_wait3A_524, %dma_wait3A_525] : memref<2x80x128xf32, #tpu.memory_space<vmem>> -> memref<1x80x128xf32, #tpu.memory_space<vmem>>
        %dma_wait3A_527 = tpu.memref_squeeze %dma_wait3A_526 : memref<1x80x128xf32, #tpu.memory_space<vmem>> -> memref<80x128xf32, #tpu.memory_space<vmem>>
        tpu.wait_dma2 semaphore(%arg18 : memref<!tpu.dma_semaphore, #tpu.memory_space<semaphore_mem>>) src(%dma_wait3A_527 : memref<80x128xf32, #tpu.memory_space<vmem>>) dst(%dma_wait3A_523 : memref<80x128xf32, #tpu.memory_space<hbm>>)
      } else {
      }
      %get3A_373 = arith.constant 1 : i32
      %get3A_374 = arith.index_cast %get3A_373 : i32 to index
      %get3A_375 = arith.constant 0 : index
      %get3A_376 = tpu.vector_load %arg6[%get3A_374, %get3A_375] {strides = array<i32>} : memref<2x80xi32, #tpu.memory_space<vmem>>, vector<1x16xi32>,
      %get3A_377 = vector.shape_cast %get3A_376 : vector<1x16xi32> to vector<16xi32>
      %sub3A_378 = vector.broadcast %mul3A_2 : i32 to vector<16xi32>
      %sub3A_379 = arith.subi %get3A_377, %sub3A_378 : vector<16xi32>
      %ge3A_380 = arith.constant 0 : i32
      %ge3A_381 = vector.broadcast %ge3A_380 : i32 to vector<16xi32>
      %ge3A_382 = arith.cmpi sge, %sub3A_379, %ge3A_381 : vector<16xi32>
      %lt3A_383 = arith.constant 5120 : i32
      %lt3A_384 = vector.broadcast %lt3A_383 : i32 to vector<16xi32>
      %lt3A_385 = arith.cmpi slt, %sub3A_379, %lt3A_384 : vector<16xi32>
      %and3A_386 = arith.andi %ge3A_382, %lt3A_385 : vector<16xi1>
      %jit3A_387 = arith.constant 5120 : i32
      %broadcast_in_dim3A_388 = vector.broadcast %jit3A_387 : i32 to vector<16xi32>
      %select_n3A_389 = arith.select %and3A_386, %sub3A_379, %broadcast_in_dim3A_388 : vector<16xi1>, vector<16xi32>
      %swap3A_390 = arith.constant 1 : i32
      %swap3A_391 = arith.index_cast %swap3A_390 : i32 to index
      %swap3A_392 = arith.constant 0 : index
      %swap3A_393 = tpu.vector_load %arg7[%swap3A_391, %swap3A_392] {strides = array<i32>} : memref<2x80xi32, #tpu.memory_space<vmem>>, vector<1x16xi32>,
      %swap3A_394 = vector.shape_cast %swap3A_393 : vector<1x16xi32> to vector<16xi32>
      %swap3A_395 = vector.shape_cast %select_n3A_389 : vector<16xi32> to vector<1x16xi32>
      tpu.vector_store %arg7[%swap3A_391, %swap3A_392], %swap3A_395 {strides = array<i32>} : memref<2x80xi32, #tpu.memory_space<vmem>>, vector<1x16xi32>,
      %get3A_396 = arith.constant 1 : i32
      %get3A_397 = arith.index_cast %get3A_396 : i32 to index
      %get3A_398 = arith.constant 16 : index
      %get3A_399 = tpu.vector_load %arg6[%get3A_397, %get3A_398] {strides = array<i32>} : memref<2x80xi32, #tpu.memory_space<vmem>>, vector<1x16xi32>,
      %get3A_400 = vector.shape_cast %get3A_399 : vector<1x16xi32> to vector<16xi32>
      %sub3A_401 = vector.broadcast %mul3A_2 : i32 to vector<16xi32>
      %sub3A_402 = arith.subi %get3A_400, %sub3A_401 : vector<16xi32>
      %ge3A_403 = arith.constant 0 : i32
      %ge3A_404 = vector.broadcast %ge3A_403 : i32 to vector<16xi32>
      %ge3A_405 = arith.cmpi sge, %sub3A_402, %ge3A_404 : vector<16xi32>
      %lt3A_406 = arith.constant 5120 : i32
      %lt3A_407 = vector.broadcast %lt3A_406 : i32 to vector<16xi32>
      %lt3A_408 = arith.cmpi slt, %sub3A_402, %lt3A_407 : vector<16xi32>
      %and3A_409 = arith.andi %ge3A_405, %lt3A_408 : vector<16xi1>
      %jit3A_410 = arith.constant 5120 : i32
      %broadcast_in_dim3A_411 = vector.broadcast %jit3A_410 : i32 to vector<16xi32>
      %select_n3A_412 = arith.select %and3A_409, %sub3A_402, %broadcast_in_dim3A_411 : vector<16xi1>, vector<16xi32>
      %swap3A_413 = arith.constant 1 : i32
      %swap3A_414 = arith.index_cast %swap3A_413 : i32 to index
      %swap3A_415 = arith.constant 16 : index
      %swap3A_416 = tpu.vector_load %arg7[%swap3A_414, %swap3A_415] {strides = array<i32>} : memref<2x80xi32, #tpu.memory_space<vmem>>, vector<1x16xi32>,
      %swap3A_417 = vector.shape_cast %swap3A_416 : vector<1x16xi32> to vector<16xi32>
      %swap3A_418 = vector.shape_cast %select_n3A_412 : vector<16xi32> to vector<1x16xi32>
      tpu.vector_store %arg7[%swap3A_414, %swap3A_415], %swap3A_418 {strides = array<i32>} : memref<2x80xi32, #tpu.memory_space<vmem>>, vector<1x16xi32>,
      %get3A_419 = arith.constant 1 : i32
      %get3A_420 = arith.index_cast %get3A_419 : i32 to index
      %get3A_421 = arith.constant 32 : index
      %get3A_422 = tpu.vector_load %arg6[%get3A_420, %get3A_421] {strides = array<i32>} : memref<2x80xi32, #tpu.memory_space<vmem>>, vector<1x16xi32>,
      %get3A_423 = vector.shape_cast %get3A_422 : vector<1x16xi32> to vector<16xi32>
      %sub3A_424 = vector.broadcast %mul3A_2 : i32 to vector<16xi32>
      %sub3A_425 = arith.subi %get3A_423, %sub3A_424 : vector<16xi32>
      %ge3A_426 = arith.constant 0 : i32
      %ge3A_427 = vector.broadcast %ge3A_426 : i32 to vector<16xi32>
      %ge3A_428 = arith.cmpi sge, %sub3A_425, %ge3A_427 : vector<16xi32>
      %lt3A_429 = arith.constant 5120 : i32
      %lt3A_430 = vector.broadcast %lt3A_429 : i32 to vector<16xi32>
      %lt3A_431 = arith.cmpi slt, %sub3A_425, %lt3A_430 : vector<16xi32>
      %and3A_432 = arith.andi %ge3A_428, %lt3A_431 : vector<16xi1>
      %jit3A_433 = arith.constant 5120 : i32
      %broadcast_in_dim3A_434 = vector.broadcast %jit3A_433 : i32 to vector<16xi32>
      %select_n3A_435 = arith.select %and3A_432, %sub3A_425, %broadcast_in_dim3A_434 : vector<16xi1>, vector<16xi32>
      %swap3A_436 = arith.constant 1 : i32
      %swap3A_437 = arith.index_cast %swap3A_436 : i32 to index
      %swap3A_438 = arith.constant 32 : index
      %swap3A_439 = tpu.vector_load %arg7[%swap3A_437, %swap3A_438] {strides = array<i32>} : memref<2x80xi32, #tpu.memory_space<vmem>>, vector<1x16xi32>,
      %swap3A_440 = vector.shape_cast %swap3A_439 : vector<1x16xi32> to vector<16xi32>
      %swap3A_441 = vector.shape_cast %select_n3A_435 : vector<16xi32> to vector<1x16xi32>
      tpu.vector_store %arg7[%swap3A_437, %swap3A_438], %swap3A_441 {strides = array<i32>} : memref<2x80xi32, #tpu.memory_space<vmem>>, vector<1x16xi32>,
      %get3A_442 = arith.constant 1 : i32
      %get3A_443 = arith.index_cast %get3A_442 : i32 to index
      %get3A_444 = arith.constant 48 : index
      %get3A_445 = tpu.vector_load %arg6[%get3A_443, %get3A_444] {strides = array<i32>} : memref<2x80xi32, #tpu.memory_space<vmem>>, vector<1x16xi32>,
      %get3A_446 = vector.shape_cast %get3A_445 : vector<1x16xi32> to vector<16xi32>
      %sub3A_447 = vector.broadcast %mul3A_2 : i32 to vector<16xi32>
      %sub3A_448 = arith.subi %get3A_446, %sub3A_447 : vector<16xi32>
      %ge3A_449 = arith.constant 0 : i32
      %ge3A_450 = vector.broadcast %ge3A_449 : i32 to vector<16xi32>
      %ge3A_451 = arith.cmpi sge, %sub3A_448, %ge3A_450 : vector<16xi32>
      %lt3A_452 = arith.constant 5120 : i32
      %lt3A_453 = vector.broadcast %lt3A_452 : i32 to vector<16xi32>
      %lt3A_454 = arith.cmpi slt, %sub3A_448, %lt3A_453 : vector<16xi32>
      %and3A_455 = arith.andi %ge3A_451, %lt3A_454 : vector<16xi1>
      %jit3A_456 = arith.constant 5120 : i32
      %broadcast_in_dim3A_457 = vector.broadcast %jit3A_456 : i32 to vector<16xi32>
      %select_n3A_458 = arith.select %and3A_455, %sub3A_448, %broadcast_in_dim3A_457 : vector<16xi1>, vector<16xi32>
      %swap3A_459 = arith.constant 1 : i32
      %swap3A_460 = arith.index_cast %swap3A_459 : i32 to index
      %swap3A_461 = arith.constant 48 : index
      %swap3A_462 = tpu.vector_load %arg7[%swap3A_460, %swap3A_461] {strides = array<i32>} : memref<2x80xi32, #tpu.memory_space<vmem>>, vector<1x16xi32>,
      %swap3A_463 = vector.shape_cast %swap3A_462 : vector<1x16xi32> to vector<16xi32>
      %swap3A_464 = vector.shape_cast %select_n3A_458 : vector<16xi32> to vector<1x16xi32>
      tpu.vector_store %arg7[%swap3A_460, %swap3A_461], %swap3A_464 {strides = array<i32>} : memref<2x80xi32, #tpu.memory_space<vmem>>, vector<1x16xi32>,
      %get3A_465 = arith.constant 1 : i32
      %get3A_466 = arith.index_cast %get3A_465 : i32 to index
      %get3A_467 = arith.constant 64 : index
      %get3A_468 = tpu.vector_load %arg6[%get3A_466, %get3A_467] {strides = array<i32>} : memref<2x80xi32, #tpu.memory_space<vmem>>, vector<1x16xi32>,
      %get3A_469 = vector.shape_cast %get3A_468 : vector<1x16xi32> to vector<16xi32>
      %sub3A_470 = vector.broadcast %mul3A_2 : i32 to vector<16xi32>
      %sub3A_471 = arith.subi %get3A_469, %sub3A_470 : vector<16xi32>
      %ge3A_472 = arith.constant 0 : i32
      %ge3A_473 = vector.broadcast %ge3A_472 : i32 to vector<16xi32>
      %ge3A_474 = arith.cmpi sge, %sub3A_471, %ge3A_473 : vector<16xi32>
      %lt3A_475 = arith.constant 5120 : i32
      %lt3A_476 = vector.broadcast %lt3A_475 : i32 to vector<16xi32>
      %lt3A_477 = arith.cmpi slt, %sub3A_471, %lt3A_476 : vector<16xi32>
      %and3A_478 = arith.andi %ge3A_474, %lt3A_477 : vector<16xi1>
      %jit3A_479 = arith.constant 5120 : i32
      %broadcast_in_dim3A_480 = vector.broadcast %jit3A_479 : i32 to vector<16xi32>
      %select_n3A_481 = arith.select %and3A_478, %sub3A_471, %broadcast_in_dim3A_480 : vector<16xi1>, vector<16xi32>
      %swap3A_482 = arith.constant 1 : i32
      %swap3A_483 = arith.index_cast %swap3A_482 : i32 to index
      %swap3A_484 = arith.constant 64 : index
      %swap3A_485 = tpu.vector_load %arg7[%swap3A_483, %swap3A_484] {strides = array<i32>} : memref<2x80xi32, #tpu.memory_space<vmem>>, vector<1x16xi32>,
      %swap3A_486 = vector.shape_cast %swap3A_485 : vector<1x16xi32> to vector<16xi32>
      %swap3A_487 = vector.shape_cast %select_n3A_481 : vector<16xi32> to vector<1x16xi32>
      tpu.vector_store %arg7[%swap3A_483, %swap3A_484], %swap3A_487 {strides = array<i32>} : memref<2x80xi32, #tpu.memory_space<vmem>>, vector<1x16xi32>,
      %scan3A_488 = arith.constant 0 : i32
      %scan3A_489 = arith.constant 0 : i32
      %scan3A_490 = arith.constant 20 : i32
      %scan3A_491 = arith.addi %scan3A_489, %scan3A_490 : i32
      %scan3A_492 = arith.constant 1 : i32
      %scan3A_493 = scf.for %scan3A_513 = %scan3A_489 to %scan3A_491 step %scan3A_492 iter_args(%scan3A_514 = %scan3A_488) -> (i32)  : i32 {
        %mul3A_515 = arith.constant 4 : i32
        %mul3A_516 = arith.muli %mul3A_515, %scan3A_513 : i32
        %add3A_517 = arith.constant 0 : i32
        %add3A_518 = arith.addi %mul3A_516, %add3A_517 : i32
        %get3A_519 = arith.constant 1 : i32
        %get3A_520 = arith.index_cast %get3A_519 : i32 to index
        %get3A_521 = arith.index_cast %add3A_518 : i32 to index
        %get3A_522 = arith.constant 0 : index
        %get3A_523 = tpu.vector_load %arg8[%get3A_520, %get3A_521, %get3A_522] {strides = array<i32>} : memref<2x80x128xf32, #tpu.memory_space<vmem>>, vector<1x1x16xf32>,
        %get3A_524 = vector.shape_cast %get3A_523 : vector<1x1x16xf32> to vector<16xf32>
        %mul3A_525 = arith.mulf %get3A_524, %get3A_14 : vector<16xf32>
        %add3A_526 = arith.addf %mul3A_525, %get3A_54 : vector<16xf32>
        %max3A = arith.constant 0.000000e+00 : f32
        %max3A_527 = vector.broadcast %max3A : f32 to vector<16xf32>
        %max3A_528 = arith.maximumf %add3A_526, %max3A_527 : vector<16xf32>
        %swap3A_529 = arith.constant 1 : i32
        %swap3A_530 = arith.index_cast %swap3A_529 : i32 to index
        %swap3A_531 = arith.index_cast %add3A_518 : i32 to index
        %swap3A_532 = arith.constant 0 : index
        %swap3A_533 = tpu.vector_load %arg9[%swap3A_530, %swap3A_531, %swap3A_532] {strides = array<i32>} : memref<2x80x128xf32, #tpu.memory_space<vmem>>, vector<1x1x16xf32>,
        %swap3A_534 = vector.shape_cast %swap3A_533 : vector<1x1x16xf32> to vector<16xf32>
        %swap3A_535 = vector.shape_cast %max3A_528 : vector<16xf32> to vector<1x1x16xf32>
        tpu.vector_store %arg9[%swap3A_530, %swap3A_531, %swap3A_532], %swap3A_535 {strides = array<i32>} : memref<2x80x128xf32, #tpu.memory_space<vmem>>, vector<1x1x16xf32>,
        %get3A_536 = arith.constant 1 : i32
        %get3A_537 = arith.index_cast %get3A_536 : i32 to index
        %get3A_538 = arith.index_cast %add3A_518 : i32 to index
        %get3A_539 = arith.constant 16 : index
        %get3A_540 = tpu.vector_load %arg8[%get3A_537, %get3A_538, %get3A_539] {strides = array<i32>} : memref<2x80x128xf32, #tpu.memory_space<vmem>>, vector<1x1x16xf32>,
        %get3A_541 = vector.shape_cast %get3A_540 : vector<1x1x16xf32> to vector<16xf32>
        %mul3A_542 = arith.mulf %get3A_541, %get3A_19 : vector<16xf32>
        %add3A_543 = arith.addf %mul3A_542, %get3A_59 : vector<16xf32>
        %max3A_544 = arith.constant 0.000000e+00 : f32
        %max3A_545 = vector.broadcast %max3A_544 : f32 to vector<16xf32>
        %max3A_546 = arith.maximumf %add3A_543, %max3A_545 : vector<16xf32>
        %swap3A_547 = arith.constant 1 : i32
        %swap3A_548 = arith.index_cast %swap3A_547 : i32 to index
        %swap3A_549 = arith.index_cast %add3A_518 : i32 to index
        %swap3A_550 = arith.constant 16 : index
        %swap3A_551 = tpu.vector_load %arg9[%swap3A_548, %swap3A_549, %swap3A_550] {strides = array<i32>} : memref<2x80x128xf32, #tpu.memory_space<vmem>>, vector<1x1x16xf32>,
        %swap3A_552 = vector.shape_cast %swap3A_551 : vector<1x1x16xf32> to vector<16xf32>
        %swap3A_553 = vector.shape_cast %max3A_546 : vector<16xf32> to vector<1x1x16xf32>
        tpu.vector_store %arg9[%swap3A_548, %swap3A_549, %swap3A_550], %swap3A_553 {strides = array<i32>} : memref<2x80x128xf32, #tpu.memory_space<vmem>>, vector<1x1x16xf32>,
        %get3A_554 = arith.constant 1 : i32
        %get3A_555 = arith.index_cast %get3A_554 : i32 to index
        %get3A_556 = arith.index_cast %add3A_518 : i32 to index
        %get3A_557 = arith.constant 32 : index
        %get3A_558 = tpu.vector_load %arg8[%get3A_555, %get3A_556, %get3A_557] {strides = array<i32>} : memref<2x80x128xf32, #tpu.memory_space<vmem>>, vector<1x1x16xf32>,
        %get3A_559 = vector.shape_cast %get3A_558 : vector<1x1x16xf32> to vector<16xf32>
        %mul3A_560 = arith.mulf %get3A_559, %get3A_24 : vector<16xf32>
        %add3A_561 = arith.addf %mul3A_560, %get3A_64 : vector<16xf32>
        %max3A_562 = arith.constant 0.000000e+00 : f32
        %max3A_563 = vector.broadcast %max3A_562 : f32 to vector<16xf32>
        %max3A_564 = arith.maximumf %add3A_561, %max3A_563 : vector<16xf32>
        %swap3A_565 = arith.constant 1 : i32
        %swap3A_566 = arith.index_cast %swap3A_565 : i32 to index
        %swap3A_567 = arith.index_cast %add3A_518 : i32 to index
        %swap3A_568 = arith.constant 32 : index
        %swap3A_569 = tpu.vector_load %arg9[%swap3A_566, %swap3A_567, %swap3A_568] {strides = array<i32>} : memref<2x80x128xf32, #tpu.memory_space<vmem>>, vector<1x1x16xf32>,
        %swap3A_570 = vector.shape_cast %swap3A_569 : vector<1x1x16xf32> to vector<16xf32>
        %swap3A_571 = vector.shape_cast %max3A_564 : vector<16xf32> to vector<1x1x16xf32>
        tpu.vector_store %arg9[%swap3A_566, %swap3A_567, %swap3A_568], %swap3A_571 {strides = array<i32>} : memref<2x80x128xf32, #tpu.memory_space<vmem>>, vector<1x1x16xf32>,
        %get3A_572 = arith.constant 1 : i32
        %get3A_573 = arith.index_cast %get3A_572 : i32 to index
        %get3A_574 = arith.index_cast %add3A_518 : i32 to index
        %get3A_575 = arith.constant 48 : index
        %get3A_576 = tpu.vector_load %arg8[%get3A_573, %get3A_574, %get3A_575] {strides = array<i32>} : memref<2x80x128xf32, #tpu.memory_space<vmem>>, vector<1x1x16xf32>,
        %get3A_577 = vector.shape_cast %get3A_576 : vector<1x1x16xf32> to vector<16xf32>
        %mul3A_578 = arith.mulf %get3A_577, %get3A_29 : vector<16xf32>
        %add3A_579 = arith.addf %mul3A_578, %get3A_69 : vector<16xf32>
        %max3A_580 = arith.constant 0.000000e+00 : f32
        %max3A_581 = vector.broadcast %max3A_580 : f32 to vector<16xf32>
        %max3A_582 = arith.maximumf %add3A_579, %max3A_581 : vector<16xf32>
        %swap3A_583 = arith.constant 1 : i32
        %swap3A_584 = arith.index_cast %swap3A_583 : i32 to index
        %swap3A_585 = arith.index_cast %add3A_518 : i32 to index
        %swap3A_586 = arith.constant 48 : index
        %swap3A_587 = tpu.vector_load %arg9[%swap3A_584, %swap3A_585, %swap3A_586] {strides = array<i32>} : memref<2x80x128xf32, #tpu.memory_space<vmem>>, vector<1x1x16xf32>,
        %swap3A_588 = vector.shape_cast %swap3A_587 : vector<1x1x16xf32> to vector<16xf32>
        %swap3A_589 = vector.shape_cast %max3A_582 : vector<16xf32> to vector<1x1x16xf32>
        tpu.vector_store %arg9[%swap3A_584, %swap3A_585, %swap3A_586], %swap3A_589 {strides = array<i32>} : memref<2x80x128xf32, #tpu.memory_space<vmem>>, vector<1x1x16xf32>,
        %get3A_590 = arith.constant 1 : i32
        %get3A_591 = arith.index_cast %get3A_590 : i32 to index
        %get3A_592 = arith.index_cast %add3A_518 : i32 to index
        %get3A_593 = arith.constant 64 : index
        %get3A_594 = tpu.vector_load %arg8[%get3A_591, %get3A_592, %get3A_593] {strides = array<i32>} : memref<2x80x128xf32, #tpu.memory_space<vmem>>, vector<1x1x16xf32>,
        %get3A_595 = vector.shape_cast %get3A_594 : vector<1x1x16xf32> to vector<16xf32>
        %mul3A_596 = arith.mulf %get3A_595, %get3A_34 : vector<16xf32>
        %add3A_597 = arith.addf %mul3A_596, %get3A_74 : vector<16xf32>
        %max3A_598 = arith.constant 0.000000e+00 : f32
        %max3A_599 = vector.broadcast %max3A_598 : f32 to vector<16xf32>
        %max3A_600 = arith.maximumf %add3A_597, %max3A_599 : vector<16xf32>
        %swap3A_601 = arith.constant 1 : i32
        %swap3A_602 = arith.index_cast %swap3A_601 : i32 to index
        %swap3A_603 = arith.index_cast %add3A_518 : i32 to index
        %swap3A_604 = arith.constant 64 : index
        %swap3A_605 = tpu.vector_load %arg9[%swap3A_602, %swap3A_603, %swap3A_604] {strides = array<i32>} : memref<2x80x128xf32, #tpu.memory_space<vmem>>, vector<1x1x16xf32>,
        %swap3A_606 = vector.shape_cast %swap3A_605 : vector<1x1x16xf32> to vector<16xf32>
        %swap3A_607 = vector.shape_cast %max3A_600 : vector<16xf32> to vector<1x1x16xf32>
        tpu.vector_store %arg9[%swap3A_602, %swap3A_603, %swap3A_604], %swap3A_607 {strides = array<i32>} : memref<2x80x128xf32, #tpu.memory_space<vmem>>, vector<1x1x16xf32>,
        %get3A_608 = arith.constant 1 : i32
        %get3A_609 = arith.index_cast %get3A_608 : i32 to index
        %get3A_610 = arith.index_cast %add3A_518 : i32 to index
        %get3A_611 = arith.constant 80 : index
        %get3A_612 = tpu.vector_load %arg8[%get3A_609, %get3A_610, %get3A_611] {strides = array<i32>} : memref<2x80x128xf32, #tpu.memory_space<vmem>>, vector<1x1x16xf32>,
        %get3A_613 = vector.shape_cast %get3A_612 : vector<1x1x16xf32> to vector<16xf32>
        %mul3A_614 = arith.mulf %get3A_613, %get3A_39 : vector<16xf32>
        %add3A_615 = arith.addf %mul3A_614, %get3A_79 : vector<16xf32>
        %max3A_616 = arith.constant 0.000000e+00 : f32
        %max3A_617 = vector.broadcast %max3A_616 : f32 to vector<16xf32>
        %max3A_618 = arith.maximumf %add3A_615, %max3A_617 : vector<16xf32>
        %swap3A_619 = arith.constant 1 : i32
        %swap3A_620 = arith.index_cast %swap3A_619 : i32 to index
        %swap3A_621 = arith.index_cast %add3A_518 : i32 to index
        %swap3A_622 = arith.constant 80 : index
        %swap3A_623 = tpu.vector_load %arg9[%swap3A_620, %swap3A_621, %swap3A_622] {strides = array<i32>} : memref<2x80x128xf32, #tpu.memory_space<vmem>>, vector<1x1x16xf32>,
        %swap3A_624 = vector.shape_cast %swap3A_623 : vector<1x1x16xf32> to vector<16xf32>
        %swap3A_625 = vector.shape_cast %max3A_618 : vector<16xf32> to vector<1x1x16xf32>
        tpu.vector_store %arg9[%swap3A_620, %swap3A_621, %swap3A_622], %swap3A_625 {strides = array<i32>} : memref<2x80x128xf32, #tpu.memory_space<vmem>>, vector<1x1x16xf32>,
        %get3A_626 = arith.constant 1 : i32
        %get3A_627 = arith.index_cast %get3A_626 : i32 to index
        %get3A_628 = arith.index_cast %add3A_518 : i32 to index
        %get3A_629 = arith.constant 96 : index
        %get3A_630 = tpu.vector_load %arg8[%get3A_627, %get3A_628, %get3A_629] {strides = array<i32>} : memref<2x80x128xf32, #tpu.memory_space<vmem>>, vector<1x1x16xf32>,
        %get3A_631 = vector.shape_cast %get3A_630 : vector<1x1x16xf32> to vector<16xf32>
        %mul3A_632 = arith.mulf %get3A_631, %get3A_44 : vector<16xf32>
        %add3A_633 = arith.addf %mul3A_632, %get3A_84 : vector<16xf32>
        %max3A_634 = arith.constant 0.000000e+00 : f32
        %max3A_635 = vector.broadcast %max3A_634 : f32 to vector<16xf32>
        %max3A_636 = arith.maximumf %add3A_633, %max3A_635 : vector<16xf32>
        %swap3A_637 = arith.constant 1 : i32
        %swap3A_638 = arith.index_cast %swap3A_637 : i32 to index
        %swap3A_639 = arith.index_cast %add3A_518 : i32 to index
        %swap3A_640 = arith.constant 96 : index
        %swap3A_641 = tpu.vector_load %arg9[%swap3A_638, %swap3A_639, %swap3A_640] {strides = array<i32>} : memref<2x80x128xf32, #tpu.memory_space<vmem>>, vector<1x1x16xf32>,
        %swap3A_642 = vector.shape_cast %swap3A_641 : vector<1x1x16xf32> to vector<16xf32>
        %swap3A_643 = vector.shape_cast %max3A_636 : vector<16xf32> to vector<1x1x16xf32>
        tpu.vector_store %arg9[%swap3A_638, %swap3A_639, %swap3A_640], %swap3A_643 {strides = array<i32>} : memref<2x80x128xf32, #tpu.memory_space<vmem>>, vector<1x1x16xf32>,
        %get3A_644 = arith.constant 1 : i32
        %get3A_645 = arith.index_cast %get3A_644 : i32 to index
        %get3A_646 = arith.index_cast %add3A_518 : i32 to index
        %get3A_647 = arith.constant 112 : index
        %get3A_648 = tpu.vector_load %arg8[%get3A_645, %get3A_646, %get3A_647] {strides = array<i32>} : memref<2x80x128xf32, #tpu.memory_space<vmem>>, vector<1x1x16xf32>,
        %get3A_649 = vector.shape_cast %get3A_648 : vector<1x1x16xf32> to vector<16xf32>
        %mul3A_650 = arith.mulf %get3A_649, %get3A_49 : vector<16xf32>
        %add3A_651 = arith.addf %mul3A_650, %get3A_89 : vector<16xf32>
        %max3A_652 = arith.constant 0.000000e+00 : f32
        %max3A_653 = vector.broadcast %max3A_652 : f32 to vector<16xf32>
        %max3A_654 = arith.maximumf %add3A_651, %max3A_653 : vector<16xf32>
        %swap3A_655 = arith.constant 1 : i32
        %swap3A_656 = arith.index_cast %swap3A_655 : i32 to index
        %swap3A_657 = arith.index_cast %add3A_518 : i32 to index
        %swap3A_658 = arith.constant 112 : index
        %swap3A_659 = tpu.vector_load %arg9[%swap3A_656, %swap3A_657, %swap3A_658] {strides = array<i32>} : memref<2x80x128xf32, #tpu.memory_space<vmem>>, vector<1x1x16xf32>,
        %swap3A_660 = vector.shape_cast %swap3A_659 : vector<1x1x16xf32> to vector<16xf32>
        %swap3A_661 = vector.shape_cast %max3A_654 : vector<16xf32> to vector<1x1x16xf32>
        tpu.vector_store %arg9[%swap3A_656, %swap3A_657, %swap3A_658], %swap3A_661 {strides = array<i32>} : memref<2x80x128xf32, #tpu.memory_space<vmem>>, vector<1x1x16xf32>,
        %mul3A_662 = arith.constant 4 : i32
        %mul3A_663 = arith.muli %mul3A_662, %scan3A_513 : i32
        %add3A_664 = arith.constant 1 : i32
        %add3A_665 = arith.addi %mul3A_663, %add3A_664 : i32
        %get3A_666 = arith.constant 1 : i32
        %get3A_667 = arith.index_cast %get3A_666 : i32 to index
        %get3A_668 = arith.index_cast %add3A_665 : i32 to index
        %get3A_669 = arith.constant 0 : index
        %get3A_670 = tpu.vector_load %arg8[%get3A_667, %get3A_668, %get3A_669] {strides = array<i32>} : memref<2x80x128xf32, #tpu.memory_space<vmem>>, vector<1x1x16xf32>,
        %get3A_671 = vector.shape_cast %get3A_670 : vector<1x1x16xf32> to vector<16xf32>
        %mul3A_672 = arith.mulf %get3A_671, %get3A_14 : vector<16xf32>
        %add3A_673 = arith.addf %mul3A_672, %get3A_54 : vector<16xf32>
        %max3A_674 = arith.constant 0.000000e+00 : f32
        %max3A_675 = vector.broadcast %max3A_674 : f32 to vector<16xf32>
        %max3A_676 = arith.maximumf %add3A_673, %max3A_675 : vector<16xf32>
        %swap3A_677 = arith.constant 1 : i32
        %swap3A_678 = arith.index_cast %swap3A_677 : i32 to index
        %swap3A_679 = arith.index_cast %add3A_665 : i32 to index
        %swap3A_680 = arith.constant 0 : index
        %swap3A_681 = tpu.vector_load %arg9[%swap3A_678, %swap3A_679, %swap3A_680] {strides = array<i32>} : memref<2x80x128xf32, #tpu.memory_space<vmem>>, vector<1x1x16xf32>,
        %swap3A_682 = vector.shape_cast %swap3A_681 : vector<1x1x16xf32> to vector<16xf32>
        %swap3A_683 = vector.shape_cast %max3A_676 : vector<16xf32> to vector<1x1x16xf32>
        tpu.vector_store %arg9[%swap3A_678, %swap3A_679, %swap3A_680], %swap3A_683 {strides = array<i32>} : memref<2x80x128xf32, #tpu.memory_space<vmem>>, vector<1x1x16xf32>,
        %get3A_684 = arith.constant 1 : i32
        %get3A_685 = arith.index_cast %get3A_684 : i32 to index
        %get3A_686 = arith.index_cast %add3A_665 : i32 to index
        %get3A_687 = arith.constant 16 : index
        %get3A_688 = tpu.vector_load %arg8[%get3A_685, %get3A_686, %get3A_687] {strides = array<i32>} : memref<2x80x128xf32, #tpu.memory_space<vmem>>, vector<1x1x16xf32>,
        %get3A_689 = vector.shape_cast %get3A_688 : vector<1x1x16xf32> to vector<16xf32>
        %mul3A_690 = arith.mulf %get3A_689, %get3A_19 : vector<16xf32>
        %add3A_691 = arith.addf %mul3A_690, %get3A_59 : vector<16xf32>
        %max3A_692 = arith.constant 0.000000e+00 : f32
        %max3A_693 = vector.broadcast %max3A_692 : f32 to vector<16xf32>
        %max3A_694 = arith.maximumf %add3A_691, %max3A_693 : vector<16xf32>
        %swap3A_695 = arith.constant 1 : i32
        %swap3A_696 = arith.index_cast %swap3A_695 : i32 to index
        %swap3A_697 = arith.index_cast %add3A_665 : i32 to index
        %swap3A_698 = arith.constant 16 : index
        %swap3A_699 = tpu.vector_load %arg9[%swap3A_696, %swap3A_697, %swap3A_698] {strides = array<i32>} : memref<2x80x128xf32, #tpu.memory_space<vmem>>, vector<1x1x16xf32>,
        %swap3A_700 = vector.shape_cast %swap3A_699 : vector<1x1x16xf32> to vector<16xf32>
        %swap3A_701 = vector.shape_cast %max3A_694 : vector<16xf32> to vector<1x1x16xf32>
        tpu.vector_store %arg9[%swap3A_696, %swap3A_697, %swap3A_698], %swap3A_701 {strides = array<i32>} : memref<2x80x128xf32, #tpu.memory_space<vmem>>, vector<1x1x16xf32>,
        %get3A_702 = arith.constant 1 : i32
        %get3A_703 = arith.index_cast %get3A_702 : i32 to index
        %get3A_704 = arith.index_cast %add3A_665 : i32 to index
        %get3A_705 = arith.constant 32 : index
        %get3A_706 = tpu.vector_load %arg8[%get3A_703, %get3A_704, %get3A_705] {strides = array<i32>} : memref<2x80x128xf32, #tpu.memory_space<vmem>>, vector<1x1x16xf32>,
        %get3A_707 = vector.shape_cast %get3A_706 : vector<1x1x16xf32> to vector<16xf32>
        %mul3A_708 = arith.mulf %get3A_707, %get3A_24 : vector<16xf32>
        %add3A_709 = arith.addf %mul3A_708, %get3A_64 : vector<16xf32>
        %max3A_710 = arith.constant 0.000000e+00 : f32
        %max3A_711 = vector.broadcast %max3A_710 : f32 to vector<16xf32>
        %max3A_712 = arith.maximumf %add3A_709, %max3A_711 : vector<16xf32>
        %swap3A_713 = arith.constant 1 : i32
        %swap3A_714 = arith.index_cast %swap3A_713 : i32 to index
        %swap3A_715 = arith.index_cast %add3A_665 : i32 to index
        %swap3A_716 = arith.constant 32 : index
        %swap3A_717 = tpu.vector_load %arg9[%swap3A_714, %swap3A_715, %swap3A_716] {strides = array<i32>} : memref<2x80x128xf32, #tpu.memory_space<vmem>>, vector<1x1x16xf32>,
        %swap3A_718 = vector.shape_cast %swap3A_717 : vector<1x1x16xf32> to vector<16xf32>
        %swap3A_719 = vector.shape_cast %max3A_712 : vector<16xf32> to vector<1x1x16xf32>
        tpu.vector_store %arg9[%swap3A_714, %swap3A_715, %swap3A_716], %swap3A_719 {strides = array<i32>} : memref<2x80x128xf32, #tpu.memory_space<vmem>>, vector<1x1x16xf32>,
        %get3A_720 = arith.constant 1 : i32
        %get3A_721 = arith.index_cast %get3A_720 : i32 to index
        %get3A_722 = arith.index_cast %add3A_665 : i32 to index
        %get3A_723 = arith.constant 48 : index
        %get3A_724 = tpu.vector_load %arg8[%get3A_721, %get3A_722, %get3A_723] {strides = array<i32>} : memref<2x80x128xf32, #tpu.memory_space<vmem>>, vector<1x1x16xf32>,
        %get3A_725 = vector.shape_cast %get3A_724 : vector<1x1x16xf32> to vector<16xf32>
        %mul3A_726 = arith.mulf %get3A_725, %get3A_29 : vector<16xf32>
        %add3A_727 = arith.addf %mul3A_726, %get3A_69 : vector<16xf32>
        %max3A_728 = arith.constant 0.000000e+00 : f32
        %max3A_729 = vector.broadcast %max3A_728 : f32 to vector<16xf32>
        %max3A_730 = arith.maximumf %add3A_727, %max3A_729 : vector<16xf32>
        %swap3A_731 = arith.constant 1 : i32
        %swap3A_732 = arith.index_cast %swap3A_731 : i32 to index
        %swap3A_733 = arith.index_cast %add3A_665 : i32 to index
        %swap3A_734 = arith.constant 48 : index
        %swap3A_735 = tpu.vector_load %arg9[%swap3A_732, %swap3A_733, %swap3A_734] {strides = array<i32>} : memref<2x80x128xf32, #tpu.memory_space<vmem>>, vector<1x1x16xf32>,
        %swap3A_736 = vector.shape_cast %swap3A_735 : vector<1x1x16xf32> to vector<16xf32>
        %swap3A_737 = vector.shape_cast %max3A_730 : vector<16xf32> to vector<1x1x16xf32>
        tpu.vector_store %arg9[%swap3A_732, %swap3A_733, %swap3A_734], %swap3A_737 {strides = array<i32>} : memref<2x80x128xf32, #tpu.memory_space<vmem>>, vector<1x1x16xf32>,
        %get3A_738 = arith.constant 1 : i32
        %get3A_739 = arith.index_cast %get3A_738 : i32 to index
        %get3A_740 = arith.index_cast %add3A_665 : i32 to index
        %get3A_741 = arith.constant 64 : index
        %get3A_742 = tpu.vector_load %arg8[%get3A_739, %get3A_740, %get3A_741] {strides = array<i32>} : memref<2x80x128xf32, #tpu.memory_space<vmem>>, vector<1x1x16xf32>,
        %get3A_743 = vector.shape_cast %get3A_742 : vector<1x1x16xf32> to vector<16xf32>
        %mul3A_744 = arith.mulf %get3A_743, %get3A_34 : vector<16xf32>
        %add3A_745 = arith.addf %mul3A_744, %get3A_74 : vector<16xf32>
        %max3A_746 = arith.constant 0.000000e+00 : f32
        %max3A_747 = vector.broadcast %max3A_746 : f32 to vector<16xf32>
        %max3A_748 = arith.maximumf %add3A_745, %max3A_747 : vector<16xf32>
        %swap3A_749 = arith.constant 1 : i32
        %swap3A_750 = arith.index_cast %swap3A_749 : i32 to index
        %swap3A_751 = arith.index_cast %add3A_665 : i32 to index
        %swap3A_752 = arith.constant 64 : index
        %swap3A_753 = tpu.vector_load %arg9[%swap3A_750, %swap3A_751, %swap3A_752] {strides = array<i32>} : memref<2x80x128xf32, #tpu.memory_space<vmem>>, vector<1x1x16xf32>,
        %swap3A_754 = vector.shape_cast %swap3A_753 : vector<1x1x16xf32> to vector<16xf32>
        %swap3A_755 = vector.shape_cast %max3A_748 : vector<16xf32> to vector<1x1x16xf32>
        tpu.vector_store %arg9[%swap3A_750, %swap3A_751, %swap3A_752], %swap3A_755 {strides = array<i32>} : memref<2x80x128xf32, #tpu.memory_space<vmem>>, vector<1x1x16xf32>,
        %get3A_756 = arith.constant 1 : i32
        %get3A_757 = arith.index_cast %get3A_756 : i32 to index
        %get3A_758 = arith.index_cast %add3A_665 : i32 to index
        %get3A_759 = arith.constant 80 : index
        %get3A_760 = tpu.vector_load %arg8[%get3A_757, %get3A_758, %get3A_759] {strides = array<i32>} : memref<2x80x128xf32, #tpu.memory_space<vmem>>, vector<1x1x16xf32>,
        %get3A_761 = vector.shape_cast %get3A_760 : vector<1x1x16xf32> to vector<16xf32>
        %mul3A_762 = arith.mulf %get3A_761, %get3A_39 : vector<16xf32>
        %add3A_763 = arith.addf %mul3A_762, %get3A_79 : vector<16xf32>
        %max3A_764 = arith.constant 0.000000e+00 : f32
        %max3A_765 = vector.broadcast %max3A_764 : f32 to vector<16xf32>
        %max3A_766 = arith.maximumf %add3A_763, %max3A_765 : vector<16xf32>
        %swap3A_767 = arith.constant 1 : i32
        %swap3A_768 = arith.index_cast %swap3A_767 : i32 to index
        %swap3A_769 = arith.index_cast %add3A_665 : i32 to index
        %swap3A_770 = arith.constant 80 : index
        %swap3A_771 = tpu.vector_load %arg9[%swap3A_768, %swap3A_769, %swap3A_770] {strides = array<i32>} : memref<2x80x128xf32, #tpu.memory_space<vmem>>, vector<1x1x16xf32>,
        %swap3A_772 = vector.shape_cast %swap3A_771 : vector<1x1x16xf32> to vector<16xf32>
        %swap3A_773 = vector.shape_cast %max3A_766 : vector<16xf32> to vector<1x1x16xf32>
        tpu.vector_store %arg9[%swap3A_768, %swap3A_769, %swap3A_770], %swap3A_773 {strides = array<i32>} : memref<2x80x128xf32, #tpu.memory_space<vmem>>, vector<1x1x16xf32>,
        %get3A_774 = arith.constant 1 : i32
        %get3A_775 = arith.index_cast %get3A_774 : i32 to index
        %get3A_776 = arith.index_cast %add3A_665 : i32 to index
        %get3A_777 = arith.constant 96 : index
        %get3A_778 = tpu.vector_load %arg8[%get3A_775, %get3A_776, %get3A_777] {strides = array<i32>} : memref<2x80x128xf32, #tpu.memory_space<vmem>>, vector<1x1x16xf32>,
        %get3A_779 = vector.shape_cast %get3A_778 : vector<1x1x16xf32> to vector<16xf32>
        %mul3A_780 = arith.mulf %get3A_779, %get3A_44 : vector<16xf32>
        %add3A_781 = arith.addf %mul3A_780, %get3A_84 : vector<16xf32>
        %max3A_782 = arith.constant 0.000000e+00 : f32
        %max3A_783 = vector.broadcast %max3A_782 : f32 to vector<16xf32>
        %max3A_784 = arith.maximumf %add3A_781, %max3A_783 : vector<16xf32>
        %swap3A_785 = arith.constant 1 : i32
        %swap3A_786 = arith.index_cast %swap3A_785 : i32 to index
        %swap3A_787 = arith.index_cast %add3A_665 : i32 to index
        %swap3A_788 = arith.constant 96 : index
        %swap3A_789 = tpu.vector_load %arg9[%swap3A_786, %swap3A_787, %swap3A_788] {strides = array<i32>} : memref<2x80x128xf32, #tpu.memory_space<vmem>>, vector<1x1x16xf32>,
        %swap3A_790 = vector.shape_cast %swap3A_789 : vector<1x1x16xf32> to vector<16xf32>
        %swap3A_791 = vector.shape_cast %max3A_784 : vector<16xf32> to vector<1x1x16xf32>
        tpu.vector_store %arg9[%swap3A_786, %swap3A_787, %swap3A_788], %swap3A_791 {strides = array<i32>} : memref<2x80x128xf32, #tpu.memory_space<vmem>>, vector<1x1x16xf32>,
        %get3A_792 = arith.constant 1 : i32
        %get3A_793 = arith.index_cast %get3A_792 : i32 to index
        %get3A_794 = arith.index_cast %add3A_665 : i32 to index
        %get3A_795 = arith.constant 112 : index
        %get3A_796 = tpu.vector_load %arg8[%get3A_793, %get3A_794, %get3A_795] {strides = array<i32>} : memref<2x80x128xf32, #tpu.memory_space<vmem>>, vector<1x1x16xf32>,
        %get3A_797 = vector.shape_cast %get3A_796 : vector<1x1x16xf32> to vector<16xf32>
        %mul3A_798 = arith.mulf %get3A_797, %get3A_49 : vector<16xf32>
        %add3A_799 = arith.addf %mul3A_798, %get3A_89 : vector<16xf32>
        %max3A_800 = arith.constant 0.000000e+00 : f32
        %max3A_801 = vector.broadcast %max3A_800 : f32 to vector<16xf32>
        %max3A_802 = arith.maximumf %add3A_799, %max3A_801 : vector<16xf32>
        %swap3A_803 = arith.constant 1 : i32
        %swap3A_804 = arith.index_cast %swap3A_803 : i32 to index
        %swap3A_805 = arith.index_cast %add3A_665 : i32 to index
        %swap3A_806 = arith.constant 112 : index
        %swap3A_807 = tpu.vector_load %arg9[%swap3A_804, %swap3A_805, %swap3A_806] {strides = array<i32>} : memref<2x80x128xf32, #tpu.memory_space<vmem>>, vector<1x1x16xf32>,
        %swap3A_808 = vector.shape_cast %swap3A_807 : vector<1x1x16xf32> to vector<16xf32>
        %swap3A_809 = vector.shape_cast %max3A_802 : vector<16xf32> to vector<1x1x16xf32>
        tpu.vector_store %arg9[%swap3A_804, %swap3A_805, %swap3A_806], %swap3A_809 {strides = array<i32>} : memref<2x80x128xf32, #tpu.memory_space<vmem>>, vector<1x1x16xf32>,
        %mul3A_810 = arith.constant 4 : i32
        %mul3A_811 = arith.muli %mul3A_810, %scan3A_513 : i32
        %add3A_812 = arith.constant 2 : i32
        %add3A_813 = arith.addi %mul3A_811, %add3A_812 : i32
        %get3A_814 = arith.constant 1 : i32
        %get3A_815 = arith.index_cast %get3A_814 : i32 to index
        %get3A_816 = arith.index_cast %add3A_813 : i32 to index
        %get3A_817 = arith.constant 0 : index
        %get3A_818 = tpu.vector_load %arg8[%get3A_815, %get3A_816, %get3A_817] {strides = array<i32>} : memref<2x80x128xf32, #tpu.memory_space<vmem>>, vector<1x1x16xf32>,
        %get3A_819 = vector.shape_cast %get3A_818 : vector<1x1x16xf32> to vector<16xf32>
        %mul3A_820 = arith.mulf %get3A_819, %get3A_14 : vector<16xf32>
        %add3A_821 = arith.addf %mul3A_820, %get3A_54 : vector<16xf32>
        %max3A_822 = arith.constant 0.000000e+00 : f32
        %max3A_823 = vector.broadcast %max3A_822 : f32 to vector<16xf32>
        %max3A_824 = arith.maximumf %add3A_821, %max3A_823 : vector<16xf32>
        %swap3A_825 = arith.constant 1 : i32
        %swap3A_826 = arith.index_cast %swap3A_825 : i32 to index
        %swap3A_827 = arith.index_cast %add3A_813 : i32 to index
        %swap3A_828 = arith.constant 0 : index
        %swap3A_829 = tpu.vector_load %arg9[%swap3A_826, %swap3A_827, %swap3A_828] {strides = array<i32>} : memref<2x80x128xf32, #tpu.memory_space<vmem>>, vector<1x1x16xf32>,
        %swap3A_830 = vector.shape_cast %swap3A_829 : vector<1x1x16xf32> to vector<16xf32>
        %swap3A_831 = vector.shape_cast %max3A_824 : vector<16xf32> to vector<1x1x16xf32>
        tpu.vector_store %arg9[%swap3A_826, %swap3A_827, %swap3A_828], %swap3A_831 {strides = array<i32>} : memref<2x80x128xf32, #tpu.memory_space<vmem>>, vector<1x1x16xf32>,
        %get3A_832 = arith.constant 1 : i32
        %get3A_833 = arith.index_cast %get3A_832 : i32 to index
        %get3A_834 = arith.index_cast %add3A_813 : i32 to index
        %get3A_835 = arith.constant 16 : index
        %get3A_836 = tpu.vector_load %arg8[%get3A_833, %get3A_834, %get3A_835] {strides = array<i32>} : memref<2x80x128xf32, #tpu.memory_space<vmem>>, vector<1x1x16xf32>,
        %get3A_837 = vector.shape_cast %get3A_836 : vector<1x1x16xf32> to vector<16xf32>
        %mul3A_838 = arith.mulf %get3A_837, %get3A_19 : vector<16xf32>
        %add3A_839 = arith.addf %mul3A_838, %get3A_59 : vector<16xf32>
        %max3A_840 = arith.constant 0.000000e+00 : f32
        %max3A_841 = vector.broadcast %max3A_840 : f32 to vector<16xf32>
        %max3A_842 = arith.maximumf %add3A_839, %max3A_841 : vector<16xf32>
        %swap3A_843 = arith.constant 1 : i32
        %swap3A_844 = arith.index_cast %swap3A_843 : i32 to index
        %swap3A_845 = arith.index_cast %add3A_813 : i32 to index
        %swap3A_846 = arith.constant 16 : index
        %swap3A_847 = tpu.vector_load %arg9[%swap3A_844, %swap3A_845, %swap3A_846] {strides = array<i32>} : memref<2x80x128xf32, #tpu.memory_space<vmem>>, vector<1x1x16xf32>,
        %swap3A_848 = vector.shape_cast %swap3A_847 : vector<1x1x16xf32> to vector<16xf32>
        %swap3A_849 = vector.shape_cast %max3A_842 : vector<16xf32> to vector<1x1x16xf32>
        tpu.vector_store %arg9[%swap3A_844, %swap3A_845, %swap3A_846], %swap3A_849 {strides = array<i32>} : memref<2x80x128xf32, #tpu.memory_space<vmem>>, vector<1x1x16xf32>,
        %get3A_850 = arith.constant 1 : i32
        %get3A_851 = arith.index_cast %get3A_850 : i32 to index
        %get3A_852 = arith.index_cast %add3A_813 : i32 to index
        %get3A_853 = arith.constant 32 : index
        %get3A_854 = tpu.vector_load %arg8[%get3A_851, %get3A_852, %get3A_853] {strides = array<i32>} : memref<2x80x128xf32, #tpu.memory_space<vmem>>, vector<1x1x16xf32>,
        %get3A_855 = vector.shape_cast %get3A_854 : vector<1x1x16xf32> to vector<16xf32>
        %mul3A_856 = arith.mulf %get3A_855, %get3A_24 : vector<16xf32>
        %add3A_857 = arith.addf %mul3A_856, %get3A_64 : vector<16xf32>
        %max3A_858 = arith.constant 0.000000e+00 : f32
        %max3A_859 = vector.broadcast %max3A_858 : f32 to vector<16xf32>
        %max3A_860 = arith.maximumf %add3A_857, %max3A_859 : vector<16xf32>
        %swap3A_861 = arith.constant 1 : i32
        %swap3A_862 = arith.index_cast %swap3A_861 : i32 to index
        %swap3A_863 = arith.index_cast %add3A_813 : i32 to index
        %swap3A_864 = arith.constant 32 : index
        %swap3A_865 = tpu.vector_load %arg9[%swap3A_862, %swap3A_863, %swap3A_864] {strides = array<i32>} : memref<2x80x128xf32, #tpu.memory_space<vmem>>, vector<1x1x16xf32>,
        %swap3A_866 = vector.shape_cast %swap3A_865 : vector<1x1x16xf32> to vector<16xf32>
        %swap3A_867 = vector.shape_cast %max3A_860 : vector<16xf32> to vector<1x1x16xf32>
        tpu.vector_store %arg9[%swap3A_862, %swap3A_863, %swap3A_864], %swap3A_867 {strides = array<i32>} : memref<2x80x128xf32, #tpu.memory_space<vmem>>, vector<1x1x16xf32>,
        %get3A_868 = arith.constant 1 : i32
        %get3A_869 = arith.index_cast %get3A_868 : i32 to index
        %get3A_870 = arith.index_cast %add3A_813 : i32 to index
        %get3A_871 = arith.constant 48 : index
        %get3A_872 = tpu.vector_load %arg8[%get3A_869, %get3A_870, %get3A_871] {strides = array<i32>} : memref<2x80x128xf32, #tpu.memory_space<vmem>>, vector<1x1x16xf32>,
        %get3A_873 = vector.shape_cast %get3A_872 : vector<1x1x16xf32> to vector<16xf32>
        %mul3A_874 = arith.mulf %get3A_873, %get3A_29 : vector<16xf32>
        %add3A_875 = arith.addf %mul3A_874, %get3A_69 : vector<16xf32>
        %max3A_876 = arith.constant 0.000000e+00 : f32
        %max3A_877 = vector.broadcast %max3A_876 : f32 to vector<16xf32>
        %max3A_878 = arith.maximumf %add3A_875, %max3A_877 : vector<16xf32>
        %swap3A_879 = arith.constant 1 : i32
        %swap3A_880 = arith.index_cast %swap3A_879 : i32 to index
        %swap3A_881 = arith.index_cast %add3A_813 : i32 to index
        %swap3A_882 = arith.constant 48 : index
        %swap3A_883 = tpu.vector_load %arg9[%swap3A_880, %swap3A_881, %swap3A_882] {strides = array<i32>} : memref<2x80x128xf32, #tpu.memory_space<vmem>>, vector<1x1x16xf32>,
        %swap3A_884 = vector.shape_cast %swap3A_883 : vector<1x1x16xf32> to vector<16xf32>
        %swap3A_885 = vector.shape_cast %max3A_878 : vector<16xf32> to vector<1x1x16xf32>
        tpu.vector_store %arg9[%swap3A_880, %swap3A_881, %swap3A_882], %swap3A_885 {strides = array<i32>} : memref<2x80x128xf32, #tpu.memory_space<vmem>>, vector<1x1x16xf32>,
        %get3A_886 = arith.constant 1 : i32
        %get3A_887 = arith.index_cast %get3A_886 : i32 to index
        %get3A_888 = arith.index_cast %add3A_813 : i32 to index
        %get3A_889 = arith.constant 64 : index
        %get3A_890 = tpu.vector_load %arg8[%get3A_887, %get3A_888, %get3A_889] {strides = array<i32>} : memref<2x80x128xf32, #tpu.memory_space<vmem>>, vector<1x1x16xf32>,
        %get3A_891 = vector.shape_cast %get3A_890 : vector<1x1x16xf32> to vector<16xf32>
        %mul3A_892 = arith.mulf %get3A_891, %get3A_34 : vector<16xf32>
        %add3A_893 = arith.addf %mul3A_892, %get3A_74 : vector<16xf32>
        %max3A_894 = arith.constant 0.000000e+00 : f32
        %max3A_895 = vector.broadcast %max3A_894 : f32 to vector<16xf32>
        %max3A_896 = arith.maximumf %add3A_893, %max3A_895 : vector<16xf32>
        %swap3A_897 = arith.constant 1 : i32
        %swap3A_898 = arith.index_cast %swap3A_897 : i32 to index
        %swap3A_899 = arith.index_cast %add3A_813 : i32 to index
        %swap3A_900 = arith.constant 64 : index
        %swap3A_901 = tpu.vector_load %arg9[%swap3A_898, %swap3A_899, %swap3A_900] {strides = array<i32>} : memref<2x80x128xf32, #tpu.memory_space<vmem>>, vector<1x1x16xf32>,
        %swap3A_902 = vector.shape_cast %swap3A_901 : vector<1x1x16xf32> to vector<16xf32>
        %swap3A_903 = vector.shape_cast %max3A_896 : vector<16xf32> to vector<1x1x16xf32>
        tpu.vector_store %arg9[%swap3A_898, %swap3A_899, %swap3A_900], %swap3A_903 {strides = array<i32>} : memref<2x80x128xf32, #tpu.memory_space<vmem>>, vector<1x1x16xf32>,
        %get3A_904 = arith.constant 1 : i32
        %get3A_905 = arith.index_cast %get3A_904 : i32 to index
        %get3A_906 = arith.index_cast %add3A_813 : i32 to index
        %get3A_907 = arith.constant 80 : index
        %get3A_908 = tpu.vector_load %arg8[%get3A_905, %get3A_906, %get3A_907] {strides = array<i32>} : memref<2x80x128xf32, #tpu.memory_space<vmem>>, vector<1x1x16xf32>,
        %get3A_909 = vector.shape_cast %get3A_908 : vector<1x1x16xf32> to vector<16xf32>
        %mul3A_910 = arith.mulf %get3A_909, %get3A_39 : vector<16xf32>
        %add3A_911 = arith.addf %mul3A_910, %get3A_79 : vector<16xf32>
        %max3A_912 = arith.constant 0.000000e+00 : f32
        %max3A_913 = vector.broadcast %max3A_912 : f32 to vector<16xf32>
        %max3A_914 = arith.maximumf %add3A_911, %max3A_913 : vector<16xf32>
        %swap3A_915 = arith.constant 1 : i32
        %swap3A_916 = arith.index_cast %swap3A_915 : i32 to index
        %swap3A_917 = arith.index_cast %add3A_813 : i32 to index
        %swap3A_918 = arith.constant 80 : index
        %swap3A_919 = tpu.vector_load %arg9[%swap3A_916, %swap3A_917, %swap3A_918] {strides = array<i32>} : memref<2x80x128xf32, #tpu.memory_space<vmem>>, vector<1x1x16xf32>,
        %swap3A_920 = vector.shape_cast %swap3A_919 : vector<1x1x16xf32> to vector<16xf32>
        %swap3A_921 = vector.shape_cast %max3A_914 : vector<16xf32> to vector<1x1x16xf32>
        tpu.vector_store %arg9[%swap3A_916, %swap3A_917, %swap3A_918], %swap3A_921 {strides = array<i32>} : memref<2x80x128xf32, #tpu.memory_space<vmem>>, vector<1x1x16xf32>,
        %get3A_922 = arith.constant 1 : i32
        %get3A_923 = arith.index_cast %get3A_922 : i32 to index
        %get3A_924 = arith.index_cast %add3A_813 : i32 to index
        %get3A_925 = arith.constant 96 : index
        %get3A_926 = tpu.vector_load %arg8[%get3A_923, %get3A_924, %get3A_925] {strides = array<i32>} : memref<2x80x128xf32, #tpu.memory_space<vmem>>, vector<1x1x16xf32>,
        %get3A_927 = vector.shape_cast %get3A_926 : vector<1x1x16xf32> to vector<16xf32>
        %mul3A_928 = arith.mulf %get3A_927, %get3A_44 : vector<16xf32>
        %add3A_929 = arith.addf %mul3A_928, %get3A_84 : vector<16xf32>
        %max3A_930 = arith.constant 0.000000e+00 : f32
        %max3A_931 = vector.broadcast %max3A_930 : f32 to vector<16xf32>
        %max3A_932 = arith.maximumf %add3A_929, %max3A_931 : vector<16xf32>
        %swap3A_933 = arith.constant 1 : i32
        %swap3A_934 = arith.index_cast %swap3A_933 : i32 to index
        %swap3A_935 = arith.index_cast %add3A_813 : i32 to index
        %swap3A_936 = arith.constant 96 : index
        %swap3A_937 = tpu.vector_load %arg9[%swap3A_934, %swap3A_935, %swap3A_936] {strides = array<i32>} : memref<2x80x128xf32, #tpu.memory_space<vmem>>, vector<1x1x16xf32>,
        %swap3A_938 = vector.shape_cast %swap3A_937 : vector<1x1x16xf32> to vector<16xf32>
        %swap3A_939 = vector.shape_cast %max3A_932 : vector<16xf32> to vector<1x1x16xf32>
        tpu.vector_store %arg9[%swap3A_934, %swap3A_935, %swap3A_936], %swap3A_939 {strides = array<i32>} : memref<2x80x128xf32, #tpu.memory_space<vmem>>, vector<1x1x16xf32>,
        %get3A_940 = arith.constant 1 : i32
        %get3A_941 = arith.index_cast %get3A_940 : i32 to index
        %get3A_942 = arith.index_cast %add3A_813 : i32 to index
        %get3A_943 = arith.constant 112 : index
        %get3A_944 = tpu.vector_load %arg8[%get3A_941, %get3A_942, %get3A_943] {strides = array<i32>} : memref<2x80x128xf32, #tpu.memory_space<vmem>>, vector<1x1x16xf32>,
        %get3A_945 = vector.shape_cast %get3A_944 : vector<1x1x16xf32> to vector<16xf32>
        %mul3A_946 = arith.mulf %get3A_945, %get3A_49 : vector<16xf32>
        %add3A_947 = arith.addf %mul3A_946, %get3A_89 : vector<16xf32>
        %max3A_948 = arith.constant 0.000000e+00 : f32
        %max3A_949 = vector.broadcast %max3A_948 : f32 to vector<16xf32>
        %max3A_950 = arith.maximumf %add3A_947, %max3A_949 : vector<16xf32>
        %swap3A_951 = arith.constant 1 : i32
        %swap3A_952 = arith.index_cast %swap3A_951 : i32 to index
        %swap3A_953 = arith.index_cast %add3A_813 : i32 to index
        %swap3A_954 = arith.constant 112 : index
        %swap3A_955 = tpu.vector_load %arg9[%swap3A_952, %swap3A_953, %swap3A_954] {strides = array<i32>} : memref<2x80x128xf32, #tpu.memory_space<vmem>>, vector<1x1x16xf32>,
        %swap3A_956 = vector.shape_cast %swap3A_955 : vector<1x1x16xf32> to vector<16xf32>
        %swap3A_957 = vector.shape_cast %max3A_950 : vector<16xf32> to vector<1x1x16xf32>
        tpu.vector_store %arg9[%swap3A_952, %swap3A_953, %swap3A_954], %swap3A_957 {strides = array<i32>} : memref<2x80x128xf32, #tpu.memory_space<vmem>>, vector<1x1x16xf32>,
        %mul3A_958 = arith.constant 4 : i32
        %mul3A_959 = arith.muli %mul3A_958, %scan3A_513 : i32
        %add3A_960 = arith.constant 3 : i32
        %add3A_961 = arith.addi %mul3A_959, %add3A_960 : i32
        %get3A_962 = arith.constant 1 : i32
        %get3A_963 = arith.index_cast %get3A_962 : i32 to index
        %get3A_964 = arith.index_cast %add3A_961 : i32 to index
        %get3A_965 = arith.constant 0 : index
        %get3A_966 = tpu.vector_load %arg8[%get3A_963, %get3A_964, %get3A_965] {strides = array<i32>} : memref<2x80x128xf32, #tpu.memory_space<vmem>>, vector<1x1x16xf32>,
        %get3A_967 = vector.shape_cast %get3A_966 : vector<1x1x16xf32> to vector<16xf32>
        %mul3A_968 = arith.mulf %get3A_967, %get3A_14 : vector<16xf32>
        %add3A_969 = arith.addf %mul3A_968, %get3A_54 : vector<16xf32>
        %max3A_970 = arith.constant 0.000000e+00 : f32
        %max3A_971 = vector.broadcast %max3A_970 : f32 to vector<16xf32>
        %max3A_972 = arith.maximumf %add3A_969, %max3A_971 : vector<16xf32>
        %swap3A_973 = arith.constant 1 : i32
        %swap3A_974 = arith.index_cast %swap3A_973 : i32 to index
        %swap3A_975 = arith.index_cast %add3A_961 : i32 to index
        %swap3A_976 = arith.constant 0 : index
        %swap3A_977 = tpu.vector_load %arg9[%swap3A_974, %swap3A_975, %swap3A_976] {strides = array<i32>} : memref<2x80x128xf32, #tpu.memory_space<vmem>>, vector<1x1x16xf32>,
        %swap3A_978 = vector.shape_cast %swap3A_977 : vector<1x1x16xf32> to vector<16xf32>
        %swap3A_979 = vector.shape_cast %max3A_972 : vector<16xf32> to vector<1x1x16xf32>
        tpu.vector_store %arg9[%swap3A_974, %swap3A_975, %swap3A_976], %swap3A_979 {strides = array<i32>} : memref<2x80x128xf32, #tpu.memory_space<vmem>>, vector<1x1x16xf32>,
        %get3A_980 = arith.constant 1 : i32
        %get3A_981 = arith.index_cast %get3A_980 : i32 to index
        %get3A_982 = arith.index_cast %add3A_961 : i32 to index
        %get3A_983 = arith.constant 16 : index
        %get3A_984 = tpu.vector_load %arg8[%get3A_981, %get3A_982, %get3A_983] {strides = array<i32>} : memref<2x80x128xf32, #tpu.memory_space<vmem>>, vector<1x1x16xf32>,
        %get3A_985 = vector.shape_cast %get3A_984 : vector<1x1x16xf32> to vector<16xf32>
        %mul3A_986 = arith.mulf %get3A_985, %get3A_19 : vector<16xf32>
        %add3A_987 = arith.addf %mul3A_986, %get3A_59 : vector<16xf32>
        %max3A_988 = arith.constant 0.000000e+00 : f32
        %max3A_989 = vector.broadcast %max3A_988 : f32 to vector<16xf32>
        %max3A_990 = arith.maximumf %add3A_987, %max3A_989 : vector<16xf32>
        %swap3A_991 = arith.constant 1 : i32
        %swap3A_992 = arith.index_cast %swap3A_991 : i32 to index
        %swap3A_993 = arith.index_cast %add3A_961 : i32 to index
        %swap3A_994 = arith.constant 16 : index
        %swap3A_995 = tpu.vector_load %arg9[%swap3A_992, %swap3A_993, %swap3A_994] {strides = array<i32>} : memref<2x80x128xf32, #tpu.memory_space<vmem>>, vector<1x1x16xf32>,
        %swap3A_996 = vector.shape_cast %swap3A_995 : vector<1x1x16xf32> to vector<16xf32>
        %swap3A_997 = vector.shape_cast %max3A_990 : vector<16xf32> to vector<1x1x16xf32>
        tpu.vector_store %arg9[%swap3A_992, %swap3A_993, %swap3A_994], %swap3A_997 {strides = array<i32>} : memref<2x80x128xf32, #tpu.memory_space<vmem>>, vector<1x1x16xf32>,
        %get3A_998 = arith.constant 1 : i32
        %get3A_999 = arith.index_cast %get3A_998 : i32 to index
        %get3A_1000 = arith.index_cast %add3A_961 : i32 to index
        %get3A_1001 = arith.constant 32 : index
        %get3A_1002 = tpu.vector_load %arg8[%get3A_999, %get3A_1000, %get3A_1001] {strides = array<i32>} : memref<2x80x128xf32, #tpu.memory_space<vmem>>, vector<1x1x16xf32>,
        %get3A_1003 = vector.shape_cast %get3A_1002 : vector<1x1x16xf32> to vector<16xf32>
        %mul3A_1004 = arith.mulf %get3A_1003, %get3A_24 : vector<16xf32>
        %add3A_1005 = arith.addf %mul3A_1004, %get3A_64 : vector<16xf32>
        %max3A_1006 = arith.constant 0.000000e+00 : f32
        %max3A_1007 = vector.broadcast %max3A_1006 : f32 to vector<16xf32>
        %max3A_1008 = arith.maximumf %add3A_1005, %max3A_1007 : vector<16xf32>
        %swap3A_1009 = arith.constant 1 : i32
        %swap3A_1010 = arith.index_cast %swap3A_1009 : i32 to index
        %swap3A_1011 = arith.index_cast %add3A_961 : i32 to index
        %swap3A_1012 = arith.constant 32 : index
        %swap3A_1013 = tpu.vector_load %arg9[%swap3A_1010, %swap3A_1011, %swap3A_1012] {strides = array<i32>} : memref<2x80x128xf32, #tpu.memory_space<vmem>>, vector<1x1x16xf32>,
        %swap3A_1014 = vector.shape_cast %swap3A_1013 : vector<1x1x16xf32> to vector<16xf32>
        %swap3A_1015 = vector.shape_cast %max3A_1008 : vector<16xf32> to vector<1x1x16xf32>
        tpu.vector_store %arg9[%swap3A_1010, %swap3A_1011, %swap3A_1012], %swap3A_1015 {strides = array<i32>} : memref<2x80x128xf32, #tpu.memory_space<vmem>>, vector<1x1x16xf32>,
        %get3A_1016 = arith.constant 1 : i32
        %get3A_1017 = arith.index_cast %get3A_1016 : i32 to index
        %get3A_1018 = arith.index_cast %add3A_961 : i32 to index
        %get3A_1019 = arith.constant 48 : index
        %get3A_1020 = tpu.vector_load %arg8[%get3A_1017, %get3A_1018, %get3A_1019] {strides = array<i32>} : memref<2x80x128xf32, #tpu.memory_space<vmem>>, vector<1x1x16xf32>,
        %get3A_1021 = vector.shape_cast %get3A_1020 : vector<1x1x16xf32> to vector<16xf32>
        %mul3A_1022 = arith.mulf %get3A_1021, %get3A_29 : vector<16xf32>
        %add3A_1023 = arith.addf %mul3A_1022, %get3A_69 : vector<16xf32>
        %max3A_1024 = arith.constant 0.000000e+00 : f32
        %max3A_1025 = vector.broadcast %max3A_1024 : f32 to vector<16xf32>
        %max3A_1026 = arith.maximumf %add3A_1023, %max3A_1025 : vector<16xf32>
        %swap3A_1027 = arith.constant 1 : i32
        %swap3A_1028 = arith.index_cast %swap3A_1027 : i32 to index
        %swap3A_1029 = arith.index_cast %add3A_961 : i32 to index
        %swap3A_1030 = arith.constant 48 : index
        %swap3A_1031 = tpu.vector_load %arg9[%swap3A_1028, %swap3A_1029, %swap3A_1030] {strides = array<i32>} : memref<2x80x128xf32, #tpu.memory_space<vmem>>, vector<1x1x16xf32>,
        %swap3A_1032 = vector.shape_cast %swap3A_1031 : vector<1x1x16xf32> to vector<16xf32>
        %swap3A_1033 = vector.shape_cast %max3A_1026 : vector<16xf32> to vector<1x1x16xf32>
        tpu.vector_store %arg9[%swap3A_1028, %swap3A_1029, %swap3A_1030], %swap3A_1033 {strides = array<i32>} : memref<2x80x128xf32, #tpu.memory_space<vmem>>, vector<1x1x16xf32>,
        %get3A_1034 = arith.constant 1 : i32
        %get3A_1035 = arith.index_cast %get3A_1034 : i32 to index
        %get3A_1036 = arith.index_cast %add3A_961 : i32 to index
        %get3A_1037 = arith.constant 64 : index
        %get3A_1038 = tpu.vector_load %arg8[%get3A_1035, %get3A_1036, %get3A_1037] {strides = array<i32>} : memref<2x80x128xf32, #tpu.memory_space<vmem>>, vector<1x1x16xf32>,
        %get3A_1039 = vector.shape_cast %get3A_1038 : vector<1x1x16xf32> to vector<16xf32>
        %mul3A_1040 = arith.mulf %get3A_1039, %get3A_34 : vector<16xf32>
        %add3A_1041 = arith.addf %mul3A_1040, %get3A_74 : vector<16xf32>
        %max3A_1042 = arith.constant 0.000000e+00 : f32
        %max3A_1043 = vector.broadcast %max3A_1042 : f32 to vector<16xf32>
        %max3A_1044 = arith.maximumf %add3A_1041, %max3A_1043 : vector<16xf32>
        %swap3A_1045 = arith.constant 1 : i32
        %swap3A_1046 = arith.index_cast %swap3A_1045 : i32 to index
        %swap3A_1047 = arith.index_cast %add3A_961 : i32 to index
        %swap3A_1048 = arith.constant 64 : index
        %swap3A_1049 = tpu.vector_load %arg9[%swap3A_1046, %swap3A_1047, %swap3A_1048] {strides = array<i32>} : memref<2x80x128xf32, #tpu.memory_space<vmem>>, vector<1x1x16xf32>,
        %swap3A_1050 = vector.shape_cast %swap3A_1049 : vector<1x1x16xf32> to vector<16xf32>
        %swap3A_1051 = vector.shape_cast %max3A_1044 : vector<16xf32> to vector<1x1x16xf32>
        tpu.vector_store %arg9[%swap3A_1046, %swap3A_1047, %swap3A_1048], %swap3A_1051 {strides = array<i32>} : memref<2x80x128xf32, #tpu.memory_space<vmem>>, vector<1x1x16xf32>,
        %get3A_1052 = arith.constant 1 : i32
        %get3A_1053 = arith.index_cast %get3A_1052 : i32 to index
        %get3A_1054 = arith.index_cast %add3A_961 : i32 to index
        %get3A_1055 = arith.constant 80 : index
        %get3A_1056 = tpu.vector_load %arg8[%get3A_1053, %get3A_1054, %get3A_1055] {strides = array<i32>} : memref<2x80x128xf32, #tpu.memory_space<vmem>>, vector<1x1x16xf32>,
        %get3A_1057 = vector.shape_cast %get3A_1056 : vector<1x1x16xf32> to vector<16xf32>
        %mul3A_1058 = arith.mulf %get3A_1057, %get3A_39 : vector<16xf32>
        %add3A_1059 = arith.addf %mul3A_1058, %get3A_79 : vector<16xf32>
        %max3A_1060 = arith.constant 0.000000e+00 : f32
        %max3A_1061 = vector.broadcast %max3A_1060 : f32 to vector<16xf32>
        %max3A_1062 = arith.maximumf %add3A_1059, %max3A_1061 : vector<16xf32>
        %swap3A_1063 = arith.constant 1 : i32
        %swap3A_1064 = arith.index_cast %swap3A_1063 : i32 to index
        %swap3A_1065 = arith.index_cast %add3A_961 : i32 to index
        %swap3A_1066 = arith.constant 80 : index
        %swap3A_1067 = tpu.vector_load %arg9[%swap3A_1064, %swap3A_1065, %swap3A_1066] {strides = array<i32>} : memref<2x80x128xf32, #tpu.memory_space<vmem>>, vector<1x1x16xf32>,
        %swap3A_1068 = vector.shape_cast %swap3A_1067 : vector<1x1x16xf32> to vector<16xf32>
        %swap3A_1069 = vector.shape_cast %max3A_1062 : vector<16xf32> to vector<1x1x16xf32>
        tpu.vector_store %arg9[%swap3A_1064, %swap3A_1065, %swap3A_1066], %swap3A_1069 {strides = array<i32>} : memref<2x80x128xf32, #tpu.memory_space<vmem>>, vector<1x1x16xf32>,
        %get3A_1070 = arith.constant 1 : i32
        %get3A_1071 = arith.index_cast %get3A_1070 : i32 to index
        %get3A_1072 = arith.index_cast %add3A_961 : i32 to index
        %get3A_1073 = arith.constant 96 : index
        %get3A_1074 = tpu.vector_load %arg8[%get3A_1071, %get3A_1072, %get3A_1073] {strides = array<i32>} : memref<2x80x128xf32, #tpu.memory_space<vmem>>, vector<1x1x16xf32>,
        %get3A_1075 = vector.shape_cast %get3A_1074 : vector<1x1x16xf32> to vector<16xf32>
        %mul3A_1076 = arith.mulf %get3A_1075, %get3A_44 : vector<16xf32>
        %add3A_1077 = arith.addf %mul3A_1076, %get3A_84 : vector<16xf32>
        %max3A_1078 = arith.constant 0.000000e+00 : f32
        %max3A_1079 = vector.broadcast %max3A_1078 : f32 to vector<16xf32>
        %max3A_1080 = arith.maximumf %add3A_1077, %max3A_1079 : vector<16xf32>
        %swap3A_1081 = arith.constant 1 : i32
        %swap3A_1082 = arith.index_cast %swap3A_1081 : i32 to index
        %swap3A_1083 = arith.index_cast %add3A_961 : i32 to index
        %swap3A_1084 = arith.constant 96 : index
        %swap3A_1085 = tpu.vector_load %arg9[%swap3A_1082, %swap3A_1083, %swap3A_1084] {strides = array<i32>} : memref<2x80x128xf32, #tpu.memory_space<vmem>>, vector<1x1x16xf32>,
        %swap3A_1086 = vector.shape_cast %swap3A_1085 : vector<1x1x16xf32> to vector<16xf32>
        %swap3A_1087 = vector.shape_cast %max3A_1080 : vector<16xf32> to vector<1x1x16xf32>
        tpu.vector_store %arg9[%swap3A_1082, %swap3A_1083, %swap3A_1084], %swap3A_1087 {strides = array<i32>} : memref<2x80x128xf32, #tpu.memory_space<vmem>>, vector<1x1x16xf32>,
        %get3A_1088 = arith.constant 1 : i32
        %get3A_1089 = arith.index_cast %get3A_1088 : i32 to index
        %get3A_1090 = arith.index_cast %add3A_961 : i32 to index
        %get3A_1091 = arith.constant 112 : index
        %get3A_1092 = tpu.vector_load %arg8[%get3A_1089, %get3A_1090, %get3A_1091] {strides = array<i32>} : memref<2x80x128xf32, #tpu.memory_space<vmem>>, vector<1x1x16xf32>,
        %get3A_1093 = vector.shape_cast %get3A_1092 : vector<1x1x16xf32> to vector<16xf32>
        %mul3A_1094 = arith.mulf %get3A_1093, %get3A_49 : vector<16xf32>
        %add3A_1095 = arith.addf %mul3A_1094, %get3A_89 : vector<16xf32>
        %max3A_1096 = arith.constant 0.000000e+00 : f32
        %max3A_1097 = vector.broadcast %max3A_1096 : f32 to vector<16xf32>
        %max3A_1098 = arith.maximumf %add3A_1095, %max3A_1097 : vector<16xf32>
        %swap3A_1099 = arith.constant 1 : i32
        %swap3A_1100 = arith.index_cast %swap3A_1099 : i32 to index
        %swap3A_1101 = arith.index_cast %add3A_961 : i32 to index
        %swap3A_1102 = arith.constant 112 : index
        %swap3A_1103 = tpu.vector_load %arg9[%swap3A_1100, %swap3A_1101, %swap3A_1102] {strides = array<i32>} : memref<2x80x128xf32, #tpu.memory_space<vmem>>, vector<1x1x16xf32>,
        %swap3A_1104 = vector.shape_cast %swap3A_1103 : vector<1x1x16xf32> to vector<16xf32>
        %swap3A_1105 = vector.shape_cast %max3A_1098 : vector<16xf32> to vector<1x1x16xf32>
        tpu.vector_store %arg9[%swap3A_1100, %swap3A_1101, %swap3A_1102], %swap3A_1105 {strides = array<i32>} : memref<2x80x128xf32, #tpu.memory_space<vmem>>, vector<1x1x16xf32>,
        %scan3A_1106 = arith.constant 0 : i32
        scf.yield %scan3A_1106 : i32
      }
      %scan3A_494 = arith.constant 20 : i32
      %dma_start3A_495 = arith.constant 1 : i32
      %dma_start3A_496 = arith.constant 1 : i32
      %dma_start3A_497 = arith.constant 0 : i32
      %dma_start3A_498 = arith.constant 0 : i32
      %dma_start3A_499 = tpu.memref_slice %arg9[%dma_start3A_495, %dma_start3A_497, %dma_start3A_498] : memref<2x80x128xf32, #tpu.memory_space<vmem>> -> memref<1x80x128xf32, #tpu.memory_space<vmem>>
      %dma_start3A_500 = tpu.memref_squeeze %dma_start3A_499 : memref<1x80x128xf32, #tpu.memory_space<vmem>> -> memref<80x128xf32, #tpu.memory_space<vmem>>
      %dma_start3A_501 = arith.constant 0 : i32
      %dma_start3A_502 = tpu.memref_slice %arg7[%dma_start3A_496, %dma_start3A_501] : memref<2x80xi32, #tpu.memory_space<vmem>> -> memref<1x80xi32, #tpu.memory_space<vmem>>
      %dma_start3A_503 = tpu.memref_squeeze %dma_start3A_502 : memref<1x80xi32, #tpu.memory_space<vmem>> -> memref<80xi32, #tpu.memory_space<vmem>>
      %dma_start3A_504 = arith.constant 0 : i32
      %dma_start3A_505 = arith.constant 0 : i32
      %dma_start3A_506 = tpu.memref_slice %arg12[%dma_start3A_504, %dma_start3A_505] : memref<5128x128xf32, #tpu.memory_space<vmem_shared>> -> memref<5128x128xf32, #tpu.memory_space<vmem_shared>>
      tpu.enqueue_indirect_dma source(%dma_start3A_500 : memref<80x128xf32, #tpu.memory_space<vmem>>) target(%dma_start3A_506 : memref<5128x128xf32, #tpu.memory_space<vmem_shared>>) offsets(%dma_start3A_503 : memref<80xi32, #tpu.memory_space<vmem>>) semaphore(%arg18 : memref<!tpu.dma_semaphore, #tpu.memory_space<semaphore_mem>>) {add = true}
      %lt3A_507 = arith.constant 124 : i32
      %lt3A_508 = arith.cmpi slt, %scan3A_177, %lt3A_507 : i32
      %convert_element_type3A_509 = arith.extui %lt3A_508 : i1 to i32
      %cond3A_510 = arith.constant 0 : i32
      %cond3A_511 = arith.cmpi ne, %convert_element_type3A_509, %cond3A_510 : i32
      scf.if %cond3A_511 {
        %add3A_513 = arith.constant 2 : i32
        %add3A_514 = arith.addi %add3A_182, %add3A_513 : i32
        %mul3A_515 = arith.constant 80 : i32
        %mul3A_516 = arith.muli %add3A_514, %mul3A_515 : i32
        %add3A_517 = arith.addi %mul3A_0, %mul3A_516 : i32
        %dma_start3A_518 = arith.constant 1 : i32
        %dma_start3A_519 = arith.constant 0 : i32
        %dma_start3A_520 = tpu.memref_slice %arg6[%dma_start3A_518, %dma_start3A_519] : memref<2x80xi32, #tpu.memory_space<vmem>> -> memref<1x80xi32, #tpu.memory_space<vmem>>
        %dma_start3A_521 = tpu.memref_squeeze %dma_start3A_520 : memref<1x80xi32, #tpu.memory_space<vmem>> -> memref<80xi32, #tpu.memory_space<vmem>>
        %dma_start3A_522 = tpu.memref_slice %arg3[%add3A_517] : memref<320000xi32, #tpu.memory_space<hbm>> -> memref<80xi32, #tpu.memory_space<hbm>>
        %dma_start3A_523 = arith.constant 0 : i32
        %dma_start3A_524 = tpu.memref_slice %arg6[%dma_start3A_518, %dma_start3A_523] : memref<2x80xi32, #tpu.memory_space<vmem>> -> memref<1x80xi32, #tpu.memory_space<vmem>>
        %dma_start3A_525 = tpu.memref_squeeze %dma_start3A_524 : memref<1x80xi32, #tpu.memory_space<vmem>> -> memref<80xi32, #tpu.memory_space<vmem>>
        %dma_start3A_526 = tpu.memref_slice %arg3[%add3A_517] : memref<320000xi32, #tpu.memory_space<hbm>> -> memref<80xi32, #tpu.memory_space<hbm>>
        tpu.enqueue_dma source(%dma_start3A_526 : memref<80xi32, #tpu.memory_space<hbm>>) target(%dma_start3A_525 : memref<80xi32, #tpu.memory_space<vmem>>) target_semaphore(%arg14 : memref<!tpu.dma_semaphore, #tpu.memory_space<semaphore_mem>>)
        %dma_start3A_527 = arith.constant 1 : i32
        %dma_start3A_528 = arith.constant 0 : i32
        %dma_start3A_529 = arith.constant 0 : i32
        %dma_start3A_530 = tpu.memref_slice %arg8[%dma_start3A_527, %dma_start3A_528, %dma_start3A_529] : memref<2x80x128xf32, #tpu.memory_space<vmem>> -> memref<1x80x128xf32, #tpu.memory_space<vmem>>
        %dma_start3A_531 = tpu.memref_squeeze %dma_start3A_530 : memref<1x80x128xf32, #tpu.memory_space<vmem>> -> memref<80x128xf32, #tpu.memory_space<vmem>>
        %dma_start3A_532 = arith.constant 0 : i32
        %dma_start3A_533 = tpu.memref_slice %arg2[%add3A_517, %dma_start3A_532] : memref<320000x128xf32, #tpu.memory_space<hbm>> -> memref<80x128xf32, #tpu.memory_space<hbm>>
        %dma_start3A_534 = arith.constant 0 : i32
        %dma_start3A_535 = arith.constant 0 : i32
        %dma_start3A_536 = tpu.memref_slice %arg8[%dma_start3A_527, %dma_start3A_534, %dma_start3A_535] : memref<2x80x128xf32, #tpu.memory_space<vmem>> -> memref<1x80x128xf32, #tpu.memory_space<vmem>>
        %dma_start3A_537 = tpu.memref_squeeze %dma_start3A_536 : memref<1x80x128xf32, #tpu.memory_space<vmem>> -> memref<80x128xf32, #tpu.memory_space<vmem>>
        %dma_start3A_538 = arith.constant 0 : i32
        %dma_start3A_539 = tpu.memref_slice %arg2[%add3A_517, %dma_start3A_538] : memref<320000x128xf32, #tpu.memory_space<hbm>> -> memref<80x128xf32, #tpu.memory_space<hbm>>
        tpu.enqueue_dma source(%dma_start3A_539 : memref<80x128xf32, #tpu.memory_space<hbm>>) target(%dma_start3A_537 : memref<80x128xf32, #tpu.memory_space<vmem>>) target_semaphore(%arg16 : memref<!tpu.dma_semaphore, #tpu.memory_space<semaphore_mem>>)
      } else {
      }
      %scan3A_512 = arith.constant 0 : i32
      scf.yield %scan3A_512 : i32
    }
    %scan3A_142 = arith.constant 125 : i32
    %dma_wait3A = arith.constant 0 : i32
    %dma_wait3A_143 = arith.constant 0 : i32
    %dma_wait3A_144 = arith.constant 0 : i32
    %dma_wait3A_145 = tpu.memref_slice %arg9[%dma_wait3A, %dma_wait3A_143, %dma_wait3A_144] : memref<2x80x128xf32, #tpu.memory_space<vmem>> -> memref<1x80x128xf32, #tpu.memory_space<vmem>>
    %dma_wait3A_146 = tpu.memref_squeeze %dma_wait3A_145 : memref<1x80x128xf32, #tpu.memory_space<vmem>> -> memref<80x128xf32, #tpu.memory_space<vmem>>
    %dma_wait3A_147 = arith.constant 0 : i32
    %dma_wait3A_148 = arith.constant 0 : i32
    %dma_wait3A_149 = tpu.memref_slice %arg2[%dma_wait3A_147, %dma_wait3A_148] : memref<320000x128xf32, #tpu.memory_space<hbm>> -> memref<80x128xf32, #tpu.memory_space<hbm>>
    %dma_wait3A_150 = arith.constant 0 : i32
    %dma_wait3A_151 = arith.constant 0 : i32
    %dma_wait3A_152 = tpu.memref_slice %arg2[%dma_wait3A_150, %dma_wait3A_151] : memref<320000x128xf32, #tpu.memory_space<hbm>> -> memref<80x128xf32, #tpu.memory_space<hbm>>
    %dma_wait3A_153 = arith.constant 0 : i32
    %dma_wait3A_154 = arith.constant 0 : i32
    %dma_wait3A_155 = tpu.memref_slice %arg9[%dma_wait3A, %dma_wait3A_153, %dma_wait3A_154] : memref<2x80x128xf32, #tpu.memory_space<vmem>> -> memref<1x80x128xf32, #tpu.memory_space<vmem>>
    %dma_wait3A_156 = tpu.memref_squeeze %dma_wait3A_155 : memref<1x80x128xf32, #tpu.memory_space<vmem>> -> memref<80x128xf32, #tpu.memory_space<vmem>>
    tpu.wait_dma2 semaphore(%arg17 : memref<!tpu.dma_semaphore, #tpu.memory_space<semaphore_mem>>) src(%dma_wait3A_156 : memref<80x128xf32, #tpu.memory_space<vmem>>) dst(%dma_wait3A_152 : memref<80x128xf32, #tpu.memory_space<hbm>>)
    %dma_wait3A_157 = arith.constant 1 : i32
    %dma_wait3A_158 = arith.constant 0 : i32
    %dma_wait3A_159 = arith.constant 0 : i32
    %dma_wait3A_160 = tpu.memref_slice %arg9[%dma_wait3A_157, %dma_wait3A_158, %dma_wait3A_159] : memref<2x80x128xf32, #tpu.memory_space<vmem>> -> memref<1x80x128xf32, #tpu.memory_space<vmem>>
    %dma_wait3A_161 = tpu.memref_squeeze %dma_wait3A_160 : memref<1x80x128xf32, #tpu.memory_space<vmem>> -> memref<80x128xf32, #tpu.memory_space<vmem>>
    %dma_wait3A_162 = arith.constant 0 : i32
    %dma_wait3A_163 = arith.constant 0 : i32
    %dma_wait3A_164 = tpu.memref_slice %arg2[%dma_wait3A_162, %dma_wait3A_163] : memref<320000x128xf32, #tpu.memory_space<hbm>> -> memref<80x128xf32, #tpu.memory_space<hbm>>
    %dma_wait3A_165 = arith.constant 0 : i32
    %dma_wait3A_166 = arith.constant 0 : i32
    %dma_wait3A_167 = tpu.memref_slice %arg2[%dma_wait3A_165, %dma_wait3A_166] : memref<320000x128xf32, #tpu.memory_space<hbm>> -> memref<80x128xf32, #tpu.memory_space<hbm>>
    %dma_wait3A_168 = arith.constant 0 : i32
    %dma_wait3A_169 = arith.constant 0 : i32
    %dma_wait3A_170 = tpu.memref_slice %arg9[%dma_wait3A_157, %dma_wait3A_168, %dma_wait3A_169] : memref<2x80x128xf32, #tpu.memory_space<vmem>> -> memref<1x80x128xf32, #tpu.memory_space<vmem>>
    %dma_wait3A_171 = tpu.memref_squeeze %dma_wait3A_170 : memref<1x80x128xf32, #tpu.memory_space<vmem>> -> memref<80x128xf32, #tpu.memory_space<vmem>>
    tpu.wait_dma2 semaphore(%arg18 : memref<!tpu.dma_semaphore, #tpu.memory_space<semaphore_mem>>) src(%dma_wait3A_171 : memref<80x128xf32, #tpu.memory_space<vmem>>) dst(%dma_wait3A_167 : memref<80x128xf32, #tpu.memory_space<hbm>>)
    %barrier3A_172 = arith.constant 0 : index
    tpu.barrier barrier_id(%barrier3A_172)
    %mul3A_173 = arith.constant 320 : i32
    %mul3A_174 = arith.muli %arg1, %mul3A_173 : i32
    %mul3A_175 = arith.constant 320 : i32
    %mul3A_176 = arith.muli %arg1, %mul3A_175 : i32
    "tpu.region"() ({
      %run_scoped3A = tpu.sem_alloc : memref<!tpu.dma_semaphore, #tpu.memory_space<semaphore_mem>>
      %dma_start3A_177 = arith.constant 0 : i32
      %dma_start3A_178 = tpu.memref_slice %arg5[%arg0, %mul3A_176, %dma_start3A_177] : memref<2x5120x128xf32, #tpu.memory_space<hbm>> -> memref<1x320x128xf32, #tpu.memory_space<hbm>>
      %dma_start3A_179 = tpu.memref_squeeze %dma_start3A_178 : memref<1x320x128xf32, #tpu.memory_space<hbm>> -> memref<320x128xf32, #tpu.memory_space<hbm>>
      %dma_start3A_180 = arith.constant 0 : i32
      %dma_start3A_181 = tpu.memref_slice %arg12[%mul3A_174, %dma_start3A_180] : memref<5128x128xf32, #tpu.memory_space<vmem_shared>> -> memref<320x128xf32, #tpu.memory_space<vmem_shared>>
      tpu.enqueue_dma source(%dma_start3A_181 : memref<320x128xf32, #tpu.memory_space<vmem_shared>>) target(%dma_start3A_179 : memref<320x128xf32, #tpu.memory_space<hbm>>) target_semaphore(%run_scoped3A : memref<!tpu.dma_semaphore, #tpu.memory_space<semaphore_mem>>)
      %dma_wait3A_182 = arith.constant 0 : i32
      %dma_wait3A_183 = tpu.memref_slice %arg5[%arg0, %mul3A_176, %dma_wait3A_182] : memref<2x5120x128xf32, #tpu.memory_space<hbm>> -> memref<1x320x128xf32, #tpu.memory_space<hbm>>
      %dma_wait3A_184 = tpu.memref_squeeze %dma_wait3A_183 : memref<1x320x128xf32, #tpu.memory_space<hbm>> -> memref<320x128xf32, #tpu.memory_space<hbm>>
      %dma_wait3A_185 = arith.constant 0 : i32
      %dma_wait3A_186 = tpu.memref_slice %arg12[%mul3A_174, %dma_wait3A_185] : memref<5128x128xf32, #tpu.memory_space<vmem_shared>> -> memref<320x128xf32, #tpu.memory_space<vmem_shared>>
      tpu.wait_dma2 semaphore(%run_scoped3A : memref<!tpu.dma_semaphore, #tpu.memory_space<semaphore_mem>>) src(%dma_wait3A_186 : memref<320x128xf32, #tpu.memory_space<vmem_shared>>) dst(%dma_wait3A_184 : memref<320x128xf32, #tpu.memory_space<hbm>>)
      tpu.yield
    }) : () -> ()
    return
  }
}

#map = affine_map<(d0, d1) -> (0, 0)>
#map1 = affine_map<(d0, d1) -> (0)>
#map2 = affine_map<(d0, d1) -> (0, 0, 0)>
module attributes {stable_mosaic.version = 14 : i64} {
  func.func @_sc_gather_body(%arg0: i32, %arg1: i32, %arg2: memref<10000x128xf32, #tpu.memory_space<hbm>>, %arg3: memref<10000x128xf32, #tpu.memory_space<hbm>>, %arg4: memref<320000x128xf32, #tpu.memory_space<hbm>>, %arg5: memref<320000xi32, #tpu.memory_space<hbm>>, %arg6: memref<320000xi32, #tpu.memory_space<hbm>>, %arg7: memref<320000x128xf32, #tpu.memory_space<hbm>>, %arg8: memref<32x2x128xf32, #tpu.memory_space<hbm>>, %arg9: memref<2x40xi32, #tpu.memory_space<vmem>>, %arg10: memref<2x40xi32, #tpu.memory_space<vmem>>, %arg11: memref<2x40x128xf32, #tpu.memory_space<vmem>>, %arg12: memref<2x40x128xf32, #tpu.memory_space<vmem>>, %arg13: memref<2x40x128xf32, #tpu.memory_space<vmem>>, %arg14: memref<2x40x128xf32, #tpu.memory_space<vmem>>, %arg15: memref<2x128xf32, #tpu.memory_space<vmem>>, %arg16: memref<!tpu.dma_semaphore, #tpu.memory_space<semaphore_mem>>, %arg17: memref<!tpu.dma_semaphore, #tpu.memory_space<semaphore_mem>>, %arg18: memref<!tpu.dma_semaphore, #tpu.memory_space<semaphore_mem>>, %arg19: memref<!tpu.dma_semaphore, #tpu.memory_space<semaphore_mem>>, %arg20: memref<!tpu.dma_semaphore, #tpu.memory_space<semaphore_mem>>, %arg21: memref<!tpu.dma_semaphore, #tpu.memory_space<semaphore_mem>>) attributes {dimension_semantics = [#tpu.dimension_semantics<core_parallel>, #tpu.dimension_semantics<subcore_parallel>], iteration_bounds = array<i64: 2, 16>, scalar_prefetch = 0 : i64, scratch_operands = 13 : i64, tpu.core_type = #tpu.core_type<sc_vector_subcore>, window_params = [{transform_indices = #map}, {transform_indices = #map}, {transform_indices = #map}, {transform_indices = #map1}, {transform_indices = #map1}, {transform_indices = #map}, {transform_indices = #map2}]} {
    %mul3A = arith.constant 2 : i32
    %mul3A_0 = arith.muli %arg1, %mul3A : i32
    %add3A = arith.addi %mul3A_0, %arg0 : i32
    %mul3A_1 = arith.constant 10000 : i32
    %mul3A_2 = arith.muli %add3A, %mul3A_1 : i32
    %add3A_3 = arith.constant 0 : i32
    %add3A_4 = arith.addi %mul3A_2, %add3A_3 : i32
    %dma_start3A = arith.constant 0 : i32
    %dma_start3A_5 = arith.constant 0 : i32
    %dma_start3A_6 = tpu.memref_slice %arg9[%dma_start3A, %dma_start3A_5] : memref<2x40xi32, #tpu.memory_space<vmem>> -> memref<1x40xi32, #tpu.memory_space<vmem>>
    %dma_start3A_7 = tpu.memref_squeeze %dma_start3A_6 : memref<1x40xi32, #tpu.memory_space<vmem>> -> memref<40xi32, #tpu.memory_space<vmem>>
    %dma_start3A_8 = tpu.memref_slice %arg6[%add3A_4] : memref<320000xi32, #tpu.memory_space<hbm>> -> memref<40xi32, #tpu.memory_space<hbm>>
    %dma_start3A_9 = arith.constant 0 : i32
    %dma_start3A_10 = tpu.memref_slice %arg9[%dma_start3A, %dma_start3A_9] : memref<2x40xi32, #tpu.memory_space<vmem>> -> memref<1x40xi32, #tpu.memory_space<vmem>>
    %dma_start3A_11 = tpu.memref_squeeze %dma_start3A_10 : memref<1x40xi32, #tpu.memory_space<vmem>> -> memref<40xi32, #tpu.memory_space<vmem>>
    %dma_start3A_12 = tpu.memref_slice %arg6[%add3A_4] : memref<320000xi32, #tpu.memory_space<hbm>> -> memref<40xi32, #tpu.memory_space<hbm>>
    tpu.enqueue_dma source(%dma_start3A_12 : memref<40xi32, #tpu.memory_space<hbm>>) target(%dma_start3A_11 : memref<40xi32, #tpu.memory_space<vmem>>) target_semaphore(%arg16 : memref<!tpu.dma_semaphore, #tpu.memory_space<semaphore_mem>>)
    %dma_start3A_13 = arith.constant 0 : i32
    %dma_start3A_14 = arith.constant 0 : i32
    %dma_start3A_15 = tpu.memref_slice %arg10[%dma_start3A_13, %dma_start3A_14] : memref<2x40xi32, #tpu.memory_space<vmem>> -> memref<1x40xi32, #tpu.memory_space<vmem>>
    %dma_start3A_16 = tpu.memref_squeeze %dma_start3A_15 : memref<1x40xi32, #tpu.memory_space<vmem>> -> memref<40xi32, #tpu.memory_space<vmem>>
    %dma_start3A_17 = tpu.memref_slice %arg5[%add3A_4] : memref<320000xi32, #tpu.memory_space<hbm>> -> memref<40xi32, #tpu.memory_space<hbm>>
    %dma_start3A_18 = arith.constant 0 : i32
    %dma_start3A_19 = tpu.memref_slice %arg10[%dma_start3A_13, %dma_start3A_18] : memref<2x40xi32, #tpu.memory_space<vmem>> -> memref<1x40xi32, #tpu.memory_space<vmem>>
    %dma_start3A_20 = tpu.memref_squeeze %dma_start3A_19 : memref<1x40xi32, #tpu.memory_space<vmem>> -> memref<40xi32, #tpu.memory_space<vmem>>
    %dma_start3A_21 = tpu.memref_slice %arg5[%add3A_4] : memref<320000xi32, #tpu.memory_space<hbm>> -> memref<40xi32, #tpu.memory_space<hbm>>
    tpu.enqueue_dma source(%dma_start3A_21 : memref<40xi32, #tpu.memory_space<hbm>>) target(%dma_start3A_20 : memref<40xi32, #tpu.memory_space<vmem>>) target_semaphore(%arg16 : memref<!tpu.dma_semaphore, #tpu.memory_space<semaphore_mem>>)
    %add3A_22 = arith.constant 40 : i32
    %add3A_23 = arith.addi %mul3A_2, %add3A_22 : i32
    %dma_start3A_24 = arith.constant 1 : i32
    %dma_start3A_25 = arith.constant 0 : i32
    %dma_start3A_26 = tpu.memref_slice %arg9[%dma_start3A_24, %dma_start3A_25] : memref<2x40xi32, #tpu.memory_space<vmem>> -> memref<1x40xi32, #tpu.memory_space<vmem>>
    %dma_start3A_27 = tpu.memref_squeeze %dma_start3A_26 : memref<1x40xi32, #tpu.memory_space<vmem>> -> memref<40xi32, #tpu.memory_space<vmem>>
    %dma_start3A_28 = tpu.memref_slice %arg6[%add3A_23] : memref<320000xi32, #tpu.memory_space<hbm>> -> memref<40xi32, #tpu.memory_space<hbm>>
    %dma_start3A_29 = arith.constant 0 : i32
    %dma_start3A_30 = tpu.memref_slice %arg9[%dma_start3A_24, %dma_start3A_29] : memref<2x40xi32, #tpu.memory_space<vmem>> -> memref<1x40xi32, #tpu.memory_space<vmem>>
    %dma_start3A_31 = tpu.memref_squeeze %dma_start3A_30 : memref<1x40xi32, #tpu.memory_space<vmem>> -> memref<40xi32, #tpu.memory_space<vmem>>
    %dma_start3A_32 = tpu.memref_slice %arg6[%add3A_23] : memref<320000xi32, #tpu.memory_space<hbm>> -> memref<40xi32, #tpu.memory_space<hbm>>
    tpu.enqueue_dma source(%dma_start3A_32 : memref<40xi32, #tpu.memory_space<hbm>>) target(%dma_start3A_31 : memref<40xi32, #tpu.memory_space<vmem>>) target_semaphore(%arg17 : memref<!tpu.dma_semaphore, #tpu.memory_space<semaphore_mem>>)
    %dma_start3A_33 = arith.constant 1 : i32
    %dma_start3A_34 = arith.constant 0 : i32
    %dma_start3A_35 = tpu.memref_slice %arg10[%dma_start3A_33, %dma_start3A_34] : memref<2x40xi32, #tpu.memory_space<vmem>> -> memref<1x40xi32, #tpu.memory_space<vmem>>
    %dma_start3A_36 = tpu.memref_squeeze %dma_start3A_35 : memref<1x40xi32, #tpu.memory_space<vmem>> -> memref<40xi32, #tpu.memory_space<vmem>>
    %dma_start3A_37 = tpu.memref_slice %arg5[%add3A_23] : memref<320000xi32, #tpu.memory_space<hbm>> -> memref<40xi32, #tpu.memory_space<hbm>>
    %dma_start3A_38 = arith.constant 0 : i32
    %dma_start3A_39 = tpu.memref_slice %arg10[%dma_start3A_33, %dma_start3A_38] : memref<2x40xi32, #tpu.memory_space<vmem>> -> memref<1x40xi32, #tpu.memory_space<vmem>>
    %dma_start3A_40 = tpu.memref_squeeze %dma_start3A_39 : memref<1x40xi32, #tpu.memory_space<vmem>> -> memref<40xi32, #tpu.memory_space<vmem>>
    %dma_start3A_41 = tpu.memref_slice %arg5[%add3A_23] : memref<320000xi32, #tpu.memory_space<hbm>> -> memref<40xi32, #tpu.memory_space<hbm>>
    tpu.enqueue_dma source(%dma_start3A_41 : memref<40xi32, #tpu.memory_space<hbm>>) target(%dma_start3A_40 : memref<40xi32, #tpu.memory_space<vmem>>) target_semaphore(%arg17 : memref<!tpu.dma_semaphore, #tpu.memory_space<semaphore_mem>>)
    %dma_wait3A = arith.constant 0 : i32
    %dma_wait3A_42 = arith.constant 0 : i32
    %dma_wait3A_43 = tpu.memref_slice %arg9[%dma_wait3A, %dma_wait3A_42] : memref<2x40xi32, #tpu.memory_space<vmem>> -> memref<1x40xi32, #tpu.memory_space<vmem>>
    %dma_wait3A_44 = tpu.memref_squeeze %dma_wait3A_43 : memref<1x40xi32, #tpu.memory_space<vmem>> -> memref<40xi32, #tpu.memory_space<vmem>>
    %dma_wait3A_45 = arith.constant 0 : i32
    %dma_wait3A_46 = tpu.memref_slice %arg6[%dma_wait3A_45] : memref<320000xi32, #tpu.memory_space<hbm>> -> memref<40xi32, #tpu.memory_space<hbm>>
    %dma_wait3A_47 = arith.constant 0 : i32
    %dma_wait3A_48 = tpu.memref_slice %arg9[%dma_wait3A, %dma_wait3A_47] : memref<2x40xi32, #tpu.memory_space<vmem>> -> memref<1x40xi32, #tpu.memory_space<vmem>>
    %dma_wait3A_49 = tpu.memref_squeeze %dma_wait3A_48 : memref<1x40xi32, #tpu.memory_space<vmem>> -> memref<40xi32, #tpu.memory_space<vmem>>
    %dma_wait3A_50 = arith.constant 0 : i32
    %dma_wait3A_51 = tpu.memref_slice %arg6[%dma_wait3A_50] : memref<320000xi32, #tpu.memory_space<hbm>> -> memref<40xi32, #tpu.memory_space<hbm>>
    tpu.wait_dma2 semaphore(%arg16 : memref<!tpu.dma_semaphore, #tpu.memory_space<semaphore_mem>>) src(%dma_wait3A_51 : memref<40xi32, #tpu.memory_space<hbm>>) dst(%dma_wait3A_49 : memref<40xi32, #tpu.memory_space<vmem>>)
    %dma_wait3A_52 = arith.constant 0 : i32
    %dma_wait3A_53 = arith.constant 0 : i32
    %dma_wait3A_54 = tpu.memref_slice %arg10[%dma_wait3A_52, %dma_wait3A_53] : memref<2x40xi32, #tpu.memory_space<vmem>> -> memref<1x40xi32, #tpu.memory_space<vmem>>
    %dma_wait3A_55 = tpu.memref_squeeze %dma_wait3A_54 : memref<1x40xi32, #tpu.memory_space<vmem>> -> memref<40xi32, #tpu.memory_space<vmem>>
    %dma_wait3A_56 = arith.constant 0 : i32
    %dma_wait3A_57 = tpu.memref_slice %arg5[%dma_wait3A_56] : memref<320000xi32, #tpu.memory_space<hbm>> -> memref<40xi32, #tpu.memory_space<hbm>>
    %dma_wait3A_58 = arith.constant 0 : i32
    %dma_wait3A_59 = tpu.memref_slice %arg10[%dma_wait3A_52, %dma_wait3A_58] : memref<2x40xi32, #tpu.memory_space<vmem>> -> memref<1x40xi32, #tpu.memory_space<vmem>>
    %dma_wait3A_60 = tpu.memref_squeeze %dma_wait3A_59 : memref<1x40xi32, #tpu.memory_space<vmem>> -> memref<40xi32, #tpu.memory_space<vmem>>
    %dma_wait3A_61 = arith.constant 0 : i32
    %dma_wait3A_62 = tpu.memref_slice %arg5[%dma_wait3A_61] : memref<320000xi32, #tpu.memory_space<hbm>> -> memref<40xi32, #tpu.memory_space<hbm>>
    tpu.wait_dma2 semaphore(%arg16 : memref<!tpu.dma_semaphore, #tpu.memory_space<semaphore_mem>>) src(%dma_wait3A_62 : memref<40xi32, #tpu.memory_space<hbm>>) dst(%dma_wait3A_60 : memref<40xi32, #tpu.memory_space<vmem>>)
    %add3A_63 = arith.constant 0 : i32
    %add3A_64 = arith.addi %mul3A_2, %add3A_63 : i32
    %dma_start3A_65 = arith.constant 0 : i32
    %dma_start3A_66 = arith.constant 0 : i32
    %dma_start3A_67 = arith.constant 0 : i32
    %dma_start3A_68 = arith.constant 0 : i32
    %dma_start3A_69 = tpu.memref_slice %arg11[%dma_start3A_66, %dma_start3A_67, %dma_start3A_68] : memref<2x40x128xf32, #tpu.memory_space<vmem>> -> memref<1x40x128xf32, #tpu.memory_space<vmem>>
    %dma_start3A_70 = tpu.memref_squeeze %dma_start3A_69 : memref<1x40x128xf32, #tpu.memory_space<vmem>> -> memref<40x128xf32, #tpu.memory_space<vmem>>
    %dma_start3A_71 = arith.constant 0 : i32
    %dma_start3A_72 = tpu.memref_slice %arg9[%dma_start3A_65, %dma_start3A_71] : memref<2x40xi32, #tpu.memory_space<vmem>> -> memref<1x40xi32, #tpu.memory_space<vmem>>
    %dma_start3A_73 = tpu.memref_squeeze %dma_start3A_72 : memref<1x40xi32, #tpu.memory_space<vmem>> -> memref<40xi32, #tpu.memory_space<vmem>>
    %dma_start3A_74 = arith.constant 0 : i32
    %dma_start3A_75 = arith.constant 0 : i32
    %dma_start3A_76 = tpu.memref_slice %arg2[%dma_start3A_74, %dma_start3A_75] : memref<10000x128xf32, #tpu.memory_space<hbm>> -> memref<10000x128xf32, #tpu.memory_space<hbm>>
    tpu.enqueue_indirect_dma source(%dma_start3A_76 : memref<10000x128xf32, #tpu.memory_space<hbm>>) target(%dma_start3A_70 : memref<40x128xf32, #tpu.memory_space<vmem>>) offsets(%dma_start3A_73 : memref<40xi32, #tpu.memory_space<vmem>>) semaphore(%arg18 : memref<!tpu.dma_semaphore, #tpu.memory_space<semaphore_mem>>)
    %dma_start3A_77 = arith.constant 0 : i32
    %dma_start3A_78 = arith.constant 0 : i32
    %dma_start3A_79 = arith.constant 0 : i32
    %dma_start3A_80 = arith.constant 0 : i32
    %dma_start3A_81 = tpu.memref_slice %arg12[%dma_start3A_78, %dma_start3A_79, %dma_start3A_80] : memref<2x40x128xf32, #tpu.memory_space<vmem>> -> memref<1x40x128xf32, #tpu.memory_space<vmem>>
    %dma_start3A_82 = tpu.memref_squeeze %dma_start3A_81 : memref<1x40x128xf32, #tpu.memory_space<vmem>> -> memref<40x128xf32, #tpu.memory_space<vmem>>
    %dma_start3A_83 = arith.constant 0 : i32
    %dma_start3A_84 = tpu.memref_slice %arg10[%dma_start3A_77, %dma_start3A_83] : memref<2x40xi32, #tpu.memory_space<vmem>> -> memref<1x40xi32, #tpu.memory_space<vmem>>
    %dma_start3A_85 = tpu.memref_squeeze %dma_start3A_84 : memref<1x40xi32, #tpu.memory_space<vmem>> -> memref<40xi32, #tpu.memory_space<vmem>>
    %dma_start3A_86 = arith.constant 0 : i32
    %dma_start3A_87 = arith.constant 0 : i32
    %dma_start3A_88 = tpu.memref_slice %arg3[%dma_start3A_86, %dma_start3A_87] : memref<10000x128xf32, #tpu.memory_space<hbm>> -> memref<10000x128xf32, #tpu.memory_space<hbm>>
    tpu.enqueue_indirect_dma source(%dma_start3A_88 : memref<10000x128xf32, #tpu.memory_space<hbm>>) target(%dma_start3A_82 : memref<40x128xf32, #tpu.memory_space<vmem>>) offsets(%dma_start3A_85 : memref<40xi32, #tpu.memory_space<vmem>>) semaphore(%arg18 : memref<!tpu.dma_semaphore, #tpu.memory_space<semaphore_mem>>)
    %dma_start3A_89 = arith.constant 0 : i32
    %dma_start3A_90 = arith.constant 0 : i32
    %dma_start3A_91 = arith.constant 0 : i32
    %dma_start3A_92 = tpu.memref_slice %arg13[%dma_start3A_89, %dma_start3A_90, %dma_start3A_91] : memref<2x40x128xf32, #tpu.memory_space<vmem>> -> memref<1x40x128xf32, #tpu.memory_space<vmem>>
    %dma_start3A_93 = tpu.memref_squeeze %dma_start3A_92 : memref<1x40x128xf32, #tpu.memory_space<vmem>> -> memref<40x128xf32, #tpu.memory_space<vmem>>
    %dma_start3A_94 = arith.constant 0 : i32
    %dma_start3A_95 = tpu.memref_slice %arg4[%add3A_64, %dma_start3A_94] : memref<320000x128xf32, #tpu.memory_space<hbm>> -> memref<40x128xf32, #tpu.memory_space<hbm>>
    %dma_start3A_96 = arith.constant 0 : i32
    %dma_start3A_97 = arith.constant 0 : i32
    %dma_start3A_98 = tpu.memref_slice %arg13[%dma_start3A_89, %dma_start3A_96, %dma_start3A_97] : memref<2x40x128xf32, #tpu.memory_space<vmem>> -> memref<1x40x128xf32, #tpu.memory_space<vmem>>
    %dma_start3A_99 = tpu.memref_squeeze %dma_start3A_98 : memref<1x40x128xf32, #tpu.memory_space<vmem>> -> memref<40x128xf32, #tpu.memory_space<vmem>>
    %dma_start3A_100 = arith.constant 0 : i32
    %dma_start3A_101 = tpu.memref_slice %arg4[%add3A_64, %dma_start3A_100] : memref<320000x128xf32, #tpu.memory_space<hbm>> -> memref<40x128xf32, #tpu.memory_space<hbm>>
    tpu.enqueue_dma source(%dma_start3A_101 : memref<40x128xf32, #tpu.memory_space<hbm>>) target(%dma_start3A_99 : memref<40x128xf32, #tpu.memory_space<vmem>>) target_semaphore(%arg18 : memref<!tpu.dma_semaphore, #tpu.memory_space<semaphore_mem>>)
    %broadcast_in_dim3A = arith.constant 0.000000e+00 : f32
    %broadcast_in_dim3A_102 = vector.broadcast %broadcast_in_dim3A : f32 to vector<16xf32>
    %broadcast_in_dim3A_103 = arith.constant 0.000000e+00 : f32
    %broadcast_in_dim3A_104 = vector.broadcast %broadcast_in_dim3A_103 : f32 to vector<16xf32>
    %broadcast_in_dim3A_105 = arith.constant 0.000000e+00 : f32
    %broadcast_in_dim3A_106 = vector.broadcast %broadcast_in_dim3A_105 : f32 to vector<16xf32>
    %broadcast_in_dim3A_107 = arith.constant 0.000000e+00 : f32
    %broadcast_in_dim3A_108 = vector.broadcast %broadcast_in_dim3A_107 : f32 to vector<16xf32>
    %broadcast_in_dim3A_109 = arith.constant 0.000000e+00 : f32
    %broadcast_in_dim3A_110 = vector.broadcast %broadcast_in_dim3A_109 : f32 to vector<16xf32>
    %broadcast_in_dim3A_111 = arith.constant 0.000000e+00 : f32
    %broadcast_in_dim3A_112 = vector.broadcast %broadcast_in_dim3A_111 : f32 to vector<16xf32>
    %broadcast_in_dim3A_113 = arith.constant 0.000000e+00 : f32
    %broadcast_in_dim3A_114 = vector.broadcast %broadcast_in_dim3A_113 : f32 to vector<16xf32>
    %broadcast_in_dim3A_115 = arith.constant 0.000000e+00 : f32
    %broadcast_in_dim3A_116 = vector.broadcast %broadcast_in_dim3A_115 : f32 to vector<16xf32>
    %broadcast_in_dim3A_117 = arith.constant 0.000000e+00 : f32
    %broadcast_in_dim3A_118 = vector.broadcast %broadcast_in_dim3A_117 : f32 to vector<16xf32>
    %broadcast_in_dim3A_119 = arith.constant 0.000000e+00 : f32
    %broadcast_in_dim3A_120 = vector.broadcast %broadcast_in_dim3A_119 : f32 to vector<16xf32>
    %broadcast_in_dim3A_121 = arith.constant 0.000000e+00 : f32
    %broadcast_in_dim3A_122 = vector.broadcast %broadcast_in_dim3A_121 : f32 to vector<16xf32>
    %broadcast_in_dim3A_123 = arith.constant 0.000000e+00 : f32
    %broadcast_in_dim3A_124 = vector.broadcast %broadcast_in_dim3A_123 : f32 to vector<16xf32>
    %broadcast_in_dim3A_125 = arith.constant 0.000000e+00 : f32
    %broadcast_in_dim3A_126 = vector.broadcast %broadcast_in_dim3A_125 : f32 to vector<16xf32>
    %broadcast_in_dim3A_127 = arith.constant 0.000000e+00 : f32
    %broadcast_in_dim3A_128 = vector.broadcast %broadcast_in_dim3A_127 : f32 to vector<16xf32>
    %broadcast_in_dim3A_129 = arith.constant 0.000000e+00 : f32
    %broadcast_in_dim3A_130 = vector.broadcast %broadcast_in_dim3A_129 : f32 to vector<16xf32>
    %broadcast_in_dim3A_131 = arith.constant 0.000000e+00 : f32
    %broadcast_in_dim3A_132 = vector.broadcast %broadcast_in_dim3A_131 : f32 to vector<16xf32>
    %scan3A = arith.constant 0 : i32
    %scan3A_133 = arith.constant 125 : i32
    %scan3A_134 = arith.addi %scan3A, %scan3A_133 : i32
    %scan3A_135 = arith.constant 1 : i32
    %scan3A_136:16 = scf.for %scan3A_263 = %scan3A to %scan3A_134 step %scan3A_135 iter_args(%scan3A_264 = %broadcast_in_dim3A_102, %scan3A_265 = %broadcast_in_dim3A_104, %scan3A_266 = %broadcast_in_dim3A_106, %scan3A_267 = %broadcast_in_dim3A_108, %scan3A_268 = %broadcast_in_dim3A_110, %scan3A_269 = %broadcast_in_dim3A_112, %scan3A_270 = %broadcast_in_dim3A_114, %scan3A_271 = %broadcast_in_dim3A_116, %scan3A_272 = %broadcast_in_dim3A_118, %scan3A_273 = %broadcast_in_dim3A_120, %scan3A_274 = %broadcast_in_dim3A_122, %scan3A_275 = %broadcast_in_dim3A_124, %scan3A_276 = %broadcast_in_dim3A_126, %scan3A_277 = %broadcast_in_dim3A_128, %scan3A_278 = %broadcast_in_dim3A_130, %scan3A_279 = %broadcast_in_dim3A_132) -> (vector<16xf32>, vector<16xf32>, vector<16xf32>, vector<16xf32>, vector<16xf32>, vector<16xf32>, vector<16xf32>, vector<16xf32>, vector<16xf32>, vector<16xf32>, vector<16xf32>, vector<16xf32>, vector<16xf32>, vector<16xf32>, vector<16xf32>, vector<16xf32>)  : i32 {
      %mul3A_280 = arith.constant 2 : i32
      %mul3A_281 = arith.muli %mul3A_280, %scan3A_263 : i32
      %dma_wait3A_282 = arith.constant 1 : i32
      %dma_wait3A_283 = arith.constant 0 : i32
      %dma_wait3A_284 = tpu.memref_slice %arg9[%dma_wait3A_282, %dma_wait3A_283] : memref<2x40xi32, #tpu.memory_space<vmem>> -> memref<1x40xi32, #tpu.memory_space<vmem>>
      %dma_wait3A_285 = tpu.memref_squeeze %dma_wait3A_284 : memref<1x40xi32, #tpu.memory_space<vmem>> -> memref<40xi32, #tpu.memory_space<vmem>>
      %dma_wait3A_286 = arith.constant 0 : i32
      %dma_wait3A_287 = tpu.memref_slice %arg6[%dma_wait3A_286] : memref<320000xi32, #tpu.memory_space<hbm>> -> memref<40xi32, #tpu.memory_space<hbm>>
      %dma_wait3A_288 = arith.constant 0 : i32
      %dma_wait3A_289 = tpu.memref_slice %arg9[%dma_wait3A_282, %dma_wait3A_288] : memref<2x40xi32, #tpu.memory_space<vmem>> -> memref<1x40xi32, #tpu.memory_space<vmem>>
      %dma_wait3A_290 = tpu.memref_squeeze %dma_wait3A_289 : memref<1x40xi32, #tpu.memory_space<vmem>> -> memref<40xi32, #tpu.memory_space<vmem>>
      %dma_wait3A_291 = arith.constant 0 : i32
      %dma_wait3A_292 = tpu.memref_slice %arg6[%dma_wait3A_291] : memref<320000xi32, #tpu.memory_space<hbm>> -> memref<40xi32, #tpu.memory_space<hbm>>
      tpu.wait_dma2 semaphore(%arg17 : memref<!tpu.dma_semaphore, #tpu.memory_space<semaphore_mem>>) src(%dma_wait3A_292 : memref<40xi32, #tpu.memory_space<hbm>>) dst(%dma_wait3A_290 : memref<40xi32, #tpu.memory_space<vmem>>)
      %dma_wait3A_293 = arith.constant 1 : i32
      %dma_wait3A_294 = arith.constant 0 : i32
      %dma_wait3A_295 = tpu.memref_slice %arg10[%dma_wait3A_293, %dma_wait3A_294] : memref<2x40xi32, #tpu.memory_space<vmem>> -> memref<1x40xi32, #tpu.memory_space<vmem>>
      %dma_wait3A_296 = tpu.memref_squeeze %dma_wait3A_295 : memref<1x40xi32, #tpu.memory_space<vmem>> -> memref<40xi32, #tpu.memory_space<vmem>>
      %dma_wait3A_297 = arith.constant 0 : i32
      %dma_wait3A_298 = tpu.memref_slice %arg5[%dma_wait3A_297] : memref<320000xi32, #tpu.memory_space<hbm>> -> memref<40xi32, #tpu.memory_space<hbm>>
      %dma_wait3A_299 = arith.constant 0 : i32
      %dma_wait3A_300 = tpu.memref_slice %arg10[%dma_wait3A_293, %dma_wait3A_299] : memref<2x40xi32, #tpu.memory_space<vmem>> -> memref<1x40xi32, #tpu.memory_space<vmem>>
      %dma_wait3A_301 = tpu.memref_squeeze %dma_wait3A_300 : memref<1x40xi32, #tpu.memory_space<vmem>> -> memref<40xi32, #tpu.memory_space<vmem>>
      %dma_wait3A_302 = arith.constant 0 : i32
      %dma_wait3A_303 = tpu.memref_slice %arg5[%dma_wait3A_302] : memref<320000xi32, #tpu.memory_space<hbm>> -> memref<40xi32, #tpu.memory_space<hbm>>
      tpu.wait_dma2 semaphore(%arg17 : memref<!tpu.dma_semaphore, #tpu.memory_space<semaphore_mem>>) src(%dma_wait3A_303 : memref<40xi32, #tpu.memory_space<hbm>>) dst(%dma_wait3A_301 : memref<40xi32, #tpu.memory_space<vmem>>)
      %add3A_304 = arith.constant 1 : i32
      %add3A_305 = arith.addi %mul3A_281, %add3A_304 : i32
      %mul3A_306 = arith.constant 40 : i32
      %mul3A_307 = arith.muli %add3A_305, %mul3A_306 : i32
      %add3A_308 = arith.addi %mul3A_2, %mul3A_307 : i32
      %dma_start3A_309 = arith.constant 1 : i32
      %dma_start3A_310 = arith.constant 1 : i32
      %dma_start3A_311 = arith.constant 0 : i32
      %dma_start3A_312 = arith.constant 0 : i32
      %dma_start3A_313 = tpu.memref_slice %arg11[%dma_start3A_310, %dma_start3A_311, %dma_start3A_312] : memref<2x40x128xf32, #tpu.memory_space<vmem>> -> memref<1x40x128xf32, #tpu.memory_space<vmem>>
      %dma_start3A_314 = tpu.memref_squeeze %dma_start3A_313 : memref<1x40x128xf32, #tpu.memory_space<vmem>> -> memref<40x128xf32, #tpu.memory_space<vmem>>
      %dma_start3A_315 = arith.constant 0 : i32
      %dma_start3A_316 = tpu.memref_slice %arg9[%dma_start3A_309, %dma_start3A_315] : memref<2x40xi32, #tpu.memory_space<vmem>> -> memref<1x40xi32, #tpu.memory_space<vmem>>
      %dma_start3A_317 = tpu.memref_squeeze %dma_start3A_316 : memref<1x40xi32, #tpu.memory_space<vmem>> -> memref<40xi32, #tpu.memory_space<vmem>>
      %dma_start3A_318 = arith.constant 0 : i32
      %dma_start3A_319 = arith.constant 0 : i32
      %dma_start3A_320 = tpu.memref_slice %arg2[%dma_start3A_318, %dma_start3A_319] : memref<10000x128xf32, #tpu.memory_space<hbm>> -> memref<10000x128xf32, #tpu.memory_space<hbm>>
      tpu.enqueue_indirect_dma source(%dma_start3A_320 : memref<10000x128xf32, #tpu.memory_space<hbm>>) target(%dma_start3A_314 : memref<40x128xf32, #tpu.memory_space<vmem>>) offsets(%dma_start3A_317 : memref<40xi32, #tpu.memory_space<vmem>>) semaphore(%arg19 : memref<!tpu.dma_semaphore, #tpu.memory_space<semaphore_mem>>)
      %dma_start3A_321 = arith.constant 1 : i32
      %dma_start3A_322 = arith.constant 1 : i32
      %dma_start3A_323 = arith.constant 0 : i32
      %dma_start3A_324 = arith.constant 0 : i32
      %dma_start3A_325 = tpu.memref_slice %arg12[%dma_start3A_322, %dma_start3A_323, %dma_start3A_324] : memref<2x40x128xf32, #tpu.memory_space<vmem>> -> memref<1x40x128xf32, #tpu.memory_space<vmem>>
      %dma_start3A_326 = tpu.memref_squeeze %dma_start3A_325 : memref<1x40x128xf32, #tpu.memory_space<vmem>> -> memref<40x128xf32, #tpu.memory_space<vmem>>
      %dma_start3A_327 = arith.constant 0 : i32
      %dma_start3A_328 = tpu.memref_slice %arg10[%dma_start3A_321, %dma_start3A_327] : memref<2x40xi32, #tpu.memory_space<vmem>> -> memref<1x40xi32, #tpu.memory_space<vmem>>
      %dma_start3A_329 = tpu.memref_squeeze %dma_start3A_328 : memref<1x40xi32, #tpu.memory_space<vmem>> -> memref<40xi32, #tpu.memory_space<vmem>>
      %dma_start3A_330 = arith.constant 0 : i32
      %dma_start3A_331 = arith.constant 0 : i32
      %dma_start3A_332 = tpu.memref_slice %arg3[%dma_start3A_330, %dma_start3A_331] : memref<10000x128xf32, #tpu.memory_space<hbm>> -> memref<10000x128xf32, #tpu.memory_space<hbm>>
      tpu.enqueue_indirect_dma source(%dma_start3A_332 : memref<10000x128xf32, #tpu.memory_space<hbm>>) target(%dma_start3A_326 : memref<40x128xf32, #tpu.memory_space<vmem>>) offsets(%dma_start3A_329 : memref<40xi32, #tpu.memory_space<vmem>>) semaphore(%arg19 : memref<!tpu.dma_semaphore, #tpu.memory_space<semaphore_mem>>)
      %dma_start3A_333 = arith.constant 1 : i32
      %dma_start3A_334 = arith.constant 0 : i32
      %dma_start3A_335 = arith.constant 0 : i32
      %dma_start3A_336 = tpu.memref_slice %arg13[%dma_start3A_333, %dma_start3A_334, %dma_start3A_335] : memref<2x40x128xf32, #tpu.memory_space<vmem>> -> memref<1x40x128xf32, #tpu.memory_space<vmem>>
      %dma_start3A_337 = tpu.memref_squeeze %dma_start3A_336 : memref<1x40x128xf32, #tpu.memory_space<vmem>> -> memref<40x128xf32, #tpu.memory_space<vmem>>
      %dma_start3A_338 = arith.constant 0 : i32
      %dma_start3A_339 = tpu.memref_slice %arg4[%add3A_308, %dma_start3A_338] : memref<320000x128xf32, #tpu.memory_space<hbm>> -> memref<40x128xf32, #tpu.memory_space<hbm>>
      %dma_start3A_340 = arith.constant 0 : i32
      %dma_start3A_341 = arith.constant 0 : i32
      %dma_start3A_342 = tpu.memref_slice %arg13[%dma_start3A_333, %dma_start3A_340, %dma_start3A_341] : memref<2x40x128xf32, #tpu.memory_space<vmem>> -> memref<1x40x128xf32, #tpu.memory_space<vmem>>
      %dma_start3A_343 = tpu.memref_squeeze %dma_start3A_342 : memref<1x40x128xf32, #tpu.memory_space<vmem>> -> memref<40x128xf32, #tpu.memory_space<vmem>>
      %dma_start3A_344 = arith.constant 0 : i32
      %dma_start3A_345 = tpu.memref_slice %arg4[%add3A_308, %dma_start3A_344] : memref<320000x128xf32, #tpu.memory_space<hbm>> -> memref<40x128xf32, #tpu.memory_space<hbm>>
      tpu.enqueue_dma source(%dma_start3A_345 : memref<40x128xf32, #tpu.memory_space<hbm>>) target(%dma_start3A_343 : memref<40x128xf32, #tpu.memory_space<vmem>>) target_semaphore(%arg19 : memref<!tpu.dma_semaphore, #tpu.memory_space<semaphore_mem>>)
      %gt3A = arith.constant 0 : i32
      %gt3A_346 = arith.cmpi sgt, %scan3A_263, %gt3A : i32
      %convert_element_type3A = arith.extui %gt3A_346 : i1 to i32
      %cond3A = arith.constant 0 : i32
      %cond3A_347 = arith.cmpi ne, %convert_element_type3A, %cond3A : i32
      scf.if %cond3A_347 {
        %dma_wait3A_498 = arith.constant 0 : i32
        %dma_wait3A_499 = arith.constant 0 : i32
        %dma_wait3A_500 = arith.constant 0 : i32
        %dma_wait3A_501 = tpu.memref_slice %arg14[%dma_wait3A_498, %dma_wait3A_499, %dma_wait3A_500] : memref<2x40x128xf32, #tpu.memory_space<vmem>> -> memref<1x40x128xf32, #tpu.memory_space<vmem>>
        %dma_wait3A_502 = tpu.memref_squeeze %dma_wait3A_501 : memref<1x40x128xf32, #tpu.memory_space<vmem>> -> memref<40x128xf32, #tpu.memory_space<vmem>>
        %dma_wait3A_503 = arith.constant 0 : i32
        %dma_wait3A_504 = arith.constant 0 : i32
        %dma_wait3A_505 = tpu.memref_slice %arg7[%dma_wait3A_503, %dma_wait3A_504] : memref<320000x128xf32, #tpu.memory_space<hbm>> -> memref<40x128xf32, #tpu.memory_space<hbm>>
        %dma_wait3A_506 = arith.constant 0 : i32
        %dma_wait3A_507 = arith.constant 0 : i32
        %dma_wait3A_508 = tpu.memref_slice %arg7[%dma_wait3A_506, %dma_wait3A_507] : memref<320000x128xf32, #tpu.memory_space<hbm>> -> memref<40x128xf32, #tpu.memory_space<hbm>>
        %dma_wait3A_509 = arith.constant 0 : i32
        %dma_wait3A_510 = arith.constant 0 : i32
        %dma_wait3A_511 = tpu.memref_slice %arg14[%dma_wait3A_498, %dma_wait3A_509, %dma_wait3A_510] : memref<2x40x128xf32, #tpu.memory_space<vmem>> -> memref<1x40x128xf32, #tpu.memory_space<vmem>>
        %dma_wait3A_512 = tpu.memref_squeeze %dma_wait3A_511 : memref<1x40x128xf32, #tpu.memory_space<vmem>> -> memref<40x128xf32, #tpu.memory_space<vmem>>
        tpu.wait_dma2 semaphore(%arg20 : memref<!tpu.dma_semaphore, #tpu.memory_space<semaphore_mem>>) src(%dma_wait3A_512 : memref<40x128xf32, #tpu.memory_space<vmem>>) dst(%dma_wait3A_508 : memref<40x128xf32, #tpu.memory_space<hbm>>)
      } else {
      }
      %dma_wait3A_348 = arith.constant 0 : i32
      %dma_wait3A_349 = arith.constant 0 : i32
      %dma_wait3A_350 = arith.constant 0 : i32
      %dma_wait3A_351 = tpu.memref_slice %arg11[%dma_wait3A_348, %dma_wait3A_349, %dma_wait3A_350] : memref<2x40x128xf32, #tpu.memory_space<vmem>> -> memref<1x40x128xf32, #tpu.memory_space<vmem>>
      %dma_wait3A_352 = tpu.memref_squeeze %dma_wait3A_351 : memref<1x40x128xf32, #tpu.memory_space<vmem>> -> memref<40x128xf32, #tpu.memory_space<vmem>>
      %dma_wait3A_353 = arith.constant 0 : i32
      %dma_wait3A_354 = arith.constant 0 : i32
      %dma_wait3A_355 = tpu.memref_slice %arg3[%dma_wait3A_353, %dma_wait3A_354] : memref<10000x128xf32, #tpu.memory_space<hbm>> -> memref<40x128xf32, #tpu.memory_space<hbm>>
      %dma_wait3A_356 = arith.constant 0 : i32
      %dma_wait3A_357 = arith.constant 0 : i32
      %dma_wait3A_358 = tpu.memref_slice %arg11[%dma_wait3A_348, %dma_wait3A_356, %dma_wait3A_357] : memref<2x40x128xf32, #tpu.memory_space<vmem>> -> memref<1x40x128xf32, #tpu.memory_space<vmem>>
      %dma_wait3A_359 = tpu.memref_squeeze %dma_wait3A_358 : memref<1x40x128xf32, #tpu.memory_space<vmem>> -> memref<40x128xf32, #tpu.memory_space<vmem>>
      %dma_wait3A_360 = arith.constant 0 : i32
      %dma_wait3A_361 = arith.constant 0 : i32
      %dma_wait3A_362 = tpu.memref_slice %arg3[%dma_wait3A_360, %dma_wait3A_361] : memref<10000x128xf32, #tpu.memory_space<hbm>> -> memref<40x128xf32, #tpu.memory_space<hbm>>
      tpu.wait_dma2 semaphore(%arg18 : memref<!tpu.dma_semaphore, #tpu.memory_space<semaphore_mem>>) src(%dma_wait3A_362 : memref<40x128xf32, #tpu.memory_space<hbm>>) dst(%dma_wait3A_359 : memref<40x128xf32, #tpu.memory_space<vmem>>)
      %dma_wait3A_363 = arith.constant 0 : i32
      %dma_wait3A_364 = arith.constant 0 : i32
      %dma_wait3A_365 = arith.constant 0 : i32
      %dma_wait3A_366 = tpu.memref_slice %arg12[%dma_wait3A_363, %dma_wait3A_364, %dma_wait3A_365] : memref<2x40x128xf32, #tpu.memory_space<vmem>> -> memref<1x40x128xf32, #tpu.memory_space<vmem>>
      %dma_wait3A_367 = tpu.memref_squeeze %dma_wait3A_366 : memref<1x40x128xf32, #tpu.memory_space<vmem>> -> memref<40x128xf32, #tpu.memory_space<vmem>>
      %dma_wait3A_368 = arith.constant 0 : i32
      %dma_wait3A_369 = arith.constant 0 : i32
      %dma_wait3A_370 = tpu.memref_slice %arg3[%dma_wait3A_368, %dma_wait3A_369] : memref<10000x128xf32, #tpu.memory_space<hbm>> -> memref<40x128xf32, #tpu.memory_space<hbm>>
      %dma_wait3A_371 = arith.constant 0 : i32
      %dma_wait3A_372 = arith.constant 0 : i32
      %dma_wait3A_373 = tpu.memref_slice %arg12[%dma_wait3A_363, %dma_wait3A_371, %dma_wait3A_372] : memref<2x40x128xf32, #tpu.memory_space<vmem>> -> memref<1x40x128xf32, #tpu.memory_space<vmem>>
      %dma_wait3A_374 = tpu.memref_squeeze %dma_wait3A_373 : memref<1x40x128xf32, #tpu.memory_space<vmem>> -> memref<40x128xf32, #tpu.memory_space<vmem>>
      %dma_wait3A_375 = arith.constant 0 : i32
      %dma_wait3A_376 = arith.constant 0 : i32
      %dma_wait3A_377 = tpu.memref_slice %arg3[%dma_wait3A_375, %dma_wait3A_376] : memref<10000x128xf32, #tpu.memory_space<hbm>> -> memref<40x128xf32, #tpu.memory_space<hbm>>
      tpu.wait_dma2 semaphore(%arg18 : memref<!tpu.dma_semaphore, #tpu.memory_space<semaphore_mem>>) src(%dma_wait3A_377 : memref<40x128xf32, #tpu.memory_space<hbm>>) dst(%dma_wait3A_374 : memref<40x128xf32, #tpu.memory_space<vmem>>)
      %dma_wait3A_378 = arith.constant 0 : i32
      %dma_wait3A_379 = arith.constant 0 : i32
      %dma_wait3A_380 = arith.constant 0 : i32
      %dma_wait3A_381 = tpu.memref_slice %arg13[%dma_wait3A_378, %dma_wait3A_379, %dma_wait3A_380] : memref<2x40x128xf32, #tpu.memory_space<vmem>> -> memref<1x40x128xf32, #tpu.memory_space<vmem>>
      %dma_wait3A_382 = tpu.memref_squeeze %dma_wait3A_381 : memref<1x40x128xf32, #tpu.memory_space<vmem>> -> memref<40x128xf32, #tpu.memory_space<vmem>>
      %dma_wait3A_383 = arith.constant 0 : i32
      %dma_wait3A_384 = arith.constant 0 : i32
      %dma_wait3A_385 = tpu.memref_slice %arg4[%dma_wait3A_383, %dma_wait3A_384] : memref<320000x128xf32, #tpu.memory_space<hbm>> -> memref<40x128xf32, #tpu.memory_space<hbm>>
      %dma_wait3A_386 = arith.constant 0 : i32
      %dma_wait3A_387 = arith.constant 0 : i32
      %dma_wait3A_388 = tpu.memref_slice %arg13[%dma_wait3A_378, %dma_wait3A_386, %dma_wait3A_387] : memref<2x40x128xf32, #tpu.memory_space<vmem>> -> memref<1x40x128xf32, #tpu.memory_space<vmem>>
      %dma_wait3A_389 = tpu.memref_squeeze %dma_wait3A_388 : memref<1x40x128xf32, #tpu.memory_space<vmem>> -> memref<40x128xf32, #tpu.memory_space<vmem>>
      %dma_wait3A_390 = arith.constant 0 : i32
      %dma_wait3A_391 = arith.constant 0 : i32
      %dma_wait3A_392 = tpu.memref_slice %arg4[%dma_wait3A_390, %dma_wait3A_391] : memref<320000x128xf32, #tpu.memory_space<hbm>> -> memref<40x128xf32, #tpu.memory_space<hbm>>
      tpu.wait_dma2 semaphore(%arg18 : memref<!tpu.dma_semaphore, #tpu.memory_space<semaphore_mem>>) src(%dma_wait3A_392 : memref<40x128xf32, #tpu.memory_space<hbm>>) dst(%dma_wait3A_389 : memref<40x128xf32, #tpu.memory_space<vmem>>)
      %scan3A_393 = arith.constant 0 : i32
      %scan3A_394 = arith.constant 40 : i32
      %scan3A_395 = arith.addi %scan3A_393, %scan3A_394 : i32
      %scan3A_396 = arith.constant 1 : i32
      %scan3A_397:16 = scf.for %scan3A_498 = %scan3A_393 to %scan3A_395 step %scan3A_396 iter_args(%scan3A_499 = %scan3A_264, %scan3A_500 = %scan3A_265, %scan3A_501 = %scan3A_266, %scan3A_502 = %scan3A_267, %scan3A_503 = %scan3A_268, %scan3A_504 = %scan3A_269, %scan3A_505 = %scan3A_270, %scan3A_506 = %scan3A_271, %scan3A_507 = %scan3A_272, %scan3A_508 = %scan3A_273, %scan3A_509 = %scan3A_274, %scan3A_510 = %scan3A_275, %scan3A_511 = %scan3A_276, %scan3A_512 = %scan3A_277, %scan3A_513 = %scan3A_278, %scan3A_514 = %scan3A_279) -> (vector<16xf32>, vector<16xf32>, vector<16xf32>, vector<16xf32>, vector<16xf32>, vector<16xf32>, vector<16xf32>, vector<16xf32>, vector<16xf32>, vector<16xf32>, vector<16xf32>, vector<16xf32>, vector<16xf32>, vector<16xf32>, vector<16xf32>, vector<16xf32>)  : i32 {
        %get3A = arith.constant 0 : i32
        %get3A_515 = arith.index_cast %get3A : i32 to index
        %get3A_516 = arith.index_cast %scan3A_498 : i32 to index
        %get3A_517 = arith.constant 0 : index
        %get3A_518 = tpu.vector_load %arg11[%get3A_515, %get3A_516, %get3A_517] {strides = array<i32>} : memref<2x40x128xf32, #tpu.memory_space<vmem>>, vector<1x1x16xf32>,
        %get3A_519 = vector.shape_cast %get3A_518 : vector<1x1x16xf32> to vector<16xf32>
        %get3A_520 = arith.constant 0 : i32
        %get3A_521 = arith.index_cast %get3A_520 : i32 to index
        %get3A_522 = arith.index_cast %scan3A_498 : i32 to index
        %get3A_523 = arith.constant 0 : index
        %get3A_524 = tpu.vector_load %arg12[%get3A_521, %get3A_522, %get3A_523] {strides = array<i32>} : memref<2x40x128xf32, #tpu.memory_space<vmem>>, vector<1x1x16xf32>,
        %get3A_525 = vector.shape_cast %get3A_524 : vector<1x1x16xf32> to vector<16xf32>
        %add3A_526 = arith.addf %get3A_519, %get3A_525 : vector<16xf32>
        %get3A_527 = arith.constant 0 : i32
        %get3A_528 = arith.index_cast %get3A_527 : i32 to index
        %get3A_529 = arith.index_cast %scan3A_498 : i32 to index
        %get3A_530 = arith.constant 0 : index
        %get3A_531 = tpu.vector_load %arg13[%get3A_528, %get3A_529, %get3A_530] {strides = array<i32>} : memref<2x40x128xf32, #tpu.memory_space<vmem>>, vector<1x1x16xf32>,
        %get3A_532 = vector.shape_cast %get3A_531 : vector<1x1x16xf32> to vector<16xf32>
        %add3A_533 = arith.addf %add3A_526, %get3A_532 : vector<16xf32>
        %swap3A_534 = arith.constant 0 : i32
        %swap3A_535 = arith.index_cast %swap3A_534 : i32 to index
        %swap3A_536 = arith.index_cast %scan3A_498 : i32 to index
        %swap3A_537 = arith.constant 0 : index
        %swap3A_538 = tpu.vector_load %arg14[%swap3A_535, %swap3A_536, %swap3A_537] {strides = array<i32>} : memref<2x40x128xf32, #tpu.memory_space<vmem>>, vector<1x1x16xf32>,
        %swap3A_539 = vector.shape_cast %swap3A_538 : vector<1x1x16xf32> to vector<16xf32>
        %swap3A_540 = vector.shape_cast %add3A_533 : vector<16xf32> to vector<1x1x16xf32>
        tpu.vector_store %arg14[%swap3A_535, %swap3A_536, %swap3A_537], %swap3A_540 {strides = array<i32>} : memref<2x40x128xf32, #tpu.memory_space<vmem>>, vector<1x1x16xf32>,
        %add3A_541 = arith.addf %scan3A_499, %add3A_533 : vector<16xf32>
        %mul3A_542 = arith.mulf %add3A_533, %add3A_533 : vector<16xf32>
        %add3A_543 = arith.addf %scan3A_507, %mul3A_542 : vector<16xf32>
        %get3A_544 = arith.constant 0 : i32
        %get3A_545 = arith.index_cast %get3A_544 : i32 to index
        %get3A_546 = arith.index_cast %scan3A_498 : i32 to index
        %get3A_547 = arith.constant 16 : index
        %get3A_548 = tpu.vector_load %arg11[%get3A_545, %get3A_546, %get3A_547] {strides = array<i32>} : memref<2x40x128xf32, #tpu.memory_space<vmem>>, vector<1x1x16xf32>,
        %get3A_549 = vector.shape_cast %get3A_548 : vector<1x1x16xf32> to vector<16xf32>
        %get3A_550 = arith.constant 0 : i32
        %get3A_551 = arith.index_cast %get3A_550 : i32 to index
        %get3A_552 = arith.index_cast %scan3A_498 : i32 to index
        %get3A_553 = arith.constant 16 : index
        %get3A_554 = tpu.vector_load %arg12[%get3A_551, %get3A_552, %get3A_553] {strides = array<i32>} : memref<2x40x128xf32, #tpu.memory_space<vmem>>, vector<1x1x16xf32>,
        %get3A_555 = vector.shape_cast %get3A_554 : vector<1x1x16xf32> to vector<16xf32>
        %add3A_556 = arith.addf %get3A_549, %get3A_555 : vector<16xf32>
        %get3A_557 = arith.constant 0 : i32
        %get3A_558 = arith.index_cast %get3A_557 : i32 to index
        %get3A_559 = arith.index_cast %scan3A_498 : i32 to index
        %get3A_560 = arith.constant 16 : index
        %get3A_561 = tpu.vector_load %arg13[%get3A_558, %get3A_559, %get3A_560] {strides = array<i32>} : memref<2x40x128xf32, #tpu.memory_space<vmem>>, vector<1x1x16xf32>,
        %get3A_562 = vector.shape_cast %get3A_561 : vector<1x1x16xf32> to vector<16xf32>
        %add3A_563 = arith.addf %add3A_556, %get3A_562 : vector<16xf32>
        %swap3A_564 = arith.constant 0 : i32
        %swap3A_565 = arith.index_cast %swap3A_564 : i32 to index
        %swap3A_566 = arith.index_cast %scan3A_498 : i32 to index
        %swap3A_567 = arith.constant 16 : index
        %swap3A_568 = tpu.vector_load %arg14[%swap3A_565, %swap3A_566, %swap3A_567] {strides = array<i32>} : memref<2x40x128xf32, #tpu.memory_space<vmem>>, vector<1x1x16xf32>,
        %swap3A_569 = vector.shape_cast %swap3A_568 : vector<1x1x16xf32> to vector<16xf32>
        %swap3A_570 = vector.shape_cast %add3A_563 : vector<16xf32> to vector<1x1x16xf32>
        tpu.vector_store %arg14[%swap3A_565, %swap3A_566, %swap3A_567], %swap3A_570 {strides = array<i32>} : memref<2x40x128xf32, #tpu.memory_space<vmem>>, vector<1x1x16xf32>,
        %add3A_571 = arith.addf %scan3A_500, %add3A_563 : vector<16xf32>
        %mul3A_572 = arith.mulf %add3A_563, %add3A_563 : vector<16xf32>
        %add3A_573 = arith.addf %scan3A_508, %mul3A_572 : vector<16xf32>
        %get3A_574 = arith.constant 0 : i32
        %get3A_575 = arith.index_cast %get3A_574 : i32 to index
        %get3A_576 = arith.index_cast %scan3A_498 : i32 to index
        %get3A_577 = arith.constant 32 : index
        %get3A_578 = tpu.vector_load %arg11[%get3A_575, %get3A_576, %get3A_577] {strides = array<i32>} : memref<2x40x128xf32, #tpu.memory_space<vmem>>, vector<1x1x16xf32>,
        %get3A_579 = vector.shape_cast %get3A_578 : vector<1x1x16xf32> to vector<16xf32>
        %get3A_580 = arith.constant 0 : i32
        %get3A_581 = arith.index_cast %get3A_580 : i32 to index
        %get3A_582 = arith.index_cast %scan3A_498 : i32 to index
        %get3A_583 = arith.constant 32 : index
        %get3A_584 = tpu.vector_load %arg12[%get3A_581, %get3A_582, %get3A_583] {strides = array<i32>} : memref<2x40x128xf32, #tpu.memory_space<vmem>>, vector<1x1x16xf32>,
        %get3A_585 = vector.shape_cast %get3A_584 : vector<1x1x16xf32> to vector<16xf32>
        %add3A_586 = arith.addf %get3A_579, %get3A_585 : vector<16xf32>
        %get3A_587 = arith.constant 0 : i32
        %get3A_588 = arith.index_cast %get3A_587 : i32 to index
        %get3A_589 = arith.index_cast %scan3A_498 : i32 to index
        %get3A_590 = arith.constant 32 : index
        %get3A_591 = tpu.vector_load %arg13[%get3A_588, %get3A_589, %get3A_590] {strides = array<i32>} : memref<2x40x128xf32, #tpu.memory_space<vmem>>, vector<1x1x16xf32>,
        %get3A_592 = vector.shape_cast %get3A_591 : vector<1x1x16xf32> to vector<16xf32>
        %add3A_593 = arith.addf %add3A_586, %get3A_592 : vector<16xf32>
        %swap3A_594 = arith.constant 0 : i32
        %swap3A_595 = arith.index_cast %swap3A_594 : i32 to index
        %swap3A_596 = arith.index_cast %scan3A_498 : i32 to index
        %swap3A_597 = arith.constant 32 : index
        %swap3A_598 = tpu.vector_load %arg14[%swap3A_595, %swap3A_596, %swap3A_597] {strides = array<i32>} : memref<2x40x128xf32, #tpu.memory_space<vmem>>, vector<1x1x16xf32>,
        %swap3A_599 = vector.shape_cast %swap3A_598 : vector<1x1x16xf32> to vector<16xf32>
        %swap3A_600 = vector.shape_cast %add3A_593 : vector<16xf32> to vector<1x1x16xf32>
        tpu.vector_store %arg14[%swap3A_595, %swap3A_596, %swap3A_597], %swap3A_600 {strides = array<i32>} : memref<2x40x128xf32, #tpu.memory_space<vmem>>, vector<1x1x16xf32>,
        %add3A_601 = arith.addf %scan3A_501, %add3A_593 : vector<16xf32>
        %mul3A_602 = arith.mulf %add3A_593, %add3A_593 : vector<16xf32>
        %add3A_603 = arith.addf %scan3A_509, %mul3A_602 : vector<16xf32>
        %get3A_604 = arith.constant 0 : i32
        %get3A_605 = arith.index_cast %get3A_604 : i32 to index
        %get3A_606 = arith.index_cast %scan3A_498 : i32 to index
        %get3A_607 = arith.constant 48 : index
        %get3A_608 = tpu.vector_load %arg11[%get3A_605, %get3A_606, %get3A_607] {strides = array<i32>} : memref<2x40x128xf32, #tpu.memory_space<vmem>>, vector<1x1x16xf32>,
        %get3A_609 = vector.shape_cast %get3A_608 : vector<1x1x16xf32> to vector<16xf32>
        %get3A_610 = arith.constant 0 : i32
        %get3A_611 = arith.index_cast %get3A_610 : i32 to index
        %get3A_612 = arith.index_cast %scan3A_498 : i32 to index
        %get3A_613 = arith.constant 48 : index
        %get3A_614 = tpu.vector_load %arg12[%get3A_611, %get3A_612, %get3A_613] {strides = array<i32>} : memref<2x40x128xf32, #tpu.memory_space<vmem>>, vector<1x1x16xf32>,
        %get3A_615 = vector.shape_cast %get3A_614 : vector<1x1x16xf32> to vector<16xf32>
        %add3A_616 = arith.addf %get3A_609, %get3A_615 : vector<16xf32>
        %get3A_617 = arith.constant 0 : i32
        %get3A_618 = arith.index_cast %get3A_617 : i32 to index
        %get3A_619 = arith.index_cast %scan3A_498 : i32 to index
        %get3A_620 = arith.constant 48 : index
        %get3A_621 = tpu.vector_load %arg13[%get3A_618, %get3A_619, %get3A_620] {strides = array<i32>} : memref<2x40x128xf32, #tpu.memory_space<vmem>>, vector<1x1x16xf32>,
        %get3A_622 = vector.shape_cast %get3A_621 : vector<1x1x16xf32> to vector<16xf32>
        %add3A_623 = arith.addf %add3A_616, %get3A_622 : vector<16xf32>
        %swap3A_624 = arith.constant 0 : i32
        %swap3A_625 = arith.index_cast %swap3A_624 : i32 to index
        %swap3A_626 = arith.index_cast %scan3A_498 : i32 to index
        %swap3A_627 = arith.constant 48 : index
        %swap3A_628 = tpu.vector_load %arg14[%swap3A_625, %swap3A_626, %swap3A_627] {strides = array<i32>} : memref<2x40x128xf32, #tpu.memory_space<vmem>>, vector<1x1x16xf32>,
        %swap3A_629 = vector.shape_cast %swap3A_628 : vector<1x1x16xf32> to vector<16xf32>
        %swap3A_630 = vector.shape_cast %add3A_623 : vector<16xf32> to vector<1x1x16xf32>
        tpu.vector_store %arg14[%swap3A_625, %swap3A_626, %swap3A_627], %swap3A_630 {strides = array<i32>} : memref<2x40x128xf32, #tpu.memory_space<vmem>>, vector<1x1x16xf32>,
        %add3A_631 = arith.addf %scan3A_502, %add3A_623 : vector<16xf32>
        %mul3A_632 = arith.mulf %add3A_623, %add3A_623 : vector<16xf32>
        %add3A_633 = arith.addf %scan3A_510, %mul3A_632 : vector<16xf32>
        %get3A_634 = arith.constant 0 : i32
        %get3A_635 = arith.index_cast %get3A_634 : i32 to index
        %get3A_636 = arith.index_cast %scan3A_498 : i32 to index
        %get3A_637 = arith.constant 64 : index
        %get3A_638 = tpu.vector_load %arg11[%get3A_635, %get3A_636, %get3A_637] {strides = array<i32>} : memref<2x40x128xf32, #tpu.memory_space<vmem>>, vector<1x1x16xf32>,
        %get3A_639 = vector.shape_cast %get3A_638 : vector<1x1x16xf32> to vector<16xf32>
        %get3A_640 = arith.constant 0 : i32
        %get3A_641 = arith.index_cast %get3A_640 : i32 to index
        %get3A_642 = arith.index_cast %scan3A_498 : i32 to index
        %get3A_643 = arith.constant 64 : index
        %get3A_644 = tpu.vector_load %arg12[%get3A_641, %get3A_642, %get3A_643] {strides = array<i32>} : memref<2x40x128xf32, #tpu.memory_space<vmem>>, vector<1x1x16xf32>,
        %get3A_645 = vector.shape_cast %get3A_644 : vector<1x1x16xf32> to vector<16xf32>
        %add3A_646 = arith.addf %get3A_639, %get3A_645 : vector<16xf32>
        %get3A_647 = arith.constant 0 : i32
        %get3A_648 = arith.index_cast %get3A_647 : i32 to index
        %get3A_649 = arith.index_cast %scan3A_498 : i32 to index
        %get3A_650 = arith.constant 64 : index
        %get3A_651 = tpu.vector_load %arg13[%get3A_648, %get3A_649, %get3A_650] {strides = array<i32>} : memref<2x40x128xf32, #tpu.memory_space<vmem>>, vector<1x1x16xf32>,
        %get3A_652 = vector.shape_cast %get3A_651 : vector<1x1x16xf32> to vector<16xf32>
        %add3A_653 = arith.addf %add3A_646, %get3A_652 : vector<16xf32>
        %swap3A_654 = arith.constant 0 : i32
        %swap3A_655 = arith.index_cast %swap3A_654 : i32 to index
        %swap3A_656 = arith.index_cast %scan3A_498 : i32 to index
        %swap3A_657 = arith.constant 64 : index
        %swap3A_658 = tpu.vector_load %arg14[%swap3A_655, %swap3A_656, %swap3A_657] {strides = array<i32>} : memref<2x40x128xf32, #tpu.memory_space<vmem>>, vector<1x1x16xf32>,
        %swap3A_659 = vector.shape_cast %swap3A_658 : vector<1x1x16xf32> to vector<16xf32>
        %swap3A_660 = vector.shape_cast %add3A_653 : vector<16xf32> to vector<1x1x16xf32>
        tpu.vector_store %arg14[%swap3A_655, %swap3A_656, %swap3A_657], %swap3A_660 {strides = array<i32>} : memref<2x40x128xf32, #tpu.memory_space<vmem>>, vector<1x1x16xf32>,
        %add3A_661 = arith.addf %scan3A_503, %add3A_653 : vector<16xf32>
        %mul3A_662 = arith.mulf %add3A_653, %add3A_653 : vector<16xf32>
        %add3A_663 = arith.addf %scan3A_511, %mul3A_662 : vector<16xf32>
        %get3A_664 = arith.constant 0 : i32
        %get3A_665 = arith.index_cast %get3A_664 : i32 to index
        %get3A_666 = arith.index_cast %scan3A_498 : i32 to index
        %get3A_667 = arith.constant 80 : index
        %get3A_668 = tpu.vector_load %arg11[%get3A_665, %get3A_666, %get3A_667] {strides = array<i32>} : memref<2x40x128xf32, #tpu.memory_space<vmem>>, vector<1x1x16xf32>,
        %get3A_669 = vector.shape_cast %get3A_668 : vector<1x1x16xf32> to vector<16xf32>
        %get3A_670 = arith.constant 0 : i32
        %get3A_671 = arith.index_cast %get3A_670 : i32 to index
        %get3A_672 = arith.index_cast %scan3A_498 : i32 to index
        %get3A_673 = arith.constant 80 : index
        %get3A_674 = tpu.vector_load %arg12[%get3A_671, %get3A_672, %get3A_673] {strides = array<i32>} : memref<2x40x128xf32, #tpu.memory_space<vmem>>, vector<1x1x16xf32>,
        %get3A_675 = vector.shape_cast %get3A_674 : vector<1x1x16xf32> to vector<16xf32>
        %add3A_676 = arith.addf %get3A_669, %get3A_675 : vector<16xf32>
        %get3A_677 = arith.constant 0 : i32
        %get3A_678 = arith.index_cast %get3A_677 : i32 to index
        %get3A_679 = arith.index_cast %scan3A_498 : i32 to index
        %get3A_680 = arith.constant 80 : index
        %get3A_681 = tpu.vector_load %arg13[%get3A_678, %get3A_679, %get3A_680] {strides = array<i32>} : memref<2x40x128xf32, #tpu.memory_space<vmem>>, vector<1x1x16xf32>,
        %get3A_682 = vector.shape_cast %get3A_681 : vector<1x1x16xf32> to vector<16xf32>
        %add3A_683 = arith.addf %add3A_676, %get3A_682 : vector<16xf32>
        %swap3A_684 = arith.constant 0 : i32
        %swap3A_685 = arith.index_cast %swap3A_684 : i32 to index
        %swap3A_686 = arith.index_cast %scan3A_498 : i32 to index
        %swap3A_687 = arith.constant 80 : index
        %swap3A_688 = tpu.vector_load %arg14[%swap3A_685, %swap3A_686, %swap3A_687] {strides = array<i32>} : memref<2x40x128xf32, #tpu.memory_space<vmem>>, vector<1x1x16xf32>,
        %swap3A_689 = vector.shape_cast %swap3A_688 : vector<1x1x16xf32> to vector<16xf32>
        %swap3A_690 = vector.shape_cast %add3A_683 : vector<16xf32> to vector<1x1x16xf32>
        tpu.vector_store %arg14[%swap3A_685, %swap3A_686, %swap3A_687], %swap3A_690 {strides = array<i32>} : memref<2x40x128xf32, #tpu.memory_space<vmem>>, vector<1x1x16xf32>,
        %add3A_691 = arith.addf %scan3A_504, %add3A_683 : vector<16xf32>
        %mul3A_692 = arith.mulf %add3A_683, %add3A_683 : vector<16xf32>
        %add3A_693 = arith.addf %scan3A_512, %mul3A_692 : vector<16xf32>
        %get3A_694 = arith.constant 0 : i32
        %get3A_695 = arith.index_cast %get3A_694 : i32 to index
        %get3A_696 = arith.index_cast %scan3A_498 : i32 to index
        %get3A_697 = arith.constant 96 : index
        %get3A_698 = tpu.vector_load %arg11[%get3A_695, %get3A_696, %get3A_697] {strides = array<i32>} : memref<2x40x128xf32, #tpu.memory_space<vmem>>, vector<1x1x16xf32>,
        %get3A_699 = vector.shape_cast %get3A_698 : vector<1x1x16xf32> to vector<16xf32>
        %get3A_700 = arith.constant 0 : i32
        %get3A_701 = arith.index_cast %get3A_700 : i32 to index
        %get3A_702 = arith.index_cast %scan3A_498 : i32 to index
        %get3A_703 = arith.constant 96 : index
        %get3A_704 = tpu.vector_load %arg12[%get3A_701, %get3A_702, %get3A_703] {strides = array<i32>} : memref<2x40x128xf32, #tpu.memory_space<vmem>>, vector<1x1x16xf32>,
        %get3A_705 = vector.shape_cast %get3A_704 : vector<1x1x16xf32> to vector<16xf32>
        %add3A_706 = arith.addf %get3A_699, %get3A_705 : vector<16xf32>
        %get3A_707 = arith.constant 0 : i32
        %get3A_708 = arith.index_cast %get3A_707 : i32 to index
        %get3A_709 = arith.index_cast %scan3A_498 : i32 to index
        %get3A_710 = arith.constant 96 : index
        %get3A_711 = tpu.vector_load %arg13[%get3A_708, %get3A_709, %get3A_710] {strides = array<i32>} : memref<2x40x128xf32, #tpu.memory_space<vmem>>, vector<1x1x16xf32>,
        %get3A_712 = vector.shape_cast %get3A_711 : vector<1x1x16xf32> to vector<16xf32>
        %add3A_713 = arith.addf %add3A_706, %get3A_712 : vector<16xf32>
        %swap3A_714 = arith.constant 0 : i32
        %swap3A_715 = arith.index_cast %swap3A_714 : i32 to index
        %swap3A_716 = arith.index_cast %scan3A_498 : i32 to index
        %swap3A_717 = arith.constant 96 : index
        %swap3A_718 = tpu.vector_load %arg14[%swap3A_715, %swap3A_716, %swap3A_717] {strides = array<i32>} : memref<2x40x128xf32, #tpu.memory_space<vmem>>, vector<1x1x16xf32>,
        %swap3A_719 = vector.shape_cast %swap3A_718 : vector<1x1x16xf32> to vector<16xf32>
        %swap3A_720 = vector.shape_cast %add3A_713 : vector<16xf32> to vector<1x1x16xf32>
        tpu.vector_store %arg14[%swap3A_715, %swap3A_716, %swap3A_717], %swap3A_720 {strides = array<i32>} : memref<2x40x128xf32, #tpu.memory_space<vmem>>, vector<1x1x16xf32>,
        %add3A_721 = arith.addf %scan3A_505, %add3A_713 : vector<16xf32>
        %mul3A_722 = arith.mulf %add3A_713, %add3A_713 : vector<16xf32>
        %add3A_723 = arith.addf %scan3A_513, %mul3A_722 : vector<16xf32>
        %get3A_724 = arith.constant 0 : i32
        %get3A_725 = arith.index_cast %get3A_724 : i32 to index
        %get3A_726 = arith.index_cast %scan3A_498 : i32 to index
        %get3A_727 = arith.constant 112 : index
        %get3A_728 = tpu.vector_load %arg11[%get3A_725, %get3A_726, %get3A_727] {strides = array<i32>} : memref<2x40x128xf32, #tpu.memory_space<vmem>>, vector<1x1x16xf32>,
        %get3A_729 = vector.shape_cast %get3A_728 : vector<1x1x16xf32> to vector<16xf32>
        %get3A_730 = arith.constant 0 : i32
        %get3A_731 = arith.index_cast %get3A_730 : i32 to index
        %get3A_732 = arith.index_cast %scan3A_498 : i32 to index
        %get3A_733 = arith.constant 112 : index
        %get3A_734 = tpu.vector_load %arg12[%get3A_731, %get3A_732, %get3A_733] {strides = array<i32>} : memref<2x40x128xf32, #tpu.memory_space<vmem>>, vector<1x1x16xf32>,
        %get3A_735 = vector.shape_cast %get3A_734 : vector<1x1x16xf32> to vector<16xf32>
        %add3A_736 = arith.addf %get3A_729, %get3A_735 : vector<16xf32>
        %get3A_737 = arith.constant 0 : i32
        %get3A_738 = arith.index_cast %get3A_737 : i32 to index
        %get3A_739 = arith.index_cast %scan3A_498 : i32 to index
        %get3A_740 = arith.constant 112 : index
        %get3A_741 = tpu.vector_load %arg13[%get3A_738, %get3A_739, %get3A_740] {strides = array<i32>} : memref<2x40x128xf32, #tpu.memory_space<vmem>>, vector<1x1x16xf32>,
        %get3A_742 = vector.shape_cast %get3A_741 : vector<1x1x16xf32> to vector<16xf32>
        %add3A_743 = arith.addf %add3A_736, %get3A_742 : vector<16xf32>
        %swap3A_744 = arith.constant 0 : i32
        %swap3A_745 = arith.index_cast %swap3A_744 : i32 to index
        %swap3A_746 = arith.index_cast %scan3A_498 : i32 to index
        %swap3A_747 = arith.constant 112 : index
        %swap3A_748 = tpu.vector_load %arg14[%swap3A_745, %swap3A_746, %swap3A_747] {strides = array<i32>} : memref<2x40x128xf32, #tpu.memory_space<vmem>>, vector<1x1x16xf32>,
        %swap3A_749 = vector.shape_cast %swap3A_748 : vector<1x1x16xf32> to vector<16xf32>
        %swap3A_750 = vector.shape_cast %add3A_743 : vector<16xf32> to vector<1x1x16xf32>
        tpu.vector_store %arg14[%swap3A_745, %swap3A_746, %swap3A_747], %swap3A_750 {strides = array<i32>} : memref<2x40x128xf32, #tpu.memory_space<vmem>>, vector<1x1x16xf32>,
        %add3A_751 = arith.addf %scan3A_506, %add3A_743 : vector<16xf32>
        %mul3A_752 = arith.mulf %add3A_743, %add3A_743 : vector<16xf32>
        %add3A_753 = arith.addf %scan3A_514, %mul3A_752 : vector<16xf32>
        scf.yield %add3A_541, %add3A_571, %add3A_601, %add3A_631, %add3A_661, %add3A_691, %add3A_721, %add3A_751, %add3A_543, %add3A_573, %add3A_603, %add3A_633, %add3A_663, %add3A_693, %add3A_723, %add3A_753 : vector<16xf32>, vector<16xf32>, vector<16xf32>, vector<16xf32>, vector<16xf32>, vector<16xf32>, vector<16xf32>, vector<16xf32>, vector<16xf32>, vector<16xf32>, vector<16xf32>, vector<16xf32>, vector<16xf32>, vector<16xf32>, vector<16xf32>, vector<16xf32>
      }
      %scan3A_398 = arith.constant 40 : i32
      %mul3A_399 = arith.constant 40 : i32
      %mul3A_400 = arith.muli %mul3A_281, %mul3A_399 : i32
      %add3A_401 = arith.addi %mul3A_2, %mul3A_400 : i32
      %dma_start3A_402 = arith.constant 0 : i32
      %dma_start3A_403 = arith.constant 0 : i32
      %dma_start3A_404 = arith.constant 0 : i32
      %dma_start3A_405 = tpu.memref_slice %arg14[%dma_start3A_402, %dma_start3A_403, %dma_start3A_404] : memref<2x40x128xf32, #tpu.memory_space<vmem>> -> memref<1x40x128xf32, #tpu.memory_space<vmem>>
      %dma_start3A_406 = tpu.memref_squeeze %dma_start3A_405 : memref<1x40x128xf32, #tpu.memory_space<vmem>> -> memref<40x128xf32, #tpu.memory_space<vmem>>
      %dma_start3A_407 = arith.constant 0 : i32
      %dma_start3A_408 = tpu.memref_slice %arg7[%add3A_401, %dma_start3A_407] : memref<320000x128xf32, #tpu.memory_space<hbm>> -> memref<40x128xf32, #tpu.memory_space<hbm>>
      %dma_start3A_409 = arith.constant 0 : i32
      %dma_start3A_410 = tpu.memref_slice %arg7[%add3A_401, %dma_start3A_409] : memref<320000x128xf32, #tpu.memory_space<hbm>> -> memref<40x128xf32, #tpu.memory_space<hbm>>
      %dma_start3A_411 = arith.constant 0 : i32
      %dma_start3A_412 = arith.constant 0 : i32
      %dma_start3A_413 = tpu.memref_slice %arg14[%dma_start3A_402, %dma_start3A_411, %dma_start3A_412] : memref<2x40x128xf32, #tpu.memory_space<vmem>> -> memref<1x40x128xf32, #tpu.memory_space<vmem>>
      %dma_start3A_414 = tpu.memref_squeeze %dma_start3A_413 : memref<1x40x128xf32, #tpu.memory_space<vmem>> -> memref<40x128xf32, #tpu.memory_space<vmem>>
      tpu.enqueue_dma source(%dma_start3A_414 : memref<40x128xf32, #tpu.memory_space<vmem>>) target(%dma_start3A_410 : memref<40x128xf32, #tpu.memory_space<hbm>>) target_semaphore(%arg20 : memref<!tpu.dma_semaphore, #tpu.memory_space<semaphore_mem>>)
      %lt3A = arith.constant 124 : i32
      %lt3A_415 = arith.cmpi slt, %scan3A_263, %lt3A : i32
      %convert_element_type3A_416 = arith.extui %lt3A_415 : i1 to i32
      %cond3A_417 = arith.constant 0 : i32
      %cond3A_418 = arith.cmpi ne, %convert_element_type3A_416, %cond3A_417 : i32
      scf.if %cond3A_418 {
        %add3A_498 = arith.constant 2 : i32
        %add3A_499 = arith.addi %mul3A_281, %add3A_498 : i32
        %mul3A_500 = arith.constant 40 : i32
        %mul3A_501 = arith.muli %add3A_499, %mul3A_500 : i32
        %add3A_502 = arith.addi %mul3A_2, %mul3A_501 : i32
        %dma_start3A_503 = arith.constant 0 : i32
        %dma_start3A_504 = arith.constant 0 : i32
        %dma_start3A_505 = tpu.memref_slice %arg9[%dma_start3A_503, %dma_start3A_504] : memref<2x40xi32, #tpu.memory_space<vmem>> -> memref<1x40xi32, #tpu.memory_space<vmem>>
        %dma_start3A_506 = tpu.memref_squeeze %dma_start3A_505 : memref<1x40xi32, #tpu.memory_space<vmem>> -> memref<40xi32, #tpu.memory_space<vmem>>
        %dma_start3A_507 = tpu.memref_slice %arg6[%add3A_502] : memref<320000xi32, #tpu.memory_space<hbm>> -> memref<40xi32, #tpu.memory_space<hbm>>
        %dma_start3A_508 = arith.constant 0 : i32
        %dma_start3A_509 = tpu.memref_slice %arg9[%dma_start3A_503, %dma_start3A_508] : memref<2x40xi32, #tpu.memory_space<vmem>> -> memref<1x40xi32, #tpu.memory_space<vmem>>
        %dma_start3A_510 = tpu.memref_squeeze %dma_start3A_509 : memref<1x40xi32, #tpu.memory_space<vmem>> -> memref<40xi32, #tpu.memory_space<vmem>>
        %dma_start3A_511 = tpu.memref_slice %arg6[%add3A_502] : memref<320000xi32, #tpu.memory_space<hbm>> -> memref<40xi32, #tpu.memory_space<hbm>>
        tpu.enqueue_dma source(%dma_start3A_511 : memref<40xi32, #tpu.memory_space<hbm>>) target(%dma_start3A_510 : memref<40xi32, #tpu.memory_space<vmem>>) target_semaphore(%arg16 : memref<!tpu.dma_semaphore, #tpu.memory_space<semaphore_mem>>)
        %dma_start3A_512 = arith.constant 0 : i32
        %dma_start3A_513 = arith.constant 0 : i32
        %dma_start3A_514 = tpu.memref_slice %arg10[%dma_start3A_512, %dma_start3A_513] : memref<2x40xi32, #tpu.memory_space<vmem>> -> memref<1x40xi32, #tpu.memory_space<vmem>>
        %dma_start3A_515 = tpu.memref_squeeze %dma_start3A_514 : memref<1x40xi32, #tpu.memory_space<vmem>> -> memref<40xi32, #tpu.memory_space<vmem>>
        %dma_start3A_516 = tpu.memref_slice %arg5[%add3A_502] : memref<320000xi32, #tpu.memory_space<hbm>> -> memref<40xi32, #tpu.memory_space<hbm>>
        %dma_start3A_517 = arith.constant 0 : i32
        %dma_start3A_518 = tpu.memref_slice %arg10[%dma_start3A_512, %dma_start3A_517] : memref<2x40xi32, #tpu.memory_space<vmem>> -> memref<1x40xi32, #tpu.memory_space<vmem>>
        %dma_start3A_519 = tpu.memref_squeeze %dma_start3A_518 : memref<1x40xi32, #tpu.memory_space<vmem>> -> memref<40xi32, #tpu.memory_space<vmem>>
        %dma_start3A_520 = tpu.memref_slice %arg5[%add3A_502] : memref<320000xi32, #tpu.memory_space<hbm>> -> memref<40xi32, #tpu.memory_space<hbm>>
        tpu.enqueue_dma source(%dma_start3A_520 : memref<40xi32, #tpu.memory_space<hbm>>) target(%dma_start3A_519 : memref<40xi32, #tpu.memory_space<vmem>>) target_semaphore(%arg16 : memref<!tpu.dma_semaphore, #tpu.memory_space<semaphore_mem>>)
      } else {
      }
      %gt3A_419 = arith.constant 0 : i32
      %gt3A_420 = arith.cmpi sgt, %scan3A_263, %gt3A_419 : i32
      %convert_element_type3A_421 = arith.extui %gt3A_420 : i1 to i32
      %cond3A_422 = arith.constant 0 : i32
      %cond3A_423 = arith.cmpi ne, %convert_element_type3A_421, %cond3A_422 : i32
      scf.if %cond3A_423 {
        %dma_wait3A_498 = arith.constant 1 : i32
        %dma_wait3A_499 = arith.constant 0 : i32
        %dma_wait3A_500 = arith.constant 0 : i32
        %dma_wait3A_501 = tpu.memref_slice %arg14[%dma_wait3A_498, %dma_wait3A_499, %dma_wait3A_500] : memref<2x40x128xf32, #tpu.memory_space<vmem>> -> memref<1x40x128xf32, #tpu.memory_space<vmem>>
        %dma_wait3A_502 = tpu.memref_squeeze %dma_wait3A_501 : memref<1x40x128xf32, #tpu.memory_space<vmem>> -> memref<40x128xf32, #tpu.memory_space<vmem>>
        %dma_wait3A_503 = arith.constant 0 : i32
        %dma_wait3A_504 = arith.constant 0 : i32
        %dma_wait3A_505 = tpu.memref_slice %arg7[%dma_wait3A_503, %dma_wait3A_504] : memref<320000x128xf32, #tpu.memory_space<hbm>> -> memref<40x128xf32, #tpu.memory_space<hbm>>
        %dma_wait3A_506 = arith.constant 0 : i32
        %dma_wait3A_507 = arith.constant 0 : i32
        %dma_wait3A_508 = tpu.memref_slice %arg7[%dma_wait3A_506, %dma_wait3A_507] : memref<320000x128xf32, #tpu.memory_space<hbm>> -> memref<40x128xf32, #tpu.memory_space<hbm>>
        %dma_wait3A_509 = arith.constant 0 : i32
        %dma_wait3A_510 = arith.constant 0 : i32
        %dma_wait3A_511 = tpu.memref_slice %arg14[%dma_wait3A_498, %dma_wait3A_509, %dma_wait3A_510] : memref<2x40x128xf32, #tpu.memory_space<vmem>> -> memref<1x40x128xf32, #tpu.memory_space<vmem>>
        %dma_wait3A_512 = tpu.memref_squeeze %dma_wait3A_511 : memref<1x40x128xf32, #tpu.memory_space<vmem>> -> memref<40x128xf32, #tpu.memory_space<vmem>>
        tpu.wait_dma2 semaphore(%arg21 : memref<!tpu.dma_semaphore, #tpu.memory_space<semaphore_mem>>) src(%dma_wait3A_512 : memref<40x128xf32, #tpu.memory_space<vmem>>) dst(%dma_wait3A_508 : memref<40x128xf32, #tpu.memory_space<hbm>>)
      } else {
      }
      %dma_wait3A_424 = arith.constant 1 : i32
      %dma_wait3A_425 = arith.constant 0 : i32
      %dma_wait3A_426 = arith.constant 0 : i32
      %dma_wait3A_427 = tpu.memref_slice %arg11[%dma_wait3A_424, %dma_wait3A_425, %dma_wait3A_426] : memref<2x40x128xf32, #tpu.memory_space<vmem>> -> memref<1x40x128xf32, #tpu.memory_space<vmem>>
      %dma_wait3A_428 = tpu.memref_squeeze %dma_wait3A_427 : memref<1x40x128xf32, #tpu.memory_space<vmem>> -> memref<40x128xf32, #tpu.memory_space<vmem>>
      %dma_wait3A_429 = arith.constant 0 : i32
      %dma_wait3A_430 = arith.constant 0 : i32
      %dma_wait3A_431 = tpu.memref_slice %arg3[%dma_wait3A_429, %dma_wait3A_430] : memref<10000x128xf32, #tpu.memory_space<hbm>> -> memref<40x128xf32, #tpu.memory_space<hbm>>
      %dma_wait3A_432 = arith.constant 0 : i32
      %dma_wait3A_433 = arith.constant 0 : i32
      %dma_wait3A_434 = tpu.memref_slice %arg11[%dma_wait3A_424, %dma_wait3A_432, %dma_wait3A_433] : memref<2x40x128xf32, #tpu.memory_space<vmem>> -> memref<1x40x128xf32, #tpu.memory_space<vmem>>
      %dma_wait3A_435 = tpu.memref_squeeze %dma_wait3A_434 : memref<1x40x128xf32, #tpu.memory_space<vmem>> -> memref<40x128xf32, #tpu.memory_space<vmem>>
      %dma_wait3A_436 = arith.constant 0 : i32
      %dma_wait3A_437 = arith.constant 0 : i32
      %dma_wait3A_438 = tpu.memref_slice %arg3[%dma_wait3A_436, %dma_wait3A_437] : memref<10000x128xf32, #tpu.memory_space<hbm>> -> memref<40x128xf32, #tpu.memory_space<hbm>>
      tpu.wait_dma2 semaphore(%arg19 : memref<!tpu.dma_semaphore, #tpu.memory_space<semaphore_mem>>) src(%dma_wait3A_438 : memref<40x128xf32, #tpu.memory_space<hbm>>) dst(%dma_wait3A_435 : memref<40x128xf32, #tpu.memory_space<vmem>>)
      %dma_wait3A_439 = arith.constant 1 : i32
      %dma_wait3A_440 = arith.constant 0 : i32
      %dma_wait3A_441 = arith.constant 0 : i32
      %dma_wait3A_442 = tpu.memref_slice %arg12[%dma_wait3A_439, %dma_wait3A_440, %dma_wait3A_441] : memref<2x40x128xf32, #tpu.memory_space<vmem>> -> memref<1x40x128xf32, #tpu.memory_space<vmem>>
      %dma_wait3A_443 = tpu.memref_squeeze %dma_wait3A_442 : memref<1x40x128xf32, #tpu.memory_space<vmem>> -> memref<40x128xf32, #tpu.memory_space<vmem>>
      %dma_wait3A_444 = arith.constant 0 : i32
      %dma_wait3A_445 = arith.constant 0 : i32
      %dma_wait3A_446 = tpu.memref_slice %arg3[%dma_wait3A_444, %dma_wait3A_445] : memref<10000x128xf32, #tpu.memory_space<hbm>> -> memref<40x128xf32, #tpu.memory_space<hbm>>
      %dma_wait3A_447 = arith.constant 0 : i32
      %dma_wait3A_448 = arith.constant 0 : i32
      %dma_wait3A_449 = tpu.memref_slice %arg12[%dma_wait3A_439, %dma_wait3A_447, %dma_wait3A_448] : memref<2x40x128xf32, #tpu.memory_space<vmem>> -> memref<1x40x128xf32, #tpu.memory_space<vmem>>
      %dma_wait3A_450 = tpu.memref_squeeze %dma_wait3A_449 : memref<1x40x128xf32, #tpu.memory_space<vmem>> -> memref<40x128xf32, #tpu.memory_space<vmem>>
      %dma_wait3A_451 = arith.constant 0 : i32
      %dma_wait3A_452 = arith.constant 0 : i32
      %dma_wait3A_453 = tpu.memref_slice %arg3[%dma_wait3A_451, %dma_wait3A_452] : memref<10000x128xf32, #tpu.memory_space<hbm>> -> memref<40x128xf32, #tpu.memory_space<hbm>>
      tpu.wait_dma2 semaphore(%arg19 : memref<!tpu.dma_semaphore, #tpu.memory_space<semaphore_mem>>) src(%dma_wait3A_453 : memref<40x128xf32, #tpu.memory_space<hbm>>) dst(%dma_wait3A_450 : memref<40x128xf32, #tpu.memory_space<vmem>>)
      %dma_wait3A_454 = arith.constant 1 : i32
      %dma_wait3A_455 = arith.constant 0 : i32
      %dma_wait3A_456 = arith.constant 0 : i32
      %dma_wait3A_457 = tpu.memref_slice %arg13[%dma_wait3A_454, %dma_wait3A_455, %dma_wait3A_456] : memref<2x40x128xf32, #tpu.memory_space<vmem>> -> memref<1x40x128xf32, #tpu.memory_space<vmem>>
      %dma_wait3A_458 = tpu.memref_squeeze %dma_wait3A_457 : memref<1x40x128xf32, #tpu.memory_space<vmem>> -> memref<40x128xf32, #tpu.memory_space<vmem>>
      %dma_wait3A_459 = arith.constant 0 : i32
      %dma_wait3A_460 = arith.constant 0 : i32
      %dma_wait3A_461 = tpu.memref_slice %arg4[%dma_wait3A_459, %dma_wait3A_460] : memref<320000x128xf32, #tpu.memory_space<hbm>> -> memref<40x128xf32, #tpu.memory_space<hbm>>
      %dma_wait3A_462 = arith.constant 0 : i32
      %dma_wait3A_463 = arith.constant 0 : i32
      %dma_wait3A_464 = tpu.memref_slice %arg13[%dma_wait3A_454, %dma_wait3A_462, %dma_wait3A_463] : memref<2x40x128xf32, #tpu.memory_space<vmem>> -> memref<1x40x128xf32, #tpu.memory_space<vmem>>
      %dma_wait3A_465 = tpu.memref_squeeze %dma_wait3A_464 : memref<1x40x128xf32, #tpu.memory_space<vmem>> -> memref<40x128xf32, #tpu.memory_space<vmem>>
      %dma_wait3A_466 = arith.constant 0 : i32
      %dma_wait3A_467 = arith.constant 0 : i32
      %dma_wait3A_468 = tpu.memref_slice %arg4[%dma_wait3A_466, %dma_wait3A_467] : memref<320000x128xf32, #tpu.memory_space<hbm>> -> memref<40x128xf32, #tpu.memory_space<hbm>>
      tpu.wait_dma2 semaphore(%arg19 : memref<!tpu.dma_semaphore, #tpu.memory_space<semaphore_mem>>) src(%dma_wait3A_468 : memref<40x128xf32, #tpu.memory_space<hbm>>) dst(%dma_wait3A_465 : memref<40x128xf32, #tpu.memory_space<vmem>>)
      %scan3A_469 = arith.constant 0 : i32
      %scan3A_470 = arith.constant 40 : i32
      %scan3A_471 = arith.addi %scan3A_469, %scan3A_470 : i32
      %scan3A_472 = arith.constant 1 : i32
      %scan3A_473:16 = scf.for %scan3A_498 = %scan3A_469 to %scan3A_471 step %scan3A_472 iter_args(%scan3A_499 = %scan3A_397#0, %scan3A_500 = %scan3A_397#1, %scan3A_501 = %scan3A_397#2, %scan3A_502 = %scan3A_397#3, %scan3A_503 = %scan3A_397#4, %scan3A_504 = %scan3A_397#5, %scan3A_505 = %scan3A_397#6, %scan3A_506 = %scan3A_397#7, %scan3A_507 = %scan3A_397#8, %scan3A_508 = %scan3A_397#9, %scan3A_509 = %scan3A_397#10, %scan3A_510 = %scan3A_397#11, %scan3A_511 = %scan3A_397#12, %scan3A_512 = %scan3A_397#13, %scan3A_513 = %scan3A_397#14, %scan3A_514 = %scan3A_397#15) -> (vector<16xf32>, vector<16xf32>, vector<16xf32>, vector<16xf32>, vector<16xf32>, vector<16xf32>, vector<16xf32>, vector<16xf32>, vector<16xf32>, vector<16xf32>, vector<16xf32>, vector<16xf32>, vector<16xf32>, vector<16xf32>, vector<16xf32>, vector<16xf32>)  : i32 {
        %get3A = arith.constant 1 : i32
        %get3A_515 = arith.index_cast %get3A : i32 to index
        %get3A_516 = arith.index_cast %scan3A_498 : i32 to index
        %get3A_517 = arith.constant 0 : index
        %get3A_518 = tpu.vector_load %arg11[%get3A_515, %get3A_516, %get3A_517] {strides = array<i32>} : memref<2x40x128xf32, #tpu.memory_space<vmem>>, vector<1x1x16xf32>,
        %get3A_519 = vector.shape_cast %get3A_518 : vector<1x1x16xf32> to vector<16xf32>
        %get3A_520 = arith.constant 1 : i32
        %get3A_521 = arith.index_cast %get3A_520 : i32 to index
        %get3A_522 = arith.index_cast %scan3A_498 : i32 to index
        %get3A_523 = arith.constant 0 : index
        %get3A_524 = tpu.vector_load %arg12[%get3A_521, %get3A_522, %get3A_523] {strides = array<i32>} : memref<2x40x128xf32, #tpu.memory_space<vmem>>, vector<1x1x16xf32>,
        %get3A_525 = vector.shape_cast %get3A_524 : vector<1x1x16xf32> to vector<16xf32>
        %add3A_526 = arith.addf %get3A_519, %get3A_525 : vector<16xf32>
        %get3A_527 = arith.constant 1 : i32
        %get3A_528 = arith.index_cast %get3A_527 : i32 to index
        %get3A_529 = arith.index_cast %scan3A_498 : i32 to index
        %get3A_530 = arith.constant 0 : index
        %get3A_531 = tpu.vector_load %arg13[%get3A_528, %get3A_529, %get3A_530] {strides = array<i32>} : memref<2x40x128xf32, #tpu.memory_space<vmem>>, vector<1x1x16xf32>,
        %get3A_532 = vector.shape_cast %get3A_531 : vector<1x1x16xf32> to vector<16xf32>
        %add3A_533 = arith.addf %add3A_526, %get3A_532 : vector<16xf32>
        %swap3A_534 = arith.constant 1 : i32
        %swap3A_535 = arith.index_cast %swap3A_534 : i32 to index
        %swap3A_536 = arith.index_cast %scan3A_498 : i32 to index
        %swap3A_537 = arith.constant 0 : index
        %swap3A_538 = tpu.vector_load %arg14[%swap3A_535, %swap3A_536, %swap3A_537] {strides = array<i32>} : memref<2x40x128xf32, #tpu.memory_space<vmem>>, vector<1x1x16xf32>,
        %swap3A_539 = vector.shape_cast %swap3A_538 : vector<1x1x16xf32> to vector<16xf32>
        %swap3A_540 = vector.shape_cast %add3A_533 : vector<16xf32> to vector<1x1x16xf32>
        tpu.vector_store %arg14[%swap3A_535, %swap3A_536, %swap3A_537], %swap3A_540 {strides = array<i32>} : memref<2x40x128xf32, #tpu.memory_space<vmem>>, vector<1x1x16xf32>,
        %add3A_541 = arith.addf %scan3A_499, %add3A_533 : vector<16xf32>
        %mul3A_542 = arith.mulf %add3A_533, %add3A_533 : vector<16xf32>
        %add3A_543 = arith.addf %scan3A_507, %mul3A_542 : vector<16xf32>
        %get3A_544 = arith.constant 1 : i32
        %get3A_545 = arith.index_cast %get3A_544 : i32 to index
        %get3A_546 = arith.index_cast %scan3A_498 : i32 to index
        %get3A_547 = arith.constant 16 : index
        %get3A_548 = tpu.vector_load %arg11[%get3A_545, %get3A_546, %get3A_547] {strides = array<i32>} : memref<2x40x128xf32, #tpu.memory_space<vmem>>, vector<1x1x16xf32>,
        %get3A_549 = vector.shape_cast %get3A_548 : vector<1x1x16xf32> to vector<16xf32>
        %get3A_550 = arith.constant 1 : i32
        %get3A_551 = arith.index_cast %get3A_550 : i32 to index
        %get3A_552 = arith.index_cast %scan3A_498 : i32 to index
        %get3A_553 = arith.constant 16 : index
        %get3A_554 = tpu.vector_load %arg12[%get3A_551, %get3A_552, %get3A_553] {strides = array<i32>} : memref<2x40x128xf32, #tpu.memory_space<vmem>>, vector<1x1x16xf32>,
        %get3A_555 = vector.shape_cast %get3A_554 : vector<1x1x16xf32> to vector<16xf32>
        %add3A_556 = arith.addf %get3A_549, %get3A_555 : vector<16xf32>
        %get3A_557 = arith.constant 1 : i32
        %get3A_558 = arith.index_cast %get3A_557 : i32 to index
        %get3A_559 = arith.index_cast %scan3A_498 : i32 to index
        %get3A_560 = arith.constant 16 : index
        %get3A_561 = tpu.vector_load %arg13[%get3A_558, %get3A_559, %get3A_560] {strides = array<i32>} : memref<2x40x128xf32, #tpu.memory_space<vmem>>, vector<1x1x16xf32>,
        %get3A_562 = vector.shape_cast %get3A_561 : vector<1x1x16xf32> to vector<16xf32>
        %add3A_563 = arith.addf %add3A_556, %get3A_562 : vector<16xf32>
        %swap3A_564 = arith.constant 1 : i32
        %swap3A_565 = arith.index_cast %swap3A_564 : i32 to index
        %swap3A_566 = arith.index_cast %scan3A_498 : i32 to index
        %swap3A_567 = arith.constant 16 : index
        %swap3A_568 = tpu.vector_load %arg14[%swap3A_565, %swap3A_566, %swap3A_567] {strides = array<i32>} : memref<2x40x128xf32, #tpu.memory_space<vmem>>, vector<1x1x16xf32>,
        %swap3A_569 = vector.shape_cast %swap3A_568 : vector<1x1x16xf32> to vector<16xf32>
        %swap3A_570 = vector.shape_cast %add3A_563 : vector<16xf32> to vector<1x1x16xf32>
        tpu.vector_store %arg14[%swap3A_565, %swap3A_566, %swap3A_567], %swap3A_570 {strides = array<i32>} : memref<2x40x128xf32, #tpu.memory_space<vmem>>, vector<1x1x16xf32>,
        %add3A_571 = arith.addf %scan3A_500, %add3A_563 : vector<16xf32>
        %mul3A_572 = arith.mulf %add3A_563, %add3A_563 : vector<16xf32>
        %add3A_573 = arith.addf %scan3A_508, %mul3A_572 : vector<16xf32>
        %get3A_574 = arith.constant 1 : i32
        %get3A_575 = arith.index_cast %get3A_574 : i32 to index
        %get3A_576 = arith.index_cast %scan3A_498 : i32 to index
        %get3A_577 = arith.constant 32 : index
        %get3A_578 = tpu.vector_load %arg11[%get3A_575, %get3A_576, %get3A_577] {strides = array<i32>} : memref<2x40x128xf32, #tpu.memory_space<vmem>>, vector<1x1x16xf32>,
        %get3A_579 = vector.shape_cast %get3A_578 : vector<1x1x16xf32> to vector<16xf32>
        %get3A_580 = arith.constant 1 : i32
        %get3A_581 = arith.index_cast %get3A_580 : i32 to index
        %get3A_582 = arith.index_cast %scan3A_498 : i32 to index
        %get3A_583 = arith.constant 32 : index
        %get3A_584 = tpu.vector_load %arg12[%get3A_581, %get3A_582, %get3A_583] {strides = array<i32>} : memref<2x40x128xf32, #tpu.memory_space<vmem>>, vector<1x1x16xf32>,
        %get3A_585 = vector.shape_cast %get3A_584 : vector<1x1x16xf32> to vector<16xf32>
        %add3A_586 = arith.addf %get3A_579, %get3A_585 : vector<16xf32>
        %get3A_587 = arith.constant 1 : i32
        %get3A_588 = arith.index_cast %get3A_587 : i32 to index
        %get3A_589 = arith.index_cast %scan3A_498 : i32 to index
        %get3A_590 = arith.constant 32 : index
        %get3A_591 = tpu.vector_load %arg13[%get3A_588, %get3A_589, %get3A_590] {strides = array<i32>} : memref<2x40x128xf32, #tpu.memory_space<vmem>>, vector<1x1x16xf32>,
        %get3A_592 = vector.shape_cast %get3A_591 : vector<1x1x16xf32> to vector<16xf32>
        %add3A_593 = arith.addf %add3A_586, %get3A_592 : vector<16xf32>
        %swap3A_594 = arith.constant 1 : i32
        %swap3A_595 = arith.index_cast %swap3A_594 : i32 to index
        %swap3A_596 = arith.index_cast %scan3A_498 : i32 to index
        %swap3A_597 = arith.constant 32 : index
        %swap3A_598 = tpu.vector_load %arg14[%swap3A_595, %swap3A_596, %swap3A_597] {strides = array<i32>} : memref<2x40x128xf32, #tpu.memory_space<vmem>>, vector<1x1x16xf32>,
        %swap3A_599 = vector.shape_cast %swap3A_598 : vector<1x1x16xf32> to vector<16xf32>
        %swap3A_600 = vector.shape_cast %add3A_593 : vector<16xf32> to vector<1x1x16xf32>
        tpu.vector_store %arg14[%swap3A_595, %swap3A_596, %swap3A_597], %swap3A_600 {strides = array<i32>} : memref<2x40x128xf32, #tpu.memory_space<vmem>>, vector<1x1x16xf32>,
        %add3A_601 = arith.addf %scan3A_501, %add3A_593 : vector<16xf32>
        %mul3A_602 = arith.mulf %add3A_593, %add3A_593 : vector<16xf32>
        %add3A_603 = arith.addf %scan3A_509, %mul3A_602 : vector<16xf32>
        %get3A_604 = arith.constant 1 : i32
        %get3A_605 = arith.index_cast %get3A_604 : i32 to index
        %get3A_606 = arith.index_cast %scan3A_498 : i32 to index
        %get3A_607 = arith.constant 48 : index
        %get3A_608 = tpu.vector_load %arg11[%get3A_605, %get3A_606, %get3A_607] {strides = array<i32>} : memref<2x40x128xf32, #tpu.memory_space<vmem>>, vector<1x1x16xf32>,
        %get3A_609 = vector.shape_cast %get3A_608 : vector<1x1x16xf32> to vector<16xf32>
        %get3A_610 = arith.constant 1 : i32
        %get3A_611 = arith.index_cast %get3A_610 : i32 to index
        %get3A_612 = arith.index_cast %scan3A_498 : i32 to index
        %get3A_613 = arith.constant 48 : index
        %get3A_614 = tpu.vector_load %arg12[%get3A_611, %get3A_612, %get3A_613] {strides = array<i32>} : memref<2x40x128xf32, #tpu.memory_space<vmem>>, vector<1x1x16xf32>,
        %get3A_615 = vector.shape_cast %get3A_614 : vector<1x1x16xf32> to vector<16xf32>
        %add3A_616 = arith.addf %get3A_609, %get3A_615 : vector<16xf32>
        %get3A_617 = arith.constant 1 : i32
        %get3A_618 = arith.index_cast %get3A_617 : i32 to index
        %get3A_619 = arith.index_cast %scan3A_498 : i32 to index
        %get3A_620 = arith.constant 48 : index
        %get3A_621 = tpu.vector_load %arg13[%get3A_618, %get3A_619, %get3A_620] {strides = array<i32>} : memref<2x40x128xf32, #tpu.memory_space<vmem>>, vector<1x1x16xf32>,
        %get3A_622 = vector.shape_cast %get3A_621 : vector<1x1x16xf32> to vector<16xf32>
        %add3A_623 = arith.addf %add3A_616, %get3A_622 : vector<16xf32>
        %swap3A_624 = arith.constant 1 : i32
        %swap3A_625 = arith.index_cast %swap3A_624 : i32 to index
        %swap3A_626 = arith.index_cast %scan3A_498 : i32 to index
        %swap3A_627 = arith.constant 48 : index
        %swap3A_628 = tpu.vector_load %arg14[%swap3A_625, %swap3A_626, %swap3A_627] {strides = array<i32>} : memref<2x40x128xf32, #tpu.memory_space<vmem>>, vector<1x1x16xf32>,
        %swap3A_629 = vector.shape_cast %swap3A_628 : vector<1x1x16xf32> to vector<16xf32>
        %swap3A_630 = vector.shape_cast %add3A_623 : vector<16xf32> to vector<1x1x16xf32>
        tpu.vector_store %arg14[%swap3A_625, %swap3A_626, %swap3A_627], %swap3A_630 {strides = array<i32>} : memref<2x40x128xf32, #tpu.memory_space<vmem>>, vector<1x1x16xf32>,
        %add3A_631 = arith.addf %scan3A_502, %add3A_623 : vector<16xf32>
        %mul3A_632 = arith.mulf %add3A_623, %add3A_623 : vector<16xf32>
        %add3A_633 = arith.addf %scan3A_510, %mul3A_632 : vector<16xf32>
        %get3A_634 = arith.constant 1 : i32
        %get3A_635 = arith.index_cast %get3A_634 : i32 to index
        %get3A_636 = arith.index_cast %scan3A_498 : i32 to index
        %get3A_637 = arith.constant 64 : index
        %get3A_638 = tpu.vector_load %arg11[%get3A_635, %get3A_636, %get3A_637] {strides = array<i32>} : memref<2x40x128xf32, #tpu.memory_space<vmem>>, vector<1x1x16xf32>,
        %get3A_639 = vector.shape_cast %get3A_638 : vector<1x1x16xf32> to vector<16xf32>
        %get3A_640 = arith.constant 1 : i32
        %get3A_641 = arith.index_cast %get3A_640 : i32 to index
        %get3A_642 = arith.index_cast %scan3A_498 : i32 to index
        %get3A_643 = arith.constant 64 : index
        %get3A_644 = tpu.vector_load %arg12[%get3A_641, %get3A_642, %get3A_643] {strides = array<i32>} : memref<2x40x128xf32, #tpu.memory_space<vmem>>, vector<1x1x16xf32>,
        %get3A_645 = vector.shape_cast %get3A_644 : vector<1x1x16xf32> to vector<16xf32>
        %add3A_646 = arith.addf %get3A_639, %get3A_645 : vector<16xf32>
        %get3A_647 = arith.constant 1 : i32
        %get3A_648 = arith.index_cast %get3A_647 : i32 to index
        %get3A_649 = arith.index_cast %scan3A_498 : i32 to index
        %get3A_650 = arith.constant 64 : index
        %get3A_651 = tpu.vector_load %arg13[%get3A_648, %get3A_649, %get3A_650] {strides = array<i32>} : memref<2x40x128xf32, #tpu.memory_space<vmem>>, vector<1x1x16xf32>,
        %get3A_652 = vector.shape_cast %get3A_651 : vector<1x1x16xf32> to vector<16xf32>
        %add3A_653 = arith.addf %add3A_646, %get3A_652 : vector<16xf32>
        %swap3A_654 = arith.constant 1 : i32
        %swap3A_655 = arith.index_cast %swap3A_654 : i32 to index
        %swap3A_656 = arith.index_cast %scan3A_498 : i32 to index
        %swap3A_657 = arith.constant 64 : index
        %swap3A_658 = tpu.vector_load %arg14[%swap3A_655, %swap3A_656, %swap3A_657] {strides = array<i32>} : memref<2x40x128xf32, #tpu.memory_space<vmem>>, vector<1x1x16xf32>,
        %swap3A_659 = vector.shape_cast %swap3A_658 : vector<1x1x16xf32> to vector<16xf32>
        %swap3A_660 = vector.shape_cast %add3A_653 : vector<16xf32> to vector<1x1x16xf32>
        tpu.vector_store %arg14[%swap3A_655, %swap3A_656, %swap3A_657], %swap3A_660 {strides = array<i32>} : memref<2x40x128xf32, #tpu.memory_space<vmem>>, vector<1x1x16xf32>,
        %add3A_661 = arith.addf %scan3A_503, %add3A_653 : vector<16xf32>
        %mul3A_662 = arith.mulf %add3A_653, %add3A_653 : vector<16xf32>
        %add3A_663 = arith.addf %scan3A_511, %mul3A_662 : vector<16xf32>
        %get3A_664 = arith.constant 1 : i32
        %get3A_665 = arith.index_cast %get3A_664 : i32 to index
        %get3A_666 = arith.index_cast %scan3A_498 : i32 to index
        %get3A_667 = arith.constant 80 : index
        %get3A_668 = tpu.vector_load %arg11[%get3A_665, %get3A_666, %get3A_667] {strides = array<i32>} : memref<2x40x128xf32, #tpu.memory_space<vmem>>, vector<1x1x16xf32>,
        %get3A_669 = vector.shape_cast %get3A_668 : vector<1x1x16xf32> to vector<16xf32>
        %get3A_670 = arith.constant 1 : i32
        %get3A_671 = arith.index_cast %get3A_670 : i32 to index
        %get3A_672 = arith.index_cast %scan3A_498 : i32 to index
        %get3A_673 = arith.constant 80 : index
        %get3A_674 = tpu.vector_load %arg12[%get3A_671, %get3A_672, %get3A_673] {strides = array<i32>} : memref<2x40x128xf32, #tpu.memory_space<vmem>>, vector<1x1x16xf32>,
        %get3A_675 = vector.shape_cast %get3A_674 : vector<1x1x16xf32> to vector<16xf32>
        %add3A_676 = arith.addf %get3A_669, %get3A_675 : vector<16xf32>
        %get3A_677 = arith.constant 1 : i32
        %get3A_678 = arith.index_cast %get3A_677 : i32 to index
        %get3A_679 = arith.index_cast %scan3A_498 : i32 to index
        %get3A_680 = arith.constant 80 : index
        %get3A_681 = tpu.vector_load %arg13[%get3A_678, %get3A_679, %get3A_680] {strides = array<i32>} : memref<2x40x128xf32, #tpu.memory_space<vmem>>, vector<1x1x16xf32>,
        %get3A_682 = vector.shape_cast %get3A_681 : vector<1x1x16xf32> to vector<16xf32>
        %add3A_683 = arith.addf %add3A_676, %get3A_682 : vector<16xf32>
        %swap3A_684 = arith.constant 1 : i32
        %swap3A_685 = arith.index_cast %swap3A_684 : i32 to index
        %swap3A_686 = arith.index_cast %scan3A_498 : i32 to index
        %swap3A_687 = arith.constant 80 : index
        %swap3A_688 = tpu.vector_load %arg14[%swap3A_685, %swap3A_686, %swap3A_687] {strides = array<i32>} : memref<2x40x128xf32, #tpu.memory_space<vmem>>, vector<1x1x16xf32>,
        %swap3A_689 = vector.shape_cast %swap3A_688 : vector<1x1x16xf32> to vector<16xf32>
        %swap3A_690 = vector.shape_cast %add3A_683 : vector<16xf32> to vector<1x1x16xf32>
        tpu.vector_store %arg14[%swap3A_685, %swap3A_686, %swap3A_687], %swap3A_690 {strides = array<i32>} : memref<2x40x128xf32, #tpu.memory_space<vmem>>, vector<1x1x16xf32>,
        %add3A_691 = arith.addf %scan3A_504, %add3A_683 : vector<16xf32>
        %mul3A_692 = arith.mulf %add3A_683, %add3A_683 : vector<16xf32>
        %add3A_693 = arith.addf %scan3A_512, %mul3A_692 : vector<16xf32>
        %get3A_694 = arith.constant 1 : i32
        %get3A_695 = arith.index_cast %get3A_694 : i32 to index
        %get3A_696 = arith.index_cast %scan3A_498 : i32 to index
        %get3A_697 = arith.constant 96 : index
        %get3A_698 = tpu.vector_load %arg11[%get3A_695, %get3A_696, %get3A_697] {strides = array<i32>} : memref<2x40x128xf32, #tpu.memory_space<vmem>>, vector<1x1x16xf32>,
        %get3A_699 = vector.shape_cast %get3A_698 : vector<1x1x16xf32> to vector<16xf32>
        %get3A_700 = arith.constant 1 : i32
        %get3A_701 = arith.index_cast %get3A_700 : i32 to index
        %get3A_702 = arith.index_cast %scan3A_498 : i32 to index
        %get3A_703 = arith.constant 96 : index
        %get3A_704 = tpu.vector_load %arg12[%get3A_701, %get3A_702, %get3A_703] {strides = array<i32>} : memref<2x40x128xf32, #tpu.memory_space<vmem>>, vector<1x1x16xf32>,
        %get3A_705 = vector.shape_cast %get3A_704 : vector<1x1x16xf32> to vector<16xf32>
        %add3A_706 = arith.addf %get3A_699, %get3A_705 : vector<16xf32>
        %get3A_707 = arith.constant 1 : i32
        %get3A_708 = arith.index_cast %get3A_707 : i32 to index
        %get3A_709 = arith.index_cast %scan3A_498 : i32 to index
        %get3A_710 = arith.constant 96 : index
        %get3A_711 = tpu.vector_load %arg13[%get3A_708, %get3A_709, %get3A_710] {strides = array<i32>} : memref<2x40x128xf32, #tpu.memory_space<vmem>>, vector<1x1x16xf32>,
        %get3A_712 = vector.shape_cast %get3A_711 : vector<1x1x16xf32> to vector<16xf32>
        %add3A_713 = arith.addf %add3A_706, %get3A_712 : vector<16xf32>
        %swap3A_714 = arith.constant 1 : i32
        %swap3A_715 = arith.index_cast %swap3A_714 : i32 to index
        %swap3A_716 = arith.index_cast %scan3A_498 : i32 to index
        %swap3A_717 = arith.constant 96 : index
        %swap3A_718 = tpu.vector_load %arg14[%swap3A_715, %swap3A_716, %swap3A_717] {strides = array<i32>} : memref<2x40x128xf32, #tpu.memory_space<vmem>>, vector<1x1x16xf32>,
        %swap3A_719 = vector.shape_cast %swap3A_718 : vector<1x1x16xf32> to vector<16xf32>
        %swap3A_720 = vector.shape_cast %add3A_713 : vector<16xf32> to vector<1x1x16xf32>
        tpu.vector_store %arg14[%swap3A_715, %swap3A_716, %swap3A_717], %swap3A_720 {strides = array<i32>} : memref<2x40x128xf32, #tpu.memory_space<vmem>>, vector<1x1x16xf32>,
        %add3A_721 = arith.addf %scan3A_505, %add3A_713 : vector<16xf32>
        %mul3A_722 = arith.mulf %add3A_713, %add3A_713 : vector<16xf32>
        %add3A_723 = arith.addf %scan3A_513, %mul3A_722 : vector<16xf32>
        %get3A_724 = arith.constant 1 : i32
        %get3A_725 = arith.index_cast %get3A_724 : i32 to index
        %get3A_726 = arith.index_cast %scan3A_498 : i32 to index
        %get3A_727 = arith.constant 112 : index
        %get3A_728 = tpu.vector_load %arg11[%get3A_725, %get3A_726, %get3A_727] {strides = array<i32>} : memref<2x40x128xf32, #tpu.memory_space<vmem>>, vector<1x1x16xf32>,
        %get3A_729 = vector.shape_cast %get3A_728 : vector<1x1x16xf32> to vector<16xf32>
        %get3A_730 = arith.constant 1 : i32
        %get3A_731 = arith.index_cast %get3A_730 : i32 to index
        %get3A_732 = arith.index_cast %scan3A_498 : i32 to index
        %get3A_733 = arith.constant 112 : index
        %get3A_734 = tpu.vector_load %arg12[%get3A_731, %get3A_732, %get3A_733] {strides = array<i32>} : memref<2x40x128xf32, #tpu.memory_space<vmem>>, vector<1x1x16xf32>,
        %get3A_735 = vector.shape_cast %get3A_734 : vector<1x1x16xf32> to vector<16xf32>
        %add3A_736 = arith.addf %get3A_729, %get3A_735 : vector<16xf32>
        %get3A_737 = arith.constant 1 : i32
        %get3A_738 = arith.index_cast %get3A_737 : i32 to index
        %get3A_739 = arith.index_cast %scan3A_498 : i32 to index
        %get3A_740 = arith.constant 112 : index
        %get3A_741 = tpu.vector_load %arg13[%get3A_738, %get3A_739, %get3A_740] {strides = array<i32>} : memref<2x40x128xf32, #tpu.memory_space<vmem>>, vector<1x1x16xf32>,
        %get3A_742 = vector.shape_cast %get3A_741 : vector<1x1x16xf32> to vector<16xf32>
        %add3A_743 = arith.addf %add3A_736, %get3A_742 : vector<16xf32>
        %swap3A_744 = arith.constant 1 : i32
        %swap3A_745 = arith.index_cast %swap3A_744 : i32 to index
        %swap3A_746 = arith.index_cast %scan3A_498 : i32 to index
        %swap3A_747 = arith.constant 112 : index
        %swap3A_748 = tpu.vector_load %arg14[%swap3A_745, %swap3A_746, %swap3A_747] {strides = array<i32>} : memref<2x40x128xf32, #tpu.memory_space<vmem>>, vector<1x1x16xf32>,
        %swap3A_749 = vector.shape_cast %swap3A_748 : vector<1x1x16xf32> to vector<16xf32>
        %swap3A_750 = vector.shape_cast %add3A_743 : vector<16xf32> to vector<1x1x16xf32>
        tpu.vector_store %arg14[%swap3A_745, %swap3A_746, %swap3A_747], %swap3A_750 {strides = array<i32>} : memref<2x40x128xf32, #tpu.memory_space<vmem>>, vector<1x1x16xf32>,
        %add3A_751 = arith.addf %scan3A_506, %add3A_743 : vector<16xf32>
        %mul3A_752 = arith.mulf %add3A_743, %add3A_743 : vector<16xf32>
        %add3A_753 = arith.addf %scan3A_514, %mul3A_752 : vector<16xf32>
        scf.yield %add3A_541, %add3A_571, %add3A_601, %add3A_631, %add3A_661, %add3A_691, %add3A_721, %add3A_751, %add3A_543, %add3A_573, %add3A_603, %add3A_633, %add3A_663, %add3A_693, %add3A_723, %add3A_753 : vector<16xf32>, vector<16xf32>, vector<16xf32>, vector<16xf32>, vector<16xf32>, vector<16xf32>, vector<16xf32>, vector<16xf32>, vector<16xf32>, vector<16xf32>, vector<16xf32>, vector<16xf32>, vector<16xf32>, vector<16xf32>, vector<16xf32>, vector<16xf32>
      }
      %scan3A_474 = arith.constant 40 : i32
      %add3A_475 = arith.constant 1 : i32
      %add3A_476 = arith.addi %mul3A_281, %add3A_475 : i32
      %mul3A_477 = arith.constant 40 : i32
      %mul3A_478 = arith.muli %add3A_476, %mul3A_477 : i32
      %add3A_479 = arith.addi %mul3A_2, %mul3A_478 : i32
      %dma_start3A_480 = arith.constant 1 : i32
      %dma_start3A_481 = arith.constant 0 : i32
      %dma_start3A_482 = arith.constant 0 : i32
      %dma_start3A_483 = tpu.memref_slice %arg14[%dma_start3A_480, %dma_start3A_481, %dma_start3A_482] : memref<2x40x128xf32, #tpu.memory_space<vmem>> -> memref<1x40x128xf32, #tpu.memory_space<vmem>>
      %dma_start3A_484 = tpu.memref_squeeze %dma_start3A_483 : memref<1x40x128xf32, #tpu.memory_space<vmem>> -> memref<40x128xf32, #tpu.memory_space<vmem>>
      %dma_start3A_485 = arith.constant 0 : i32
      %dma_start3A_486 = tpu.memref_slice %arg7[%add3A_479, %dma_start3A_485] : memref<320000x128xf32, #tpu.memory_space<hbm>> -> memref<40x128xf32, #tpu.memory_space<hbm>>
      %dma_start3A_487 = arith.constant 0 : i32
      %dma_start3A_488 = tpu.memref_slice %arg7[%add3A_479, %dma_start3A_487] : memref<320000x128xf32, #tpu.memory_space<hbm>> -> memref<40x128xf32, #tpu.memory_space<hbm>>
      %dma_start3A_489 = arith.constant 0 : i32
      %dma_start3A_490 = arith.constant 0 : i32
      %dma_start3A_491 = tpu.memref_slice %arg14[%dma_start3A_480, %dma_start3A_489, %dma_start3A_490] : memref<2x40x128xf32, #tpu.memory_space<vmem>> -> memref<1x40x128xf32, #tpu.memory_space<vmem>>
      %dma_start3A_492 = tpu.memref_squeeze %dma_start3A_491 : memref<1x40x128xf32, #tpu.memory_space<vmem>> -> memref<40x128xf32, #tpu.memory_space<vmem>>
      tpu.enqueue_dma source(%dma_start3A_492 : memref<40x128xf32, #tpu.memory_space<vmem>>) target(%dma_start3A_488 : memref<40x128xf32, #tpu.memory_space<hbm>>) target_semaphore(%arg21 : memref<!tpu.dma_semaphore, #tpu.memory_space<semaphore_mem>>)
      %lt3A_493 = arith.constant 124 : i32
      %lt3A_494 = arith.cmpi slt, %scan3A_263, %lt3A_493 : i32
      %convert_element_type3A_495 = arith.extui %lt3A_494 : i1 to i32
      %cond3A_496 = arith.constant 0 : i32
      %cond3A_497 = arith.cmpi ne, %convert_element_type3A_495, %cond3A_496 : i32
      scf.if %cond3A_497 {
        %add3A_498 = arith.constant 3 : i32
        %add3A_499 = arith.addi %mul3A_281, %add3A_498 : i32
        %mul3A_500 = arith.constant 40 : i32
        %mul3A_501 = arith.muli %add3A_499, %mul3A_500 : i32
        %add3A_502 = arith.addi %mul3A_2, %mul3A_501 : i32
        %dma_start3A_503 = arith.constant 1 : i32
        %dma_start3A_504 = arith.constant 0 : i32
        %dma_start3A_505 = tpu.memref_slice %arg9[%dma_start3A_503, %dma_start3A_504] : memref<2x40xi32, #tpu.memory_space<vmem>> -> memref<1x40xi32, #tpu.memory_space<vmem>>
        %dma_start3A_506 = tpu.memref_squeeze %dma_start3A_505 : memref<1x40xi32, #tpu.memory_space<vmem>> -> memref<40xi32, #tpu.memory_space<vmem>>
        %dma_start3A_507 = tpu.memref_slice %arg6[%add3A_502] : memref<320000xi32, #tpu.memory_space<hbm>> -> memref<40xi32, #tpu.memory_space<hbm>>
        %dma_start3A_508 = arith.constant 0 : i32
        %dma_start3A_509 = tpu.memref_slice %arg9[%dma_start3A_503, %dma_start3A_508] : memref<2x40xi32, #tpu.memory_space<vmem>> -> memref<1x40xi32, #tpu.memory_space<vmem>>
        %dma_start3A_510 = tpu.memref_squeeze %dma_start3A_509 : memref<1x40xi32, #tpu.memory_space<vmem>> -> memref<40xi32, #tpu.memory_space<vmem>>
        %dma_start3A_511 = tpu.memref_slice %arg6[%add3A_502] : memref<320000xi32, #tpu.memory_space<hbm>> -> memref<40xi32, #tpu.memory_space<hbm>>
        tpu.enqueue_dma source(%dma_start3A_511 : memref<40xi32, #tpu.memory_space<hbm>>) target(%dma_start3A_510 : memref<40xi32, #tpu.memory_space<vmem>>) target_semaphore(%arg17 : memref<!tpu.dma_semaphore, #tpu.memory_space<semaphore_mem>>)
        %dma_start3A_512 = arith.constant 1 : i32
        %dma_start3A_513 = arith.constant 0 : i32
        %dma_start3A_514 = tpu.memref_slice %arg10[%dma_start3A_512, %dma_start3A_513] : memref<2x40xi32, #tpu.memory_space<vmem>> -> memref<1x40xi32, #tpu.memory_space<vmem>>
        %dma_start3A_515 = tpu.memref_squeeze %dma_start3A_514 : memref<1x40xi32, #tpu.memory_space<vmem>> -> memref<40xi32, #tpu.memory_space<vmem>>
        %dma_start3A_516 = tpu.memref_slice %arg5[%add3A_502] : memref<320000xi32, #tpu.memory_space<hbm>> -> memref<40xi32, #tpu.memory_space<hbm>>
        %dma_start3A_517 = arith.constant 0 : i32
        %dma_start3A_518 = tpu.memref_slice %arg10[%dma_start3A_512, %dma_start3A_517] : memref<2x40xi32, #tpu.memory_space<vmem>> -> memref<1x40xi32, #tpu.memory_space<vmem>>
        %dma_start3A_519 = tpu.memref_squeeze %dma_start3A_518 : memref<1x40xi32, #tpu.memory_space<vmem>> -> memref<40xi32, #tpu.memory_space<vmem>>
        %dma_start3A_520 = tpu.memref_slice %arg5[%add3A_502] : memref<320000xi32, #tpu.memory_space<hbm>> -> memref<40xi32, #tpu.memory_space<hbm>>
        tpu.enqueue_dma source(%dma_start3A_520 : memref<40xi32, #tpu.memory_space<hbm>>) target(%dma_start3A_519 : memref<40xi32, #tpu.memory_space<vmem>>) target_semaphore(%arg17 : memref<!tpu.dma_semaphore, #tpu.memory_space<semaphore_mem>>)
        %dma_wait3A_521 = arith.constant 0 : i32
        %dma_wait3A_522 = arith.constant 0 : i32
        %dma_wait3A_523 = tpu.memref_slice %arg9[%dma_wait3A_521, %dma_wait3A_522] : memref<2x40xi32, #tpu.memory_space<vmem>> -> memref<1x40xi32, #tpu.memory_space<vmem>>
        %dma_wait3A_524 = tpu.memref_squeeze %dma_wait3A_523 : memref<1x40xi32, #tpu.memory_space<vmem>> -> memref<40xi32, #tpu.memory_space<vmem>>
        %dma_wait3A_525 = arith.constant 0 : i32
        %dma_wait3A_526 = tpu.memref_slice %arg6[%dma_wait3A_525] : memref<320000xi32, #tpu.memory_space<hbm>> -> memref<40xi32, #tpu.memory_space<hbm>>
        %dma_wait3A_527 = arith.constant 0 : i32
        %dma_wait3A_528 = tpu.memref_slice %arg9[%dma_wait3A_521, %dma_wait3A_527] : memref<2x40xi32, #tpu.memory_space<vmem>> -> memref<1x40xi32, #tpu.memory_space<vmem>>
        %dma_wait3A_529 = tpu.memref_squeeze %dma_wait3A_528 : memref<1x40xi32, #tpu.memory_space<vmem>> -> memref<40xi32, #tpu.memory_space<vmem>>
        %dma_wait3A_530 = arith.constant 0 : i32
        %dma_wait3A_531 = tpu.memref_slice %arg6[%dma_wait3A_530] : memref<320000xi32, #tpu.memory_space<hbm>> -> memref<40xi32, #tpu.memory_space<hbm>>
        tpu.wait_dma2 semaphore(%arg16 : memref<!tpu.dma_semaphore, #tpu.memory_space<semaphore_mem>>) src(%dma_wait3A_531 : memref<40xi32, #tpu.memory_space<hbm>>) dst(%dma_wait3A_529 : memref<40xi32, #tpu.memory_space<vmem>>)
        %dma_wait3A_532 = arith.constant 0 : i32
        %dma_wait3A_533 = arith.constant 0 : i32
        %dma_wait3A_534 = tpu.memref_slice %arg10[%dma_wait3A_532, %dma_wait3A_533] : memref<2x40xi32, #tpu.memory_space<vmem>> -> memref<1x40xi32, #tpu.memory_space<vmem>>
        %dma_wait3A_535 = tpu.memref_squeeze %dma_wait3A_534 : memref<1x40xi32, #tpu.memory_space<vmem>> -> memref<40xi32, #tpu.memory_space<vmem>>
        %dma_wait3A_536 = arith.constant 0 : i32
        %dma_wait3A_537 = tpu.memref_slice %arg5[%dma_wait3A_536] : memref<320000xi32, #tpu.memory_space<hbm>> -> memref<40xi32, #tpu.memory_space<hbm>>
        %dma_wait3A_538 = arith.constant 0 : i32
        %dma_wait3A_539 = tpu.memref_slice %arg10[%dma_wait3A_532, %dma_wait3A_538] : memref<2x40xi32, #tpu.memory_space<vmem>> -> memref<1x40xi32, #tpu.memory_space<vmem>>
        %dma_wait3A_540 = tpu.memref_squeeze %dma_wait3A_539 : memref<1x40xi32, #tpu.memory_space<vmem>> -> memref<40xi32, #tpu.memory_space<vmem>>
        %dma_wait3A_541 = arith.constant 0 : i32
        %dma_wait3A_542 = tpu.memref_slice %arg5[%dma_wait3A_541] : memref<320000xi32, #tpu.memory_space<hbm>> -> memref<40xi32, #tpu.memory_space<hbm>>
        tpu.wait_dma2 semaphore(%arg16 : memref<!tpu.dma_semaphore, #tpu.memory_space<semaphore_mem>>) src(%dma_wait3A_542 : memref<40xi32, #tpu.memory_space<hbm>>) dst(%dma_wait3A_540 : memref<40xi32, #tpu.memory_space<vmem>>)
        %add3A_543 = arith.constant 2 : i32
        %add3A_544 = arith.addi %mul3A_281, %add3A_543 : i32
        %mul3A_545 = arith.constant 40 : i32
        %mul3A_546 = arith.muli %add3A_544, %mul3A_545 : i32
        %add3A_547 = arith.addi %mul3A_2, %mul3A_546 : i32
        %dma_start3A_548 = arith.constant 0 : i32
        %dma_start3A_549 = arith.constant 0 : i32
        %dma_start3A_550 = arith.constant 0 : i32
        %dma_start3A_551 = arith.constant 0 : i32
        %dma_start3A_552 = tpu.memref_slice %arg11[%dma_start3A_549, %dma_start3A_550, %dma_start3A_551] : memref<2x40x128xf32, #tpu.memory_space<vmem>> -> memref<1x40x128xf32, #tpu.memory_space<vmem>>
        %dma_start3A_553 = tpu.memref_squeeze %dma_start3A_552 : memref<1x40x128xf32, #tpu.memory_space<vmem>> -> memref<40x128xf32, #tpu.memory_space<vmem>>
        %dma_start3A_554 = arith.constant 0 : i32
        %dma_start3A_555 = tpu.memref_slice %arg9[%dma_start3A_548, %dma_start3A_554] : memref<2x40xi32, #tpu.memory_space<vmem>> -> memref<1x40xi32, #tpu.memory_space<vmem>>
        %dma_start3A_556 = tpu.memref_squeeze %dma_start3A_555 : memref<1x40xi32, #tpu.memory_space<vmem>> -> memref<40xi32, #tpu.memory_space<vmem>>
        %dma_start3A_557 = arith.constant 0 : i32
        %dma_start3A_558 = arith.constant 0 : i32
        %dma_start3A_559 = tpu.memref_slice %arg2[%dma_start3A_557, %dma_start3A_558] : memref<10000x128xf32, #tpu.memory_space<hbm>> -> memref<10000x128xf32, #tpu.memory_space<hbm>>
        tpu.enqueue_indirect_dma source(%dma_start3A_559 : memref<10000x128xf32, #tpu.memory_space<hbm>>) target(%dma_start3A_553 : memref<40x128xf32, #tpu.memory_space<vmem>>) offsets(%dma_start3A_556 : memref<40xi32, #tpu.memory_space<vmem>>) semaphore(%arg18 : memref<!tpu.dma_semaphore, #tpu.memory_space<semaphore_mem>>)
        %dma_start3A_560 = arith.constant 0 : i32
        %dma_start3A_561 = arith.constant 0 : i32
        %dma_start3A_562 = arith.constant 0 : i32
        %dma_start3A_563 = arith.constant 0 : i32
        %dma_start3A_564 = tpu.memref_slice %arg12[%dma_start3A_561, %dma_start3A_562, %dma_start3A_563] : memref<2x40x128xf32, #tpu.memory_space<vmem>> -> memref<1x40x128xf32, #tpu.memory_space<vmem>>
        %dma_start3A_565 = tpu.memref_squeeze %dma_start3A_564 : memref<1x40x128xf32, #tpu.memory_space<vmem>> -> memref<40x128xf32, #tpu.memory_space<vmem>>
        %dma_start3A_566 = arith.constant 0 : i32
        %dma_start3A_567 = tpu.memref_slice %arg10[%dma_start3A_560, %dma_start3A_566] : memref<2x40xi32, #tpu.memory_space<vmem>> -> memref<1x40xi32, #tpu.memory_space<vmem>>
        %dma_start3A_568 = tpu.memref_squeeze %dma_start3A_567 : memref<1x40xi32, #tpu.memory_space<vmem>> -> memref<40xi32, #tpu.memory_space<vmem>>
        %dma_start3A_569 = arith.constant 0 : i32
        %dma_start3A_570 = arith.constant 0 : i32
        %dma_start3A_571 = tpu.memref_slice %arg3[%dma_start3A_569, %dma_start3A_570] : memref<10000x128xf32, #tpu.memory_space<hbm>> -> memref<10000x128xf32, #tpu.memory_space<hbm>>
        tpu.enqueue_indirect_dma source(%dma_start3A_571 : memref<10000x128xf32, #tpu.memory_space<hbm>>) target(%dma_start3A_565 : memref<40x128xf32, #tpu.memory_space<vmem>>) offsets(%dma_start3A_568 : memref<40xi32, #tpu.memory_space<vmem>>) semaphore(%arg18 : memref<!tpu.dma_semaphore, #tpu.memory_space<semaphore_mem>>)
        %dma_start3A_572 = arith.constant 0 : i32
        %dma_start3A_573 = arith.constant 0 : i32
        %dma_start3A_574 = arith.constant 0 : i32
        %dma_start3A_575 = tpu.memref_slice %arg13[%dma_start3A_572, %dma_start3A_573, %dma_start3A_574] : memref<2x40x128xf32, #tpu.memory_space<vmem>> -> memref<1x40x128xf32, #tpu.memory_space<vmem>>
        %dma_start3A_576 = tpu.memref_squeeze %dma_start3A_575 : memref<1x40x128xf32, #tpu.memory_space<vmem>> -> memref<40x128xf32, #tpu.memory_space<vmem>>
        %dma_start3A_577 = arith.constant 0 : i32
        %dma_start3A_578 = tpu.memref_slice %arg4[%add3A_547, %dma_start3A_577] : memref<320000x128xf32, #tpu.memory_space<hbm>> -> memref<40x128xf32, #tpu.memory_space<hbm>>
        %dma_start3A_579 = arith.constant 0 : i32
        %dma_start3A_580 = arith.constant 0 : i32
        %dma_start3A_581 = tpu.memref_slice %arg13[%dma_start3A_572, %dma_start3A_579, %dma_start3A_580] : memref<2x40x128xf32, #tpu.memory_space<vmem>> -> memref<1x40x128xf32, #tpu.memory_space<vmem>>
        %dma_start3A_582 = tpu.memref_squeeze %dma_start3A_581 : memref<1x40x128xf32, #tpu.memory_space<vmem>> -> memref<40x128xf32, #tpu.memory_space<vmem>>
        %dma_start3A_583 = arith.constant 0 : i32
        %dma_start3A_584 = tpu.memref_slice %arg4[%add3A_547, %dma_start3A_583] : memref<320000x128xf32, #tpu.memory_space<hbm>> -> memref<40x128xf32, #tpu.memory_space<hbm>>
        tpu.enqueue_dma source(%dma_start3A_584 : memref<40x128xf32, #tpu.memory_space<hbm>>) target(%dma_start3A_582 : memref<40x128xf32, #tpu.memory_space<vmem>>) target_semaphore(%arg18 : memref<!tpu.dma_semaphore, #tpu.memory_space<semaphore_mem>>)
      } else {
      }
      scf.yield %scan3A_473#0, %scan3A_473#1, %scan3A_473#2, %scan3A_473#3, %scan3A_473#4, %scan3A_473#5, %scan3A_473#6, %scan3A_473#7, %scan3A_473#8, %scan3A_473#9, %scan3A_473#10, %scan3A_473#11, %scan3A_473#12, %scan3A_473#13, %scan3A_473#14, %scan3A_473#15 : vector<16xf32>, vector<16xf32>, vector<16xf32>, vector<16xf32>, vector<16xf32>, vector<16xf32>, vector<16xf32>, vector<16xf32>, vector<16xf32>, vector<16xf32>, vector<16xf32>, vector<16xf32>, vector<16xf32>, vector<16xf32>, vector<16xf32>, vector<16xf32>
    }
    %scan3A_137 = arith.constant 125 : i32
    %dma_wait3A_138 = arith.constant 0 : i32
    %dma_wait3A_139 = arith.constant 0 : i32
    %dma_wait3A_140 = arith.constant 0 : i32
    %dma_wait3A_141 = tpu.memref_slice %arg14[%dma_wait3A_138, %dma_wait3A_139, %dma_wait3A_140] : memref<2x40x128xf32, #tpu.memory_space<vmem>> -> memref<1x40x128xf32, #tpu.memory_space<vmem>>
    %dma_wait3A_142 = tpu.memref_squeeze %dma_wait3A_141 : memref<1x40x128xf32, #tpu.memory_space<vmem>> -> memref<40x128xf32, #tpu.memory_space<vmem>>
    %dma_wait3A_143 = arith.constant 0 : i32
    %dma_wait3A_144 = arith.constant 0 : i32
    %dma_wait3A_145 = tpu.memref_slice %arg7[%dma_wait3A_143, %dma_wait3A_144] : memref<320000x128xf32, #tpu.memory_space<hbm>> -> memref<40x128xf32, #tpu.memory_space<hbm>>
    %dma_wait3A_146 = arith.constant 0 : i32
    %dma_wait3A_147 = arith.constant 0 : i32
    %dma_wait3A_148 = tpu.memref_slice %arg7[%dma_wait3A_146, %dma_wait3A_147] : memref<320000x128xf32, #tpu.memory_space<hbm>> -> memref<40x128xf32, #tpu.memory_space<hbm>>
    %dma_wait3A_149 = arith.constant 0 : i32
    %dma_wait3A_150 = arith.constant 0 : i32
    %dma_wait3A_151 = tpu.memref_slice %arg14[%dma_wait3A_138, %dma_wait3A_149, %dma_wait3A_150] : memref<2x40x128xf32, #tpu.memory_space<vmem>> -> memref<1x40x128xf32, #tpu.memory_space<vmem>>
    %dma_wait3A_152 = tpu.memref_squeeze %dma_wait3A_151 : memref<1x40x128xf32, #tpu.memory_space<vmem>> -> memref<40x128xf32, #tpu.memory_space<vmem>>
    tpu.wait_dma2 semaphore(%arg20 : memref<!tpu.dma_semaphore, #tpu.memory_space<semaphore_mem>>) src(%dma_wait3A_152 : memref<40x128xf32, #tpu.memory_space<vmem>>) dst(%dma_wait3A_148 : memref<40x128xf32, #tpu.memory_space<hbm>>)
    %dma_wait3A_153 = arith.constant 1 : i32
    %dma_wait3A_154 = arith.constant 0 : i32
    %dma_wait3A_155 = arith.constant 0 : i32
    %dma_wait3A_156 = tpu.memref_slice %arg14[%dma_wait3A_153, %dma_wait3A_154, %dma_wait3A_155] : memref<2x40x128xf32, #tpu.memory_space<vmem>> -> memref<1x40x128xf32, #tpu.memory_space<vmem>>
    %dma_wait3A_157 = tpu.memref_squeeze %dma_wait3A_156 : memref<1x40x128xf32, #tpu.memory_space<vmem>> -> memref<40x128xf32, #tpu.memory_space<vmem>>
    %dma_wait3A_158 = arith.constant 0 : i32
    %dma_wait3A_159 = arith.constant 0 : i32
    %dma_wait3A_160 = tpu.memref_slice %arg7[%dma_wait3A_158, %dma_wait3A_159] : memref<320000x128xf32, #tpu.memory_space<hbm>> -> memref<40x128xf32, #tpu.memory_space<hbm>>
    %dma_wait3A_161 = arith.constant 0 : i32
    %dma_wait3A_162 = arith.constant 0 : i32
    %dma_wait3A_163 = tpu.memref_slice %arg7[%dma_wait3A_161, %dma_wait3A_162] : memref<320000x128xf32, #tpu.memory_space<hbm>> -> memref<40x128xf32, #tpu.memory_space<hbm>>
    %dma_wait3A_164 = arith.constant 0 : i32
    %dma_wait3A_165 = arith.constant 0 : i32
    %dma_wait3A_166 = tpu.memref_slice %arg14[%dma_wait3A_153, %dma_wait3A_164, %dma_wait3A_165] : memref<2x40x128xf32, #tpu.memory_space<vmem>> -> memref<1x40x128xf32, #tpu.memory_space<vmem>>
    %dma_wait3A_167 = tpu.memref_squeeze %dma_wait3A_166 : memref<1x40x128xf32, #tpu.memory_space<vmem>> -> memref<40x128xf32, #tpu.memory_space<vmem>>
    tpu.wait_dma2 semaphore(%arg21 : memref<!tpu.dma_semaphore, #tpu.memory_space<semaphore_mem>>) src(%dma_wait3A_167 : memref<40x128xf32, #tpu.memory_space<vmem>>) dst(%dma_wait3A_163 : memref<40x128xf32, #tpu.memory_space<hbm>>)
    %swap3A = arith.constant 0 : i32
    %swap3A_168 = arith.index_cast %swap3A : i32 to index
    %swap3A_169 = arith.constant 0 : index
    %swap3A_170 = tpu.vector_load %arg15[%swap3A_168, %swap3A_169] {strides = array<i32>} : memref<2x128xf32, #tpu.memory_space<vmem>>, vector<1x16xf32>,
    %swap3A_171 = vector.shape_cast %swap3A_170 : vector<1x16xf32> to vector<16xf32>
    %swap3A_172 = vector.shape_cast %scan3A_136#0 : vector<16xf32> to vector<1x16xf32>
    tpu.vector_store %arg15[%swap3A_168, %swap3A_169], %swap3A_172 {strides = array<i32>} : memref<2x128xf32, #tpu.memory_space<vmem>>, vector<1x16xf32>,
    %swap3A_173 = arith.constant 0 : i32
    %swap3A_174 = arith.index_cast %swap3A_173 : i32 to index
    %swap3A_175 = arith.constant 16 : index
    %swap3A_176 = tpu.vector_load %arg15[%swap3A_174, %swap3A_175] {strides = array<i32>} : memref<2x128xf32, #tpu.memory_space<vmem>>, vector<1x16xf32>,
    %swap3A_177 = vector.shape_cast %swap3A_176 : vector<1x16xf32> to vector<16xf32>
    %swap3A_178 = vector.shape_cast %scan3A_136#1 : vector<16xf32> to vector<1x16xf32>
    tpu.vector_store %arg15[%swap3A_174, %swap3A_175], %swap3A_178 {strides = array<i32>} : memref<2x128xf32, #tpu.memory_space<vmem>>, vector<1x16xf32>,
    %swap3A_179 = arith.constant 0 : i32
    %swap3A_180 = arith.index_cast %swap3A_179 : i32 to index
    %swap3A_181 = arith.constant 32 : index
    %swap3A_182 = tpu.vector_load %arg15[%swap3A_180, %swap3A_181] {strides = array<i32>} : memref<2x128xf32, #tpu.memory_space<vmem>>, vector<1x16xf32>,
    %swap3A_183 = vector.shape_cast %swap3A_182 : vector<1x16xf32> to vector<16xf32>
    %swap3A_184 = vector.shape_cast %scan3A_136#2 : vector<16xf32> to vector<1x16xf32>
    tpu.vector_store %arg15[%swap3A_180, %swap3A_181], %swap3A_184 {strides = array<i32>} : memref<2x128xf32, #tpu.memory_space<vmem>>, vector<1x16xf32>,
    %swap3A_185 = arith.constant 0 : i32
    %swap3A_186 = arith.index_cast %swap3A_185 : i32 to index
    %swap3A_187 = arith.constant 48 : index
    %swap3A_188 = tpu.vector_load %arg15[%swap3A_186, %swap3A_187] {strides = array<i32>} : memref<2x128xf32, #tpu.memory_space<vmem>>, vector<1x16xf32>,
    %swap3A_189 = vector.shape_cast %swap3A_188 : vector<1x16xf32> to vector<16xf32>
    %swap3A_190 = vector.shape_cast %scan3A_136#3 : vector<16xf32> to vector<1x16xf32>
    tpu.vector_store %arg15[%swap3A_186, %swap3A_187], %swap3A_190 {strides = array<i32>} : memref<2x128xf32, #tpu.memory_space<vmem>>, vector<1x16xf32>,
    %swap3A_191 = arith.constant 0 : i32
    %swap3A_192 = arith.index_cast %swap3A_191 : i32 to index
    %swap3A_193 = arith.constant 64 : index
    %swap3A_194 = tpu.vector_load %arg15[%swap3A_192, %swap3A_193] {strides = array<i32>} : memref<2x128xf32, #tpu.memory_space<vmem>>, vector<1x16xf32>,
    %swap3A_195 = vector.shape_cast %swap3A_194 : vector<1x16xf32> to vector<16xf32>
    %swap3A_196 = vector.shape_cast %scan3A_136#4 : vector<16xf32> to vector<1x16xf32>
    tpu.vector_store %arg15[%swap3A_192, %swap3A_193], %swap3A_196 {strides = array<i32>} : memref<2x128xf32, #tpu.memory_space<vmem>>, vector<1x16xf32>,
    %swap3A_197 = arith.constant 0 : i32
    %swap3A_198 = arith.index_cast %swap3A_197 : i32 to index
    %swap3A_199 = arith.constant 80 : index
    %swap3A_200 = tpu.vector_load %arg15[%swap3A_198, %swap3A_199] {strides = array<i32>} : memref<2x128xf32, #tpu.memory_space<vmem>>, vector<1x16xf32>,
    %swap3A_201 = vector.shape_cast %swap3A_200 : vector<1x16xf32> to vector<16xf32>
    %swap3A_202 = vector.shape_cast %scan3A_136#5 : vector<16xf32> to vector<1x16xf32>
    tpu.vector_store %arg15[%swap3A_198, %swap3A_199], %swap3A_202 {strides = array<i32>} : memref<2x128xf32, #tpu.memory_space<vmem>>, vector<1x16xf32>,
    %swap3A_203 = arith.constant 0 : i32
    %swap3A_204 = arith.index_cast %swap3A_203 : i32 to index
    %swap3A_205 = arith.constant 96 : index
    %swap3A_206 = tpu.vector_load %arg15[%swap3A_204, %swap3A_205] {strides = array<i32>} : memref<2x128xf32, #tpu.memory_space<vmem>>, vector<1x16xf32>,
    %swap3A_207 = vector.shape_cast %swap3A_206 : vector<1x16xf32> to vector<16xf32>
    %swap3A_208 = vector.shape_cast %scan3A_136#6 : vector<16xf32> to vector<1x16xf32>
    tpu.vector_store %arg15[%swap3A_204, %swap3A_205], %swap3A_208 {strides = array<i32>} : memref<2x128xf32, #tpu.memory_space<vmem>>, vector<1x16xf32>,
    %swap3A_209 = arith.constant 0 : i32
    %swap3A_210 = arith.index_cast %swap3A_209 : i32 to index
    %swap3A_211 = arith.constant 112 : index
    %swap3A_212 = tpu.vector_load %arg15[%swap3A_210, %swap3A_211] {strides = array<i32>} : memref<2x128xf32, #tpu.memory_space<vmem>>, vector<1x16xf32>,
    %swap3A_213 = vector.shape_cast %swap3A_212 : vector<1x16xf32> to vector<16xf32>
    %swap3A_214 = vector.shape_cast %scan3A_136#7 : vector<16xf32> to vector<1x16xf32>
    tpu.vector_store %arg15[%swap3A_210, %swap3A_211], %swap3A_214 {strides = array<i32>} : memref<2x128xf32, #tpu.memory_space<vmem>>, vector<1x16xf32>,
    %swap3A_215 = arith.constant 1 : i32
    %swap3A_216 = arith.index_cast %swap3A_215 : i32 to index
    %swap3A_217 = arith.constant 0 : index
    %swap3A_218 = tpu.vector_load %arg15[%swap3A_216, %swap3A_217] {strides = array<i32>} : memref<2x128xf32, #tpu.memory_space<vmem>>, vector<1x16xf32>,
    %swap3A_219 = vector.shape_cast %swap3A_218 : vector<1x16xf32> to vector<16xf32>
    %swap3A_220 = vector.shape_cast %scan3A_136#8 : vector<16xf32> to vector<1x16xf32>
    tpu.vector_store %arg15[%swap3A_216, %swap3A_217], %swap3A_220 {strides = array<i32>} : memref<2x128xf32, #tpu.memory_space<vmem>>, vector<1x16xf32>,
    %swap3A_221 = arith.constant 1 : i32
    %swap3A_222 = arith.index_cast %swap3A_221 : i32 to index
    %swap3A_223 = arith.constant 16 : index
    %swap3A_224 = tpu.vector_load %arg15[%swap3A_222, %swap3A_223] {strides = array<i32>} : memref<2x128xf32, #tpu.memory_space<vmem>>, vector<1x16xf32>,
    %swap3A_225 = vector.shape_cast %swap3A_224 : vector<1x16xf32> to vector<16xf32>
    %swap3A_226 = vector.shape_cast %scan3A_136#9 : vector<16xf32> to vector<1x16xf32>
    tpu.vector_store %arg15[%swap3A_222, %swap3A_223], %swap3A_226 {strides = array<i32>} : memref<2x128xf32, #tpu.memory_space<vmem>>, vector<1x16xf32>,
    %swap3A_227 = arith.constant 1 : i32
    %swap3A_228 = arith.index_cast %swap3A_227 : i32 to index
    %swap3A_229 = arith.constant 32 : index
    %swap3A_230 = tpu.vector_load %arg15[%swap3A_228, %swap3A_229] {strides = array<i32>} : memref<2x128xf32, #tpu.memory_space<vmem>>, vector<1x16xf32>,
    %swap3A_231 = vector.shape_cast %swap3A_230 : vector<1x16xf32> to vector<16xf32>
    %swap3A_232 = vector.shape_cast %scan3A_136#10 : vector<16xf32> to vector<1x16xf32>
    tpu.vector_store %arg15[%swap3A_228, %swap3A_229], %swap3A_232 {strides = array<i32>} : memref<2x128xf32, #tpu.memory_space<vmem>>, vector<1x16xf32>,
    %swap3A_233 = arith.constant 1 : i32
    %swap3A_234 = arith.index_cast %swap3A_233 : i32 to index
    %swap3A_235 = arith.constant 48 : index
    %swap3A_236 = tpu.vector_load %arg15[%swap3A_234, %swap3A_235] {strides = array<i32>} : memref<2x128xf32, #tpu.memory_space<vmem>>, vector<1x16xf32>,
    %swap3A_237 = vector.shape_cast %swap3A_236 : vector<1x16xf32> to vector<16xf32>
    %swap3A_238 = vector.shape_cast %scan3A_136#11 : vector<16xf32> to vector<1x16xf32>
    tpu.vector_store %arg15[%swap3A_234, %swap3A_235], %swap3A_238 {strides = array<i32>} : memref<2x128xf32, #tpu.memory_space<vmem>>, vector<1x16xf32>,
    %swap3A_239 = arith.constant 1 : i32
    %swap3A_240 = arith.index_cast %swap3A_239 : i32 to index
    %swap3A_241 = arith.constant 64 : index
    %swap3A_242 = tpu.vector_load %arg15[%swap3A_240, %swap3A_241] {strides = array<i32>} : memref<2x128xf32, #tpu.memory_space<vmem>>, vector<1x16xf32>,
    %swap3A_243 = vector.shape_cast %swap3A_242 : vector<1x16xf32> to vector<16xf32>
    %swap3A_244 = vector.shape_cast %scan3A_136#12 : vector<16xf32> to vector<1x16xf32>
    tpu.vector_store %arg15[%swap3A_240, %swap3A_241], %swap3A_244 {strides = array<i32>} : memref<2x128xf32, #tpu.memory_space<vmem>>, vector<1x16xf32>,
    %swap3A_245 = arith.constant 1 : i32
    %swap3A_246 = arith.index_cast %swap3A_245 : i32 to index
    %swap3A_247 = arith.constant 80 : index
    %swap3A_248 = tpu.vector_load %arg15[%swap3A_246, %swap3A_247] {strides = array<i32>} : memref<2x128xf32, #tpu.memory_space<vmem>>, vector<1x16xf32>,
    %swap3A_249 = vector.shape_cast %swap3A_248 : vector<1x16xf32> to vector<16xf32>
    %swap3A_250 = vector.shape_cast %scan3A_136#13 : vector<16xf32> to vector<1x16xf32>
    tpu.vector_store %arg15[%swap3A_246, %swap3A_247], %swap3A_250 {strides = array<i32>} : memref<2x128xf32, #tpu.memory_space<vmem>>, vector<1x16xf32>,
    %swap3A_251 = arith.constant 1 : i32
    %swap3A_252 = arith.index_cast %swap3A_251 : i32 to index
    %swap3A_253 = arith.constant 96 : index
    %swap3A_254 = tpu.vector_load %arg15[%swap3A_252, %swap3A_253] {strides = array<i32>} : memref<2x128xf32, #tpu.memory_space<vmem>>, vector<1x16xf32>,
    %swap3A_255 = vector.shape_cast %swap3A_254 : vector<1x16xf32> to vector<16xf32>
    %swap3A_256 = vector.shape_cast %scan3A_136#14 : vector<16xf32> to vector<1x16xf32>
    tpu.vector_store %arg15[%swap3A_252, %swap3A_253], %swap3A_256 {strides = array<i32>} : memref<2x128xf32, #tpu.memory_space<vmem>>, vector<1x16xf32>,
    %swap3A_257 = arith.constant 1 : i32
    %swap3A_258 = arith.index_cast %swap3A_257 : i32 to index
    %swap3A_259 = arith.constant 112 : index
    %swap3A_260 = tpu.vector_load %arg15[%swap3A_258, %swap3A_259] {strides = array<i32>} : memref<2x128xf32, #tpu.memory_space<vmem>>, vector<1x16xf32>,
    %swap3A_261 = vector.shape_cast %swap3A_260 : vector<1x16xf32> to vector<16xf32>
    %swap3A_262 = vector.shape_cast %scan3A_136#15 : vector<16xf32> to vector<1x16xf32>
    tpu.vector_store %arg15[%swap3A_258, %swap3A_259], %swap3A_262 {strides = array<i32>} : memref<2x128xf32, #tpu.memory_space<vmem>>, vector<1x16xf32>,
    "tpu.region"() ({
      %run_scoped3A = tpu.sem_alloc : memref<!tpu.dma_semaphore, #tpu.memory_space<semaphore_mem>>
      %dma_start3A_263 = arith.constant 0 : i32
      %dma_start3A_264 = arith.constant 0 : i32
      %dma_start3A_265 = tpu.memref_slice %arg8[%add3A, %dma_start3A_263, %dma_start3A_264] : memref<32x2x128xf32, #tpu.memory_space<hbm>> -> memref<1x2x128xf32, #tpu.memory_space<hbm>>
      %dma_start3A_266 = tpu.memref_squeeze %dma_start3A_265 : memref<1x2x128xf32, #tpu.memory_space<hbm>> -> memref<2x128xf32, #tpu.memory_space<hbm>>
      %dma_start3A_267 = arith.constant 0 : i32
      %dma_start3A_268 = arith.constant 0 : i32
      %dma_start3A_269 = tpu.memref_slice %arg8[%add3A, %dma_start3A_267, %dma_start3A_268] : memref<32x2x128xf32, #tpu.memory_space<hbm>> -> memref<1x2x128xf32, #tpu.memory_space<hbm>>
      %dma_start3A_270 = tpu.memref_squeeze %dma_start3A_269 : memref<1x2x128xf32, #tpu.memory_space<hbm>> -> memref<2x128xf32, #tpu.memory_space<hbm>>
      tpu.enqueue_dma source(%arg15 : memref<2x128xf32, #tpu.memory_space<vmem>>) target(%dma_start3A_270 : memref<2x128xf32, #tpu.memory_space<hbm>>) target_semaphore(%run_scoped3A : memref<!tpu.dma_semaphore, #tpu.memory_space<semaphore_mem>>)
      %dma_wait3A_271 = arith.constant 0 : i32
      %dma_wait3A_272 = arith.constant 0 : i32
      %dma_wait3A_273 = tpu.memref_slice %arg8[%add3A, %dma_wait3A_271, %dma_wait3A_272] : memref<32x2x128xf32, #tpu.memory_space<hbm>> -> memref<1x2x128xf32, #tpu.memory_space<hbm>>
      %dma_wait3A_274 = tpu.memref_squeeze %dma_wait3A_273 : memref<1x2x128xf32, #tpu.memory_space<hbm>> -> memref<2x128xf32, #tpu.memory_space<hbm>>
      %dma_wait3A_275 = arith.constant 0 : i32
      %dma_wait3A_276 = arith.constant 0 : i32
      %dma_wait3A_277 = tpu.memref_slice %arg8[%add3A, %dma_wait3A_275, %dma_wait3A_276] : memref<32x2x128xf32, #tpu.memory_space<hbm>> -> memref<1x2x128xf32, #tpu.memory_space<hbm>>
      %dma_wait3A_278 = tpu.memref_squeeze %dma_wait3A_277 : memref<1x2x128xf32, #tpu.memory_space<hbm>> -> memref<2x128xf32, #tpu.memory_space<hbm>>
      tpu.wait_dma2 semaphore(%run_scoped3A : memref<!tpu.dma_semaphore, #tpu.memory_space<semaphore_mem>>) src(%arg15 : memref<2x128xf32, #tpu.memory_space<vmem>>) dst(%dma_wait3A_278 : memref<2x128xf32, #tpu.memory_space<hbm>>)
      tpu.yield
    }) : () -> ()
    return
  }
}

module attributes {stable_mosaic.version = 14 : i64} {
  func.func @_prep_body(%arg0: i32, %arg1: memref<2560x16xf32, #tpu.memory_space<vmem>>, %arg2: memref<128x16xf32, #tpu.memory_space<vmem>>, %arg3: memref<10000x128xf32, #tpu.memory_space<vmem>>, %arg4: memref<128x128xf32, #tpu.memory_space<vmem>>, %arg5: memref<1x128xf32, #tpu.memory_space<vmem>>, %arg6: memref<128x128xf32, #tpu.memory_space<vmem>>, %arg7: memref<128x128xf32, #tpu.memory_space<vmem>>, %arg8: memref<1x128xf32, #tpu.memory_space<vmem>>, %arg9: memref<2560x128xf32, #tpu.memory_space<vmem>>, %arg10: memref<10000x128xf32, #tpu.memory_space<vmem>>, %arg11: memref<10000x128xf32, #tpu.memory_space<vmem>>, %arg12: memref<10000x128xf32, #tpu.memory_space<vmem>>) attributes {dimension_semantics = [#tpu.dimension_semantics<arbitrary>], iteration_bounds = array<i64: 125>, scalar_prefetch = 0 : i64, scratch_operands = 0 : i64, tpu.core_type = #tpu.core_type<tc>, window_params = [{transform_indices = @transform_0, window_bounds = array<i64: 2560, 16>}, {pipeline_mode = #tpu.pipeline_mode<synchronous>, transform_indices = @transform_1, window_bounds = array<i64: 128, 16>}, {pipeline_mode = #tpu.pipeline_mode<synchronous>, transform_indices = @transform_2, window_bounds = array<i64: 10000, 128>}, {pipeline_mode = #tpu.pipeline_mode<synchronous>, transform_indices = @transform_3, window_bounds = array<i64: 128, 128>}, {pipeline_mode = #tpu.pipeline_mode<synchronous>, transform_indices = @transform_4, window_bounds = array<i64: 1, 128>}, {pipeline_mode = #tpu.pipeline_mode<synchronous>, transform_indices = @transform_5, window_bounds = array<i64: 128, 128>}, {pipeline_mode = #tpu.pipeline_mode<synchronous>, transform_indices = @transform_6, window_bounds = array<i64: 128, 128>}, {pipeline_mode = #tpu.pipeline_mode<synchronous>, transform_indices = @transform_7, window_bounds = array<i64: 1, 128>}, {transform_indices = @transform_8, window_bounds = array<i64: 2560, 128>}, {pipeline_mode = #tpu.pipeline_mode<synchronous>, transform_indices = @transform_9, window_bounds = array<i64: 10000, 128>}, {pipeline_mode = #tpu.pipeline_mode<synchronous>, transform_indices = @transform_10, window_bounds = array<i64: 10000, 128>}, {pipeline_mode = #tpu.pipeline_mode<synchronous>, transform_indices = @transform_11, window_bounds = array<i64: 10000, 128>}]} {
    %get3A = arith.constant 0 : index
    %get3A_0 = arith.constant 0 : index
    %get3A_1 = vector.load %arg1[%get3A, %get3A_0] : memref<2560x16xf32, #tpu.memory_space<vmem>>, vector<2560x16xf32>
    %get3A_2 = arith.constant 0 : index
    %get3A_3 = arith.constant 0 : index
    %get3A_4 = vector.load %arg2[%get3A_2, %get3A_3] : memref<128x16xf32, #tpu.memory_space<vmem>>, vector<128x16xf32>
    %dot_general3A = arith.constant dense<0.000000e+00> : vector<2560x128xf32>
    %dot_general3A_5 = tpu.matmul %get3A_1, %get3A_4, %dot_general3A {dimension_numbers = #tpu.dot_dimension_numbers<[1], [1], [0], [0], [0, 0, 1, 0], [], []>, transpose_lhs_hint = false} : vector<2560x16xf32>, vector<128x16xf32>, vector<2560x128xf32> -> vector<2560x128xf32>
    %swap3A = arith.constant 0 : index
    %swap3A_6 = arith.constant 0 : index
    %swap3A_7 = vector.load %arg9[%swap3A, %swap3A_6] : memref<2560x128xf32, #tpu.memory_space<vmem>>, vector<2560x128xf32>
    tpu.vector_store %arg9[%swap3A, %swap3A_6], %dot_general3A_5 {strides = array<i32>} : memref<2560x128xf32, #tpu.memory_space<vmem>>, vector<2560x128xf32>,
    %eq3A = arith.constant 0 : i32
    %eq3A_8 = arith.cmpi eq, %arg0, %eq3A : i32
    %convert_element_type3A = arith.extui %eq3A_8 : i1 to i32
    %cond3A = arith.constant 0 : i32
    %cond3A_9 = arith.cmpi ne, %convert_element_type3A, %cond3A : i32
    scf.if %cond3A_9 {
      %get3A_10 = arith.constant 0 : index
      %get3A_11 = arith.constant 0 : index
      %get3A_12 = vector.load %arg3[%get3A_10, %get3A_11] : memref<10000x128xf32, #tpu.memory_space<vmem>>, vector<10000x128xf32>
      %get3A_13 = arith.constant 0 : index
      %get3A_14 = arith.constant 0 : index
      %get3A_15 = vector.load %arg4[%get3A_13, %get3A_14] : memref<128x128xf32, #tpu.memory_space<vmem>>, vector<128x128xf32>
      %dot_general3A_16 = arith.constant dense<0.000000e+00> : vector<10000x128xf32>
      %dot_general3A_17 = tpu.matmul %get3A_12, %get3A_15, %dot_general3A_16 {dimension_numbers = #tpu.dot_dimension_numbers<[1], [1], [0], [0], [0, 0, 1, 0], [], []>, transpose_lhs_hint = false} : vector<10000x128xf32>, vector<128x128xf32>, vector<10000x128xf32> -> vector<10000x128xf32>
      %get3A_18 = arith.constant 0 : index
      %get3A_19 = arith.constant 0 : index
      %get3A_20 = vector.load %arg5[%get3A_18, %get3A_19] : memref<1x128xf32, #tpu.memory_space<vmem>>, vector<1x128xf32>
      %add3A = vector.broadcast %get3A_20 : vector<1x128xf32> to vector<10000x128xf32>
      %add3A_21 = arith.addf %dot_general3A_17, %add3A : vector<10000x128xf32>
      %swap3A_22 = arith.constant 0 : index
      %swap3A_23 = arith.constant 0 : index
      %swap3A_24 = vector.load %arg10[%swap3A_22, %swap3A_23] : memref<10000x128xf32, #tpu.memory_space<vmem>>, vector<10000x128xf32>
      tpu.vector_store %arg10[%swap3A_22, %swap3A_23], %add3A_21 {strides = array<i32>} : memref<10000x128xf32, #tpu.memory_space<vmem>>, vector<10000x128xf32>,
      %get3A_25 = arith.constant 0 : index
      %get3A_26 = arith.constant 0 : index
      %get3A_27 = vector.load %arg6[%get3A_25, %get3A_26] : memref<128x128xf32, #tpu.memory_space<vmem>>, vector<128x128xf32>
      %dot_general3A_28 = arith.constant dense<0.000000e+00> : vector<10000x128xf32>
      %dot_general3A_29 = tpu.matmul %add3A_21, %get3A_27, %dot_general3A_28 {dimension_numbers = #tpu.dot_dimension_numbers<[1], [1], [0], [0], [0, 0, 1, 0], [], []>, transpose_lhs_hint = false} : vector<10000x128xf32>, vector<128x128xf32>, vector<10000x128xf32> -> vector<10000x128xf32>
      %swap3A_30 = arith.constant 0 : index
      %swap3A_31 = arith.constant 0 : index
      %swap3A_32 = vector.load %arg11[%swap3A_30, %swap3A_31] : memref<10000x128xf32, #tpu.memory_space<vmem>>, vector<10000x128xf32>
      tpu.vector_store %arg11[%swap3A_30, %swap3A_31], %dot_general3A_29 {strides = array<i32>} : memref<10000x128xf32, #tpu.memory_space<vmem>>, vector<10000x128xf32>,
      %get3A_33 = arith.constant 0 : index
      %get3A_34 = arith.constant 0 : index
      %get3A_35 = vector.load %arg7[%get3A_33, %get3A_34] : memref<128x128xf32, #tpu.memory_space<vmem>>, vector<128x128xf32>
      %dot_general3A_36 = arith.constant dense<0.000000e+00> : vector<10000x128xf32>
      %dot_general3A_37 = tpu.matmul %add3A_21, %get3A_35, %dot_general3A_36 {dimension_numbers = #tpu.dot_dimension_numbers<[1], [1], [0], [0], [0, 0, 1, 0], [], []>, transpose_lhs_hint = false} : vector<10000x128xf32>, vector<128x128xf32>, vector<10000x128xf32> -> vector<10000x128xf32>
      %get3A_38 = arith.constant 0 : index
      %get3A_39 = arith.constant 0 : index
      %get3A_40 = vector.load %arg8[%get3A_38, %get3A_39] : memref<1x128xf32, #tpu.memory_space<vmem>>, vector<1x128xf32>
      %add3A_41 = vector.broadcast %get3A_40 : vector<1x128xf32> to vector<10000x128xf32>
      %add3A_42 = arith.addf %dot_general3A_37, %add3A_41 : vector<10000x128xf32>
      %swap3A_43 = arith.constant 0 : index
      %swap3A_44 = arith.constant 0 : index
      %swap3A_45 = vector.load %arg12[%swap3A_43, %swap3A_44] : memref<10000x128xf32, #tpu.memory_space<vmem>>, vector<10000x128xf32>
      tpu.vector_store %arg12[%swap3A_43, %swap3A_44], %add3A_42 {strides = array<i32>} : memref<10000x128xf32, #tpu.memory_space<vmem>>, vector<10000x128xf32>,
    } else {
    }
    return
  }
  func.func @transform_0(%arg0: i32) -> (i32, i32) {
    %c0_i32 = arith.constant 0 : i32
    %c0_i32_0 = arith.constant 0 : i32
    return %arg0, %c0_i32 : i32, i32
  }
  func.func @transform_1(%arg0: i32) -> (i32, i32) {
    %c0_i32 = arith.constant 0 : i32
    %c0_i32_0 = arith.constant 0 : i32
    %c0_i32_1 = arith.constant 0 : i32
    return %c0_i32, %c0_i32_0 : i32, i32
  }
  func.func @transform_2(%arg0: i32) -> (i32, i32) {
    %c0_i32 = arith.constant 0 : i32
    %c0_i32_0 = arith.constant 0 : i32
    %c0_i32_1 = arith.constant 0 : i32
    return %c0_i32, %c0_i32_0 : i32, i32
  }
  func.func @transform_3(%arg0: i32) -> (i32, i32) {
    %c0_i32 = arith.constant 0 : i32
    %c0_i32_0 = arith.constant 0 : i32
    %c0_i32_1 = arith.constant 0 : i32
    return %c0_i32, %c0_i32_0 : i32, i32
  }
  func.func @transform_4(%arg0: i32) -> (i32, i32) {
    %c0_i32 = arith.constant 0 : i32
    %c0_i32_0 = arith.constant 0 : i32
    %c0_i32_1 = arith.constant 0 : i32
    return %c0_i32, %c0_i32_0 : i32, i32
  }
  func.func @transform_5(%arg0: i32) -> (i32, i32) {
    %c0_i32 = arith.constant 0 : i32
    %c0_i32_0 = arith.constant 0 : i32
    %c0_i32_1 = arith.constant 0 : i32
    return %c0_i32, %c0_i32_0 : i32, i32
  }
  func.func @transform_6(%arg0: i32) -> (i32, i32) {
    %c0_i32 = arith.constant 0 : i32
    %c0_i32_0 = arith.constant 0 : i32
    %c0_i32_1 = arith.constant 0 : i32
    return %c0_i32, %c0_i32_0 : i32, i32
  }
  func.func @transform_7(%arg0: i32) -> (i32, i32) {
    %c0_i32 = arith.constant 0 : i32
    %c0_i32_0 = arith.constant 0 : i32
    %c0_i32_1 = arith.constant 0 : i32
    return %c0_i32, %c0_i32_0 : i32, i32
  }
  func.func @transform_8(%arg0: i32) -> (i32, i32) {
    %c0_i32 = arith.constant 0 : i32
    %c0_i32_0 = arith.constant 0 : i32
    return %arg0, %c0_i32 : i32, i32
  }
  func.func @transform_9(%arg0: i32) -> (i32, i32) {
    %c0_i32 = arith.constant 0 : i32
    %c0_i32_0 = arith.constant 0 : i32
    %c0_i32_1 = arith.constant 0 : i32
    return %c0_i32, %c0_i32_0 : i32, i32
  }
  func.func @transform_10(%arg0: i32) -> (i32, i32) {
    %c0_i32 = arith.constant 0 : i32
    %c0_i32_0 = arith.constant 0 : i32
    %c0_i32_1 = arith.constant 0 : i32
    return %c0_i32, %c0_i32_0 : i32, i32
  }
  func.func @transform_11(%arg0: i32) -> (i32, i32) {
    %c0_i32 = arith.constant 0 : i32
    %c0_i32_0 = arith.constant 0 : i32
    %c0_i32_1 = arith.constant 0 : i32
    return %c0_i32, %c0_i32_0 : i32, i32
  }
}

module attributes {stable_mosaic.version = 14 : i64} {
  func.func @_mlp2_body(%arg0: i32, %arg1: memref<2560x128xf32, #tpu.memory_space<vmem>>, %arg2: memref<128x128xbf16, #tpu.memory_space<vmem>>, %arg3: memref<1x128xf32, #tpu.memory_space<vmem>>, %arg4: memref<32x2x128xf32, #tpu.memory_space<vmem>>, %arg5: memref<1x128xf32, #tpu.memory_space<vmem>>, %arg6: memref<1x128xf32, #tpu.memory_space<vmem>>, %arg7: memref<1x128xf32, #tpu.memory_space<vmem>>, %arg8: memref<1x128xf32, #tpu.memory_space<vmem>>, %arg9: memref<2560x128xf32, #tpu.memory_space<vmem>>, %arg10: memref<2x128xf32, #tpu.memory_space<vmem>>, %arg11: memref<2x128xf32, #tpu.memory_space<vmem>>, %arg12: memref<2x128xf32, #tpu.memory_space<vmem>>) attributes {dimension_semantics = [#tpu.dimension_semantics<arbitrary>], iteration_bounds = array<i64: 125>, scalar_prefetch = 0 : i64, scratch_operands = 2 : i64, tpu.core_type = #tpu.core_type<tc>, window_params = [{transform_indices = @transform_0, window_bounds = array<i64: 2560, 128>}, {pipeline_mode = #tpu.pipeline_mode<synchronous>, transform_indices = @transform_1, window_bounds = array<i64: 128, 128>}, {pipeline_mode = #tpu.pipeline_mode<synchronous>, transform_indices = @transform_2, window_bounds = array<i64: 1, 128>}, {pipeline_mode = #tpu.pipeline_mode<synchronous>, transform_indices = @transform_3, window_bounds = array<i64: 32, 2, 128>}, {pipeline_mode = #tpu.pipeline_mode<synchronous>, transform_indices = @transform_4, window_bounds = array<i64: 1, 128>}, {pipeline_mode = #tpu.pipeline_mode<synchronous>, transform_indices = @transform_5, window_bounds = array<i64: 1, 128>}, {pipeline_mode = #tpu.pipeline_mode<synchronous>, transform_indices = @transform_6, window_bounds = array<i64: 1, 128>}, {pipeline_mode = #tpu.pipeline_mode<synchronous>, transform_indices = @transform_7, window_bounds = array<i64: 1, 128>}, {transform_indices = @transform_8, window_bounds = array<i64: 2560, 128>}, {pipeline_mode = #tpu.pipeline_mode<synchronous>, transform_indices = @transform_9, window_bounds = array<i64: 2, 128>}]} {
    %eq3A = arith.constant 0 : i32
    %eq3A_0 = arith.cmpi eq, %arg0, %eq3A : i32
    %convert_element_type3A = arith.extui %eq3A_0 : i1 to i32
    %cond3A = arith.constant 0 : i32
    %cond3A_1 = arith.cmpi ne, %convert_element_type3A, %cond3A : i32
    scf.if %cond3A_1 {
      %broadcast_in_dim3A_50 = arith.constant 0.000000e+00 : f32
      %broadcast_in_dim3A_51 = vector.broadcast %broadcast_in_dim3A_50 : f32 to vector<2x128xf32>
      %swap3A_52 = arith.constant 0 : index
      %swap3A_53 = arith.constant 0 : index
      %swap3A_54 = vector.load %arg11[%swap3A_52, %swap3A_53] : memref<2x128xf32, #tpu.memory_space<vmem>>, vector<2x128xf32>
      tpu.vector_store %arg11[%swap3A_52, %swap3A_53], %broadcast_in_dim3A_51 {strides = array<i32>} : memref<2x128xf32, #tpu.memory_space<vmem>>, vector<2x128xf32>,
      %get3A_55 = arith.constant 0 : index
      %get3A_56 = arith.constant 0 : index
      %get3A_57 = arith.constant 0 : index
      %get3A_58 = vector.load %arg4[%get3A_55, %get3A_56, %get3A_57] : memref<32x2x128xf32, #tpu.memory_space<vmem>>, vector<32x2x128xf32>
      %reduce_sum3A_59 = arith.constant dense<0.000000e+00> : vector<2x128xf32>
      %reduce_sum3A_60 = vector.multi_reduction <add>, %get3A_58, %reduce_sum3A_59 [0] : vector<32x2x128xf32> to vector<2x128xf32>
      %slice3A = vector.extract_strided_slice %reduce_sum3A_60 {offsets = [0, 0], sizes = [1, 128], strides = [1, 1]} : vector<2x128xf32> to vector<1x128xf32>
      %mul3A_61 = arith.constant 3.125000e-06 : f32
      %mul3A_62 = vector.broadcast %mul3A_61 : f32 to vector<1x128xf32>
      %mul3A_63 = arith.mulf %slice3A, %mul3A_62 : vector<1x128xf32>
      %slice3A_64 = vector.extract_strided_slice %reduce_sum3A_60 {offsets = [1, 0], sizes = [1, 128], strides = [1, 1]} : vector<2x128xf32> to vector<1x128xf32>
      %mul3A_65 = arith.constant 3.125000e-06 : f32
      %mul3A_66 = vector.broadcast %mul3A_65 : f32 to vector<1x128xf32>
      %mul3A_67 = arith.mulf %slice3A_64, %mul3A_66 : vector<1x128xf32>
      %mul3A_68 = arith.mulf %mul3A_63, %mul3A_63 : vector<1x128xf32>
      %sub3A = arith.subf %mul3A_67, %mul3A_68 : vector<1x128xf32>
      %add3A_69 = arith.constant 9.99999974E-6 : f32
      %add3A_70 = vector.broadcast %add3A_69 : f32 to vector<1x128xf32>
      %add3A_71 = arith.addf %sub3A, %add3A_70 : vector<1x128xf32>
      %rsqrt3A = math.rsqrt %add3A_71 : vector<1x128xf32>
      %get3A_72 = arith.constant 0 : index
      %get3A_73 = arith.constant 0 : index
      %get3A_74 = vector.load %arg5[%get3A_72, %get3A_73] : memref<1x128xf32, #tpu.memory_space<vmem>>, vector<1x128xf32>
      %mul3A_75 = arith.mulf %get3A_74, %rsqrt3A : vector<1x128xf32>
      %swap3A_76 = arith.constant 0 : index
      %swap3A_77 = arith.constant 0 : index
      %swap3A_78 = vector.load %arg12[%swap3A_76, %swap3A_77] : memref<2x128xf32, #tpu.memory_space<vmem>>, vector<1x128xf32>
      tpu.vector_store %arg12[%swap3A_76, %swap3A_77], %mul3A_75 {strides = array<i32>} : memref<2x128xf32, #tpu.memory_space<vmem>>, vector<1x128xf32>,
      %get3A_79 = arith.constant 0 : index
      %get3A_80 = arith.constant 0 : index
      %get3A_81 = vector.load %arg6[%get3A_79, %get3A_80] : memref<1x128xf32, #tpu.memory_space<vmem>>, vector<1x128xf32>
      %mul3A_82 = arith.mulf %mul3A_63, %mul3A_75 : vector<1x128xf32>
      %sub3A_83 = arith.subf %get3A_81, %mul3A_82 : vector<1x128xf32>
      %swap3A_84 = arith.constant 1 : index
      %swap3A_85 = arith.constant 0 : index
      %swap3A_86 = vector.load %arg12[%swap3A_84, %swap3A_85] : memref<2x128xf32, #tpu.memory_space<vmem>>, vector<1x128xf32>
      tpu.vector_store %arg12[%swap3A_84, %swap3A_85], %sub3A_83 {strides = array<i32>} : memref<2x128xf32, #tpu.memory_space<vmem>>, vector<1x128xf32>,
    } else {
    }
    %get3A = arith.constant 0 : index
    %get3A_2 = arith.constant 0 : index
    %get3A_3 = vector.load %arg1[%get3A, %get3A_2] : memref<2560x128xf32, #tpu.memory_space<vmem>>, vector<2560x128xf32>
    %get3A_4 = arith.constant 0 : index
    %get3A_5 = arith.constant 0 : index
    %get3A_6 = vector.load %arg12[%get3A_4, %get3A_5] : memref<2x128xf32, #tpu.memory_space<vmem>>, vector<1x128xf32>
    %mul3A = vector.broadcast %get3A_6 : vector<1x128xf32> to vector<2560x128xf32>
    %mul3A_7 = arith.mulf %get3A_3, %mul3A : vector<2560x128xf32>
    %get3A_8 = arith.constant 1 : index
    %get3A_9 = arith.constant 0 : index
    %get3A_10 = vector.load %arg12[%get3A_8, %get3A_9] : memref<2x128xf32, #tpu.memory_space<vmem>>, vector<1x128xf32>
    %add3A = vector.broadcast %get3A_10 : vector<1x128xf32> to vector<2560x128xf32>
    %add3A_11 = arith.addf %mul3A_7, %add3A : vector<2560x128xf32>
    %max3A = arith.constant 0.000000e+00 : f32
    %max3A_12 = vector.broadcast %max3A : f32 to vector<2560x128xf32>
    %max3A_13 = arith.maximumf %add3A_11, %max3A_12 : vector<2560x128xf32>
    %convert_element_type3A_14 = arith.truncf %max3A_13 : vector<2560x128xf32> to vector<2560x128xbf16>
    %get3A_15 = arith.constant 0 : index
    %get3A_16 = arith.constant 0 : index
    %get3A_17 = vector.load %arg2[%get3A_15, %get3A_16] : memref<128x128xbf16, #tpu.memory_space<vmem>>, vector<128x128xbf16>
    %dot_general3A = arith.constant dense<0.000000e+00> : vector<2560x128xf32>
    %dot_general3A_18 = tpu.matmul %convert_element_type3A_14, %get3A_17, %dot_general3A {dimension_numbers = #tpu.dot_dimension_numbers<[1], [1], [0], [0], [0, 0, 1, 0], [], []>, transpose_lhs_hint = false} : vector<2560x128xbf16>, vector<128x128xbf16>, vector<2560x128xf32> -> vector<2560x128xf32>
    %get3A_19 = arith.constant 0 : index
    %get3A_20 = arith.constant 0 : index
    %get3A_21 = vector.load %arg3[%get3A_19, %get3A_20] : memref<1x128xf32, #tpu.memory_space<vmem>>, vector<1x128xf32>
    %add3A_22 = vector.broadcast %get3A_21 : vector<1x128xf32> to vector<2560x128xf32>
    %add3A_23 = arith.addf %dot_general3A_18, %add3A_22 : vector<2560x128xf32>
    %swap3A = arith.constant 0 : index
    %swap3A_24 = arith.constant 0 : index
    %swap3A_25 = vector.load %arg9[%swap3A, %swap3A_24] : memref<2560x128xf32, #tpu.memory_space<vmem>>, vector<2560x128xf32>
    tpu.vector_store %arg9[%swap3A, %swap3A_24], %add3A_23 {strides = array<i32>} : memref<2560x128xf32, #tpu.memory_space<vmem>>, vector<2560x128xf32>,
    %get3A_26 = arith.constant 0 : index
    %get3A_27 = arith.constant 0 : index
    %get3A_28 = vector.load %arg11[%get3A_26, %get3A_27] : memref<2x128xf32, #tpu.memory_space<vmem>>, vector<1x128xf32>
    %reduce_sum3A = arith.constant dense<0.000000e+00> : vector<128xf32>
    %reduce_sum3A_29 = vector.multi_reduction <add>, %add3A_23, %reduce_sum3A [0] : vector<2560x128xf32> to vector<128xf32>
    %broadcast_in_dim3A = vector.shape_cast %reduce_sum3A_29 : vector<128xf32> to vector<1x128xf32>
    %add3A_30 = arith.addf %get3A_28, %broadcast_in_dim3A : vector<1x128xf32>
    %swap3A_31 = arith.constant 0 : index
    %swap3A_32 = arith.constant 0 : index
    %swap3A_33 = vector.load %arg11[%swap3A_31, %swap3A_32] : memref<2x128xf32, #tpu.memory_space<vmem>>, vector<1x128xf32>
    tpu.vector_store %arg11[%swap3A_31, %swap3A_32], %add3A_30 {strides = array<i32>} : memref<2x128xf32, #tpu.memory_space<vmem>>, vector<1x128xf32>,
    %get3A_34 = arith.constant 1 : index
    %get3A_35 = arith.constant 0 : index
    %get3A_36 = vector.load %arg11[%get3A_34, %get3A_35] : memref<2x128xf32, #tpu.memory_space<vmem>>, vector<1x128xf32>
    %mul3A_37 = arith.mulf %add3A_23, %add3A_23 : vector<2560x128xf32>
    %reduce_sum3A_38 = arith.constant dense<0.000000e+00> : vector<128xf32>
    %reduce_sum3A_39 = vector.multi_reduction <add>, %mul3A_37, %reduce_sum3A_38 [0] : vector<2560x128xf32> to vector<128xf32>
    %broadcast_in_dim3A_40 = vector.shape_cast %reduce_sum3A_39 : vector<128xf32> to vector<1x128xf32>
    %add3A_41 = arith.addf %get3A_36, %broadcast_in_dim3A_40 : vector<1x128xf32>
    %swap3A_42 = arith.constant 1 : index
    %swap3A_43 = arith.constant 0 : index
    %swap3A_44 = vector.load %arg11[%swap3A_42, %swap3A_43] : memref<2x128xf32, #tpu.memory_space<vmem>>, vector<1x128xf32>
    tpu.vector_store %arg11[%swap3A_42, %swap3A_43], %add3A_41 {strides = array<i32>} : memref<2x128xf32, #tpu.memory_space<vmem>>, vector<1x128xf32>,
    %eq3A_45 = arith.constant 124 : i32
    %eq3A_46 = arith.cmpi eq, %arg0, %eq3A_45 : i32
    %convert_element_type3A_47 = arith.extui %eq3A_46 : i1 to i32
    %cond3A_48 = arith.constant 0 : i32
    %cond3A_49 = arith.cmpi ne, %convert_element_type3A_47, %cond3A_48 : i32
    scf.if %cond3A_49 {
      %get3A_50 = arith.constant 0 : index
      %get3A_51 = arith.constant 0 : index
      %get3A_52 = vector.load %arg11[%get3A_50, %get3A_51] : memref<2x128xf32, #tpu.memory_space<vmem>>, vector<1x128xf32>
      %mul3A_53 = arith.constant 3.125000e-06 : f32
      %mul3A_54 = vector.broadcast %mul3A_53 : f32 to vector<1x128xf32>
      %mul3A_55 = arith.mulf %get3A_52, %mul3A_54 : vector<1x128xf32>
      %get3A_56 = arith.constant 1 : index
      %get3A_57 = arith.constant 0 : index
      %get3A_58 = vector.load %arg11[%get3A_56, %get3A_57] : memref<2x128xf32, #tpu.memory_space<vmem>>, vector<1x128xf32>
      %mul3A_59 = arith.constant 3.125000e-06 : f32
      %mul3A_60 = vector.broadcast %mul3A_59 : f32 to vector<1x128xf32>
      %mul3A_61 = arith.mulf %get3A_58, %mul3A_60 : vector<1x128xf32>
      %mul3A_62 = arith.mulf %mul3A_55, %mul3A_55 : vector<1x128xf32>
      %sub3A = arith.subf %mul3A_61, %mul3A_62 : vector<1x128xf32>
      %add3A_63 = arith.constant 9.99999974E-6 : f32
      %add3A_64 = vector.broadcast %add3A_63 : f32 to vector<1x128xf32>
      %add3A_65 = arith.addf %sub3A, %add3A_64 : vector<1x128xf32>
      %rsqrt3A = math.rsqrt %add3A_65 : vector<1x128xf32>
      %get3A_66 = arith.constant 0 : index
      %get3A_67 = arith.constant 0 : index
      %get3A_68 = vector.load %arg7[%get3A_66, %get3A_67] : memref<1x128xf32, #tpu.memory_space<vmem>>, vector<1x128xf32>
      %mul3A_69 = arith.mulf %get3A_68, %rsqrt3A : vector<1x128xf32>
      %swap3A_70 = arith.constant 0 : index
      %swap3A_71 = arith.constant 0 : index
      %swap3A_72 = vector.load %arg10[%swap3A_70, %swap3A_71] : memref<2x128xf32, #tpu.memory_space<vmem>>, vector<1x128xf32>
      tpu.vector_store %arg10[%swap3A_70, %swap3A_71], %mul3A_69 {strides = array<i32>} : memref<2x128xf32, #tpu.memory_space<vmem>>, vector<1x128xf32>,
      %get3A_73 = arith.constant 0 : index
      %get3A_74 = arith.constant 0 : index
      %get3A_75 = vector.load %arg8[%get3A_73, %get3A_74] : memref<1x128xf32, #tpu.memory_space<vmem>>, vector<1x128xf32>
      %mul3A_76 = arith.mulf %mul3A_55, %mul3A_69 : vector<1x128xf32>
      %sub3A_77 = arith.subf %get3A_75, %mul3A_76 : vector<1x128xf32>
      %swap3A_78 = arith.constant 1 : index
      %swap3A_79 = arith.constant 0 : index
      %swap3A_80 = vector.load %arg10[%swap3A_78, %swap3A_79] : memref<2x128xf32, #tpu.memory_space<vmem>>, vector<1x128xf32>
      tpu.vector_store %arg10[%swap3A_78, %swap3A_79], %sub3A_77 {strides = array<i32>} : memref<2x128xf32, #tpu.memory_space<vmem>>, vector<1x128xf32>,
    } else {
    }
    return
  }
  func.func @transform_0(%arg0: i32) -> (i32, i32) {
    %c0_i32 = arith.constant 0 : i32
    %c0_i32_0 = arith.constant 0 : i32
    return %arg0, %c0_i32 : i32, i32
  }
  func.func @transform_1(%arg0: i32) -> (i32, i32) {
    %c0_i32 = arith.constant 0 : i32
    %c0_i32_0 = arith.constant 0 : i32
    %c0_i32_1 = arith.constant 0 : i32
    return %c0_i32, %c0_i32_0 : i32, i32
  }
  func.func @transform_2(%arg0: i32) -> (i32, i32) {
    %c0_i32 = arith.constant 0 : i32
    %c0_i32_0 = arith.constant 0 : i32
    %c0_i32_1 = arith.constant 0 : i32
    return %c0_i32, %c0_i32_0 : i32, i32
  }
  func.func @transform_3(%arg0: i32) -> (i32, i32, i32) {
    %c0_i32 = arith.constant 0 : i32
    %c0_i32_0 = arith.constant 0 : i32
    %c0_i32_1 = arith.constant 0 : i32
    %c0_i32_2 = arith.constant 0 : i32
    return %c0_i32, %c0_i32_0, %c0_i32_1 : i32, i32, i32
  }
  func.func @transform_4(%arg0: i32) -> (i32, i32) {
    %c0_i32 = arith.constant 0 : i32
    %c0_i32_0 = arith.constant 0 : i32
    %c0_i32_1 = arith.constant 0 : i32
    return %c0_i32, %c0_i32_0 : i32, i32
  }
  func.func @transform_5(%arg0: i32) -> (i32, i32) {
    %c0_i32 = arith.constant 0 : i32
    %c0_i32_0 = arith.constant 0 : i32
    %c0_i32_1 = arith.constant 0 : i32
    return %c0_i32, %c0_i32_0 : i32, i32
  }
  func.func @transform_6(%arg0: i32) -> (i32, i32) {
    %c0_i32 = arith.constant 0 : i32
    %c0_i32_0 = arith.constant 0 : i32
    %c0_i32_1 = arith.constant 0 : i32
    return %c0_i32, %c0_i32_0 : i32, i32
  }
  func.func @transform_7(%arg0: i32) -> (i32, i32) {
    %c0_i32 = arith.constant 0 : i32
    %c0_i32_0 = arith.constant 0 : i32
    %c0_i32_1 = arith.constant 0 : i32
    return %c0_i32, %c0_i32_0 : i32, i32
  }
  func.func @transform_8(%arg0: i32) -> (i32, i32) {
    %c0_i32 = arith.constant 0 : i32
    %c0_i32_0 = arith.constant 0 : i32
    return %arg0, %c0_i32 : i32, i32
  }
  func.func @transform_9(%arg0: i32) -> (i32, i32) {
    %c0_i32 = arith.constant 0 : i32
    %c0_i32_0 = arith.constant 0 : i32
    %c0_i32_1 = arith.constant 0 : i32
    return %c0_i32, %c0_i32_0 : i32, i32
  }
}

module attributes {stable_mosaic.version = 14 : i64} {
  func.func @_update_readout_body(%arg0: memref<2x5120x128xf32, #tpu.memory_space<vmem>>, %arg1: memref<10000x128xf32, #tpu.memory_space<vmem>>, %arg2: memref<128x128xf32, #tpu.memory_space<vmem>>, %arg3: memref<128x128xf32, #tpu.memory_space<vmem>>, %arg4: memref<1x128xf32, #tpu.memory_space<vmem>>, %arg5: memref<1x128xf32, #tpu.memory_space<vmem>>, %arg6: memref<1x128xf32, #tpu.memory_space<vmem>>, %arg7: memref<128x128xf32, #tpu.memory_space<vmem>>, %arg8: memref<1x128xf32, #tpu.memory_space<vmem>>, %arg9: memref<1x128xf32, #tpu.memory_space<vmem>>, %arg10: memref<1x128xf32, #tpu.memory_space<vmem>>, %arg11: memref<40x320xf32, #tpu.memory_space<vmem>>, %arg12: memref<4x128x128xf32, #tpu.memory_space<vmem>>, %arg13: memref<1x128xf32, #tpu.memory_space<vmem>>, %arg14: memref<10x128xf32, #tpu.memory_space<vmem>>, %arg15: memref<1x10xf32, #tpu.memory_space<vmem>>, %arg16: memref<10x10xf32, #tpu.memory_space<vmem>>) attributes {dimension_semantics = [], scalar_prefetch = 0 : i64, scratch_operands = 0 : i64, tpu.core_type = #tpu.core_type<tc>} {
    %get3A = arith.constant 0 : index
    %get3A_0 = arith.constant 0 : index
    %get3A_1 = vector.load %arg1[%get3A, %get3A_0] : memref<10000x128xf32, #tpu.memory_space<vmem>>, vector<10000x128xf32>
    %get3A_2 = arith.constant 0 : index
    %get3A_3 = arith.constant 0 : index
    %get3A_4 = arith.constant 0 : index
    %get3A_5 = vector.load %arg0[%get3A_2, %get3A_3, %get3A_4] : memref<2x5120x128xf32, #tpu.memory_space<vmem>>, vector<2x5120x128xf32>
    %slice3A = vector.extract_strided_slice %get3A_5 {offsets = [0, 0, 0], sizes = [1, 5120, 128], strides = [1, 1, 1]} : vector<2x5120x128xf32> to vector<1x5120x128xf32>
    %squeeze3A = vector.shape_cast %slice3A : vector<1x5120x128xf32> to vector<5120x128xf32>
    %slice3A_6 = vector.extract_strided_slice %get3A_5 {offsets = [1, 0, 0], sizes = [1, 4880, 128], strides = [1, 1, 1]} : vector<2x5120x128xf32> to vector<1x4880x128xf32>
    %squeeze3A_7 = vector.shape_cast %slice3A_6 : vector<1x4880x128xf32> to vector<4880x128xf32>
    %concatenate3A = tpu.concatenate %squeeze3A, %squeeze3A_7 in 0 : vector<5120x128xf32>, vector<4880x128xf32> -> vector<10000x128xf32>
    %get3A_8 = arith.constant 0 : index
    %get3A_9 = arith.constant 0 : index
    %get3A_10 = vector.load %arg2[%get3A_8, %get3A_9] : memref<128x128xf32, #tpu.memory_space<vmem>>, vector<128x128xf32>
    %dot_general3A = arith.constant dense<0.000000e+00> : vector<10000x128xf32>
    %dot_general3A_11 = tpu.matmul %get3A_1, %get3A_10, %dot_general3A {dimension_numbers = #tpu.dot_dimension_numbers<[1], [1], [0], [0], [0, 0, 1, 0], [], []>, transpose_lhs_hint = false} : vector<10000x128xf32>, vector<128x128xf32>, vector<10000x128xf32> -> vector<10000x128xf32>
    %get3A_12 = arith.constant 0 : index
    %get3A_13 = arith.constant 0 : index
    %get3A_14 = vector.load %arg3[%get3A_12, %get3A_13] : memref<128x128xf32, #tpu.memory_space<vmem>>, vector<128x128xf32>
    %dot_general3A_15 = arith.constant dense<0.000000e+00> : vector<10000x128xf32>
    %dot_general3A_16 = tpu.matmul %concatenate3A, %get3A_14, %dot_general3A_15 {dimension_numbers = #tpu.dot_dimension_numbers<[1], [1], [0], [0], [0, 0, 1, 0], [], []>, transpose_lhs_hint = false} : vector<10000x128xf32>, vector<128x128xf32>, vector<10000x128xf32> -> vector<10000x128xf32>
    %add3A = arith.addf %dot_general3A_11, %dot_general3A_16 : vector<10000x128xf32>
    %get3A_17 = arith.constant 0 : index
    %get3A_18 = arith.constant 0 : index
    %get3A_19 = vector.load %arg4[%get3A_17, %get3A_18] : memref<1x128xf32, #tpu.memory_space<vmem>>, vector<1x128xf32>
    %add3A_20 = vector.broadcast %get3A_19 : vector<1x128xf32> to vector<10000x128xf32>
    %add3A_21 = arith.addf %add3A, %add3A_20 : vector<10000x128xf32>
    %reduce_sum3A = arith.constant dense<0.000000e+00> : vector<128xf32>
    %reduce_sum3A_22 = vector.multi_reduction <add>, %add3A_21, %reduce_sum3A [0] : vector<10000x128xf32> to vector<128xf32>
    %broadcast_in_dim3A = vector.shape_cast %reduce_sum3A_22 : vector<128xf32> to vector<1x128xf32>
    %div3A = arith.constant 1.000000e+04 : f32
    %div3A_23 = vector.broadcast %div3A : f32 to vector<1x128xf32>
    %div3A_24 = arith.divf %broadcast_in_dim3A, %div3A_23 : vector<1x128xf32>
    %sub3A = vector.broadcast %div3A_24 : vector<1x128xf32> to vector<10000x128xf32>
    %sub3A_25 = arith.subf %add3A_21, %sub3A : vector<10000x128xf32>
    %sub3A_26 = vector.broadcast %div3A_24 : vector<1x128xf32> to vector<10000x128xf32>
    %sub3A_27 = arith.subf %add3A_21, %sub3A_26 : vector<10000x128xf32>
    %mul3A = arith.mulf %sub3A_25, %sub3A_27 : vector<10000x128xf32>
    %reduce_sum3A_28 = arith.constant dense<0.000000e+00> : vector<128xf32>
    %reduce_sum3A_29 = vector.multi_reduction <add>, %mul3A, %reduce_sum3A_28 [0] : vector<10000x128xf32> to vector<128xf32>
    %broadcast_in_dim3A_30 = vector.shape_cast %reduce_sum3A_29 : vector<128xf32> to vector<1x128xf32>
    %div3A_31 = arith.constant 1.000000e+04 : f32
    %div3A_32 = vector.broadcast %div3A_31 : f32 to vector<1x128xf32>
    %div3A_33 = arith.divf %broadcast_in_dim3A_30, %div3A_32 : vector<1x128xf32>
    %get3A_34 = arith.constant 0 : index
    %get3A_35 = arith.constant 0 : index
    %get3A_36 = vector.load %arg5[%get3A_34, %get3A_35] : memref<1x128xf32, #tpu.memory_space<vmem>>, vector<1x128xf32>
    %sub3A_37 = vector.broadcast %div3A_24 : vector<1x128xf32> to vector<10000x128xf32>
    %sub3A_38 = arith.subf %add3A_21, %sub3A_37 : vector<10000x128xf32>
    %mul3A_39 = vector.broadcast %get3A_36 : vector<1x128xf32> to vector<10000x128xf32>
    %mul3A_40 = arith.mulf %mul3A_39, %sub3A_38 : vector<10000x128xf32>
    %add3A_41 = arith.constant 9.99999974E-6 : f32
    %add3A_42 = vector.broadcast %add3A_41 : f32 to vector<1x128xf32>
    %add3A_43 = arith.addf %div3A_33, %add3A_42 : vector<1x128xf32>
    %rsqrt3A = math.rsqrt %add3A_43 : vector<1x128xf32>
    %mul3A_44 = vector.broadcast %rsqrt3A : vector<1x128xf32> to vector<10000x128xf32>
    %mul3A_45 = arith.mulf %mul3A_40, %mul3A_44 : vector<10000x128xf32>
    %get3A_46 = arith.constant 0 : index
    %get3A_47 = arith.constant 0 : index
    %get3A_48 = vector.load %arg6[%get3A_46, %get3A_47] : memref<1x128xf32, #tpu.memory_space<vmem>>, vector<1x128xf32>
    %add3A_49 = vector.broadcast %get3A_48 : vector<1x128xf32> to vector<10000x128xf32>
    %add3A_50 = arith.addf %mul3A_45, %add3A_49 : vector<10000x128xf32>
    %max3A = arith.constant 0.000000e+00 : f32
    %max3A_51 = vector.broadcast %max3A : f32 to vector<10000x128xf32>
    %max3A_52 = arith.maximumf %add3A_50, %max3A_51 : vector<10000x128xf32>
    %get3A_53 = arith.constant 0 : index
    %get3A_54 = arith.constant 0 : index
    %get3A_55 = vector.load %arg7[%get3A_53, %get3A_54] : memref<128x128xf32, #tpu.memory_space<vmem>>, vector<128x128xf32>
    %dot_general3A_56 = arith.constant dense<0.000000e+00> : vector<10000x128xf32>
    %dot_general3A_57 = tpu.matmul %max3A_52, %get3A_55, %dot_general3A_56 {dimension_numbers = #tpu.dot_dimension_numbers<[1], [1], [0], [0], [0, 0, 1, 0], [], []>, transpose_lhs_hint = false} : vector<10000x128xf32>, vector<128x128xf32>, vector<10000x128xf32> -> vector<10000x128xf32>
    %get3A_58 = arith.constant 0 : index
    %get3A_59 = arith.constant 0 : index
    %get3A_60 = vector.load %arg8[%get3A_58, %get3A_59] : memref<1x128xf32, #tpu.memory_space<vmem>>, vector<1x128xf32>
    %add3A_61 = vector.broadcast %get3A_60 : vector<1x128xf32> to vector<10000x128xf32>
    %add3A_62 = arith.addf %dot_general3A_57, %add3A_61 : vector<10000x128xf32>
    %reduce_sum3A_63 = arith.constant dense<0.000000e+00> : vector<128xf32>
    %reduce_sum3A_64 = vector.multi_reduction <add>, %add3A_62, %reduce_sum3A_63 [0] : vector<10000x128xf32> to vector<128xf32>
    %broadcast_in_dim3A_65 = vector.shape_cast %reduce_sum3A_64 : vector<128xf32> to vector<1x128xf32>
    %div3A_66 = arith.constant 1.000000e+04 : f32
    %div3A_67 = vector.broadcast %div3A_66 : f32 to vector<1x128xf32>
    %div3A_68 = arith.divf %broadcast_in_dim3A_65, %div3A_67 : vector<1x128xf32>
    %sub3A_69 = vector.broadcast %div3A_68 : vector<1x128xf32> to vector<10000x128xf32>
    %sub3A_70 = arith.subf %add3A_62, %sub3A_69 : vector<10000x128xf32>
    %sub3A_71 = vector.broadcast %div3A_68 : vector<1x128xf32> to vector<10000x128xf32>
    %sub3A_72 = arith.subf %add3A_62, %sub3A_71 : vector<10000x128xf32>
    %mul3A_73 = arith.mulf %sub3A_70, %sub3A_72 : vector<10000x128xf32>
    %reduce_sum3A_74 = arith.constant dense<0.000000e+00> : vector<128xf32>
    %reduce_sum3A_75 = vector.multi_reduction <add>, %mul3A_73, %reduce_sum3A_74 [0] : vector<10000x128xf32> to vector<128xf32>
    %broadcast_in_dim3A_76 = vector.shape_cast %reduce_sum3A_75 : vector<128xf32> to vector<1x128xf32>
    %div3A_77 = arith.constant 1.000000e+04 : f32
    %div3A_78 = vector.broadcast %div3A_77 : f32 to vector<1x128xf32>
    %div3A_79 = arith.divf %broadcast_in_dim3A_76, %div3A_78 : vector<1x128xf32>
    %get3A_80 = arith.constant 0 : index
    %get3A_81 = arith.constant 0 : index
    %get3A_82 = vector.load %arg9[%get3A_80, %get3A_81] : memref<1x128xf32, #tpu.memory_space<vmem>>, vector<1x128xf32>
    %sub3A_83 = vector.broadcast %div3A_68 : vector<1x128xf32> to vector<10000x128xf32>
    %sub3A_84 = arith.subf %add3A_62, %sub3A_83 : vector<10000x128xf32>
    %mul3A_85 = vector.broadcast %get3A_82 : vector<1x128xf32> to vector<10000x128xf32>
    %mul3A_86 = arith.mulf %mul3A_85, %sub3A_84 : vector<10000x128xf32>
    %add3A_87 = arith.constant 9.99999974E-6 : f32
    %add3A_88 = vector.broadcast %add3A_87 : f32 to vector<1x128xf32>
    %add3A_89 = arith.addf %div3A_79, %add3A_88 : vector<1x128xf32>
    %rsqrt3A_90 = math.rsqrt %add3A_89 : vector<1x128xf32>
    %mul3A_91 = vector.broadcast %rsqrt3A_90 : vector<1x128xf32> to vector<10000x128xf32>
    %mul3A_92 = arith.mulf %mul3A_86, %mul3A_91 : vector<10000x128xf32>
    %get3A_93 = arith.constant 0 : index
    %get3A_94 = arith.constant 0 : index
    %get3A_95 = vector.load %arg10[%get3A_93, %get3A_94] : memref<1x128xf32, #tpu.memory_space<vmem>>, vector<1x128xf32>
    %add3A_96 = vector.broadcast %get3A_95 : vector<1x128xf32> to vector<10000x128xf32>
    %add3A_97 = arith.addf %mul3A_92, %add3A_96 : vector<10000x128xf32>
    %max3A_98 = arith.constant 0.000000e+00 : f32
    %max3A_99 = vector.broadcast %max3A_98 : f32 to vector<10000x128xf32>
    %max3A_100 = arith.maximumf %add3A_97, %max3A_99 : vector<10000x128xf32>
    %add3A_101 = arith.addf %max3A_100, %get3A_1 : vector<10000x128xf32>
    %slice3A_102 = vector.extract_strided_slice %add3A_101 {offsets = [0, 0], sizes = [32, 128], strides = [1, 1]} : vector<10000x128xf32> to vector<32x128xf32>
    %slice3A_103 = vector.extract_strided_slice %add3A_101 {offsets = [1000, 0], sizes = [32, 128], strides = [1, 1]} : vector<10000x128xf32> to vector<32x128xf32>
    %slice3A_104 = vector.extract_strided_slice %add3A_101 {offsets = [2000, 0], sizes = [32, 128], strides = [1, 1]} : vector<10000x128xf32> to vector<32x128xf32>
    %slice3A_105 = vector.extract_strided_slice %add3A_101 {offsets = [3000, 0], sizes = [32, 128], strides = [1, 1]} : vector<10000x128xf32> to vector<32x128xf32>
    %slice3A_106 = vector.extract_strided_slice %add3A_101 {offsets = [4000, 0], sizes = [32, 128], strides = [1, 1]} : vector<10000x128xf32> to vector<32x128xf32>
    %slice3A_107 = vector.extract_strided_slice %add3A_101 {offsets = [5000, 0], sizes = [32, 128], strides = [1, 1]} : vector<10000x128xf32> to vector<32x128xf32>
    %slice3A_108 = vector.extract_strided_slice %add3A_101 {offsets = [6000, 0], sizes = [32, 128], strides = [1, 1]} : vector<10000x128xf32> to vector<32x128xf32>
    %slice3A_109 = vector.extract_strided_slice %add3A_101 {offsets = [7000, 0], sizes = [32, 128], strides = [1, 1]} : vector<10000x128xf32> to vector<32x128xf32>
    %slice3A_110 = vector.extract_strided_slice %add3A_101 {offsets = [8000, 0], sizes = [32, 128], strides = [1, 1]} : vector<10000x128xf32> to vector<32x128xf32>
    %slice3A_111 = vector.extract_strided_slice %add3A_101 {offsets = [9000, 0], sizes = [32, 128], strides = [1, 1]} : vector<10000x128xf32> to vector<32x128xf32>
    %concatenate3A_112 = tpu.concatenate %slice3A_102, %slice3A_103, %slice3A_104, %slice3A_105, %slice3A_106, %slice3A_107, %slice3A_108, %slice3A_109, %slice3A_110, %slice3A_111 in 0 : vector<32x128xf32>, vector<32x128xf32>, vector<32x128xf32>, vector<32x128xf32>, vector<32x128xf32>, vector<32x128xf32>, vector<32x128xf32>, vector<32x128xf32>, vector<32x128xf32>, vector<32x128xf32> -> vector<320x128xf32>
    %get3A_113 = arith.constant 0 : index
    %get3A_114 = arith.constant 0 : index
    %get3A_115 = vector.load %arg11[%get3A_113, %get3A_114] : memref<40x320xf32, #tpu.memory_space<vmem>>, vector<40x320xf32>
    %dot_general3A_116 = arith.constant dense<0.000000e+00> : vector<40x128xf32>
    %dot_general3A_117 = tpu.matmul %get3A_115, %concatenate3A_112, %dot_general3A_116 {dimension_numbers = #tpu.dot_dimension_numbers<[1], [0], [0], [1], [0, 0, 1, 1], [], []>, transpose_lhs_hint = false} : vector<40x320xf32>, vector<320x128xf32>, vector<40x128xf32> -> vector<40x128xf32>
    %get3A_118 = arith.constant 0 : index
    %get3A_119 = arith.constant 0 : index
    %get3A_120 = vector.load %arg13[%get3A_118, %get3A_119] : memref<1x128xf32, #tpu.memory_space<vmem>>, vector<1x128xf32>
    %slice3A_121 = vector.extract_strided_slice %dot_general3A_117 {offsets = [0, 0], sizes = [10, 128], strides = [1, 1]} : vector<40x128xf32> to vector<10x128xf32>
    %get3A_122 = arith.constant 0 : index
    %get3A_123 = arith.constant 0 : index
    %get3A_124 = arith.constant 0 : index
    %get3A_125 = vector.load %arg12[%get3A_122, %get3A_123, %get3A_124] : memref<4x128x128xf32, #tpu.memory_space<vmem>>, vector<1x128x128xf32>
    %get3A_126 = vector.shape_cast %get3A_125 : vector<1x128x128xf32> to vector<128x128xf32>
    %dot_general3A_127 = arith.constant dense<0.000000e+00> : vector<10x128xf32>
    %dot_general3A_128 = tpu.matmul %slice3A_121, %get3A_126, %dot_general3A_127 {dimension_numbers = #tpu.dot_dimension_numbers<[1], [1], [0], [0], [0, 0, 1, 0], [], []>, transpose_lhs_hint = false} : vector<10x128xf32>, vector<128x128xf32>, vector<10x128xf32> -> vector<10x128xf32>
    %add3A_129 = vector.broadcast %get3A_120 : vector<1x128xf32> to vector<10x128xf32>
    %add3A_130 = arith.addf %add3A_129, %dot_general3A_128 : vector<10x128xf32>
    %slice3A_131 = vector.extract_strided_slice %dot_general3A_117 {offsets = [10, 0], sizes = [10, 128], strides = [1, 1]} : vector<40x128xf32> to vector<10x128xf32>
    %get3A_132 = arith.constant 1 : index
    %get3A_133 = arith.constant 0 : index
    %get3A_134 = arith.constant 0 : index
    %get3A_135 = vector.load %arg12[%get3A_132, %get3A_133, %get3A_134] : memref<4x128x128xf32, #tpu.memory_space<vmem>>, vector<1x128x128xf32>
    %get3A_136 = vector.shape_cast %get3A_135 : vector<1x128x128xf32> to vector<128x128xf32>
    %dot_general3A_137 = arith.constant dense<0.000000e+00> : vector<10x128xf32>
    %dot_general3A_138 = tpu.matmul %slice3A_131, %get3A_136, %dot_general3A_137 {dimension_numbers = #tpu.dot_dimension_numbers<[1], [1], [0], [0], [0, 0, 1, 0], [], []>, transpose_lhs_hint = false} : vector<10x128xf32>, vector<128x128xf32>, vector<10x128xf32> -> vector<10x128xf32>
    %add3A_139 = arith.addf %add3A_130, %dot_general3A_138 : vector<10x128xf32>
    %slice3A_140 = vector.extract_strided_slice %dot_general3A_117 {offsets = [20, 0], sizes = [10, 128], strides = [1, 1]} : vector<40x128xf32> to vector<10x128xf32>
    %get3A_141 = arith.constant 2 : index
    %get3A_142 = arith.constant 0 : index
    %get3A_143 = arith.constant 0 : index
    %get3A_144 = vector.load %arg12[%get3A_141, %get3A_142, %get3A_143] : memref<4x128x128xf32, #tpu.memory_space<vmem>>, vector<1x128x128xf32>
    %get3A_145 = vector.shape_cast %get3A_144 : vector<1x128x128xf32> to vector<128x128xf32>
    %dot_general3A_146 = arith.constant dense<0.000000e+00> : vector<10x128xf32>
    %dot_general3A_147 = tpu.matmul %slice3A_140, %get3A_145, %dot_general3A_146 {dimension_numbers = #tpu.dot_dimension_numbers<[1], [1], [0], [0], [0, 0, 1, 0], [], []>, transpose_lhs_hint = false} : vector<10x128xf32>, vector<128x128xf32>, vector<10x128xf32> -> vector<10x128xf32>
    %add3A_148 = arith.addf %add3A_139, %dot_general3A_147 : vector<10x128xf32>
    %slice3A_149 = vector.extract_strided_slice %dot_general3A_117 {offsets = [30, 0], sizes = [10, 128], strides = [1, 1]} : vector<40x128xf32> to vector<10x128xf32>
    %get3A_150 = arith.constant 3 : index
    %get3A_151 = arith.constant 0 : index
    %get3A_152 = arith.constant 0 : index
    %get3A_153 = vector.load %arg12[%get3A_150, %get3A_151, %get3A_152] : memref<4x128x128xf32, #tpu.memory_space<vmem>>, vector<1x128x128xf32>
    %get3A_154 = vector.shape_cast %get3A_153 : vector<1x128x128xf32> to vector<128x128xf32>
    %dot_general3A_155 = arith.constant dense<0.000000e+00> : vector<10x128xf32>
    %dot_general3A_156 = tpu.matmul %slice3A_149, %get3A_154, %dot_general3A_155 {dimension_numbers = #tpu.dot_dimension_numbers<[1], [1], [0], [0], [0, 0, 1, 0], [], []>, transpose_lhs_hint = false} : vector<10x128xf32>, vector<128x128xf32>, vector<10x128xf32> -> vector<10x128xf32>
    %add3A_157 = arith.addf %add3A_148, %dot_general3A_156 : vector<10x128xf32>
    %get3A_158 = arith.constant 0 : index
    %get3A_159 = arith.constant 0 : index
    %get3A_160 = vector.load %arg14[%get3A_158, %get3A_159] : memref<10x128xf32, #tpu.memory_space<vmem>>, vector<10x128xf32>
    %dot_general3A_161 = arith.constant dense<0.000000e+00> : vector<10x10xf32>
    %dot_general3A_162 = tpu.matmul %add3A_157, %get3A_160, %dot_general3A_161 {dimension_numbers = #tpu.dot_dimension_numbers<[1], [1], [0], [0], [0, 0, 1, 0], [], []>, transpose_lhs_hint = false} : vector<10x128xf32>, vector<10x128xf32>, vector<10x10xf32> -> vector<10x10xf32>
    %get3A_163 = arith.constant 0 : index
    %get3A_164 = arith.constant 0 : index
    %get3A_165 = vector.load %arg15[%get3A_163, %get3A_164] : memref<1x10xf32, #tpu.memory_space<vmem>>, vector<1x10xf32>
    %add3A_166 = vector.broadcast %get3A_165 : vector<1x10xf32> to vector<10x10xf32>
    %add3A_167 = arith.addf %dot_general3A_162, %add3A_166 : vector<10x10xf32>
    %swap3A = arith.constant 0 : index
    %swap3A_168 = arith.constant 0 : index
    %swap3A_169 = vector.load %arg16[%swap3A, %swap3A_168] : memref<10x10xf32, #tpu.memory_space<vmem>>, vector<10x10xf32>
    tpu.vector_store %arg16[%swap3A, %swap3A_168], %add3A_167 {strides = array<i32>} : memref<10x10xf32, #tpu.memory_space<vmem>>, vector<10x10xf32>,
    return
  }
}

</mosaic_0001>

<sc_bundles>
// kernel: kernel.10.cloned.1.call-start
scs
__scs_entry_jumppad:
0x0: {  	(pc) =	sbr.rel $0x88, $3  }
0x1: {  	(tag) =	ssettag $0x0;
	lr =	simm.s32 $0x1  }
0x2: {  	[smem:$0x3F88] =	sst lr;
	_ =	strace $0xD0000000  }
0x3: {  	_ = 	snop  }
0x4: {  	_ = 	snop  }
0x5: {  	_ = 	snop  }
0x6: {  	_ = 	snop  }
0x7: {  	_ = 	snop  }
__scs_overlays_trampoline_lowered:
0x8: {  	[smem:$0x3F97] =	sst s0  }
0x9: {  	[smem:$0x3F98] =	sst s1  }
0xa: {  	[smem:$0x3F99] =	sst s2  }
0xb: {  	[smem:$0x3F9A] =	sst s3  }
0xc: {  	[smem:$0x3F9B] =	sst s4  }
0xd: {  	[smem:$0x3F9C] =	sst s5  }
0xe: {  	[smem:$0x3F9D] =	sst s6  }
0xf: {  	[smem:$0x3F9E] =	sst s7  }
0x10: {  	[smem:$0x3F9F] =	sst s8  }
0x11: {  	[smem:$0x3FA0] =	sst s9;
	s0 =	simm.s32 @!p0 $0x0  }
0x12: {  	s1 =	sld [smem:$0x3F86];
	s0 =	simm.s32 @p0 $0x1  }
0x13: {  	[smem:$0x3FA1] =	sst s0;
	s0 =	simm.s32 @!p1 $0x0  }
0x14: {  	s2 =	sld [smem:$0x3F85];
	s0 =	simm.s32 @p1 $0x1  }
0x15: {  	[smem:$0x3FA2] =	sst s0;
	s0 =	simm.s32 @!p2 $0x0  }
0x16: {  	s3 =	sld [smem:$0x3FDB];
	s0 =	simm.s32 @p2 $0x1  }
0x17: {  	s4 =	simm.s32 $0x1BF5;
	[smem:$0x3FA4] =	sst s0  }
0x18: {  	s0 =	sld [smem:$0x3F87];
	_ =	swait.ge [sflag:s4], $0x0  }
0x19: {  	s7 =	sld [smem:$0x3F88]  }
0x1a: {  	s8 =	sadd.s32 $0xFFFFE003, lr  }
0x1b: {  	s9 =	sadd.s32 $0xFFFFFEF7, lr;
	s5 =	simm.s32 $0xFFFFFFFF;
	p2 =	slt.u32 s8, $0xFFFFF086  }
0x1c: {  	p1 =	slt.u32 s9, $0xF7A;
	s5 =	simm.s32 @!p2 $0x0  }
0x1d: {  	s5 =	simm.s32 @p1 $0x1;
	p0 =	seq.s32 s7, s2  }
0x1e: {  	s7 =	smul.u32 @!p0 $0xF7A, s2;
	p2 =	seq.s32 @!p0 s5, $0x0  }
0x1f: {  	s9 =	smul.u32 $0xF7A, s1;
	s8 =	simm.s32 @!p0 $0x1BF5;
	p2 =	por !p2, p0  }
0x20: {  	[sflag:s8] =	ssyncset.s32 @!p0 $0xFFFFF086;
	s6 =	sadd.s32 @!p0 s3, s7;
	s7 =	simm.s32 @!p0 $0x108  }
0x21: {  	s3 =	sadd.s32 s3, s9;
	s6 =	sadd.s32 @!p0 $0x88, s6;
	s7 =	simm.s32 @p2 $0x1082  }
0x22: {  	[simem:s7], [sflag:s8] =	dma.local @!p0 [hbm:s6], $0xF7A  }
0x23: {  	s9 =	sor.u32 $0xD0000000, s2;
	s6 =	simm.s32 $0x108;
	_ =	swait.ge @!p0 [sflag:s8], $0x0  }
0x24: {  	s3 =	sadd.s32 $0x88, s3;
	s6 =	simm.s32 @!p1 $0x1082;
	[sflag:s4] =	ssyncset.s32 $0xFFFFF086  }
0x25: {  	[simem:s6], [sflag:s4] =	dma.local [hbm:s3], $0xF7A  }
0x26: {  	[smem:$0x3F88] =	sst s1;
	(tag) =	ssettag s2;
	_ =	strace s9  }
0x27: {  	s1 =	sld [smem:$0x3F98]  }
0x28: {  	s2 =	sld [smem:$0x3F99]  }
0x29: {  	s4 =	sld [smem:$0x3F9B]  }
0x2a: {  	p0 =	seq.s32 s5, $0x0;
	s5 =	sld [smem:$0x3F9C]  }
0x2b: {  	s6 =	sld [smem:$0x3F9D]  }
0x2c: {  	s7 =	sld [smem:$0x3F9E]  }
0x2d: {  	s3 =	simm.s32 $0x108;
	s8 =	sld [smem:$0x3F9F]  }
0x2e: {  	s3 =	simm.s32 @!p0 $0x1082;
	s9 =	sld [smem:$0x3FA0]  }
0x2f: {  	lr =	sadd.s32 s0, s3;
	s0 =	sld [smem:$0x3F97]  }
0x30: {  	s3 =	sld [smem:$0x3F9A]  }
0x31: {  	[smem:$0x3FA3] =	sst s10  }
0x32: {  	s10 =	sld [smem:$0x3FA1];
	_ =	sdelay $0x3  }
0x33: {  	p0 =	seq.s32 s10, $0x1;
	s10 =	sld [smem:$0x3FA3];
	_ =	sdelay $0x3  }
0x34: {  	[smem:$0x3FA3] =	sst s10  }
0x35: {  	s10 =	sld [smem:$0x3FA2];
	_ =	sdelay $0x3  }
0x36: {  	p1 =	seq.s32 s10, $0x1;
	s10 =	sld [smem:$0x3FA3];
	_ =	sdelay $0x3  }
0x37: {  	[smem:$0x3FA3] =	sst s10  }
0x38: {  	s10 =	sld [smem:$0x3FA4]  }
0x39: {  	_ = 	snop;
	(pc) =	sbr.ind lr, $3  }
0x3a: {  	_ = 	snop  }
0x3b: {  	_ = 	snop  }
0x3c: {  	p2 =	seq.s32 s10, $0x1;
	s10 =	sld [smem:$0x3FA3]  }
0x3d: {  	_ =	shalt  }
0x3e: {  	_ =	shalt  }
0x3f: {  	_ =	shalt  }
0x40: {  	_ =	shalt  }
0x41: {  	_ =	shalt  }
0x42: {  	_ =	shalt  }
0x43: {  	_ =	shalt  }
0x44: {  	_ =	shalt  }
0x45: {  	_ =	shalt  }
0x46: {  	_ =	shalt  }
0x47: {  	_ =	shalt  }
0x48: {  	_ =	shalt  }
0x49: {  	_ =	shalt  }
0x4a: {  	_ =	shalt  }
0x4b: {  	_ =	shalt  }
0x4c: {  	_ =	shalt  }
0x4d: {  	_ =	shalt  }
0x4e: {  	_ =	shalt  }
0x4f: {  	_ =	shalt  }
0x50: {  	_ =	shalt  }
0x51: {  	_ =	shalt  }
0x52: {  	_ =	shalt  }
0x53: {  	_ =	shalt  }
0x54: {  	_ =	shalt  }
0x55: {  	_ =	shalt  }
0x56: {  	_ =	shalt  }
0x57: {  	_ =	shalt  }
0x58: {  	_ =	shalt  }
0x59: {  	_ =	shalt  }
0x5a: {  	_ =	shalt  }
0x5b: {  	_ =	shalt  }
0x5c: {  	_ =	shalt  }
0x5d: {  	_ =	shalt  }
0x5e: {  	_ =	shalt  }
0x5f: {  	_ =	shalt  }
0x60: {  	_ =	shalt  }
0x61: {  	_ =	shalt  }
0x62: {  	_ =	shalt  }
0x63: {  	_ =	shalt  }
0x64: {  	_ =	shalt  }
0x65: {  	_ =	shalt  }
0x66: {  	_ =	shalt  }
0x67: {  	_ =	shalt  }
0x68: {  	_ =	shalt  }
0x69: {  	_ =	shalt  }
0x6a: {  	_ =	shalt  }
0x6b: {  	_ =	shalt  }
0x6c: {  	_ =	shalt  }
0x6d: {  	_ =	shalt  }
0x6e: {  	_ =	shalt  }
0x6f: {  	_ =	shalt  }
0x70: {  	_ =	shalt  }
0x71: {  	_ =	shalt  }
0x72: {  	_ =	shalt  }
0x73: {  	_ =	shalt  }
0x74: {  	_ =	shalt  }
0x75: {  	_ =	shalt  }
0x76: {  	_ =	shalt  }
0x77: {  	_ =	shalt  }
0x78: {  	_ =	shalt  }
0x79: {  	_ =	shalt  }
0x7a: {  	_ =	shalt  }
0x7b: {  	_ =	shalt  }
0x7c: {  	_ =	shalt  }
0x7d: {  	_ =	shalt  }
0x7e: {  	_ =	shalt  }
0x7f: {  	_ =	shalt  }
0x80: {  	_ =	shalt  }
0x81: {  	_ =	shalt  }
0x82: {  	_ =	shalt  }
0x83: {  	_ =	shalt  }
0x84: {  	_ =	shalt  }
0x85: {  	_ =	shalt  }
0x86: {  	_ =	shalt  }
0x87: {  	_ =	shalt  }
.Lfunc_end0:
.L_simem_size_0:
called_computation.1_lowered:
.L_overlay_start_0:
0x88: {  	s2 =	sld [smem:$0x3FD9]  }
0x89: {  	s3 =	sld [smem:$0x3FFE];
	_ =	sdelay $0x1  }
0x8a: {  	s1 =	srdreg.scid  }
0x8b: {  	s0 =	sand.u32 $0x1, s1  }
0x8c: {  	s17 =	sshll.u32 s0, $0xA;
	s2 =	sadd.s32 s3, s2  }
0x8d: {  	s2 =	sadd.s32 s2, s17  }
0x8e: {  	[smem:$0x3FAF] =	sst s2  }
0x8f: {  	_ = 	snop  }
0x90: {  	s2 =	sld [smem:$0x3FD0];
	(tm) =	ssettm $0x1  }
0x91: {  	s18 =	sld [smem:$0x3FFB];
	_ =	sdelay $0x3  }
0x92: {  	_ =	strace s18  }
0x93: {  	s3 =	sld [smem:$0x3FFC];
	_ =	sdelay $0x3  }
0x94: {  	_ =	strace s3  }
0x95: {  	s3 =	sld [smem:$0x3FFD];
	_ =	sdelay $0x3  }
0x96: {  	_ =	strace s3  }
0x97: {  	_ =	strace $0x8FFFFFFF  }
0x98: {  	s19 =	sld [smem:$0x3FDB];
	_ =	sdelay $0x1  }
0x99: {  	s4 =	simm.s32 $_scs_section_size  }
0x9a: {  	s5 =	simm.s32 $_size__tile_overlayer_lowered;
	s6 =	simm.s32 $_tile_overlayer_lowered  }
0x9b: {  	s22 =	simm.s32 $0x1BFF;
	s21 =	sshll.u32 s6, $0x1;
	s3 =	sadd.s32 s4, s19  }
0x9c: {  	s7 =	simm.s32 $0x0;
	s20 =	sshll.u32 s5, $0x1;
	s5 =	sadd.s32 s21, s3  }
0x9d: {  	[timem:s7], [sflag:s22] =	dma.local [hbm:s5], s20  }
0x9e: {  	_ =	swait.ge [sflag:s22], s20  }
0x9f: {  	s4 =	ssub.s32 $0x0, s20;
	[sflag:s22] =	ssyncset.done $0x0  }
0xa0: {  	[sflag:s22] =	ssyncadd.s32 s4;
	_ =	sdelay $0x1  }
0xa1: {  	s23 =	simm.s32 $0x1B8B  }
0xa2: {  	_ =	swait.ge [sflag:s23], $0x1  }
0xa3: {  	[sflag:s23] =	ssyncset.done $0x0  }
0xa4: {  	s25 =	simm.s32 $0x1B8E;
	s24 =	sld [smem:$0x3FFE];
	[sflag:s23] =	ssyncadd.s32 $0xFFFFFFFF  }
0xa5: {  	s26 =	simm.s32 $execute0_lowered;
	[smem:$0x3FD2] =	sst s25  }
0xa6: {  	s5 =	sshll.u32 s26, $0x1;
	_ =	strace $0x80000049;
	[dreg:$0x1] =	wrdreg $0xFFFFFFFF  }
0xa7: {  	s28 =	simm.s32 $_size_execute0_lowered;
	s3 =	sadd.s32 s3, s5;
	[dreg:$0x0] =	wrdreg $0x0  }
0xa8: {  	s5 =	sshll.u32 s28, $0x1;
	[dreg:$0x2] =	wrdreg s3  }
0xa9: {  	[dreg:$0x3] =	wrdreg s5  }
0xaa: {  	[dreg:$0x4] =	wrdreg $0xC0  }
0xab: {  	_ =	task [dreg:s7], $0x5FFFF  }
0xac: {  	[dreg:$0x1] =	wrdreg $0xFFFFFFFF  }
0xad: {  	[dreg:$0x0] =	wrdreg $0x60  }
0xae: {  	[dreg:$0x2] =	wrdreg s24  }
0xaf: {  	[dreg:$0x3] =	wrdreg s2  }
0xb0: {  	[dreg:$0x4] =	wrdreg $0x147000  }
0xb1: {  	[dreg:$0x5] =	wrdreg $0x9  }
0xb2: {  	_ =	task.clear_ibuf [dreg:s7], $0x6FFFF;
	_ =	strace $0x90000049  }
0xb3: {  	s29 =	simm.s32 $0x9;
	_ =	strace $0x8000004B  }
0xb4: {  	_ =	swait.ge [sflag:s29], $0x1  }
0xb5: {  	[sflag:s29] =	ssyncadd.s32 $0xFFFFFFFF  }
0xb6: {  	_ =	strace $0x9000004B  }
0xb7: {  	_ =	sfence  }
0xb8: {  	s30 =	sld [smem:$0x0];
	_ =	sdelay $0x2  }
0xb9: {  	s31 =	sshll.u32 s1, $0xD;
	s1 =	sshrl.u32 s1, $0x2  }
0xba: {  	s3 =	sand.u32 $0x4000, s31;
	s1 =	sadd.s32 s1, s30  }
0xbb: {  	s0 =	sor.u32 s3, s0;
	s1 =	sshll.u32 s1, $0x11  }
0xbc: {  	s0 =	sor.u32 s1, s0  }
0xbd: {  	s0 =	sadd.s32 $0x8F2B, s0  }
0xbe: {  	[sflag:s0] =	ssyncadd.remote.s32 $0x1  }
0xbf: {  	_ =	sfence.sel $0xFFFF  }
0xc0: {  	[dreg:$0x0] =	wrdreg $0xFFFFFFFF;
	(pc) =	sbr.abs _section_cstart, $3  }
0xc1: {  	[dreg:$0x1] =	wrdreg $0xFFFFFFFF  }
0xc2: {  	_ =	task.clear_ibuf [dreg:s7], $0x2FFFF;
	_ =	strace $0x9FFFFFFF  }
0xc3: {  	(tm) =	ssettm $0x7FFFFFFF  }
tec
execute0_lowered:
.L_overlay_start_1:
0x0: {  	(tag) =	ssettag $0x1  }
0x1: {  	s0 =	rddreg [dreg:$0x0]  }
0x2: {  	s2 =	rddreg [dreg:$0x2]  }
0x3: {  	s4 =	simm.s32 $0x0;
	s1 =	srdreg.scid;
	s11 =	stileid.u32  }
0x4: {  	s17 =	simm.s32 $0x7;
	s28 =	simm.s32 $0x2;
	s7 =	smul.u32 $0xA000, s11  }
0x5: {  	s29 =	simm.s32 $0x4;
	s30 =	simm.s32 $0x180;
	s8 =	smul.u32 $0x4E20, s11  }
0x6: {  	s31 =	simm.s32 $0x7A00;
	s16 =	simm.s32 $0x0;
	s10 =	smul.u32 $0x28000, s11  }
0x7: {  	s1 =	sand.u32 $0x1, s1;
	s5 =	sadd.s32 $0x4FAC00, s0;
	s24 =	smul.u32 $0x4E200, s11  }
0x8: {  	[smem:$0x7FF] =	sst s4;
	s6 =	sadd.s32 $0x4F0E00, s0;
	s3 =	smul.u32 $0xA0000, s1  }
0x9: {  	_ =	strace $0x8000004A;
	s20 =	ssub.s32 $0x2, s1;
	s1 =	smul.u32 $0x1400, s1  }
0xa: {  	s9 =	sshrl.u32 s20, $0x1;
	s22 =	sshrl.u32 s10, $0x2;
	s23 =	sshrl.u32 s8, $0x3  }
0xb: {  	s25 =	sadd.s32 $0x50, s8;
	s12 =	sadd.s32 $0xA0, s8;
	s13 =	sadd.s32 $0xF0, s8  }
0xc: {  	s3 =	sadd.s32 s7, s3;
	s21 =	ssub.s32 s20, s9;
	s7 =	sadd.s32 s22, s2  }
0xd: {  	s9 =	sadd.s32 s6, s23;
	s26 =	sshrl.u32 s25, $0x3;
	s11 =	sshll.u32 s25, $0x4  }
0xe: {  	s20 =	simm.s32 $0x80;
	s22 =	simm.s32 $0x1;
	s23 =	simm.s32 $0x3  }
.Ltmp0:
0xf: {  	s25 =	simm.s32 $0x100;
	v0 =	vmov s1;
	s1 =	simm.s32 $0x6;
	(pc) =	sbr.rel .LBB2_1-.Ltmp0, $4  }
0x10: {  	s3 =	sshrl.u32 s3, $0x3;
	[dreg:$0x4] =	wrdreg s9;
	s9 =	sadd.s32 s5, s24  }
0x11: {  	s10 =	sadd.s32 s6, s26;
	s11 =	sadd.s32 s5, s11;
	s15 =	smax.u32 s21, $0x1  }
0x12: {  	s21 =	simm.s32 $0x2A00;
	s24 =	simm.s32 $0x50;
	s0 =	sadd.s32 s3, s0  }
0x13: {  	v1 =	vimm.f32 $0.0e+00;
	s26 =	simm.s32 $0x5200;
	s14 =	sadd.s32 $0x5000, s0;
	s0 =	simm.s32 $0x5  }
.LBB2_10:
0x14: {  	_ =	swait.ge [sflag:s0], $0x2800  }
0x15: {  	[sflag:s0] =	ssyncset.done $0x0  }
0x16: {  	[sflag:s0] =	ssyncadd.s32 $0xFFFFD800  }
0x17: {  	s3 =	stileid.u32;
	_ =	swait.ge [sflag:s1], $0x2800  }
0x18: {  	s8 =	sshrl.u32 s7, $0x3;
	s16 =	sadd.s32 $0x1, s16;
	[sflag:s1] =	ssyncset.done $0x0  }
0x19: {  	s3 =	sshll.u32 s3, $0x6;
	p0 =	sne.s32 s16, s15;
	[sflag:s1] =	ssyncadd.s32 $0xFFFFD800  }
.Ltmp1:
0x1a: {  	s3 =	sor.u32 $0x1C07, s3;
	[bflag:$0x0] =	sbarrier.arrive $0xFFFF;
	(pc) =	sbr.rel @!p0 .LBB2_11-.Ltmp1, $4  }
0x1b: {  	[hbm:s14], [sflag:s3] =	dma.local [spmem:s8], $0x1400  }
0x1c: {  	_ =	swait.ge [sflag:s17], $0x1400  }
0x1d: {  	[sflag:s17] =	ssyncset.done $0x0  }
0x1e: {  	[sflag:s17] =	ssyncadd.s32 $0xFFFFEC00  }
.LBB2_1:
0x1f: {  	s3 =	simm.s32 $0x0;
	s8 =	simm.s32 $0x200  }
.LBB2_2:
0x20: {  	p0 =	sne.s32 s8, $0x28E00;
	[tilespmem:s3+$0xA370] =	vst v1  }
0x21: {  	[tilespmem:s3+$0xA300] =	vst v1  }
0x22: {  	[tilespmem:s3+$0xA310] =	vst v1  }
.Ltmp2:
0x23: {  	[tilespmem:s3+$0xA320] =	vst v1;
	(pc) =	sbr.rel @p0 .LBB2_2-.Ltmp2, $4  }
0x24: {  	[tilespmem:s3+$0xA330] =	vst v1  }
0x25: {  	[tilespmem:s3+$0xA340] =	vst v1  }
0x26: {  	[tilespmem:s3+$0xA350] =	vst v1  }
0x27: {  	[tilespmem:s3+$0xA360] =	vst v1;
	s3 =	sshra.s32 s8, $0x2;
	s8 =	sadd.s32 $0x200, s8  }
0x28: {  	[tilespmem:s3+$0xA370] =	vst v1  }
0x29: {  	[tilespmem:s3+$0xA300] =	vst v1  }
0x2a: {  	[tilespmem:s3+$0xA310] =	vst v1  }
0x2b: {  	[tilespmem:s3+$0xA320] =	vst v1  }
0x2c: {  	[tilespmem:s3+$0xA330] =	vst v1  }
0x2d: {  	[tilespmem:s3+$0xA340] =	vst v1  }
0x2e: {  	[tilespmem:s3+$0xA350] =	vst v1  }
0x2f: {  	[tilespmem:s3+$0xA360] =	vst v1;
	s18 =	simm.s32 $0xA300  }
0x30: {  	[spmem:s7] =	stream.linear.scatter [tilespmem:s18], [sflag:$0x7], $0xA400, $0x38;
	[tilespmem:$0x1E740] =	vst v63  }
0x31: {  	_ =	swait.ge [sflag:s17], $0xA400  }
0x32: {  	[sflag:s17] =	ssyncset.done $0x0  }
0x33: {  	[sflag:s17] =	ssyncadd.s32 $0xFFFF5C00  }
0x34: {  	s8 =	simm.s32 $0xA200;
	s18 =	simm.s32 $0x0;
	s19 =	rddreg [dreg:$0x1]  }
0x35: {  	[tilespmem:s8], [sflag:$0x7] =	stream.linear.gather [hbm4b:s19+s18], $0x100, $0x38;
	[tilespmem:$0x1E740] =	vst v63  }
0x36: {  	_ =	swait.ge [sflag:s17], $0x100  }
0x37: {  	[sflag:s17] =	ssyncset.done $0x0  }
0x38: {  	[sflag:s17] =	ssyncadd.s32 $0xFFFFFF00  }
0x39: {  	[bflag:$0x0] =	sbarrier.arrive $0xFFFF  }
0x3a: {  	v2 =	vld [tilespmem:$0xA200]  }
0x3b: {  	v3 =	vld [tilespmem:$0xA210]  }
0x3c: {  	v4 =	vld [tilespmem:$0xA220]  }
0x3d: {  	v5 =	vld [tilespmem:$0xA230]  }
0x3e: {  	v6 =	vld [tilespmem:$0xA240]  }
0x3f: {  	v7 =	vld [tilespmem:$0xA250]  }
0x40: {  	v8 =	vld [tilespmem:$0xA260]  }
0x41: {  	v9 =	vld [tilespmem:$0xA270]  }
0x42: {  	v10 =	vld [tilespmem:$0xA280]  }
0x43: {  	v11 =	vld [tilespmem:$0xA290]  }
0x44: {  	v12 =	vld [tilespmem:$0xA2A0]  }
0x45: {  	v13 =	vld [tilespmem:$0xA2B0]  }
0x46: {  	v14 =	vld [tilespmem:$0xA2C0]  }
0x47: {  	v15 =	vld [tilespmem:$0xA2D0]  }
0x48: {  	v16 =	vld [tilespmem:$0xA2E0];
	s8 =	rddreg [dreg:$0x4]  }
0x49: {  	v17 =	vld [tilespmem:$0xA2F0];
	[tilespmem:s18], [sflag:$0x1] =	stream.linear.gather [hbm4b:s8+s18], $0x50, $0x38  }
0x4a: {  	s19 =	simm.s32 $0x200  }
0x4b: {  	[tilespmem:s19], [sflag:$0x3] =	stream.linear.gather [hbm4b:s9+s18], $0x2800, $0x38;
	[tilespmem:$0x1E740] =	vst v63  }
0x4c: {  	_ = 	snop  }
0x4d: {  	[tilespmem:s20], [sflag:$0x2] =	stream.linear.gather [hbm4b:s10+s18], $0x50, $0x38;
	[tilespmem:$0x1E740] =	vst v63  }
0x4e: {  	_ = 	snop  }
0x4f: {  	[tilespmem:s21], [sflag:$0x4] =	stream.linear.gather [hbm4b:s11+s18], $0x2800, $0x38;
	[tilespmem:$0x1E740] =	vst v63  }
.LBB2_4:
0x50: {  	_ =	swait.ge [sflag:s22], $0x50  }
0x51: {  	[sflag:s22] =	ssyncset.done $0x0  }
0x52: {  	[sflag:s22] =	ssyncadd.s32 $0xFFFFFFB0  }
0x53: {  	_ =	swait.ge [sflag:s23], $0x2800  }
0x54: {  	p0 =	seq.s32 s18, $0x0;
	[sflag:s23] =	ssyncset.done $0x0  }
0x55: {  	s3 =	simm.s32 @!p0 $0x5;
	[sflag:s23] =	ssyncadd.s32 $0xFFFFD800  }
0x56: {  	_ =	swait.ge @!p0 [sflag:s3], $0x2800  }
0x57: {  	[sflag:s3] =	ssyncset.done @!p0 $0x0  }
0x58: {  	[sflag:s3] =	ssyncadd.s32 @!p0 $0xFFFFD800  }
0x59: {  	v18 =	vld [tilespmem:$0x0]  }
0x5a: {  	v19 =	vld [tilespmem:$0x10]  }
0x5b: {  	v20 =	vld [tilespmem:$0x20]  }
0x5c: {  	v21 =	vld [tilespmem:$0x30]  }
0x5d: {  	v22 =	vld [tilespmem:$0x40]  }
0x5e: {  	v18 =	vsub.s32 v18, v0  }
0x5f: {  	v19 =	vsub.s32 v19, v0;
	v18 =	vmin.u32 v18, $0x1400  }
0x60: {  	[tilespmem:$0x100] =	vst v18;
	v18 =	vmin.u32 v19, $0x1400;
	v19 =	vsub.s32 v20, v0  }
0x61: {  	[tilespmem:$0x110] =	vst v18;
	v18 =	vmin.u32 v19, $0x1400;
	v19 =	vsub.s32 v21, v0  }
0x62: {  	[tilespmem:$0x120] =	vst v18;
	v18 =	vmin.u32 v19, $0x1400;
	v19 =	vsub.s32 v22, v0  }
0x63: {  	[tilespmem:$0x130] =	vst v18;
	v18 =	vmin.u32 v19, $0x1400  }
0x64: {  	s19 =	simm.s32 $0x0;
	[tilespmem:$0x140] =	vst v18  }
0x65: {  	v18 =	vld [tilespmem:s19+$0x3F0];
	_ =	sdelay $0x1  }
0x66: {  	v19 =	vld [tilespmem:s19+$0x200]  }
0x67: {  	v20 =	vld [tilespmem:s19+$0x210];
	_ =	sdelay $0x1  }
0x68: {  	v22 =	vld [tilespmem:s19+$0x230];
	v18 =	vmul.f32 v18, v9  }
0x69: {  	v21 =	vld [tilespmem:s19+$0x220]  }
0x6a: {  	v19 =	vmul.f32 v19, v2;
	v18 =	vadd.f32 v18, v17  }
0x6b: {  	v23 =	vld [tilespmem:s19+$0x240];
	v20 =	vmul.f32 v20, v3  }
0x6c: {  	v19 =	vadd.f32 v19, v10;
	v18 =	vmax.f32 v18, $0.0e+00  }
0x6d: {  	v25 =	vld [tilespmem:s19+$0x260];
	v20 =	vadd.f32 v20, v11;
	[tilespmem:s19+$0x53F0] =	vst v18;
	v18 =	vmul.f32 v22, v5  }
0x6e: {  	v24 =	vld [tilespmem:s19+$0x250];
	v21 =	vmul.f32 v21, v4;
	v19 =	vmax.f32 v19, $0.0e+00  }
0x6f: {  	v20 =	vmax.f32 v20, $0.0e+00;
	[tilespmem:s19+$0x5200] =	vst v19;
	v18 =	vadd.f32 v18, v13  }
0x70: {  	v26 =	vld [tilespmem:s19+$0x270];
	v19 =	vadd.f32 v21, v12;
	[tilespmem:s19+$0x5210] =	vst v20;
	v20 =	vmul.f32 v23, v6  }
0x71: {  	v18 =	vmax.f32 v18, $0.0e+00  }
0x72: {  	v28 =	vld [tilespmem:s19+$0x290];
	v19 =	vmax.f32 v19, $0.0e+00;
	v20 =	vadd.f32 v20, v14;
	[tilespmem:s19+$0x5230] =	vst v18;
	v18 =	vmul.f32 v25, v8  }
0x73: {  	v27 =	vld [tilespmem:s19+$0x280];
	[tilespmem:s19+$0x5220] =	vst v19;
	v19 =	vmul.f32 v24, v7  }
0x74: {  	v20 =	vmax.f32 v20, $0.0e+00;
	v18 =	vadd.f32 v18, v16  }
0x75: {  	v21 =	vld [tilespmem:s19+$0x2A0];
	v19 =	vadd.f32 v19, v15;
	[tilespmem:s19+$0x5240] =	vst v20;
	v20 =	vmul.f32 v26, v9  }
0x76: {  	v18 =	vmax.f32 v18, $0.0e+00  }
0x77: {  	v23 =	vld [tilespmem:s19+$0x2C0];
	v19 =	vmax.f32 v19, $0.0e+00;
	v20 =	vadd.f32 v20, v17;
	[tilespmem:s19+$0x5260] =	vst v18;
	v18 =	vmul.f32 v28, v3  }
0x78: {  	v22 =	vld [tilespmem:s19+$0x2B0];
	[tilespmem:s19+$0x5250] =	vst v19;
	v19 =	vmul.f32 v27, v2  }
0x79: {  	v20 =	vmax.f32 v20, $0.0e+00;
	v18 =	vadd.f32 v18, v11  }
0x7a: {  	v24 =	vld [tilespmem:s19+$0x2D0];
	v19 =	vadd.f32 v19, v10;
	[tilespmem:s19+$0x5270] =	vst v20;
	v20 =	vmul.f32 v21, v4  }
0x7b: {  	v18 =	vmax.f32 v18, $0.0e+00  }
0x7c: {  	v26 =	vld [tilespmem:s19+$0x2F0];
	v19 =	vmax.f32 v19, $0.0e+00;
	v20 =	vadd.f32 v20, v12;
	[tilespmem:s19+$0x5290] =	vst v18;
	v18 =	vmul.f32 v23, v6  }
0x7d: {  	v25 =	vld [tilespmem:s19+$0x2E0];
	[tilespmem:s19+$0x5280] =	vst v19;
	v19 =	vmul.f32 v22, v5  }
0x7e: {  	v20 =	vmax.f32 v20, $0.0e+00;
	v18 =	vadd.f32 v18, v14  }
0x7f: {  	v27 =	vld [tilespmem:s19+$0x300];
	v19 =	vadd.f32 v19, v13;
	[tilespmem:s19+$0x52A0] =	vst v20;
	v20 =	vmul.f32 v24, v7  }
0x80: {  	v18 =	vmax.f32 v18, $0.0e+00  }
0x81: {  	v22 =	vld [tilespmem:s19+$0x320];
	v19 =	vmax.f32 v19, $0.0e+00;
	v20 =	vadd.f32 v20, v15;
	[tilespmem:s19+$0x52C0] =	vst v18;
	v18 =	vmul.f32 v26, v9  }
0x82: {  	v21 =	vld [tilespmem:s19+$0x310];
	[tilespmem:s19+$0x52B0] =	vst v19;
	v19 =	vmul.f32 v25, v8  }
0x83: {  	v20 =	vmax.f32 v20, $0.0e+00;
	v18 =	vadd.f32 v18, v17  }
0x84: {  	v23 =	vld [tilespmem:s19+$0x330];
	v19 =	vadd.f32 v19, v16;
	[tilespmem:s19+$0x52D0] =	vst v20;
	v20 =	vmul.f32 v27, v2  }
0x85: {  	v24 =	vld [tilespmem:s19+$0x340];
	v18 =	vmax.f32 v18, $0.0e+00  }
0x86: {  	v25 =	vld [tilespmem:s19+$0x350];
	v19 =	vmax.f32 v19, $0.0e+00;
	v20 =	vadd.f32 v20, v10;
	[tilespmem:s19+$0x52F0] =	vst v18;
	v18 =	vmul.f32 v22, v4  }
0x87: {  	v26 =	vld [tilespmem:s19+$0x360];
	[tilespmem:s19+$0x52E0] =	vst v19;
	v19 =	vmul.f32 v21, v3  }
0x88: {  	v27 =	vld [tilespmem:s19+$0x370];
	v20 =	vmax.f32 v20, $0.0e+00;
	v21 =	vadd.f32 v18, v12  }
0x89: {  	v28 =	vld [tilespmem:s19+$0x380];
	v19 =	vadd.f32 v19, v11;
	[tilespmem:s19+$0x5300] =	vst v20;
	v20 =	vmul.f32 v23, v5  }
0x8a: {  	v22 =	vld [tilespmem:s19+$0x390];
	v23 =	vmul.f32 v24, v6;
	v21 =	vmax.f32 v21, $0.0e+00  }
0x8b: {  	v19 =	vmax.f32 v19, $0.0e+00;
	v18 =	vld [tilespmem:s19+$0x3A0];
	v20 =	vadd.f32 v20, v13;
	[tilespmem:s19+$0x5320] =	vst v21;
	v21 =	vmul.f32 v25, v7  }
0x8c: {  	v23 =	vadd.f32 v23, v14;
	[tilespmem:s19+$0x5310] =	vst v19;
	v19 =	vld [tilespmem:s19+$0x3B0];
	v25 =	vmul.f32 v26, v8  }
0x8d: {  	v29 =	vmul.f32 v27, v9;
	v24 =	vmax.f32 v20, $0.0e+00;
	v20 =	vld [tilespmem:s19+$0x3C0];
	v26 =	vadd.f32 v21, v15  }
0x8e: {  	v27 =	vmax.f32 v23, $0.0e+00;
	v23 =	vmul.f32 v28, v2;
	[tilespmem:s19+$0x5330] =	vst v24;
	v21 =	vld [tilespmem:s19+$0x3D0];
	v24 =	vadd.f32 v25, v16  }
0x8f: {  	s8 =	simm.s32 $0x1000;
	s3 =	simm.s32 $0x200;
	[tilespmem:s19+$0x5340] =	vst v27;
	v25 =	vmul.f32 v22, v3;
	v22 =	vld [tilespmem:s19+$0x3E0];
	v27 =	vmax.f32 v26, $0.0e+00;
	v26 =	vadd.f32 v29, v17  }
.LBB2_5:
0x90: {  	p1 =	sne.s32 s8, $0x9800;
	v28 =	vld [tilespmem:s3+$0x3F0];
	[tilespmem:s19+$0x5350] =	vst v27;
	v24 =	vmax.f32 v24, $0.0e+00;
	v23 =	vadd.f32 v23, v10;
	v18 =	vmul.f32 v18, v4  }
0x91: {  	v27 =	vld [tilespmem:s3+$0x200];
	[tilespmem:s19+$0x5360] =	vst v24;
	v24 =	vmax.f32 v26, $0.0e+00;
	v25 =	vadd.f32 v25, v11;
	v19 =	vmul.f32 v19, v5  }
0x92: {  	v26 =	vld [tilespmem:s3+$0x210];
	[tilespmem:s19+$0x5370] =	vst v24;
	v23 =	vmax.f32 v23, $0.0e+00;
	v18 =	vadd.f32 v18, v12;
	v20 =	vmul.f32 v20, v6  }
0x93: {  	v24 =	vld [tilespmem:s3+$0x220];
	[tilespmem:s19+$0x5380] =	vst v23;
	v23 =	vmax.f32 v25, $0.0e+00;
	v19 =	vadd.f32 v19, v13;
	v21 =	vmul.f32 v21, v7  }
0x94: {  	v25 =	vld [tilespmem:s3+$0x230];
	[tilespmem:s19+$0x5390] =	vst v23;
	v18 =	vmax.f32 v18, $0.0e+00;
	v20 =	vadd.f32 v20, v14;
	v22 =	vmul.f32 v22, v8  }
0x95: {  	v23 =	vld [tilespmem:s3+$0x240];
	v28 =	vmul.f32 v28, v9;
	[tilespmem:s19+$0x53A0] =	vst v18;
	v18 =	vmax.f32 v19, $0.0e+00;
	v19 =	vadd.f32 v21, v15  }
0x96: {  	v21 =	vmul.f32 v27, v2;
	v27 =	vld [tilespmem:s3+$0x250];
	[tilespmem:s19+$0x53B0] =	vst v18;
	v18 =	vmax.f32 v20, $0.0e+00;
	v20 =	vadd.f32 v22, v16  }
0x97: {  	v22 =	vmul.f32 v26, v3;
	v26 =	vld [tilespmem:s3+$0x260];
	v28 =	vadd.f32 v28, v17;
	[tilespmem:s19+$0x53C0] =	vst v18;
	v18 =	vmax.f32 v19, $0.0e+00  }
0x98: {  	v19 =	vadd.f32 v21, v10;
	v21 =	vmul.f32 v24, v4;
	v24 =	vld [tilespmem:s3+$0x270];
	[tilespmem:s19+$0x53D0] =	vst v18;
	v18 =	vmax.f32 v20, $0.0e+00  }
0x99: {  	v20 =	vadd.f32 v22, v11;
	v22 =	vmul.f32 v25, v5;
	v25 =	vld [tilespmem:s3+$0x280];
	v28 =	vmax.f32 v28, $0.0e+00;
	[tilespmem:s19+$0x53E0] =	vst v18;
	s19 =	smov.u32 s3  }
0x9a: {  	v18 =	vmax.f32 v19, $0.0e+00;
	v19 =	vadd.f32 v21, v12;
	v21 =	vmul.f32 v23, v6;
	v23 =	vld [tilespmem:s19+$0x290];
	[tilespmem:s19+$0x53F0] =	vst v28  }
0x9b: {  	[tilespmem:s19+$0x5200] =	vst v18;
	v18 =	vmax.f32 v20, $0.0e+00;
	v20 =	vadd.f32 v22, v13;
	v22 =	vmul.f32 v27, v7;
	v27 =	vld [tilespmem:s19+$0x2A0]  }
0x9c: {  	[tilespmem:s19+$0x5210] =	vst v18;
	v18 =	vmax.f32 v19, $0.0e+00;
	v19 =	vadd.f32 v21, v14;
	v21 =	vmul.f32 v26, v8;
	v26 =	vld [tilespmem:s19+$0x2B0]  }
0x9d: {  	[tilespmem:s19+$0x5220] =	vst v18;
	v18 =	vmax.f32 v20, $0.0e+00;
	v20 =	vadd.f32 v22, v15;
	v22 =	vmul.f32 v24, v9;
	v24 =	vld [tilespmem:s19+$0x2C0]  }
0x9e: {  	[tilespmem:s19+$0x5230] =	vst v18;
	v18 =	vmax.f32 v19, $0.0e+00;
	v19 =	vadd.f32 v21, v16;
	v21 =	vmul.f32 v25, v2;
	v25 =	vld [tilespmem:s19+$0x2D0]  }
0x9f: {  	[tilespmem:s19+$0x5240] =	vst v18;
	v18 =	vmax.f32 v20, $0.0e+00;
	v20 =	vadd.f32 v22, v17;
	v22 =	vmul.f32 v23, v3;
	v23 =	vld [tilespmem:s19+$0x2E0]  }
0xa0: {  	[tilespmem:s19+$0x5250] =	vst v18;
	v18 =	vmax.f32 v19, $0.0e+00;
	v19 =	vadd.f32 v21, v10;
	v21 =	vmul.f32 v27, v4;
	v27 =	vld [tilespmem:s19+$0x2F0]  }
0xa1: {  	[tilespmem:s19+$0x5260] =	vst v18;
	v18 =	vmax.f32 v20, $0.0e+00;
	v20 =	vadd.f32 v22, v11;
	v22 =	vmul.f32 v26, v5;
	v26 =	vld [tilespmem:s19+$0x300]  }
0xa2: {  	[tilespmem:s19+$0x5270] =	vst v18;
	v18 =	vmax.f32 v19, $0.0e+00;
	v19 =	vadd.f32 v21, v12;
	v21 =	vmul.f32 v24, v6;
	v24 =	vld [tilespmem:s19+$0x310]  }
0xa3: {  	[tilespmem:s19+$0x5280] =	vst v18;
	v18 =	vmax.f32 v20, $0.0e+00;
	v20 =	vadd.f32 v22, v13;
	v22 =	vmul.f32 v25, v7;
	v25 =	vld [tilespmem:s19+$0x320]  }
0xa4: {  	[tilespmem:s19+$0x5290] =	vst v18;
	v18 =	vmax.f32 v19, $0.0e+00;
	v19 =	vadd.f32 v21, v14;
	v21 =	vmul.f32 v23, v8;
	v23 =	vld [tilespmem:s19+$0x330]  }
0xa5: {  	[tilespmem:s19+$0x52A0] =	vst v18;
	v18 =	vmax.f32 v20, $0.0e+00;
	v20 =	vadd.f32 v22, v15;
	v22 =	vmul.f32 v27, v9;
	v27 =	vld [tilespmem:s19+$0x340]  }
0xa6: {  	[tilespmem:s19+$0x52B0] =	vst v18;
	v18 =	vmax.f32 v19, $0.0e+00;
	v19 =	vadd.f32 v21, v16;
	v21 =	vmul.f32 v26, v2;
	v26 =	vld [tilespmem:s19+$0x350]  }
0xa7: {  	[tilespmem:s19+$0x52C0] =	vst v18;
	v18 =	vmax.f32 v20, $0.0e+00;
	v20 =	vadd.f32 v22, v17;
	v22 =	vmul.f32 v24, v3;
	v24 =	vld [tilespmem:s19+$0x360]  }
0xa8: {  	[tilespmem:s19+$0x52D0] =	vst v18;
	v18 =	vmax.f32 v19, $0.0e+00;
	v19 =	vadd.f32 v21, v10;
	v21 =	vmul.f32 v25, v4;
	v25 =	vld [tilespmem:s19+$0x370]  }
0xa9: {  	[tilespmem:s19+$0x52E0] =	vst v18;
	v18 =	vmax.f32 v20, $0.0e+00;
	v20 =	vadd.f32 v22, v11;
	v22 =	vmul.f32 v23, v5;
	v23 =	vld [tilespmem:s19+$0x380]  }
0xaa: {  	[tilespmem:s19+$0x52F0] =	vst v18;
	v18 =	vmax.f32 v19, $0.0e+00;
	v19 =	vadd.f32 v21, v12;
	v21 =	vmul.f32 v27, v6;
	v28 =	vld [tilespmem:s19+$0x390]  }
.Ltmp3:
0xab: {  	[tilespmem:s19+$0x5300] =	vst v18;
	v20 =	vmax.f32 v20, $0.0e+00;
	v22 =	vadd.f32 v22, v13;
	v26 =	vmul.f32 v26, v7;
	v18 =	vld [tilespmem:s19+$0x3A0];
	(pc) =	sbr.rel @p1 .LBB2_5-.Ltmp3, $4  }
0xac: {  	[tilespmem:s19+$0x5310] =	vst v20;
	v20 =	vmax.f32 v19, $0.0e+00;
	v21 =	vadd.f32 v21, v14;
	v24 =	vmul.f32 v24, v8;
	v19 =	vld [tilespmem:s19+$0x3B0]  }
0xad: {  	[tilespmem:s19+$0x5320] =	vst v20;
	v22 =	vmax.f32 v22, $0.0e+00;
	v26 =	vadd.f32 v26, v15;
	v25 =	vmul.f32 v25, v9;
	v20 =	vld [tilespmem:s19+$0x3C0]  }
0xae: {  	[tilespmem:s19+$0x5330] =	vst v22;
	v22 =	vmax.f32 v21, $0.0e+00;
	v24 =	vadd.f32 v24, v16;
	v23 =	vmul.f32 v23, v2;
	v21 =	vld [tilespmem:s19+$0x3D0]  }
0xaf: {  	s3 =	sshra.s32 s8, $0x2;
	s8 =	sadd.s32 $0x800, s8;
	[tilespmem:s19+$0x5340] =	vst v22;
	v27 =	vmax.f32 v26, $0.0e+00;
	v26 =	vadd.f32 v25, v17;
	v25 =	vmul.f32 v28, v3;
	v22 =	vld [tilespmem:s19+$0x3E0]  }
0xb0: {  	v28 =	vld [tilespmem:s3+$0x3F0];
	[tilespmem:s19+$0x5350] =	vst v27;
	v24 =	vmax.f32 v24, $0.0e+00  }
0xb1: {  	v23 =	vadd.f32 v23, v10;
	v18 =	vmul.f32 v18, v4;
	v27 =	vld [tilespmem:s3+$0x200];
	[tilespmem:s19+$0x5360] =	vst v24;
	v24 =	vmax.f32 v26, $0.0e+00  }
0xb2: {  	v26 =	vld [tilespmem:s3+$0x210];
	[tilespmem:s19+$0x5370] =	vst v24;
	v24 =	vadd.f32 v25, v11  }
0xb3: {  	v19 =	vmul.f32 v19, v5;
	v23 =	vmax.f32 v23, $0.0e+00;
	v18 =	vadd.f32 v18, v12  }
0xb4: {  	v20 =	vmul.f32 v20, v6;
	v25 =	vld [tilespmem:s3+$0x220];
	[tilespmem:s19+$0x5380] =	vst v23;
	v23 =	vmax.f32 v24, $0.0e+00  }
0xb5: {  	v19 =	vadd.f32 v19, v13;
	v24 =	vld [tilespmem:s3+$0x230];
	v18 =	vmax.f32 v18, $0.0e+00;
	[tilespmem:s19+$0x5390] =	vst v23  }
0xb6: {  	v20 =	vadd.f32 v20, v14;
	v23 =	vld [tilespmem:s3+$0x240];
	[tilespmem:s19+$0x53A0] =	vst v18;
	v18 =	vmul.f32 v21, v7  }
0xb7: {  	v19 =	vmax.f32 v19, $0.0e+00  }
0xb8: {  	v20 =	vmax.f32 v20, $0.0e+00;
	v21 =	vld [tilespmem:s3+$0x250];
	[tilespmem:s19+$0x53B0] =	vst v19;
	v19 =	vmul.f32 v22, v8;
	v18 =	vadd.f32 v18, v15  }
0xb9: {  	v22 =	vld [tilespmem:s3+$0x260];
	[tilespmem:s19+$0x53C0] =	vst v20;
	v20 =	vmul.f32 v28, v9  }
0xba: {  	v19 =	vadd.f32 v19, v16;
	v18 =	vmax.f32 v18, $0.0e+00  }
0xbb: {  	v28 =	vld [tilespmem:s3+$0x270];
	[tilespmem:s19+$0x53D0] =	vst v18;
	v18 =	vadd.f32 v20, v17  }
0xbc: {  	v19 =	vmax.f32 v19, $0.0e+00  }
0xbd: {  	v20 =	vld [tilespmem:s3+$0x280];
	[tilespmem:s19+$0x53E0] =	vst v19;
	v18 =	vmax.f32 v18, $0.0e+00  }
0xbe: {  	[tilespmem:s3+$0x53F0] =	vst v18;
	v18 =	vmul.f32 v24, v5  }
0xbf: {  	v26 =	vmul.f32 v26, v3  }
0xc0: {  	v23 =	vmul.f32 v23, v6;
	v18 =	vadd.f32 v18, v13  }
0xc1: {  	v25 =	vmul.f32 v25, v4;
	v26 =	vadd.f32 v26, v11  }
0xc2: {  	v21 =	vmul.f32 v21, v7;
	v23 =	vadd.f32 v23, v14;
	v18 =	vmax.f32 v18, $0.0e+00  }
0xc3: {  	v19 =	vld [tilespmem:s3+$0x290];
	v24 =	vadd.f32 v25, v12;
	v25 =	vmax.f32 v26, $0.0e+00;
	[tilespmem:s3+$0x5230] =	vst v18;
	v18 =	vmul.f32 v22, v8  }
0xc4: {  	v21 =	vadd.f32 v21, v15;
	[tilespmem:s3+$0x5210] =	vst v25;
	v22 =	vmax.f32 v23, $0.0e+00  }
0xc5: {  	v26 =	vld [tilespmem:s3+$0x2A0];
	v24 =	vmax.f32 v24, $0.0e+00;
	[tilespmem:s3+$0x5240] =	vst v22;
	v22 =	vmul.f32 v28, v9;
	v18 =	vadd.f32 v18, v16  }
0xc6: {  	v27 =	vmul.f32 v27, v2;
	v21 =	vmax.f32 v21, $0.0e+00;
	[tilespmem:s3+$0x5220] =	vst v24  }
0xc7: {  	v25 =	vld [tilespmem:s3+$0x2B0];
	[tilespmem:s3+$0x5250] =	vst v21;
	v20 =	vmul.f32 v20, v2;
	v21 =	vadd.f32 v22, v17;
	v18 =	vmax.f32 v18, $0.0e+00  }
0xc8: {  	v27 =	vadd.f32 v27, v10;
	v24 =	vld [tilespmem:s3+$0x2C0];
	[tilespmem:s3+$0x5260] =	vst v18;
	v18 =	vmul.f32 v19, v3  }
0xc9: {  	v19 =	vadd.f32 v20, v10;
	v20 =	vmax.f32 v21, $0.0e+00  }
0xca: {  	v27 =	vmax.f32 v27, $0.0e+00;
	v23 =	vld [tilespmem:s3+$0x2D0];
	[tilespmem:s3+$0x5270] =	vst v20;
	v20 =	vmul.f32 v26, v4;
	v18 =	vadd.f32 v18, v11  }
0xcb: {  	[tilespmem:s3+$0x5200] =	vst v27;
	v19 =	vmax.f32 v19, $0.0e+00  }
0xcc: {  	v27 =	vld [tilespmem:s3+$0x2E0];
	[tilespmem:s3+$0x5280] =	vst v19;
	v19 =	vmul.f32 v25, v5;
	v20 =	vadd.f32 v20, v12;
	v18 =	vmax.f32 v18, $0.0e+00  }
0xcd: {  	v22 =	vld [tilespmem:s3+$0x2F0];
	[tilespmem:s3+$0x5290] =	vst v18;
	v18 =	vmul.f32 v24, v6  }
0xce: {  	v19 =	vadd.f32 v19, v13;
	v20 =	vmax.f32 v20, $0.0e+00  }
0xcf: {  	v21 =	vld [tilespmem:s3+$0x300];
	[tilespmem:s3+$0x52A0] =	vst v20;
	v20 =	vmul.f32 v23, v7;
	v18 =	vadd.f32 v18, v14  }
0xd0: {  	v19 =	vmax.f32 v19, $0.0e+00  }
0xd1: {  	v26 =	vld [tilespmem:s3+$0x310];
	[tilespmem:s3+$0x52B0] =	vst v19;
	v19 =	vmul.f32 v27, v8;
	v20 =	vadd.f32 v20, v15;
	v18 =	vmax.f32 v18, $0.0e+00  }
0xd2: {  	v25 =	vld [tilespmem:s3+$0x320];
	[tilespmem:s3+$0x52C0] =	vst v18;
	v18 =	vmul.f32 v22, v9  }
0xd3: {  	v19 =	vadd.f32 v19, v16;
	v20 =	vmax.f32 v20, $0.0e+00  }
0xd4: {  	v24 =	vld [tilespmem:s3+$0x330];
	[tilespmem:s3+$0x52D0] =	vst v20;
	v20 =	vmul.f32 v21, v2;
	v18 =	vadd.f32 v18, v17  }
0xd5: {  	v19 =	vmax.f32 v19, $0.0e+00  }
0xd6: {  	v23 =	vld [tilespmem:s3+$0x340];
	[tilespmem:s3+$0x52E0] =	vst v19;
	v19 =	vmul.f32 v26, v3;
	v20 =	vadd.f32 v20, v10;
	v18 =	vmax.f32 v18, $0.0e+00  }
0xd7: {  	v27 =	vld [tilespmem:s3+$0x350];
	[tilespmem:s3+$0x52F0] =	vst v18;
	v18 =	vmul.f32 v25, v4  }
0xd8: {  	v22 =	vld [tilespmem:s3+$0x360];
	v19 =	vadd.f32 v19, v11;
	v20 =	vmax.f32 v20, $0.0e+00  }
0xd9: {  	v21 =	vld [tilespmem:s3+$0x370];
	[tilespmem:s3+$0x5300] =	vst v20;
	v20 =	vmul.f32 v24, v5;
	v18 =	vadd.f32 v18, v12  }
0xda: {  	v26 =	vld [tilespmem:s3+$0x380];
	v19 =	vmax.f32 v19, $0.0e+00  }
0xdb: {  	v25 =	vld [tilespmem:s3+$0x390];
	[tilespmem:s3+$0x5310] =	vst v19;
	v19 =	vmul.f32 v23, v6;
	v20 =	vadd.f32 v20, v13;
	v18 =	vmax.f32 v18, $0.0e+00  }
0xdc: {  	v24 =	vld [tilespmem:s3+$0x3A0];
	[tilespmem:s3+$0x5320] =	vst v18;
	v18 =	vmul.f32 v27, v7  }
0xdd: {  	v22 =	vmul.f32 v22, v8;
	v23 =	vld [tilespmem:s3+$0x3B0];
	v19 =	vadd.f32 v19, v14;
	v20 =	vmax.f32 v20, $0.0e+00  }
0xde: {  	v27 =	vld [tilespmem:s3+$0x3C0];
	[tilespmem:s3+$0x5330] =	vst v20;
	v20 =	vmul.f32 v21, v9;
	v18 =	vadd.f32 v18, v15  }
0xdf: {  	v22 =	vadd.f32 v22, v16;
	v26 =	vmul.f32 v26, v2;
	v21 =	vld [tilespmem:s3+$0x3D0];
	v19 =	vmax.f32 v19, $0.0e+00  }
0xe0: {  	[tilespmem:s3+$0x5340] =	vst v19;
	v19 =	vadd.f32 v20, v17;
	v20 =	vmul.f32 v25, v3;
	v25 =	vld [tilespmem:s3+$0x3E0];
	v18 =	vmax.f32 v18, $0.0e+00  }
0xe1: {  	v24 =	vmul.f32 v24, v4;
	[tilespmem:s3+$0x5350] =	vst v18;
	v18 =	vmax.f32 v22, $0.0e+00;
	v22 =	vadd.f32 v26, v10  }
0xe2: {  	[tilespmem:s3+$0x5360] =	vst v18;
	v18 =	vmax.f32 v19, $0.0e+00;
	v19 =	vadd.f32 v20, v11;
	v20 =	vmul.f32 v23, v5  }
0xe3: {  	v23 =	vmul.f32 v27, v6;
	[tilespmem:s3+$0x5370] =	vst v18;
	v18 =	vmax.f32 v22, $0.0e+00;
	v22 =	vadd.f32 v24, v12  }
0xe4: {  	[tilespmem:s3+$0x5380] =	vst v18;
	v18 =	vmax.f32 v19, $0.0e+00;
	v19 =	vadd.f32 v20, v13;
	v20 =	vmul.f32 v21, v7  }
0xe5: {  	v21 =	vadd.f32 v23, v14;
	[tilespmem:s3+$0x5390] =	vst v18;
	v18 =	vmax.f32 v22, $0.0e+00;
	v22 =	vmul.f32 v25, v8  }
0xe6: {  	[tilespmem:s3+$0x53A0] =	vst v18;
	v18 =	vmax.f32 v19, $0.0e+00;
	v19 =	vadd.f32 v20, v15  }
0xe7: {  	[tilespmem:s3+$0x53B0] =	vst v18;
	v18 =	vmax.f32 v21, $0.0e+00;
	v20 =	vadd.f32 v22, v16  }
0xe8: {  	[tilespmem:s3+$0x53C0] =	vst v18;
	v18 =	vmax.f32 v19, $0.0e+00  }
0xe9: {  	p1 =	seq.s32 s18, $0x7C;
	[tilespmem:s3+$0x53D0] =	vst v18;
	v18 =	vmax.f32 v20, $0.0e+00  }
0xea: {  	[tilespmem:s3+$0x53E0] =	vst v18;
	s3 =	smul.u32 @!p1 $0xA0, s18  }
0xeb: {  	[spmem:s2] =	stream.indirect.scatter.add.f32 [tilespmem:s26], [sflag:$0x5], $0x80, s25, s24, $0xb8;
	[tilespmem:$0x1E740] =	vst v63  }
0xec: {  	s3 =	sadd.s32 @!p1 s3, s12  }
0xed: {  	s8 =	sshrl.u32 @!p1 s3, $0x3  }
0xee: {  	s19 =	simm.s32 @!p1 $0x0;
	s3 =	sshll.u32 @!p1 s3, $0x4;
	s8 =	sadd.s32 @!p1 s6, s8  }
0xef: {  	[tilespmem:s19], [sflag:$0x1] =	stream.linear.gather @!p1 [hbm4b:s8+s19], $0x50, $0x38;
	[tilespmem:$0x1E740] =	vst v63  }
0xf0: {  	s3 =	sadd.s32 @!p1 s5, s3;
	s8 =	simm.s32 @!p1 $0x200  }
0xf1: {  	[tilespmem:s8], [sflag:$0x3] =	stream.linear.gather @!p1 [hbm4b:s3+s19], $0x2800, $0x38;
	[tilespmem:$0x1E740] =	vst v63  }
0xf2: {  	_ =	swait.ge [sflag:s28], $0x50  }
0xf3: {  	[sflag:s28] =	ssyncset.done $0x0  }
0xf4: {  	[sflag:s28] =	ssyncadd.s32 $0xFFFFFFB0  }
0xf5: {  	_ =	swait.ge [sflag:s29], $0x2800  }
0xf6: {  	[sflag:s29] =	ssyncset.done $0x0  }
0xf7: {  	s3 =	simm.s32 @!p0 $0x6;
	[sflag:s29] =	ssyncadd.s32 $0xFFFFD800  }
0xf8: {  	_ =	swait.ge @!p0 [sflag:s3], $0x2800  }
0xf9: {  	[sflag:s3] =	ssyncset.done @!p0 $0x0  }
0xfa: {  	[sflag:s3] =	ssyncadd.s32 @!p0 $0xFFFFD800  }
0xfb: {  	v18 =	vld [tilespmem:$0x80]  }
0xfc: {  	v19 =	vld [tilespmem:$0x90]  }
0xfd: {  	v20 =	vld [tilespmem:$0xA0]  }
0xfe: {  	v21 =	vld [tilespmem:$0xB0]  }
0xff: {  	v22 =	vld [tilespmem:$0xC0]  }
0x100: {  	v18 =	vsub.s32 v18, v0  }
0x101: {  	v19 =	vsub.s32 v19, v0;
	v18 =	vmin.u32 v18, $0x1400  }
0x102: {  	[tilespmem:$0x180] =	vst v18;
	v18 =	vmin.u32 v19, $0x1400;
	v19 =	vsub.s32 v20, v0  }
0x103: {  	[tilespmem:$0x190] =	vst v18;
	v18 =	vmin.u32 v19, $0x1400;
	v19 =	vsub.s32 v21, v0  }
0x104: {  	[tilespmem:$0x1A0] =	vst v18;
	v18 =	vmin.u32 v19, $0x1400;
	v19 =	vsub.s32 v22, v0  }
0x105: {  	[tilespmem:$0x1B0] =	vst v18;
	v18 =	vmin.u32 v19, $0x1400  }
0x106: {  	s19 =	simm.s32 $0x0;
	[tilespmem:$0x1C0] =	vst v18  }
0x107: {  	v18 =	vld [tilespmem:s19+$0x2BF0];
	_ =	sdelay $0x1  }
0x108: {  	v19 =	vld [tilespmem:s19+$0x2A00]  }
0x109: {  	v20 =	vld [tilespmem:s19+$0x2A10];
	_ =	sdelay $0x1  }
0x10a: {  	v22 =	vld [tilespmem:s19+$0x2A30];
	v18 =	vmul.f32 v18, v9  }
0x10b: {  	v21 =	vld [tilespmem:s19+$0x2A20]  }
0x10c: {  	v19 =	vmul.f32 v19, v2;
	v18 =	vadd.f32 v18, v17  }
0x10d: {  	v23 =	vld [tilespmem:s19+$0x2A40];
	v20 =	vmul.f32 v20, v3  }
0x10e: {  	v19 =	vadd.f32 v19, v10;
	v18 =	vmax.f32 v18, $0.0e+00  }
0x10f: {  	v25 =	vld [tilespmem:s19+$0x2A60];
	v20 =	vadd.f32 v20, v11;
	[tilespmem:s19+$0x7BF0] =	vst v18;
	v18 =	vmul.f32 v22, v5  }
0x110: {  	v24 =	vld [tilespmem:s19+$0x2A50];
	v21 =	vmul.f32 v21, v4;
	v19 =	vmax.f32 v19, $0.0e+00  }
0x111: {  	v20 =	vmax.f32 v20, $0.0e+00;
	[tilespmem:s19+$0x7A00] =	vst v19;
	v18 =	vadd.f32 v18, v13  }
0x112: {  	v26 =	vld [tilespmem:s19+$0x2A70];
	v19 =	vadd.f32 v21, v12;
	[tilespmem:s19+$0x7A10] =	vst v20;
	v20 =	vmul.f32 v23, v6  }
0x113: {  	v18 =	vmax.f32 v18, $0.0e+00  }
0x114: {  	v28 =	vld [tilespmem:s19+$0x2A90];
	v19 =	vmax.f32 v19, $0.0e+00;
	v20 =	vadd.f32 v20, v14;
	[tilespmem:s19+$0x7A30] =	vst v18;
	v18 =	vmul.f32 v25, v8  }
0x115: {  	v27 =	vld [tilespmem:s19+$0x2A80];
	[tilespmem:s19+$0x7A20] =	vst v19;
	v19 =	vmul.f32 v24, v7  }
0x116: {  	v20 =	vmax.f32 v20, $0.0e+00;
	v18 =	vadd.f32 v18, v16  }
0x117: {  	v21 =	vld [tilespmem:s19+$0x2AA0];
	v19 =	vadd.f32 v19, v15;
	[tilespmem:s19+$0x7A40] =	vst v20;
	v20 =	vmul.f32 v26, v9  }
0x118: {  	v18 =	vmax.f32 v18, $0.0e+00  }
0x119: {  	v23 =	vld [tilespmem:s19+$0x2AC0];
	v19 =	vmax.f32 v19, $0.0e+00;
	v20 =	vadd.f32 v20, v17;
	[tilespmem:s19+$0x7A60] =	vst v18;
	v18 =	vmul.f32 v28, v3  }
0x11a: {  	v22 =	vld [tilespmem:s19+$0x2AB0];
	[tilespmem:s19+$0x7A50] =	vst v19;
	v19 =	vmul.f32 v27, v2  }
0x11b: {  	v20 =	vmax.f32 v20, $0.0e+00;
	v18 =	vadd.f32 v18, v11  }
0x11c: {  	v24 =	vld [tilespmem:s19+$0x2AD0];
	v19 =	vadd.f32 v19, v10;
	[tilespmem:s19+$0x7A70] =	vst v20;
	v20 =	vmul.f32 v21, v4  }
0x11d: {  	v18 =	vmax.f32 v18, $0.0e+00  }
0x11e: {  	v26 =	vld [tilespmem:s19+$0x2AF0];
	v19 =	vmax.f32 v19, $0.0e+00;
	v20 =	vadd.f32 v20, v12;
	[tilespmem:s19+$0x7A90] =	vst v18;
	v18 =	vmul.f32 v23, v6  }
0x11f: {  	v25 =	vld [tilespmem:s19+$0x2AE0];
	[tilespmem:s19+$0x7A80] =	vst v19;
	v19 =	vmul.f32 v22, v5  }
0x120: {  	v20 =	vmax.f32 v20, $0.0e+00;
	v18 =	vadd.f32 v18, v14  }
0x121: {  	v27 =	vld [tilespmem:s19+$0x2B00];
	v19 =	vadd.f32 v19, v13;
	[tilespmem:s19+$0x7AA0] =	vst v20;
	v20 =	vmul.f32 v24, v7  }
0x122: {  	v18 =	vmax.f32 v18, $0.0e+00  }
0x123: {  	v22 =	vld [tilespmem:s19+$0x2B20];
	v19 =	vmax.f32 v19, $0.0e+00;
	v20 =	vadd.f32 v20, v15;
	[tilespmem:s19+$0x7AC0] =	vst v18;
	v18 =	vmul.f32 v26, v9  }
0x124: {  	v21 =	vld [tilespmem:s19+$0x2B10];
	[tilespmem:s19+$0x7AB0] =	vst v19;
	v19 =	vmul.f32 v25, v8  }
0x125: {  	v20 =	vmax.f32 v20, $0.0e+00;
	v18 =	vadd.f32 v18, v17  }
0x126: {  	v23 =	vld [tilespmem:s19+$0x2B30];
	v19 =	vadd.f32 v19, v16;
	[tilespmem:s19+$0x7AD0] =	vst v20;
	v20 =	vmul.f32 v27, v2  }
0x127: {  	v24 =	vld [tilespmem:s19+$0x2B40];
	v18 =	vmax.f32 v18, $0.0e+00  }
0x128: {  	v25 =	vld [tilespmem:s19+$0x2B50];
	v19 =	vmax.f32 v19, $0.0e+00;
	v20 =	vadd.f32 v20, v10;
	[tilespmem:s19+$0x7AF0] =	vst v18;
	v18 =	vmul.f32 v22, v4  }
0x129: {  	v26 =	vld [tilespmem:s19+$0x2B60];
	[tilespmem:s19+$0x7AE0] =	vst v19;
	v19 =	vmul.f32 v21, v3  }
0x12a: {  	v27 =	vld [tilespmem:s19+$0x2B70];
	v20 =	vmax.f32 v20, $0.0e+00;
	v21 =	vadd.f32 v18, v12  }
0x12b: {  	v28 =	vld [tilespmem:s19+$0x2B80];
	v19 =	vadd.f32 v19, v11;
	[tilespmem:s19+$0x7B00] =	vst v20;
	v20 =	vmul.f32 v23, v5  }
0x12c: {  	v22 =	vld [tilespmem:s19+$0x2B90];
	v23 =	vmul.f32 v24, v6;
	v21 =	vmax.f32 v21, $0.0e+00  }
0x12d: {  	v19 =	vmax.f32 v19, $0.0e+00;
	v18 =	vld [tilespmem:s19+$0x2BA0];
	v20 =	vadd.f32 v20, v13;
	[tilespmem:s19+$0x7B20] =	vst v21;
	v21 =	vmul.f32 v25, v7  }
0x12e: {  	v23 =	vadd.f32 v23, v14;
	[tilespmem:s19+$0x7B10] =	vst v19;
	v19 =	vld [tilespmem:s19+$0x2BB0];
	v25 =	vmul.f32 v26, v8  }
0x12f: {  	v29 =	vmul.f32 v27, v9;
	v24 =	vmax.f32 v20, $0.0e+00;
	v20 =	vld [tilespmem:s19+$0x2BC0];
	v26 =	vadd.f32 v21, v15  }
0x130: {  	v27 =	vmax.f32 v23, $0.0e+00;
	v23 =	vmul.f32 v28, v2;
	[tilespmem:s19+$0x7B30] =	vst v24;
	v21 =	vld [tilespmem:s19+$0x2BD0];
	v24 =	vadd.f32 v25, v16  }
0x131: {  	s8 =	simm.s32 $0x1000;
	s3 =	simm.s32 $0x200;
	[tilespmem:s19+$0x7B40] =	vst v27;
	v25 =	vmul.f32 v22, v3;
	v22 =	vld [tilespmem:s19+$0x2BE0];
	v27 =	vmax.f32 v26, $0.0e+00;
	v26 =	vadd.f32 v29, v17  }
.LBB2_7:
0x132: {  	p0 =	sne.s32 s8, $0x9800;
	v28 =	vld [tilespmem:s3+$0x2BF0];
	[tilespmem:s19+$0x7B50] =	vst v27;
	v24 =	vmax.f32 v24, $0.0e+00;
	v23 =	vadd.f32 v23, v10;
	v18 =	vmul.f32 v18, v4  }
0x133: {  	v27 =	vld [tilespmem:s3+$0x2A00];
	[tilespmem:s19+$0x7B60] =	vst v24;
	v24 =	vmax.f32 v26, $0.0e+00;
	v25 =	vadd.f32 v25, v11;
	v19 =	vmul.f32 v19, v5  }
0x134: {  	v26 =	vld [tilespmem:s3+$0x2A10];
	[tilespmem:s19+$0x7B70] =	vst v24;
	v23 =	vmax.f32 v23, $0.0e+00;
	v18 =	vadd.f32 v18, v12;
	v20 =	vmul.f32 v20, v6  }
0x135: {  	v24 =	vld [tilespmem:s3+$0x2A20];
	[tilespmem:s19+$0x7B80] =	vst v23;
	v23 =	vmax.f32 v25, $0.0e+00;
	v19 =	vadd.f32 v19, v13;
	v21 =	vmul.f32 v21, v7  }
0x136: {  	v25 =	vld [tilespmem:s3+$0x2A30];
	[tilespmem:s19+$0x7B90] =	vst v23;
	v18 =	vmax.f32 v18, $0.0e+00;
	v20 =	vadd.f32 v20, v14;
	v22 =	vmul.f32 v22, v8  }
0x137: {  	v23 =	vld [tilespmem:s3+$0x2A40];
	v28 =	vmul.f32 v28, v9;
	[tilespmem:s19+$0x7BA0] =	vst v18;
	v18 =	vmax.f32 v19, $0.0e+00;
	v19 =	vadd.f32 v21, v15  }
0x138: {  	v21 =	vmul.f32 v27, v2;
	v27 =	vld [tilespmem:s3+$0x2A50];
	[tilespmem:s19+$0x7BB0] =	vst v18;
	v18 =	vmax.f32 v20, $0.0e+00;
	v20 =	vadd.f32 v22, v16  }
0x139: {  	v22 =	vmul.f32 v26, v3;
	v26 =	vld [tilespmem:s3+$0x2A60];
	v28 =	vadd.f32 v28, v17;
	[tilespmem:s19+$0x7BC0] =	vst v18;
	v18 =	vmax.f32 v19, $0.0e+00  }
0x13a: {  	v19 =	vadd.f32 v21, v10;
	v21 =	vmul.f32 v24, v4;
	v24 =	vld [tilespmem:s3+$0x2A70];
	[tilespmem:s19+$0x7BD0] =	vst v18;
	v18 =	vmax.f32 v20, $0.0e+00  }
0x13b: {  	v20 =	vadd.f32 v22, v11;
	v22 =	vmul.f32 v25, v5;
	v25 =	vld [tilespmem:s3+$0x2A80];
	v28 =	vmax.f32 v28, $0.0e+00;
	[tilespmem:s19+$0x7BE0] =	vst v18;
	s19 =	smov.u32 s3  }
0x13c: {  	v18 =	vmax.f32 v19, $0.0e+00;
	v19 =	vadd.f32 v21, v12;
	v21 =	vmul.f32 v23, v6;
	v23 =	vld [tilespmem:s19+$0x2A90];
	[tilespmem:s19+$0x7BF0] =	vst v28  }
0x13d: {  	[tilespmem:s19+$0x7A00] =	vst v18;
	v18 =	vmax.f32 v20, $0.0e+00;
	v20 =	vadd.f32 v22, v13;
	v22 =	vmul.f32 v27, v7;
	v27 =	vld [tilespmem:s19+$0x2AA0]  }
0x13e: {  	[tilespmem:s19+$0x7A10] =	vst v18;
	v18 =	vmax.f32 v19, $0.0e+00;
	v19 =	vadd.f32 v21, v14;
	v21 =	vmul.f32 v26, v8;
	v26 =	vld [tilespmem:s19+$0x2AB0]  }
0x13f: {  	[tilespmem:s19+$0x7A20] =	vst v18;
	v18 =	vmax.f32 v20, $0.0e+00;
	v20 =	vadd.f32 v22, v15;
	v22 =	vmul.f32 v24, v9;
	v24 =	vld [tilespmem:s19+$0x2AC0]  }
0x140: {  	[tilespmem:s19+$0x7A30] =	vst v18;
	v18 =	vmax.f32 v19, $0.0e+00;
	v19 =	vadd.f32 v21, v16;
	v21 =	vmul.f32 v25, v2;
	v25 =	vld [tilespmem:s19+$0x2AD0]  }
0x141: {  	[tilespmem:s19+$0x7A40] =	vst v18;
	v18 =	vmax.f32 v20, $0.0e+00;
	v20 =	vadd.f32 v22, v17;
	v22 =	vmul.f32 v23, v3;
	v23 =	vld [tilespmem:s19+$0x2AE0]  }
0x142: {  	[tilespmem:s19+$0x7A50] =	vst v18;
	v18 =	vmax.f32 v19, $0.0e+00;
	v19 =	vadd.f32 v21, v10;
	v21 =	vmul.f32 v27, v4;
	v27 =	vld [tilespmem:s19+$0x2AF0]  }
0x143: {  	[tilespmem:s19+$0x7A60] =	vst v18;
	v18 =	vmax.f32 v20, $0.0e+00;
	v20 =	vadd.f32 v22, v11;
	v22 =	vmul.f32 v26, v5;
	v26 =	vld [tilespmem:s19+$0x2B00]  }
0x144: {  	[tilespmem:s19+$0x7A70] =	vst v18;
	v18 =	vmax.f32 v19, $0.0e+00;
	v19 =	vadd.f32 v21, v12;
	v21 =	vmul.f32 v24, v6;
	v24 =	vld [tilespmem:s19+$0x2B10]  }
0x145: {  	[tilespmem:s19+$0x7A80] =	vst v18;
	v18 =	vmax.f32 v20, $0.0e+00;
	v20 =	vadd.f32 v22, v13;
	v22 =	vmul.f32 v25, v7;
	v25 =	vld [tilespmem:s19+$0x2B20]  }
0x146: {  	[tilespmem:s19+$0x7A90] =	vst v18;
	v18 =	vmax.f32 v19, $0.0e+00;
	v19 =	vadd.f32 v21, v14;
	v21 =	vmul.f32 v23, v8;
	v23 =	vld [tilespmem:s19+$0x2B30]  }
0x147: {  	[tilespmem:s19+$0x7AA0] =	vst v18;
	v18 =	vmax.f32 v20, $0.0e+00;
	v20 =	vadd.f32 v22, v15;
	v22 =	vmul.f32 v27, v9;
	v27 =	vld [tilespmem:s19+$0x2B40]  }
0x148: {  	[tilespmem:s19+$0x7AB0] =	vst v18;
	v18 =	vmax.f32 v19, $0.0e+00;
	v19 =	vadd.f32 v21, v16;
	v21 =	vmul.f32 v26, v2;
	v26 =	vld [tilespmem:s19+$0x2B50]  }
0x149: {  	[tilespmem:s19+$0x7AC0] =	vst v18;
	v18 =	vmax.f32 v20, $0.0e+00;
	v20 =	vadd.f32 v22, v17;
	v22 =	vmul.f32 v24, v3;
	v24 =	vld [tilespmem:s19+$0x2B60]  }
0x14a: {  	[tilespmem:s19+$0x7AD0] =	vst v18;
	v18 =	vmax.f32 v19, $0.0e+00;
	v19 =	vadd.f32 v21, v10;
	v21 =	vmul.f32 v25, v4;
	v25 =	vld [tilespmem:s19+$0x2B70]  }
0x14b: {  	[tilespmem:s19+$0x7AE0] =	vst v18;
	v18 =	vmax.f32 v20, $0.0e+00;
	v20 =	vadd.f32 v22, v11;
	v22 =	vmul.f32 v23, v5;
	v23 =	vld [tilespmem:s19+$0x2B80]  }
0x14c: {  	[tilespmem:s19+$0x7AF0] =	vst v18;
	v18 =	vmax.f32 v19, $0.0e+00;
	v19 =	vadd.f32 v21, v12;
	v21 =	vmul.f32 v27, v6;
	v28 =	vld [tilespmem:s19+$0x2B90]  }
.Ltmp4:
0x14d: {  	[tilespmem:s19+$0x7B00] =	vst v18;
	v20 =	vmax.f32 v20, $0.0e+00;
	v22 =	vadd.f32 v22, v13;
	v26 =	vmul.f32 v26, v7;
	v18 =	vld [tilespmem:s19+$0x2BA0];
	(pc) =	sbr.rel @p0 .LBB2_7-.Ltmp4, $4  }
0x14e: {  	[tilespmem:s19+$0x7B10] =	vst v20;
	v20 =	vmax.f32 v19, $0.0e+00;
	v21 =	vadd.f32 v21, v14;
	v24 =	vmul.f32 v24, v8;
	v19 =	vld [tilespmem:s19+$0x2BB0]  }
0x14f: {  	[tilespmem:s19+$0x7B20] =	vst v20;
	v22 =	vmax.f32 v22, $0.0e+00;
	v26 =	vadd.f32 v26, v15;
	v25 =	vmul.f32 v25, v9;
	v20 =	vld [tilespmem:s19+$0x2BC0]  }
0x150: {  	[tilespmem:s19+$0x7B30] =	vst v22;
	v22 =	vmax.f32 v21, $0.0e+00;
	v24 =	vadd.f32 v24, v16;
	v23 =	vmul.f32 v23, v2;
	v21 =	vld [tilespmem:s19+$0x2BD0]  }
0x151: {  	s3 =	sshra.s32 s8, $0x2;
	s8 =	sadd.s32 $0x800, s8;
	[tilespmem:s19+$0x7B40] =	vst v22;
	v27 =	vmax.f32 v26, $0.0e+00;
	v26 =	vadd.f32 v25, v17;
	v25 =	vmul.f32 v28, v3;
	v22 =	vld [tilespmem:s19+$0x2BE0]  }
0x152: {  	v28 =	vld [tilespmem:s3+$0x2BF0];
	[tilespmem:s19+$0x7B50] =	vst v27;
	v24 =	vmax.f32 v24, $0.0e+00;
	v23 =	vadd.f32 v23, v10;
	v18 =	vmul.f32 v18, v4  }
0x153: {  	v27 =	vld [tilespmem:s3+$0x2A00];
	[tilespmem:s19+$0x7B60] =	vst v24;
	v46 =	vmax.f32 v26, $0.0e+00;
	v48 =	vadd.f32 v25, v11  }
0x154: {  	v19 =	vmul.f32 v19, v5;
	v47 =	vld [tilespmem:s3+$0x2A10];
	[tilespmem:s19+$0x7B70] =	vst v46;
	v23 =	vmax.f32 v23, $0.0e+00;
	v18 =	vadd.f32 v18, v12  }
0x155: {  	v49 =	vld [tilespmem:s3+$0x2A20];
	[tilespmem:s19+$0x7B80] =	vst v23;
	v50 =	vmax.f32 v48, $0.0e+00  }
0x156: {  	v20 =	vmul.f32 v20, v6;
	v19 =	vadd.f32 v19, v13;
	v51 =	vld [tilespmem:s3+$0x2A30];
	[tilespmem:s19+$0x7B90] =	vst v50;
	v18 =	vmax.f32 v18, $0.0e+00  }
0x157: {  	v23 =	vld [tilespmem:s3+$0x2A40];
	[tilespmem:s19+$0x7BA0] =	vst v18;
	v18 =	vmul.f32 v21, v7  }
0x158: {  	v20 =	vadd.f32 v20, v14;
	v19 =	vmax.f32 v19, $0.0e+00  }
0x159: {  	v52 =	vld [tilespmem:s3+$0x2A50];
	[tilespmem:s19+$0x7BB0] =	vst v19;
	v19 =	vmul.f32 v22, v8;
	v18 =	vadd.f32 v18, v15  }
0x15a: {  	v54 =	vmul.f32 v28, v9;
	v20 =	vmax.f32 v20, $0.0e+00  }
0x15b: {  	v53 =	vld [tilespmem:s3+$0x2A60];
	[tilespmem:s19+$0x7BC0] =	vst v20;
	v19 =	vadd.f32 v19, v16;
	v18 =	vmax.f32 v18, $0.0e+00  }
0x15c: {  	v55 =	vld [tilespmem:s3+$0x2A70];
	[tilespmem:s19+$0x7BD0] =	vst v18;
	v18 =	vadd.f32 v54, v17  }
0x15d: {  	v19 =	vmax.f32 v19, $0.0e+00  }
0x15e: {  	v56 =	vld [tilespmem:s3+$0x2A80];
	[tilespmem:s19+$0x7BE0] =	vst v19;
	v18 =	vmax.f32 v18, $0.0e+00  }
0x15f: {  	[tilespmem:s3+$0x7BF0] =	vst v18;
	v18 =	vmul.f32 v51, v5;
	_ =	sdelay $0x1  }
0x160: {  	v18 =	vadd.f32 v18, v13;
	_ =	sdelay $0x1  }
0x161: {  	v18 =	vmax.f32 v18, $0.0e+00  }
0x162: {  	v19 =	vld [tilespmem:s3+$0x2A90];
	[tilespmem:s3+$0x7A30] =	vst v18;
	v18 =	vmul.f32 v53, v8;
	_ =	sdelay $0x1  }
0x163: {  	v18 =	vadd.f32 v18, v16  }
0x164: {  	v59 =	vld [tilespmem:s3+$0x2AA0]  }
0x165: {  	v60 =	vld [tilespmem:s3+$0x2AB0];
	v20 =	vmul.f32 v56, v2;
	v18 =	vmax.f32 v18, $0.0e+00  }
0x166: {  	v61 =	vld [tilespmem:s3+$0x2AC0];
	[tilespmem:s3+$0x7A60] =	vst v18;
	v18 =	vmul.f32 v19, v3  }
0x167: {  	v19 =	vadd.f32 v20, v10  }
0x168: {  	v18 =	vadd.f32 v18, v11  }
0x169: {  	v63 =	vld [tilespmem:s3+$0x2AD0];
	v36 =	vmul.f32 v59, v4;
	v19 =	vmax.f32 v19, $0.0e+00  }
0x16a: {  	v31 =	vld [tilespmem:s3+$0x2AE0];
	[tilespmem:s3+$0x7A80] =	vst v19;
	v19 =	vmul.f32 v60, v5;
	v18 =	vmax.f32 v18, $0.0e+00  }
0x16b: {  	v33 =	vld [tilespmem:s3+$0x2AF0];
	v20 =	vadd.f32 v36, v12;
	[tilespmem:s3+$0x7A90] =	vst v18;
	v18 =	vmul.f32 v61, v6  }
0x16c: {  	v27 =	vmul.f32 v27, v2;
	v19 =	vadd.f32 v19, v13  }
0x16d: {  	v26 =	vmul.f32 v47, v3;
	v20 =	vmax.f32 v20, $0.0e+00;
	v18 =	vadd.f32 v18, v14  }
0x16e: {  	v27 =	vadd.f32 v27, v10;
	v35 =	vld [tilespmem:s3+$0x2B00];
	v40 =	vmul.f32 v63, v7;
	[tilespmem:s3+$0x7AA0] =	vst v20;
	v19 =	vmax.f32 v19, $0.0e+00  }
0x16f: {  	v26 =	vadd.f32 v26, v11;
	v37 =	vld [tilespmem:s3+$0x2B10];
	[tilespmem:s3+$0x7AB0] =	vst v19;
	v19 =	vmul.f32 v31, v8;
	v18 =	vmax.f32 v18, $0.0e+00  }
0x170: {  	v27 =	vmax.f32 v27, $0.0e+00;
	v38 =	vld [tilespmem:s3+$0x2B20];
	v20 =	vadd.f32 v40, v15;
	[tilespmem:s3+$0x7AC0] =	vst v18;
	v18 =	vmul.f32 v33, v9  }
0x171: {  	v25 =	vmul.f32 v49, v4;
	v58 =	vmax.f32 v26, $0.0e+00;
	[tilespmem:s3+$0x7A00] =	vst v27;
	v19 =	vadd.f32 v19, v16  }
0x172: {  	v23 =	vmul.f32 v23, v6;
	[tilespmem:s3+$0x7A10] =	vst v58;
	v20 =	vmax.f32 v20, $0.0e+00;
	v18 =	vadd.f32 v18, v17  }
0x173: {  	v57 =	vadd.f32 v25, v12;
	v39 =	vld [tilespmem:s3+$0x2B30];
	v44 =	vmul.f32 v35, v2;
	[tilespmem:s3+$0x7AD0] =	vst v20;
	v19 =	vmax.f32 v19, $0.0e+00  }
0x174: {  	v23 =	vadd.f32 v23, v14;
	v41 =	vld [tilespmem:s3+$0x2B40];
	[tilespmem:s3+$0x7AE0] =	vst v19;
	v19 =	vmul.f32 v37, v3;
	v18 =	vmax.f32 v18, $0.0e+00  }
0x175: {  	v24 =	vmax.f32 v57, $0.0e+00;
	v42 =	vld [tilespmem:s3+$0x2B50];
	v20 =	vadd.f32 v44, v10;
	[tilespmem:s3+$0x7AF0] =	vst v18;
	v18 =	vmul.f32 v38, v4  }
0x176: {  	v21 =	vmul.f32 v52, v7;
	v43 =	vld [tilespmem:s3+$0x2B60];
	[tilespmem:s3+$0x7A20] =	vst v24;
	v62 =	vmax.f32 v23, $0.0e+00;
	v19 =	vadd.f32 v19, v11  }
0x177: {  	v45 =	vld [tilespmem:s3+$0x2B70];
	v30 =	vmul.f32 v55, v9;
	[tilespmem:s3+$0x7A40] =	vst v62;
	v20 =	vmax.f32 v20, $0.0e+00;
	v18 =	vadd.f32 v18, v12  }
0x178: {  	v46 =	vld [tilespmem:s3+$0x2B80];
	v21 =	vadd.f32 v21, v15;
	v48 =	vmul.f32 v39, v5;
	[tilespmem:s3+$0x7B00] =	vst v20;
	v19 =	vmax.f32 v19, $0.0e+00  }
0x179: {  	v47 =	vld [tilespmem:s3+$0x2B90];
	v32 =	vadd.f32 v30, v17;
	[tilespmem:s3+$0x7B10] =	vst v19;
	v19 =	vmul.f32 v41, v6;
	v18 =	vmax.f32 v18, $0.0e+00  }
0x17a: {  	v49 =	vld [tilespmem:s3+$0x2BA0];
	v21 =	vmax.f32 v21, $0.0e+00;
	v20 =	vadd.f32 v48, v13;
	[tilespmem:s3+$0x7B20] =	vst v18;
	v18 =	vmul.f32 v42, v7  }
0x17b: {  	v50 =	vld [tilespmem:s3+$0x2BB0];
	[tilespmem:s3+$0x7A50] =	vst v21;
	v34 =	vmax.f32 v32, $0.0e+00;
	v22 =	vmul.f32 v43, v8;
	v19 =	vadd.f32 v19, v14  }
0x17c: {  	v51 =	vld [tilespmem:s3+$0x2BC0];
	v52 =	vmul.f32 v45, v9;
	[tilespmem:s3+$0x7A70] =	vst v34;
	v20 =	vmax.f32 v20, $0.0e+00;
	v18 =	vadd.f32 v18, v15  }
0x17d: {  	v26 =	vmul.f32 v46, v2;
	v53 =	vld [tilespmem:s3+$0x2BD0];
	v22 =	vadd.f32 v22, v16;
	[tilespmem:s3+$0x7B30] =	vst v20;
	v19 =	vmax.f32 v19, $0.0e+00  }
0x17e: {  	v55 =	vld [tilespmem:s3+$0x2BE0];
	v54 =	vmul.f32 v47, v3;
	[tilespmem:s3+$0x7B40] =	vst v19;
	v19 =	vadd.f32 v52, v17;
	v18 =	vmax.f32 v18, $0.0e+00  }
0x17f: {  	v24 =	vmul.f32 v49, v4;
	v56 =	vadd.f32 v26, v10;
	[tilespmem:s3+$0x7B50] =	vst v18;
	v18 =	vmax.f32 v22, $0.0e+00  }
0x180: {  	v57 =	vmul.f32 v50, v5;
	[tilespmem:s3+$0x7B60] =	vst v18;
	v18 =	vmax.f32 v19, $0.0e+00;
	v19 =	vadd.f32 v54, v11  }
0x181: {  	v59 =	vmul.f32 v51, v6;
	v58 =	vadd.f32 v24, v12;
	[tilespmem:s3+$0x7B70] =	vst v18;
	v18 =	vmax.f32 v56, $0.0e+00  }
0x182: {  	v60 =	vmul.f32 v53, v7;
	[tilespmem:s3+$0x7B80] =	vst v18;
	v18 =	vmax.f32 v19, $0.0e+00;
	v19 =	vadd.f32 v57, v13  }
0x183: {  	v62 =	vmul.f32 v55, v8;
	v61 =	vadd.f32 v59, v14;
	[tilespmem:s3+$0x7B90] =	vst v18;
	v18 =	vmax.f32 v58, $0.0e+00  }
0x184: {  	[tilespmem:s3+$0x7BA0] =	vst v18;
	v18 =	vmax.f32 v19, $0.0e+00;
	v19 =	vadd.f32 v60, v15  }
.Ltmp5:
0x185: {  	v63 =	vadd.f32 v62, v16;
	[tilespmem:s3+$0x7BB0] =	vst v18;
	v18 =	vmax.f32 v61, $0.0e+00;
	(pc) =	sbr.rel @p1 .LBB2_10-.Ltmp5, $4  }
0x186: {  	[tilespmem:s3+$0x7BC0] =	vst v18;
	v18 =	vmax.f32 v19, $0.0e+00  }
0x187: {  	[tilespmem:s3+$0x7BD0] =	vst v18;
	v18 =	vmax.f32 v63, $0.0e+00  }
0x188: {  	[tilespmem:s3+$0x7BE0] =	vst v18  }
0x189: {  	[spmem:s2] =	stream.indirect.scatter.add.f32 [tilespmem:s31], [sflag:$0x6], $0x80, s30, s24, $0xb8;
	[tilespmem:$0x1E740] =	vst v63  }
0x18a: {  	s3 =	smul.u32 $0xA0, s18;
	_ =	sdelay $0x1  }
0x18b: {  	s3 =	sadd.s32 s3, s13  }
.Ltmp6:
0x18c: {  	s8 =	sshrl.u32 s3, $0x3;
	(pc) =	sbr.rel .LBB2_4-.Ltmp6, $4  }
0x18d: {  	s3 =	sshll.u32 s3, $0x4;
	s8 =	sadd.s32 s6, s8  }
0x18e: {  	[tilespmem:s20], [sflag:$0x2] =	stream.linear.gather [hbm4b:s8+s4], $0x50, $0x38;
	[tilespmem:$0x1E740] =	vst v63  }
0x18f: {  	s18 =	sadd.s32 $0x1, s18;
	s3 =	sadd.s32 s5, s3  }
0x190: {  	[tilespmem:s21], [sflag:$0x4] =	stream.linear.gather [hbm4b:s3+s4], $0x2800, $0x38;
	[tilespmem:$0x1E740] =	vst v63  }
.LBB2_11:
0x191: {  	_ =	sfence.sel $0x180000  }
0x192: {  	[bflag:$0x0] =	sbarrier.arrive $0xFFFF  }
0x193: {  	_ =	strace $0x9000004A  }
0x194: {  	s0 =	stileid.u32;
	[bflag:$0x2] =	sbarrier.arrive $0xFFFF  }
0x195: {  	p0 =	sne.s32 s0, $0x0;
	s0 =	rddreg [dreg:$0x3]  }
0x196: {  	s0 =	sadd.s32 @!p0 $0x100000, s0  }
0x197: {  	[sflag:s0] =	ssyncadd.tile.s32 @!p0 $0x1;
	_ =	shalt  }
.Lfunc_end2:
_tile_overlayer_lowered:
.L_overlay_start_2:
0x198: {  	(tag) =	ssettag $0x2  }
0x199: {  	s0 =	rddreg [dreg:$0x0];
	s2 =	stileid.u32  }
0x19a: {  	s1 =	rddreg [dreg:$0x1];
	p0 =	sne.s32 s2, $0x0  }
0x19b: {  	s3 =	rddreg [dreg:$0x2];
	[bflag:$0x3] =	sbarrier.arrive $0xFFFF;
	s2 =	simm.s32 @!p0 $0x1C07  }
0x19c: {  	[timem:s3], [sflag:s2] =	dma.local @!p0 [hbm:s0], s1  }
0x19d: {  	s0 =	simm.s32 @!p0 $0x7  }
0x19e: {  	_ =	swait.ge @!p0 [sflag:s0], s1  }
0x19f: {  	s1 =	ssub.s32 @!p0 $0x0, s1;
	[sflag:s0] =	ssyncset.done @!p0 $0x0  }
0x1a0: {  	[sflag:s0] =	ssyncadd.s32 @!p0 s1  }
0x1a1: {  	[bflag:$0x3] =	sbarrier.arrive $0xFFFF  }
0x1a2: {  	_ =	shalt  }

// kernel: kernel.7.cloned.1.call-start
scs
__scs_entry_jumppad:
0x0: {  	(pc) =	sbr.rel $0x88, $3  }
0x1: {  	(tag) =	ssettag $0x0;
	lr =	simm.s32 $0x1  }
0x2: {  	[smem:$0x3F88] =	sst lr;
	_ =	strace $0xD0000000  }
0x3: {  	_ = 	snop  }
0x4: {  	_ = 	snop  }
0x5: {  	_ = 	snop  }
0x6: {  	_ = 	snop  }
0x7: {  	_ = 	snop  }
__scs_overlays_trampoline_lowered:
0x8: {  	[smem:$0x3F97] =	sst s0  }
0x9: {  	[smem:$0x3F98] =	sst s1  }
0xa: {  	[smem:$0x3F99] =	sst s2  }
0xb: {  	[smem:$0x3F9A] =	sst s3  }
0xc: {  	[smem:$0x3F9B] =	sst s4  }
0xd: {  	[smem:$0x3F9C] =	sst s5  }
0xe: {  	[smem:$0x3F9D] =	sst s6  }
0xf: {  	[smem:$0x3F9E] =	sst s7  }
0x10: {  	[smem:$0x3F9F] =	sst s8  }
0x11: {  	[smem:$0x3FA0] =	sst s9;
	s0 =	simm.s32 @!p0 $0x0  }
0x12: {  	s1 =	sld [smem:$0x3F86];
	s0 =	simm.s32 @p0 $0x1  }
0x13: {  	[smem:$0x3FA1] =	sst s0;
	s0 =	simm.s32 @!p1 $0x0  }
0x14: {  	s2 =	sld [smem:$0x3F85];
	s0 =	simm.s32 @p1 $0x1  }
0x15: {  	[smem:$0x3FA2] =	sst s0;
	s0 =	simm.s32 @!p2 $0x0  }
0x16: {  	s3 =	sld [smem:$0x3FDB];
	s0 =	simm.s32 @p2 $0x1  }
0x17: {  	s4 =	simm.s32 $0x1BF5;
	[smem:$0x3FA4] =	sst s0  }
0x18: {  	s0 =	sld [smem:$0x3F87];
	_ =	swait.ge [sflag:s4], $0x0  }
0x19: {  	s7 =	sld [smem:$0x3F88]  }
0x1a: {  	s8 =	sadd.s32 $0xFFFFE003, lr  }
0x1b: {  	s9 =	sadd.s32 $0xFFFFFEF7, lr;
	s5 =	simm.s32 $0xFFFFFFFF;
	p2 =	slt.u32 s8, $0xFFFFF086  }
0x1c: {  	p1 =	slt.u32 s9, $0xF7A;
	s5 =	simm.s32 @!p2 $0x0  }
0x1d: {  	s5 =	simm.s32 @p1 $0x1;
	p0 =	seq.s32 s7, s2  }
0x1e: {  	s7 =	smul.u32 @!p0 $0xF7A, s2;
	p2 =	seq.s32 @!p0 s5, $0x0  }
0x1f: {  	s9 =	smul.u32 $0xF7A, s1;
	s8 =	simm.s32 @!p0 $0x1BF5;
	p2 =	por !p2, p0  }
0x20: {  	[sflag:s8] =	ssyncset.s32 @!p0 $0xFFFFF086;
	s6 =	sadd.s32 @!p0 s3, s7;
	s7 =	simm.s32 @!p0 $0x108  }
0x21: {  	s3 =	sadd.s32 s3, s9;
	s6 =	sadd.s32 @!p0 $0x88, s6;
	s7 =	simm.s32 @p2 $0x1082  }
0x22: {  	[simem:s7], [sflag:s8] =	dma.local @!p0 [hbm:s6], $0xF7A  }
0x23: {  	s9 =	sor.u32 $0xD0000000, s2;
	s6 =	simm.s32 $0x108;
	_ =	swait.ge @!p0 [sflag:s8], $0x0  }
0x24: {  	s3 =	sadd.s32 $0x88, s3;
	s6 =	simm.s32 @!p1 $0x1082;
	[sflag:s4] =	ssyncset.s32 $0xFFFFF086  }
0x25: {  	[simem:s6], [sflag:s4] =	dma.local [hbm:s3], $0xF7A  }
0x26: {  	[smem:$0x3F88] =	sst s1;
	(tag) =	ssettag s2;
	_ =	strace s9  }
0x27: {  	s1 =	sld [smem:$0x3F98]  }
0x28: {  	s2 =	sld [smem:$0x3F99]  }
0x29: {  	s4 =	sld [smem:$0x3F9B]  }
0x2a: {  	p0 =	seq.s32 s5, $0x0;
	s5 =	sld [smem:$0x3F9C]  }
0x2b: {  	s6 =	sld [smem:$0x3F9D]  }
0x2c: {  	s7 =	sld [smem:$0x3F9E]  }
0x2d: {  	s3 =	simm.s32 $0x108;
	s8 =	sld [smem:$0x3F9F]  }
0x2e: {  	s3 =	simm.s32 @!p0 $0x1082;
	s9 =	sld [smem:$0x3FA0]  }
0x2f: {  	lr =	sadd.s32 s0, s3;
	s0 =	sld [smem:$0x3F97]  }
0x30: {  	s3 =	sld [smem:$0x3F9A]  }
0x31: {  	[smem:$0x3FA3] =	sst s10  }
0x32: {  	s10 =	sld [smem:$0x3FA1];
	_ =	sdelay $0x3  }
0x33: {  	p0 =	seq.s32 s10, $0x1;
	s10 =	sld [smem:$0x3FA3];
	_ =	sdelay $0x3  }
0x34: {  	[smem:$0x3FA3] =	sst s10  }
0x35: {  	s10 =	sld [smem:$0x3FA2];
	_ =	sdelay $0x3  }
0x36: {  	p1 =	seq.s32 s10, $0x1;
	s10 =	sld [smem:$0x3FA3];
	_ =	sdelay $0x3  }
0x37: {  	[smem:$0x3FA3] =	sst s10  }
0x38: {  	s10 =	sld [smem:$0x3FA4]  }
0x39: {  	_ = 	snop;
	(pc) =	sbr.ind lr, $3  }
0x3a: {  	_ = 	snop  }
0x3b: {  	_ = 	snop  }
0x3c: {  	p2 =	seq.s32 s10, $0x1;
	s10 =	sld [smem:$0x3FA3]  }
0x3d: {  	_ =	shalt  }
0x3e: {  	_ =	shalt  }
0x3f: {  	_ =	shalt  }
0x40: {  	_ =	shalt  }
0x41: {  	_ =	shalt  }
0x42: {  	_ =	shalt  }
0x43: {  	_ =	shalt  }
0x44: {  	_ =	shalt  }
0x45: {  	_ =	shalt  }
0x46: {  	_ =	shalt  }
0x47: {  	_ =	shalt  }
0x48: {  	_ =	shalt  }
0x49: {  	_ =	shalt  }
0x4a: {  	_ =	shalt  }
0x4b: {  	_ =	shalt  }
0x4c: {  	_ =	shalt  }
0x4d: {  	_ =	shalt  }
0x4e: {  	_ =	shalt  }
0x4f: {  	_ =	shalt  }
0x50: {  	_ =	shalt  }
0x51: {  	_ =	shalt  }
0x52: {  	_ =	shalt  }
0x53: {  	_ =	shalt  }
0x54: {  	_ =	shalt  }
0x55: {  	_ =	shalt  }
0x56: {  	_ =	shalt  }
0x57: {  	_ =	shalt  }
0x58: {  	_ =	shalt  }
0x59: {  	_ =	shalt  }
0x5a: {  	_ =	shalt  }
0x5b: {  	_ =	shalt  }
0x5c: {  	_ =	shalt  }
0x5d: {  	_ =	shalt  }
0x5e: {  	_ =	shalt  }
0x5f: {  	_ =	shalt  }
0x60: {  	_ =	shalt  }
0x61: {  	_ =	shalt  }
0x62: {  	_ =	shalt  }
0x63: {  	_ =	shalt  }
0x64: {  	_ =	shalt  }
0x65: {  	_ =	shalt  }
0x66: {  	_ =	shalt  }
0x67: {  	_ =	shalt  }
0x68: {  	_ =	shalt  }
0x69: {  	_ =	shalt  }
0x6a: {  	_ =	shalt  }
0x6b: {  	_ =	shalt  }
0x6c: {  	_ =	shalt  }
0x6d: {  	_ =	shalt  }
0x6e: {  	_ =	shalt  }
0x6f: {  	_ =	shalt  }
0x70: {  	_ =	shalt  }
0x71: {  	_ =	shalt  }
0x72: {  	_ =	shalt  }
0x73: {  	_ =	shalt  }
0x74: {  	_ =	shalt  }
0x75: {  	_ =	shalt  }
0x76: {  	_ =	shalt  }
0x77: {  	_ =	shalt  }
0x78: {  	_ =	shalt  }
0x79: {  	_ =	shalt  }
0x7a: {  	_ =	shalt  }
0x7b: {  	_ =	shalt  }
0x7c: {  	_ =	shalt  }
0x7d: {  	_ =	shalt  }
0x7e: {  	_ =	shalt  }
0x7f: {  	_ =	shalt  }
0x80: {  	_ =	shalt  }
0x81: {  	_ =	shalt  }
0x82: {  	_ =	shalt  }
0x83: {  	_ =	shalt  }
0x84: {  	_ =	shalt  }
0x85: {  	_ =	shalt  }
0x86: {  	_ =	shalt  }
0x87: {  	_ =	shalt  }
.Lfunc_end0:
.L_simem_size_0:
called_computation_lowered:
.L_overlay_start_0:
0x88: {  	s2 =	sld [smem:$0x3FD9]  }
0x89: {  	s3 =	sld [smem:$0x3FFE];
	_ =	sdelay $0x1  }
0x8a: {  	s1 =	srdreg.scid  }
0x8b: {  	s0 =	sand.u32 $0x1, s1  }
0x8c: {  	s16 =	sshll.u32 s0, $0xA;
	s2 =	sadd.s32 s3, s2  }
0x8d: {  	s2 =	sadd.s32 s2, s16  }
0x8e: {  	[smem:$0x3FAF] =	sst s2  }
0x8f: {  	_ = 	snop  }
0x90: {  	(tm) =	ssettm $0x1  }
0x91: {  	s17 =	sld [smem:$0x3FFB];
	_ =	sdelay $0x3  }
0x92: {  	_ =	strace s17  }
0x93: {  	s2 =	sld [smem:$0x3FFC];
	_ =	sdelay $0x3  }
0x94: {  	_ =	strace s2  }
0x95: {  	s2 =	sld [smem:$0x3FFD];
	_ =	sdelay $0x3  }
0x96: {  	_ =	strace s2  }
0x97: {  	_ =	strace $0x8FFFFFFF  }
0x98: {  	s18 =	sld [smem:$0x3FDB];
	_ =	sdelay $0x1  }
0x99: {  	s19 =	simm.s32 $_scs_section_size  }
0x9a: {  	s4 =	simm.s32 $_size__tile_overlayer_lowered;
	s5 =	simm.s32 $_tile_overlayer_lowered  }
0x9b: {  	s22 =	simm.s32 $0x1BFF;
	s21 =	sshll.u32 s5, $0x1;
	s2 =	sadd.s32 s19, s18  }
0x9c: {  	s6 =	simm.s32 $0x0;
	s20 =	sshll.u32 s4, $0x1;
	s4 =	sadd.s32 s21, s2  }
0x9d: {  	[timem:s6], [sflag:s22] =	dma.local [hbm:s4], s20  }
0x9e: {  	_ =	swait.ge [sflag:s22], s20  }
0x9f: {  	s3 =	ssub.s32 $0x0, s20;
	[sflag:s22] =	ssyncset.done $0x0  }
0xa0: {  	[sflag:s22] =	ssyncadd.s32 s3;
	_ =	sdelay $0x1  }
0xa1: {  	s23 =	simm.s32 $0x1B8B  }
0xa2: {  	_ =	swait.ge [sflag:s23], $0x1  }
0xa3: {  	[sflag:s23] =	ssyncset.done $0x0  }
0xa4: {  	s25 =	simm.s32 $0x1B8E;
	s24 =	sld [smem:$0x3FFE];
	[sflag:s23] =	ssyncadd.s32 $0xFFFFFFFF  }
0xa5: {  	s26 =	simm.s32 $execute0_lowered;
	[smem:$0x3FD2] =	sst s25  }
0xa6: {  	s4 =	sshll.u32 s26, $0x1;
	_ =	strace $0x80000046;
	[dreg:$0x1] =	wrdreg $0xFFFFFFFF  }
0xa7: {  	s28 =	simm.s32 $_size_execute0_lowered;
	s2 =	sadd.s32 s2, s4;
	[dreg:$0x0] =	wrdreg $0x0  }
0xa8: {  	s4 =	sshll.u32 s28, $0x1;
	[dreg:$0x2] =	wrdreg s2  }
0xa9: {  	[dreg:$0x3] =	wrdreg s4  }
0xaa: {  	[dreg:$0x4] =	wrdreg $0xC0  }
0xab: {  	_ =	task [dreg:s6], $0x5FFFF  }
0xac: {  	[dreg:$0x1] =	wrdreg $0xFFFFFFFF  }
0xad: {  	[dreg:$0x0] =	wrdreg $0x60  }
0xae: {  	[dreg:$0x2] =	wrdreg s24  }
0xaf: {  	[dreg:$0x3] =	wrdreg $0x9  }
0xb0: {  	_ =	task.clear_ibuf [dreg:s6], $0x4FFFF;
	_ =	strace $0x90000046  }
0xb1: {  	s29 =	simm.s32 $0x9;
	_ =	strace $0x80000048  }
0xb2: {  	_ =	swait.ge [sflag:s29], $0x1  }
0xb3: {  	[sflag:s29] =	ssyncadd.s32 $0xFFFFFFFF  }
0xb4: {  	_ =	strace $0x90000048  }
0xb5: {  	_ =	sfence  }
0xb6: {  	s30 =	sld [smem:$0x0];
	_ =	sdelay $0x2  }
0xb7: {  	s31 =	sshll.u32 s1, $0xD;
	s1 =	sshrl.u32 s1, $0x2  }
0xb8: {  	s3 =	sand.u32 $0x4000, s31;
	s1 =	sadd.s32 s1, s30  }
0xb9: {  	s0 =	sor.u32 s3, s0;
	s1 =	sshll.u32 s1, $0x11  }
0xba: {  	s0 =	sor.u32 s1, s0  }
0xbb: {  	s0 =	sadd.s32 $0x8F2B, s0  }
0xbc: {  	[sflag:s0] =	ssyncadd.remote.s32 $0x1  }
0xbd: {  	_ =	sfence.sel $0xFFFF  }
0xbe: {  	[dreg:$0x0] =	wrdreg $0xFFFFFFFF;
	(pc) =	sbr.abs _section_cstart, $3  }
0xbf: {  	[dreg:$0x1] =	wrdreg $0xFFFFFFFF  }
0xc0: {  	_ =	task.clear_ibuf [dreg:s6], $0x2FFFF;
	_ =	strace $0x9FFFFFFF  }
0xc1: {  	(tm) =	ssettm $0x7FFFFFFF  }
tec
execute0_lowered:
.L_overlay_start_1:
0x0: {  	(tag) =	ssettag $0x1  }
0x1: {  	s0 =	rddreg [dreg:$0x0];
	s1 =	simm.s32 $0x0;
	s2 =	srdreg.scid  }
0x2: {  	s5 =	stileid.u32;
	s20 =	simm.s32 $0x100;
	s21 =	simm.s32 $0x80  }
0x3: {  	s22 =	simm.s32 $0x180;
	s23 =	simm.s32 $0x1;
	s29 =	simm.s32 $0x2  }
0x4: {  	s30 =	simm.s32 $0x1600;
	s31 =	simm.s32 $0x3E00;
	s15 =	simm.s32 $0x6  }
0x5: {  	s19 =	simm.s32 $0x0;
	[smem:$0x7FF] =	sst s1;
	s3 =	sadd.s32 $0x5000, s0  }
0x6: {  	s4 =	sadd.s32 $0x2C200, s0;
	s7 =	sshll.u32 s5, $0x1;
	s5 =	sadd.s32 $0x4FAC00, s0  }
0x7: {  	s2 =	sand.u32 $0x1, s2;
	s6 =	sadd.s32 $0x4E7000, s0;
	s9 =	sadd.s32 $0x9DCC00, s0  }
0x8: {  	_ =	strace $0x80000047;
	s11 =	sor.u32 s2, s7;
	s7 =	sadd.s32 $0x4F0E00, s0  }
0x9: {  	s2 =	ssub.s32 $0x2, s2;
	s8 =	smul.u32 $0x2710, s11;
	s10 =	sshll.u32 s11, $0x5  }
0xa: {  	s12 =	sshrl.u32 s2, $0x1;
	s11 =	smul.u32 $0x27100, s11;
	s0 =	sadd.s32 s10, s0  }
0xb: {  	s2 =	ssub.s32 s2, s12;
	s10 =	sadd.s32 $0x28, s8;
	s24 =	sshrl.u32 s8, $0x3  }
0xc: {  	s11 =	sadd.s32 s5, s11;
	s16 =	sadd.s32 $0x50, s8;
	s17 =	sadd.s32 $0x78, s8  }
0xd: {  	s0 =	sadd.s32 $0x7A600, s0;
	s28 =	smax.u32 s2, $0x1;
	[dreg:$0x6] =	wrdreg s11  }
0xe: {  	s2 =	simm.s32 $0x3;
	s13 =	sshrl.u32 s10, $0x3;
	[dreg:$0x7] =	wrdreg s0  }
.Ltmp0:
0xf: {  	s14 =	sadd.s32 s7, s24;
	[dreg:$0x8] =	wrdreg s28;
	(pc) =	sbr.rel .LBB2_1-.Ltmp0, $4  }
0x10: {  	s12 =	sadd.s32 s6, s24;
	s24 =	simm.s32 $0x28;
	[dreg:$0x2] =	wrdreg s14  }
0x11: {  	s0 =	simm.s32 $0x6600;
	[dreg:$0x3] =	wrdreg s12;
	s25 =	sadd.s32 s7, s13  }
0x12: {  	s11 =	simm.s32 $0x7A00;
	s26 =	sadd.s32 s6, s13;
	[dreg:$0x4] =	wrdreg s25  }
0x13: {  	s12 =	simm.s32 $0x4;
	s13 =	simm.s32 $0x8E00;
	[dreg:$0x5] =	wrdreg s26  }
.LBB2_8:
0x14: {  	s14 =	simm.s32 $0x5  }
0x15: {  	_ =	swait.ge [sflag:s14], $0x1400  }
0x16: {  	[sflag:s14] =	ssyncset.done $0x0  }
0x17: {  	[sflag:s14] =	ssyncadd.s32 $0xFFFFEC00  }
0x18: {  	_ =	swait.ge [sflag:s15], $0x1400  }
0x19: {  	[sflag:s15] =	ssyncset.done $0x0  }
0x1a: {  	[sflag:s15] =	ssyncadd.s32 $0xFFFFEC00  }
0x1b: {  	[tilespmem:$0xA200] =	vst v15  }
0x1c: {  	[tilespmem:$0xA210] =	vst v11  }
0x1d: {  	[tilespmem:$0xA220] =	vst v12  }
0x1e: {  	[tilespmem:$0xA230] =	vst v7  }
0x1f: {  	[tilespmem:$0xA240] =	vst v6  }
0x20: {  	[tilespmem:$0xA250] =	vst v5  }
0x21: {  	[tilespmem:$0xA260] =	vst v4  }
0x22: {  	[tilespmem:$0xA270] =	vst v16  }
0x23: {  	[tilespmem:$0xA280] =	vst v8  }
0x24: {  	[tilespmem:$0xA290] =	vst v9  }
0x25: {  	[tilespmem:$0xA2A0] =	vst v10  }
0x26: {  	[tilespmem:$0xA2B0] =	vst v3  }
0x27: {  	[tilespmem:$0xA2C0] =	vst v2  }
0x28: {  	[tilespmem:$0xA2D0] =	vst v1  }
0x29: {  	[tilespmem:$0xA2E0] =	vst v0  }
0x2a: {  	s18 =	simm.s32 $0xA200;
	s26 =	simm.s32 $0x7;
	s25 =	rddreg [dreg:$0x7];
	[tilespmem:$0xA2F0] =	vst v13  }
0x2b: {  	[hbm4b:s25+s1] =	stream.linear.scatter [tilespmem:s18], [sflag:$0x7], $0x100, $0x38;
	[tilespmem:$0xA300] =	vst v63  }
0x2c: {  	_ =	swait.ge [sflag:s26], $0x100  }
0x2d: {  	s19 =	rddreg [dreg:$0x9]  }
0x2e: {  	s28 =	rddreg [dreg:$0x8];
	s19 =	sadd.s32 $0x1, s19  }
0x2f: {  	p0 =	sne.s32 s19, s28  }
.Ltmp1:
0x30: {  	_ = 	snop;
	(pc) =	sbr.rel @!p0 .LBB2_9-.Ltmp1, $3  }
0x31: {  	_ =	sdelay $0x1  }
0x32: {  	[sflag:s26] =	ssyncset.done $0x0  }
0x33: {  	[sflag:s26] =	ssyncadd.s32 $0xFFFFFF00  }
.LBB2_1:
0x34: {  	[dreg:$0x9] =	wrdreg s19  }
0x35: {  	s14 =	rddreg [dreg:$0x2]  }
0x36: {  	[tilespmem:s1], [sflag:$0x1] =	stream.linear.gather [hbm4b:s14+s1], $0x28, $0x38;
	[tilespmem:$0xA300] =	vst v63  }
0x37: {  	s28 =	rddreg [dreg:$0x3]  }
0x38: {  	[tilespmem:s20], [sflag:$0x1] =	stream.linear.gather [hbm4b:s28+s1], $0x28, $0x38;
	[tilespmem:$0xA300] =	vst v63  }
0x39: {  	s18 =	rddreg [dreg:$0x4]  }
0x3a: {  	[tilespmem:s21], [sflag:$0x2] =	stream.linear.gather [hbm4b:s18+s1], $0x28, $0x38;
	[tilespmem:$0xA300] =	vst v63  }
0x3b: {  	s19 =	rddreg [dreg:$0x5]  }
0x3c: {  	[tilespmem:s22], [sflag:$0x2] =	stream.linear.gather [hbm4b:s19+s1], $0x28, $0x38;
	[tilespmem:$0xA300] =	vst v63  }
0x3d: {  	_ =	swait.ge [sflag:s23], $0x28  }
0x3e: {  	[sflag:s23] =	ssyncset.done $0x0  }
0x3f: {  	[sflag:s23] =	ssyncadd.s32 $0xFFFFFFD8  }
0x40: {  	_ =	swait.ge [sflag:s23], $0x28  }
0x41: {  	[sflag:s23] =	ssyncset.done $0x0  }
0x42: {  	s25 =	simm.s32 $0x200;
	v13 =	vimm.f32 $0.0e+00;
	[sflag:s23] =	ssyncadd.s32 $0xFFFFFFD8  }
0x43: {  	v0 =	vimm.f32 $0.0e+00;
	v1 =	vimm.f32 $0.0e+00;
	v2 =	vimm.f32 $0.0e+00;
	[tilespmem:s25], [sflag:$0x3] =	stream.indirect.gather [hbm4b:s3+s24], $0x80, s1, s24, $0xb8;
	[tilespmem:$0xA300] =	vst v63  }
0x44: {  	s26 =	simm.s32 $0x2A00;
	v3 =	vimm.f32 $0.0e+00;
	v10 =	vimm.f32 $0.0e+00;
	v9 =	vimm.f32 $0.0e+00  }
0x45: {  	v8 =	vimm.f32 $0.0e+00;
	v16 =	vimm.f32 $0.0e+00;
	v4 =	vimm.f32 $0.0e+00;
	[tilespmem:s26], [sflag:$0x3] =	stream.indirect.gather [hbm4b:s4+s24], $0x80, s20, s24, $0xb8;
	[tilespmem:$0xA300] =	vst v63  }
0x46: {  	v5 =	vimm.f32 $0.0e+00;
	v6 =	vimm.f32 $0.0e+00;
	v7 =	vimm.f32 $0.0e+00;
	s14 =	simm.s32 $0x0;
	s18 =	simm.s32 $0x5200;
	s28 =	rddreg [dreg:$0x6]  }
0x47: {  	v12 =	vimm.f32 $0.0e+00;
	v11 =	vimm.f32 $0.0e+00;
	v15 =	vimm.f32 $0.0e+00;
	[tilespmem:s18], [sflag:$0x3] =	stream.linear.gather [hbm4b:s28+s1], $0x1400, $0x38;
	[tilespmem:$0xA300] =	vst v63  }
.LBB2_2:
0x48: {  	_ =	swait.ge [sflag:s29], $0x28  }
0x49: {  	[sflag:s29] =	ssyncset.done $0x0  }
0x4a: {  	[sflag:s29] =	ssyncadd.s32 $0xFFFFFFD8  }
0x4b: {  	s18 =	smul.u32 $0x50, s14;
	_ =	swait.ge [sflag:s29], $0x28  }
0x4c: {  	[sflag:s29] =	ssyncset.done $0x0  }
0x4d: {  	s19 =	sadd.s32 s18, s10;
	[sflag:s29] =	ssyncadd.s32 $0xFFFFFFD8  }
0x4e: {  	[tilespmem:s30], [sflag:$0x4] =	stream.indirect.gather [hbm4b:s3+s24], $0x80, s21, s24, $0xb8;
	[tilespmem:$0xA300] =	vst v63  }
0x4f: {  	s19 =	sshll.u32 s19, $0x4  }
0x50: {  	[tilespmem:s31], [sflag:$0x4] =	stream.indirect.gather [hbm4b:s4+s24], $0x80, s22, s24, $0xb8;
	[tilespmem:$0xA300] =	vst v63  }
0x51: {  	p0 =	seq.s32 s14, $0x0;
	s25 =	sadd.s32 s5, s19  }
0x52: {  	[tilespmem:s0], [sflag:$0x4] =	stream.linear.gather [hbm4b:s25+s1], $0x1400, $0x38;
	[tilespmem:$0xA300] =	vst v63  }
0x53: {  	s25 =	simm.s32 @!p0 $0x5  }
0x54: {  	_ =	swait.ge @!p0 [sflag:s25], $0x1400  }
0x55: {  	[sflag:s25] =	ssyncset.done @!p0 $0x0  }
0x56: {  	[sflag:s25] =	ssyncadd.s32 @!p0 $0xFFFFEC00  }
0x57: {  	_ =	swait.ge [sflag:s2], $0x1400  }
0x58: {  	[sflag:s2] =	ssyncset.done $0x0  }
0x59: {  	[sflag:s2] =	ssyncadd.s32 $0xFFFFEC00  }
0x5a: {  	_ =	swait.ge [sflag:s2], $0x1400  }
0x5b: {  	[sflag:s2] =	ssyncset.done $0x0  }
0x5c: {  	[sflag:s2] =	ssyncadd.s32 $0xFFFFEC00  }
0x5d: {  	_ =	swait.ge [sflag:s2], $0x1400  }
0x5e: {  	[sflag:s2] =	ssyncset.done $0x0  }
0x5f: {  	s25 =	simm.s32 $0x0;
	[sflag:s2] =	ssyncadd.s32 $0xFFFFEC00  }
0x60: {  	v14 =	vld [tilespmem:s25+$0x270]  }
0x61: {  	v17 =	vld [tilespmem:s25+$0x2A70]  }
0x62: {  	v18 =	vld [tilespmem:s25+$0x200]  }
0x63: {  	v19 =	vld [tilespmem:s25+$0x5270]  }
0x64: {  	v20 =	vld [tilespmem:s25+$0x2A00]  }
0x65: {  	v21 =	vld [tilespmem:s25+$0x210]  }
0x66: {  	v22 =	vld [tilespmem:s25+$0x2A10]  }
0x67: {  	v23 =	vld [tilespmem:s25+$0x2A20]  }
0x68: {  	v24 =	vld [tilespmem:s25+$0x2A30]  }
0x69: {  	v26 =	vld [tilespmem:s25+$0x240]  }
0x6a: {  	v28 =	vld [tilespmem:s25+$0x2A40]  }
0x6b: {  	v29 =	vld [tilespmem:s25+$0x250]  }
0x6c: {  	v30 =	vld [tilespmem:s25+$0x2A50]  }
0x6d: {  	v31 =	vld [tilespmem:s25+$0x260]  }
0x6e: {  	v33 =	vld [tilespmem:s25+$0x5200]  }
0x6f: {  	v34 =	vld [tilespmem:s25+$0x5210];
	v14 =	vadd.f32 v17, v14  }
0x70: {  	v17 =	vld [tilespmem:s25+$0x220]  }
0x71: {  	v35 =	vadd.f32 v20, v18;
	v14 =	vadd.f32 v19, v14;
	v19 =	vld [tilespmem:s25+$0x230]  }
0x72: {  	v32 =	vld [tilespmem:s25+$0x2A60]  }
0x73: {  	v36 =	vld [tilespmem:s25+$0x5220];
	v20 =	vadd.f32 v28, v26;
	v26 =	vadd.f32 v33, v35  }
0x74: {  	v27 =	vld [tilespmem:s25+$0x5230];
	v37 =	vadd.f32 v22, v21;
	[tilespmem:s25+$0x7A70] =	vst v14;
	v18 =	vmul.f32 v14, v14;
	v14 =	vadd.f32 v14, v16  }
0x75: {  	v25 =	vld [tilespmem:s25+$0x5240];
	v15 =	vadd.f32 v26, v15;
	v16 =	vadd.f32 v23, v17  }
0x76: {  	v23 =	vadd.f32 v34, v37;
	v21 =	vadd.f32 v24, v19;
	v24 =	vld [tilespmem:s25+$0x5250]  }
0x77: {  	s26 =	simm.s32 $0x80;
	v22 =	vld [tilespmem:s25+$0x5260];
	v13 =	vadd.f32 v18, v13;
	v18 =	vadd.f32 v30, v29  }
0x78: {  	s28 =	simm.s32 $0x400;
	v17 =	vld [tilespmem:s26+$0x270];
	[tilespmem:s25+$0x7A00] =	vst v26;
	v26 =	vmul.f32 v26, v26;
	v19 =	vadd.f32 v32, v31;
	v16 =	vadd.f32 v36, v16  }
.LBB2_3:
0x79: {  	p0 =	sne.s32 s28, $0x4E00;
	v28 =	vld [tilespmem:s26+$0x2A70];
	[tilespmem:s25+$0x7A10] =	vst v23;
	v11 =	vadd.f32 v23, v11;
	v23 =	vmul.f32 v23, v23;
	v21 =	vadd.f32 v27, v21  }
0x7a: {  	v27 =	vld [tilespmem:s26+$0x200];
	v8 =	vadd.f32 v26, v8;
	[tilespmem:s25+$0x7A20] =	vst v16;
	v26 =	vmul.f32 v16, v16;
	v20 =	vadd.f32 v25, v20  }
0x7b: {  	v25 =	vld [tilespmem:s26+$0x5270];
	v9 =	vadd.f32 v23, v9;
	[tilespmem:s25+$0x7A30] =	vst v21;
	v23 =	vmul.f32 v21, v21;
	v18 =	vadd.f32 v24, v18  }
0x7c: {  	v24 =	vld [tilespmem:s26+$0x2A00];
	v10 =	vadd.f32 v26, v10;
	[tilespmem:s25+$0x7A40] =	vst v20;
	v26 =	vmul.f32 v20, v20;
	v19 =	vadd.f32 v22, v19  }
0x7d: {  	v12 =	vadd.f32 v16, v12;
	v22 =	vld [tilespmem:s26+$0x210];
	v3 =	vadd.f32 v23, v3;
	[tilespmem:s25+$0x7A50] =	vst v18;
	v16 =	vmul.f32 v18, v18  }
0x7e: {  	v23 =	vld [tilespmem:s26+$0x2A10];
	v17 =	vadd.f32 v28, v17;
	v2 =	vadd.f32 v26, v2;
	[tilespmem:s25+$0x7A60] =	vst v19;
	v26 =	vmul.f32 v19, v19;
	s25 =	smov.u32 s26  }
0x7f: {  	v7 =	vadd.f32 v21, v7;
	v28 =	vld [tilespmem:s25+$0x220];
	v1 =	vadd.f32 v16, v1  }
0x80: {  	v16 =	vld [tilespmem:s25+$0x2A20];
	v17 =	vadd.f32 v25, v17;
	v0 =	vadd.f32 v26, v0  }
0x81: {  	v6 =	vadd.f32 v20, v6;
	v24 =	vadd.f32 v24, v27;
	v21 =	vld [tilespmem:s25+$0x230]  }
0x82: {  	v5 =	vadd.f32 v18, v5;
	v4 =	vadd.f32 v19, v4;
	v20 =	vld [tilespmem:s25+$0x2A30];
	[tilespmem:s25+$0x7A70] =	vst v17;
	v25 =	vmul.f32 v17, v17  }
0x83: {  	v14 =	vadd.f32 v17, v14;
	v22 =	vadd.f32 v23, v22;
	v18 =	vld [tilespmem:s25+$0x240]  }
0x84: {  	v17 =	vld [tilespmem:s25+$0x2A40];
	v13 =	vadd.f32 v25, v13  }
0x85: {  	v16 =	vadd.f32 v16, v28;
	v19 =	vld [tilespmem:s25+$0x250]  }
0x86: {  	v23 =	vld [tilespmem:s25+$0x2A50]  }
0x87: {  	v21 =	vadd.f32 v20, v21;
	v26 =	vld [tilespmem:s25+$0x260]  }
0x88: {  	v28 =	vld [tilespmem:s25+$0x2A60]  }
0x89: {  	v29 =	vld [tilespmem:s25+$0x5200];
	v20 =	vadd.f32 v17, v18  }
0x8a: {  	v17 =	vld [tilespmem:s25+$0x5210]  }
0x8b: {  	v30 =	vld [tilespmem:s25+$0x5220];
	v18 =	vadd.f32 v23, v19  }
.Ltmp2:
0x8c: {  	v27 =	vld [tilespmem:s25+$0x5230];
	(pc) =	sbr.rel @p0 .LBB2_3-.Ltmp2, $4  }
0x8d: {  	v25 =	vld [tilespmem:s25+$0x5240];
	v19 =	vadd.f32 v28, v26  }
0x8e: {  	v26 =	vadd.f32 v29, v24;
	v24 =	vld [tilespmem:s25+$0x5250]  }
0x8f: {  	s26 =	sshra.s32 s28, $0x2;
	v23 =	vadd.f32 v17, v22;
	v22 =	vld [tilespmem:s25+$0x5260]  }
0x90: {  	s28 =	sadd.s32 $0x200, s28;
	v17 =	vld [tilespmem:s26+$0x270];
	[tilespmem:s25+$0x7A00] =	vst v26;
	v15 =	vadd.f32 v26, v15;
	v26 =	vmul.f32 v26, v26;
	v16 =	vadd.f32 v30, v16  }
0x91: {  	v28 =	vld [tilespmem:s26+$0x2A70];
	[tilespmem:s25+$0x7A10] =	vst v23;
	v21 =	vadd.f32 v27, v21  }
0x92: {  	v29 =	vld [tilespmem:s26+$0x200];
	[tilespmem:s25+$0x7A20] =	vst v16;
	v20 =	vadd.f32 v25, v20  }
0x93: {  	v27 =	vld [tilespmem:s26+$0x5270];
	[tilespmem:s25+$0x7A30] =	vst v21;
	v18 =	vadd.f32 v24, v18  }
0x94: {  	v25 =	vld [tilespmem:s26+$0x2A00];
	[tilespmem:s25+$0x7A40] =	vst v20;
	v19 =	vadd.f32 v22, v19  }
0x95: {  	v24 =	vld [tilespmem:s26+$0x210];
	[tilespmem:s25+$0x7A50] =	vst v18  }
0x96: {  	v22 =	vld [tilespmem:s26+$0x2A10];
	[tilespmem:s25+$0x7A60] =	vst v19  }
0x97: {  	v17 =	vadd.f32 v28, v17;
	v28 =	vld [tilespmem:s26+$0x220]  }
0x98: {  	v30 =	vld [tilespmem:s26+$0x2A20]  }
0x99: {  	v31 =	vld [tilespmem:s26+$0x2A30]  }
0x9a: {  	v32 =	vld [tilespmem:s26+$0x240]  }
0x9b: {  	v33 =	vld [tilespmem:s26+$0x2A40]  }
0x9c: {  	v34 =	vld [tilespmem:s26+$0x250]  }
0x9d: {  	v35 =	vld [tilespmem:s26+$0x2A50]  }
0x9e: {  	v36 =	vld [tilespmem:s26+$0x260]  }
0x9f: {  	v37 =	vld [tilespmem:s26+$0x2A60]  }
0xa0: {  	v39 =	vld [tilespmem:s26+$0x5200]  }
0xa1: {  	v38 =	vmul.f32 v23, v23;
	v40 =	vld [tilespmem:s26+$0x5210]  }
0xa2: {  	v11 =	vadd.f32 v23, v11;
	v23 =	vmul.f32 v16, v16;
	v17 =	vadd.f32 v27, v17;
	v27 =	vld [tilespmem:s26+$0x230]  }
0xa3: {  	v8 =	vadd.f32 v26, v8;
	v26 =	vld [tilespmem:s26+$0x5220]  }
0xa4: {  	v10 =	vadd.f32 v23, v10;
	v23 =	vadd.f32 v25, v29;
	v25 =	vld [tilespmem:s26+$0x5230]  }
0xa5: {  	v12 =	vadd.f32 v16, v12;
	v16 =	vadd.f32 v22, v24;
	v22 =	vld [tilespmem:s26+$0x5240]  }
0xa6: {  	v24 =	vadd.f32 v30, v28;
	v23 =	vadd.f32 v39, v23;
	v28 =	vld [tilespmem:s26+$0x5250]  }
0xa7: {  	[tilespmem:s26+$0x7A70] =	vst v17;
	v27 =	vadd.f32 v31, v27;
	v29 =	vadd.f32 v40, v16;
	v16 =	vld [tilespmem:s26+$0x5260]  }
0xa8: {  	v52 =	vadd.f32 v33, v32;
	v24 =	vadd.f32 v26, v24;
	[tilespmem:s26+$0x7A00] =	vst v23  }
0xa9: {  	v26 =	vadd.f32 v35, v34;
	v25 =	vadd.f32 v25, v27;
	[tilespmem:s26+$0x7A10] =	vst v29  }
0xaa: {  	v53 =	vadd.f32 v37, v36;
	v22 =	vadd.f32 v22, v52;
	[tilespmem:s26+$0x7A20] =	vst v24  }
0xab: {  	[tilespmem:s26+$0x7A30] =	vst v25;
	v26 =	vadd.f32 v28, v26  }
0xac: {  	s25 =	sadd.s32 s8, s18;
	v54 =	vadd.f32 v16, v53;
	[tilespmem:s26+$0x7A40] =	vst v22  }
0xad: {  	s25 =	sshll.u32 s25, $0x4;
	[tilespmem:s26+$0x7A50] =	vst v26  }
0xae: {  	p0 =	seq.s32 s14, $0x7C;
	s25 =	sadd.s32 s9, s25;
	[tilespmem:s26+$0x7A60] =	vst v54  }
0xaf: {  	[hbm4b:s25+s1] =	stream.linear.scatter [tilespmem:s11], [sflag:$0x5], $0x1400, $0x38;
	[tilespmem:$0xA300] =	vst v63  }
0xb0: {  	s25 =	sadd.s32 @!p0 s18, s16  }
0xb1: {  	s25 =	sshrl.u32 @!p0 s25, $0x3  }
0xb2: {  	s28 =	simm.s32 @!p0 $0x0;
	p1 =	seq.s32 @!p0 s14, $0x0;
	s26 =	sadd.s32 @!p0 s7, s25  }
0xb3: {  	[tilespmem:s28], [sflag:$0x1] =	stream.linear.gather @!p0 [hbm4b:s26+s28], $0x28, $0x38;
	[tilespmem:$0xA300] =	vst v63  }
0xb4: {  	p1 =	por p0, !p1;
	s25 =	sadd.s32 @!p0 s6, s25;
	s26 =	simm.s32 @!p0 $0x100  }
0xb5: {  	[tilespmem:s26], [sflag:$0x1] =	stream.linear.gather @!p0 [hbm4b:s25+s28], $0x28, $0x38;
	[tilespmem:$0xA300] =	vst v63  }
0xb6: {  	_ =	swait.ge @p1 [sflag:s15], $0x1400  }
0xb7: {  	[sflag:s15] =	ssyncset.done @p1 $0x0  }
0xb8: {  	[sflag:s15] =	ssyncadd.s32 @p1 $0xFFFFEC00  }
0xb9: {  	_ =	swait.ge [sflag:s12], $0x1400  }
0xba: {  	[sflag:s12] =	ssyncset.done $0x0  }
0xbb: {  	[sflag:s12] =	ssyncadd.s32 $0xFFFFEC00  }
0xbc: {  	v27 =	vmul.f32 v21, v21;
	v28 =	vmul.f32 v18, v18;
	_ =	swait.ge [sflag:s12], $0x1400  }
0xbd: {  	v7 =	vadd.f32 v21, v7;
	v16 =	vmul.f32 v19, v19;
	[sflag:s12] =	ssyncset.done $0x0  }
0xbe: {  	v27 =	vadd.f32 v27, v3;
	v3 =	vmul.f32 v20, v20;
	v21 =	vadd.f32 v28, v1;
	[sflag:s12] =	ssyncadd.s32 $0xFFFFEC00  }
0xbf: {  	v1 =	vmul.f32 v23, v23;
	v28 =	vadd.f32 v16, v0;
	v0 =	vmul.f32 v17, v17;
	_ =	swait.ge [sflag:s12], $0x1400  }
0xc0: {  	v55 =	vadd.f32 v3, v2;
	v2 =	vadd.f32 v29, v11;
	v11 =	vmul.f32 v22, v22;
	[sflag:s12] =	ssyncset.done $0x0  }
0xc1: {  	v16 =	vadd.f32 v0, v13;
	v0 =	vadd.f32 v1, v8;
	v1 =	vmul.f32 v24, v24;
	s25 =	simm.s32 $0x0;
	[sflag:s12] =	ssyncadd.s32 $0xFFFFEC00  }
0xc2: {  	v14 =	vadd.f32 v17, v14;
	v18 =	vadd.f32 v18, v5;
	v13 =	vld [tilespmem:s25+$0x1670]  }
0xc3: {  	v8 =	vadd.f32 v1, v10;
	v1 =	vadd.f32 v11, v55;
	v17 =	vld [tilespmem:s25+$0x3E70]  }
0xc4: {  	v11 =	vadd.f32 v25, v7;
	v7 =	vadd.f32 v26, v18;
	v18 =	vld [tilespmem:s25+$0x1600]  }
0xc5: {  	v4 =	vadd.f32 v19, v4;
	v10 =	vmul.f32 v26, v26;
	v19 =	vld [tilespmem:s25+$0x6670]  }
0xc6: {  	v6 =	vadd.f32 v20, v6;
	v20 =	vld [tilespmem:s25+$0x3E00]  }
0xc7: {  	v9 =	vadd.f32 v38, v9;
	v3 =	vmul.f32 v29, v29;
	v10 =	vadd.f32 v10, v21;
	v21 =	vld [tilespmem:s25+$0x1610]  }
0xc8: {  	v6 =	vadd.f32 v22, v6;
	v22 =	vld [tilespmem:s25+$0x3E10]  }
0xc9: {  	v15 =	vadd.f32 v23, v15;
	v3 =	vadd.f32 v3, v9;
	v9 =	vmul.f32 v25, v25;
	v23 =	vld [tilespmem:s25+$0x3E20]  }
0xca: {  	v5 =	vadd.f32 v24, v12;
	v12 =	vmul.f32 v54, v54;
	v26 =	vld [tilespmem:s25+$0x3E30]  }
0xcb: {  	v9 =	vadd.f32 v9, v27;
	v27 =	vld [tilespmem:s25+$0x1640]  }
0xcc: {  	v12 =	vadd.f32 v12, v28;
	v28 =	vld [tilespmem:s25+$0x3E40]  }
0xcd: {  	v29 =	vld [tilespmem:s25+$0x1650]  }
0xce: {  	v56 =	vld [tilespmem:s25+$0x3E50]  }
0xcf: {  	v57 =	vld [tilespmem:s25+$0x1660]  }
0xd0: {  	v59 =	vld [tilespmem:s25+$0x6600]  }
0xd1: {  	v58 =	vld [tilespmem:s25+$0x3E60];
	v13 =	vadd.f32 v17, v13  }
0xd2: {  	v60 =	vld [tilespmem:s25+$0x6610]  }
0xd3: {  	v17 =	vld [tilespmem:s25+$0x1620];
	v61 =	vadd.f32 v20, v18;
	v13 =	vadd.f32 v19, v13  }
0xd4: {  	v4 =	vadd.f32 v54, v4;
	v19 =	vld [tilespmem:s25+$0x1630]  }
0xd5: {  	v62 =	vld [tilespmem:s25+$0x6620];
	v20 =	vadd.f32 v28, v27;
	v27 =	vadd.f32 v59, v61;
	v18 =	vmul.f32 v13, v13  }
0xd6: {  	v25 =	vld [tilespmem:s25+$0x6630];
	v63 =	vadd.f32 v22, v21;
	[tilespmem:s25+$0x8E70] =	vst v13;
	v13 =	vadd.f32 v13, v14  }
0xd7: {  	v24 =	vld [tilespmem:s25+$0x6640];
	v15 =	vadd.f32 v27, v15;
	v14 =	vadd.f32 v18, v16  }
0xd8: {  	v16 =	vadd.f32 v23, v17;
	v23 =	vld [tilespmem:s25+$0x6650];
	v18 =	vadd.f32 v56, v29  }
0xd9: {  	s26 =	simm.s32 $0x80;
	v22 =	vld [tilespmem:s25+$0x6660];
	v21 =	vadd.f32 v26, v19;
	v26 =	vadd.f32 v60, v63  }
0xda: {  	s28 =	simm.s32 $0x400;
	v17 =	vld [tilespmem:s26+$0x1670];
	[tilespmem:s25+$0x8E00] =	vst v27;
	v27 =	vmul.f32 v27, v27;
	v19 =	vadd.f32 v58, v57;
	v16 =	vadd.f32 v62, v16  }
.LBB2_5:
0xdb: {  	p1 =	sne.s32 s28, $0x4E00;
	v28 =	vld [tilespmem:s26+$0x3E70];
	[tilespmem:s25+$0x8E10] =	vst v26;
	v2 =	vadd.f32 v26, v2;
	v26 =	vmul.f32 v26, v26;
	v21 =	vadd.f32 v25, v21  }
0xdc: {  	v25 =	vld [tilespmem:s26+$0x1600];
	v0 =	vadd.f32 v27, v0;
	[tilespmem:s25+$0x8E20] =	vst v16;
	v27 =	vmul.f32 v16, v16;
	v20 =	vadd.f32 v24, v20  }
0xdd: {  	v24 =	vld [tilespmem:s26+$0x6670];
	v3 =	vadd.f32 v26, v3;
	[tilespmem:s25+$0x8E30] =	vst v21;
	v26 =	vmul.f32 v21, v21;
	v18 =	vadd.f32 v23, v18  }
0xde: {  	v23 =	vld [tilespmem:s26+$0x3E00];
	v8 =	vadd.f32 v27, v8;
	[tilespmem:s25+$0x8E40] =	vst v20;
	v27 =	vmul.f32 v20, v20;
	v19 =	vadd.f32 v22, v19  }
0xdf: {  	v5 =	vadd.f32 v16, v5;
	v22 =	vld [tilespmem:s26+$0x1610];
	v9 =	vadd.f32 v26, v9;
	[tilespmem:s25+$0x8E50] =	vst v18;
	v16 =	vmul.f32 v18, v18  }
0xe0: {  	v26 =	vld [tilespmem:s26+$0x3E10];
	v17 =	vadd.f32 v28, v17;
	v1 =	vadd.f32 v27, v1;
	[tilespmem:s25+$0x8E60] =	vst v19;
	v27 =	vmul.f32 v19, v19;
	s25 =	smov.u32 s26  }
0xe1: {  	v11 =	vadd.f32 v21, v11;
	v28 =	vld [tilespmem:s25+$0x1620];
	v10 =	vadd.f32 v16, v10  }
0xe2: {  	v16 =	vld [tilespmem:s25+$0x3E20];
	v17 =	vadd.f32 v24, v17;
	v12 =	vadd.f32 v27, v12  }
0xe3: {  	v6 =	vadd.f32 v20, v6;
	v23 =	vadd.f32 v23, v25;
	v21 =	vld [tilespmem:s25+$0x1630]  }
0xe4: {  	v7 =	vadd.f32 v18, v7;
	v4 =	vadd.f32 v19, v4;
	v20 =	vld [tilespmem:s25+$0x3E30];
	[tilespmem:s25+$0x8E70] =	vst v17;
	v24 =	vmul.f32 v17, v17  }
0xe5: {  	v13 =	vadd.f32 v17, v13;
	v22 =	vadd.f32 v26, v22;
	v18 =	vld [tilespmem:s25+$0x1640]  }
0xe6: {  	v17 =	vld [tilespmem:s25+$0x3E40];
	v14 =	vadd.f32 v24, v14  }
0xe7: {  	v16 =	vadd.f32 v16, v28;
	v19 =	vld [tilespmem:s25+$0x1650]  }
0xe8: {  	v24 =	vld [tilespmem:s25+$0x3E50]  }
0xe9: {  	v21 =	vadd.f32 v20, v21;
	v26 =	vld [tilespmem:s25+$0x1660]  }
0xea: {  	v27 =	vld [tilespmem:s25+$0x3E60]  }
0xeb: {  	v28 =	vld [tilespmem:s25+$0x6600];
	v20 =	vadd.f32 v17, v18  }
0xec: {  	v17 =	vld [tilespmem:s25+$0x6610]  }
0xed: {  	v29 =	vld [tilespmem:s25+$0x6620];
	v18 =	vadd.f32 v24, v19  }
.Ltmp3:
0xee: {  	v25 =	vld [tilespmem:s25+$0x6630];
	(pc) =	sbr.rel @p1 .LBB2_5-.Ltmp3, $4  }
0xef: {  	v24 =	vld [tilespmem:s25+$0x6640];
	v19 =	vadd.f32 v27, v26  }
0xf0: {  	v27 =	vadd.f32 v28, v23;
	v23 =	vld [tilespmem:s25+$0x6650]  }
0xf1: {  	s26 =	sshra.s32 s28, $0x2;
	v26 =	vadd.f32 v17, v22;
	v22 =	vld [tilespmem:s25+$0x6660]  }
0xf2: {  	s28 =	sadd.s32 $0x200, s28;
	v17 =	vld [tilespmem:s26+$0x1670];
	[tilespmem:s25+$0x8E00] =	vst v27;
	v15 =	vadd.f32 v27, v15;
	v27 =	vmul.f32 v27, v27;
	v16 =	vadd.f32 v29, v16  }
0xf3: {  	v28 =	vld [tilespmem:s26+$0x3E70];
	[tilespmem:s25+$0x8E10] =	vst v26;
	v21 =	vadd.f32 v25, v21  }
0xf4: {  	v29 =	vld [tilespmem:s26+$0x1600];
	[tilespmem:s25+$0x8E20] =	vst v16;
	v20 =	vadd.f32 v24, v20  }
0xf5: {  	v47 =	vld [tilespmem:s26+$0x6670];
	[tilespmem:s25+$0x8E30] =	vst v21;
	v18 =	vadd.f32 v23, v18  }
0xf6: {  	v48 =	vld [tilespmem:s26+$0x3E00];
	[tilespmem:s25+$0x8E40] =	vst v20;
	v19 =	vadd.f32 v22, v19  }
0xf7: {  	v49 =	vld [tilespmem:s26+$0x1610];
	[tilespmem:s25+$0x8E50] =	vst v18  }
0xf8: {  	v50 =	vld [tilespmem:s26+$0x3E10];
	[tilespmem:s25+$0x8E60] =	vst v19  }
0xf9: {  	v51 =	vld [tilespmem:s26+$0x1620]  }
0xfa: {  	v30 =	vld [tilespmem:s26+$0x3E20]  }
0xfb: {  	v52 =	vld [tilespmem:s26+$0x1630]  }
0xfc: {  	v31 =	vld [tilespmem:s26+$0x3E30]  }
0xfd: {  	v32 =	vmul.f32 v26, v26;
	v2 =	vadd.f32 v26, v2;
	v53 =	vmul.f32 v16, v16;
	v33 =	vld [tilespmem:s26+$0x1640]  }
0xfe: {  	v0 =	vadd.f32 v27, v0;
	v5 =	vadd.f32 v16, v5;
	v54 =	vmul.f32 v21, v21;
	v55 =	vld [tilespmem:s26+$0x3E40]  }
0xff: {  	v3 =	vadd.f32 v32, v3;
	v26 =	vadd.f32 v53, v8;
	v8 =	vmul.f32 v20, v20;
	v34 =	vld [tilespmem:s26+$0x1650]  }
0x100: {  	v27 =	vadd.f32 v54, v9;
	v9 =	vmul.f32 v18, v18;
	v17 =	vadd.f32 v28, v17;
	v35 =	vld [tilespmem:s26+$0x3E50]  }
0x101: {  	v21 =	vadd.f32 v21, v11;
	v1 =	vadd.f32 v8, v1;
	v8 =	vld [tilespmem:s26+$0x1660]  }
0x102: {  	v16 =	vmul.f32 v19, v19;
	v36 =	vadd.f32 v9, v10;
	v9 =	vld [tilespmem:s26+$0x3E60];
	v17 =	vadd.f32 v47, v17  }
0x103: {  	v6 =	vadd.f32 v20, v6;
	v18 =	vadd.f32 v18, v7;
	v11 =	vld [tilespmem:s26+$0x6600]  }
0x104: {  	v4 =	vadd.f32 v19, v4;
	v60 =	vld [tilespmem:s26+$0x6650];
	v37 =	vadd.f32 v16, v12;
	v7 =	vmul.f32 v17, v17  }
0x105: {  	v12 =	vld [tilespmem:s26+$0x6610];
	v10 =	vadd.f32 v48, v29;
	v16 =	vadd.f32 v17, v13  }
0x106: {  	[tilespmem:s26+$0x8E70] =	vst v17;
	v17 =	vld [tilespmem:s26+$0x6620];
	v19 =	vadd.f32 v50, v49;
	v13 =	vadd.f32 v7, v14  }
0x107: {  	v58 =	vld [tilespmem:s26+$0x6640];
	v7 =	vadd.f32 v30, v51;
	v56 =	vadd.f32 v31, v52  }
0x108: {  	v14 =	vld [tilespmem:s26+$0x6630];
	v57 =	vadd.f32 v55, v33;
	v10 =	vadd.f32 v11, v10  }
0x109: {  	v59 =	vadd.f32 v35, v34;
	v61 =	vadd.f32 v9, v8  }
0x10a: {  	v8 =	vadd.f32 v12, v19;
	v12 =	vld [tilespmem:s26+$0x6660];
	v15 =	vadd.f32 v10, v15  }
0x10b: {  	v9 =	vmul.f32 v10, v10;
	v19 =	vadd.f32 v60, v59;
	v7 =	vadd.f32 v17, v7  }
0x10c: {  	[tilespmem:s26+$0x8E00] =	vst v10;
	v11 =	vadd.f32 v8, v2;
	v2 =	vmul.f32 v8, v8;
	v17 =	vadd.f32 v58, v57  }
0x10d: {  	[tilespmem:s26+$0x8E10] =	vst v8;
	v8 =	vadd.f32 v9, v0;
	v14 =	vadd.f32 v14, v56;
	v0 =	vmul.f32 v7, v7  }
0x10e: {  	[tilespmem:s26+$0x8E50] =	vst v19;
	v9 =	vadd.f32 v2, v3;
	v62 =	vmul.f32 v17, v17;
	v6 =	vadd.f32 v17, v6  }
.Ltmp4:
0x10f: {  	[tilespmem:s26+$0x8E20] =	vst v7;
	v63 =	vadd.f32 v12, v61;
	v12 =	vadd.f32 v7, v5;
	v2 =	vmul.f32 v14, v14;
	(pc) =	sbr.rel @p0 .LBB2_8-.Ltmp4, $4  }
0x110: {  	[tilespmem:s26+$0x8E40] =	vst v17;
	v10 =	vadd.f32 v0, v26;
	v0 =	vmul.f32 v19, v19;
	v7 =	vadd.f32 v14, v21  }
0x111: {  	[tilespmem:s26+$0x8E30] =	vst v14;
	v5 =	vmul.f32 v63, v63;
	v4 =	vadd.f32 v63, v4;
	v3 =	vadd.f32 v2, v27  }
0x112: {  	s19 =	sadd.s32 s9, s19;
	[tilespmem:s26+$0x8E60] =	vst v63;
	v2 =	vadd.f32 v62, v1;
	v1 =	vadd.f32 v0, v36  }
0x113: {  	[hbm4b:s19+s1] =	stream.linear.scatter [tilespmem:s13], [sflag:$0x6], $0x1400, $0x38;
	v0 =	vadd.f32 v5, v37;
	v5 =	vadd.f32 v19, v18;
	[tilespmem:$0xA300] =	vst v63  }
0x114: {  	s19 =	sadd.s32 s18, s17  }
0x115: {  	s19 =	sshrl.u32 s19, $0x3  }
0x116: {  	s25 =	sadd.s32 s7, s19  }
0x117: {  	[tilespmem:s21], [sflag:$0x2] =	stream.linear.gather [hbm4b:s25+s1], $0x28, $0x38;
	[tilespmem:$0xA300] =	vst v63  }
0x118: {  	s19 =	sadd.s32 s6, s19  }
0x119: {  	[tilespmem:s22], [sflag:$0x2] =	stream.linear.gather [hbm4b:s19+s1], $0x28, $0x38;
	[tilespmem:$0xA300] =	vst v63  }
0x11a: {  	_ =	swait.ge [sflag:s23], $0x28  }
0x11b: {  	[sflag:s23] =	ssyncset.done $0x0  }
0x11c: {  	[sflag:s23] =	ssyncadd.s32 $0xFFFFFFD8  }
0x11d: {  	_ =	swait.ge [sflag:s23], $0x28  }
0x11e: {  	[sflag:s23] =	ssyncset.done $0x0  }
0x11f: {  	s28 =	simm.s32 $0x200;
	[sflag:s23] =	ssyncadd.s32 $0xFFFFFFD8  }
0x120: {  	[tilespmem:s28], [sflag:$0x3] =	stream.indirect.gather [hbm4b:s3+s24], $0x80, s1, s24, $0xb8;
	[tilespmem:$0xA300] =	vst v63  }
.Ltmp5:
0x121: {  	s26 =	sadd.s32 s18, s16;
	(pc) =	sbr.rel .LBB2_2-.Ltmp5, $4  }
0x122: {  	s18 =	sshll.u32 s26, $0x4;
	s25 =	simm.s32 $0x2A00  }
0x123: {  	[tilespmem:s25], [sflag:$0x3] =	stream.indirect.gather [hbm4b:s4+s24], $0x80, s20, s24, $0xb8;
	[tilespmem:$0xA300] =	vst v63  }
0x124: {  	s14 =	sadd.s32 $0x1, s14;
	s18 =	sadd.s32 s5, s18;
	s28 =	simm.s32 $0x5200  }
0x125: {  	[tilespmem:s28], [sflag:$0x3] =	stream.linear.gather [hbm4b:s18+s1], $0x1400, $0x38;
	[tilespmem:$0xA300] =	vst v63  }
.LBB2_9:
0x126: {  	_ =	sfence.sel $0x180000  }
0x127: {  	[bflag:$0x0] =	sbarrier.arrive $0xFFFF  }
0x128: {  	_ =	strace $0x90000047  }
0x129: {  	s0 =	stileid.u32;
	[bflag:$0x2] =	sbarrier.arrive $0xFFFF  }
0x12a: {  	p0 =	sne.s32 s0, $0x0;
	s0 =	rddreg [dreg:$0x1]  }
0x12b: {  	s0 =	sadd.s32 @!p0 $0x100000, s0  }
0x12c: {  	[sflag:s0] =	ssyncadd.tile.s32 @!p0 $0x1;
	_ =	shalt  }
.Lfunc_end2:
_tile_overlayer_lowered:
.L_overlay_start_2:
0x12d: {  	(tag) =	ssettag $0x2  }
0x12e: {  	s0 =	rddreg [dreg:$0x0];
	s2 =	stileid.u32  }
0x12f: {  	s1 =	rddreg [dreg:$0x1];
	p0 =	sne.s32 s2, $0x0  }
0x130: {  	s3 =	rddreg [dreg:$0x2];
	[bflag:$0x3] =	sbarrier.arrive $0xFFFF;
	s2 =	simm.s32 @!p0 $0x1C07  }
0x131: {  	[timem:s3], [sflag:s2] =	dma.local @!p0 [hbm:s0], s1  }
0x132: {  	s0 =	simm.s32 @!p0 $0x7  }
0x133: {  	_ =	swait.ge @!p0 [sflag:s0], s1  }
0x134: {  	s1 =	ssub.s32 @!p0 $0x0, s1;
	[sflag:s0] =	ssyncset.done @!p0 $0x0  }
0x135: {  	[sflag:s0] =	ssyncadd.s32 @!p0 s1  }
0x136: {  	[bflag:$0x3] =	sbarrier.arrive $0xFFFF  }
0x137: {  	_ =	shalt  }

</sc_bundles>
